<compile_context>
chip_gen: v7x
topology: tpu7x:2x2x1
jax: 0.10.2.dev20260603
libtpu: 0.0.44.dev20260713+nightly
codegen_flags: <defaults>
</compile_context>

<pallas_src>
import functools

import jax
import jax.numpy as jnp
from jax import lax
from jax.experimental import pallas as pl
from jax.experimental.pallas import tpu as pltpu
from jax.experimental.pallas import tpu_sc as plsc

V = 100002
D = 128
B = 4096
L = 50
LP = 64
NC = 2
NS = 16
NW = NC * NS
BPW = B // NW
CH = 8
NCHUNK = BPW // CH
NK = D // 16


_SPLAT_DNUMS = lax.GatherDimensionNumbers(
    offset_dims=(), collapsed_slice_dims=(0,), start_index_map=(0,))


def _splat_lane(vec, j):
    idx = jnp.full((16, 1), j, jnp.int32)
    return lax.gather(vec, idx, _SPLAT_DNUMS, (1,),
                      mode=lax.GatherScatterMode.PROMISE_IN_BOUNDS)


def _sc_kernel_body(idx_hbm, w_hbm, table_hbm, out_hbm,
                    idx_v, w_v, rows_v, out_v, sem):
    cid = lax.axis_index("c")
    sid = lax.axis_index("s")
    wid = sid * NC + cid
    base = wid * BPW

    pltpu.sync_copy(idx_hbm.at[pl.ds(base, BPW)], idx_v)
    pltpu.sync_copy(w_hbm.at[pl.ds(base, BPW)], w_v)

    def chunk_body(c, _):
        for b in range(CH):
            pltpu.async_copy(table_hbm.at[idx_v.at[c * CH + b]],
                             rows_v.at[b], sem)
        for b in range(CH):
            pltpu.make_async_copy(table_hbm.at[idx_v.at[c * CH + b]],
                                  rows_v.at[b], sem).wait()

        for b in range(CH):
            row = c * CH + b
            accs = tuple(jnp.zeros((16,), jnp.float32) for _ in range(NK))
            wacc = jnp.zeros((16,), jnp.float32)

            for g in range(LP // 16):
                wvec = w_v[row, pl.ds(g * 16, 16)]
                nt = min(16, L - g * 16)

                def tok_body(j, carry, wvec=wvec, g=g):
                    accs, wacc = carry
                    wbc = _splat_lane(wvec, j)
                    t = g * 16 + j
                    new = tuple(
                        accs[k] + wbc * rows_v[b, t, pl.ds(k * 16, 16)]
                        for k in range(NK))
                    return new, wacc + wbc

                accs, wacc = lax.fori_loop(0, nt, tok_body, (accs, wacc))

            inv = jnp.float32(1.0) / jnp.maximum(wacc, jnp.float32(1e-9))
            for k in range(NK):
                out_v[b, pl.ds(k * 16, 16)] = accs[k] * inv

        pltpu.sync_copy(out_v, out_hbm.at[pl.ds(base + c * CH, CH)])
        return 0

    lax.fori_loop(0, NCHUNK, chunk_body, 0)


def kernel(token_indices, tfidf_weights, embedding_weight):
    mesh = plsc.VectorSubcoreMesh(core_axis_name="c", subcore_axis_name="s")
    run = functools.partial(
        pl.kernel,
        mesh=mesh,
        out_type=jax.ShapeDtypeStruct((B, D), jnp.float32),
        scratch_types=[
            pltpu.VMEM((BPW, L), jnp.int32),
            pltpu.VMEM((BPW, LP), jnp.float32),
            pltpu.VMEM((CH, L, D), jnp.float32),
            pltpu.VMEM((CH, D), jnp.float32),
            pltpu.SemaphoreType.DMA,
        ],
    )(_sc_kernel_body)
    idx = token_indices.astype(jnp.int32)
    w_pad = jnp.pad(tfidf_weights.astype(jnp.float32), ((0, 0), (0, LP - L)))
    return run(idx, w_pad, embedding_weight.astype(jnp.float32))

# --- scband reference (transcript-rebuilt; emitter-appended) ---
"""Pipeline reference for scband-dense-semantic-layer-72206990180815 (READ-ONLY COPY).

The authoritative reference and input builder live on the scoring server;
editing this copy changes nothing except your own understanding.
"""

import jax, jax.numpy as jnp
import numpy as np

V = 100002  # 100000 vocab words + <UNK> + <PAD>
D = 128
B = 4096
L = 50
PAD_IDX = V - 1

def setup_inputs(seed: int = 0) -> dict:
    key = jax.random.key(seed)
    k1, k2, k3 = jax.random.split(key, 3)
    # token indices point at real words (values < 100000, in-range of V)
    token_indices = jax.random.randint(k1, (B, L), 0, 100000)
    # precomputed tf-idf weights per token position (the torch module builds
    # these from a tfidf vectorizer lookup in a python loop; here they are
    # materialized directly as the dense weight tensor the math consumes)
    tfidf_weights = jax.random.uniform(k2, (B, L), dtype=jnp.float32) * 5.0 + 0.5
    # embedding table, init normal(std=0.1), PAD row zeroed
    embedding_weight = jax.random.normal(k3, (V, D), dtype=jnp.float32) * 0.1
    embedding_weight = embedding_weight.at[PAD_IDX].set(0.0)
    return {"token_indices": token_indices, "tfidf_weights": tfidf_weights, "embedding_weight": embedding_weight}

def reference(token_indices, tfidf_weights, embedding_weight):
    # embedding gather
    embeds = jnp.take(embedding_weight, token_indices, axis=0)  # [B, L, D]
    w = tfidf_weights[..., None]                                  # [B, L, 1]
    weighted = embeds * w                                         # [B, L, D]
    denom = jnp.clip(w.sum(axis=1), 1e-9, None)                   # [B, 1]
    return weighted.sum(axis=1) / denom                           # [B, D]

if __name__ == "__main__":
    import jax
    _d = setup_inputs()
    print(jax.jit(kernel)(*tuple(_d.values())))

</pallas_src>

<mosaic_0001>
#map = affine_map<(d0, d1) -> (0, 0)>
module attributes {stable_mosaic.version = 14 : i64} {
  func.func @_sc_kernel_body(%arg0: i32, %arg1: i32, %arg2: memref<4096x50xi32, #tpu.memory_space<hbm>>, %arg3: memref<4096x64xf32, #tpu.memory_space<hbm>>, %arg4: memref<100002x128xf32, #tpu.memory_space<hbm>>, %arg5: memref<4096x128xf32, #tpu.memory_space<hbm>>, %arg6: memref<128x50xi32, #tpu.memory_space<vmem>>, %arg7: memref<128x64xf32, #tpu.memory_space<vmem>>, %arg8: memref<8x50x128xf32, #tpu.memory_space<vmem>>, %arg9: memref<8x128xf32, #tpu.memory_space<vmem>>, %arg10: memref<!tpu.dma_semaphore, #tpu.memory_space<semaphore_mem>>) attributes {dimension_semantics = [#tpu.dimension_semantics<core_parallel>, #tpu.dimension_semantics<subcore_parallel>], iteration_bounds = array<i64: 2, 16>, scalar_prefetch = 0 : i64, scratch_operands = 5 : i64, tpu.core_type = #tpu.core_type<sc_vector_subcore>, window_params = [{transform_indices = #map}, {transform_indices = #map}, {transform_indices = #map}, {transform_indices = #map}]} {
    %mul3A = arith.constant 2 : i32
    %mul3A_0 = arith.muli %arg1, %mul3A : i32
    %add3A = arith.addi %mul3A_0, %arg0 : i32
    %mul3A_1 = arith.constant 128 : i32
    %mul3A_2 = arith.muli %add3A, %mul3A_1 : i32
    "tpu.region"() ({
      %run_scoped3A = tpu.sem_alloc : memref<!tpu.dma_semaphore, #tpu.memory_space<semaphore_mem>>
      %dma_start3A = arith.constant 0 : i32
      %dma_start3A_9 = tpu.memref_slice %arg2[%mul3A_2, %dma_start3A] : memref<4096x50xi32, #tpu.memory_space<hbm>> -> memref<128x50xi32, #tpu.memory_space<hbm>>
      %dma_start3A_10 = arith.constant 0 : i32
      %dma_start3A_11 = tpu.memref_slice %arg2[%mul3A_2, %dma_start3A_10] : memref<4096x50xi32, #tpu.memory_space<hbm>> -> memref<128x50xi32, #tpu.memory_space<hbm>>
      tpu.enqueue_dma source(%dma_start3A_11 : memref<128x50xi32, #tpu.memory_space<hbm>>) target(%arg6 : memref<128x50xi32, #tpu.memory_space<vmem>>) target_semaphore(%run_scoped3A : memref<!tpu.dma_semaphore, #tpu.memory_space<semaphore_mem>>)
      %dma_wait3A = arith.constant 0 : i32
      %dma_wait3A_12 = tpu.memref_slice %arg2[%mul3A_2, %dma_wait3A] : memref<4096x50xi32, #tpu.memory_space<hbm>> -> memref<128x50xi32, #tpu.memory_space<hbm>>
      %dma_wait3A_13 = arith.constant 0 : i32
      %dma_wait3A_14 = tpu.memref_slice %arg2[%mul3A_2, %dma_wait3A_13] : memref<4096x50xi32, #tpu.memory_space<hbm>> -> memref<128x50xi32, #tpu.memory_space<hbm>>
      tpu.wait_dma2 semaphore(%run_scoped3A : memref<!tpu.dma_semaphore, #tpu.memory_space<semaphore_mem>>) src(%dma_wait3A_14 : memref<128x50xi32, #tpu.memory_space<hbm>>) dst(%arg6 : memref<128x50xi32, #tpu.memory_space<vmem>>)
      tpu.yield
    }) : () -> ()
    "tpu.region"() ({
      %run_scoped3A = tpu.sem_alloc : memref<!tpu.dma_semaphore, #tpu.memory_space<semaphore_mem>>
      %dma_start3A = arith.constant 0 : i32
      %dma_start3A_9 = tpu.memref_slice %arg3[%mul3A_2, %dma_start3A] : memref<4096x64xf32, #tpu.memory_space<hbm>> -> memref<128x64xf32, #tpu.memory_space<hbm>>
      %dma_start3A_10 = arith.constant 0 : i32
      %dma_start3A_11 = tpu.memref_slice %arg3[%mul3A_2, %dma_start3A_10] : memref<4096x64xf32, #tpu.memory_space<hbm>> -> memref<128x64xf32, #tpu.memory_space<hbm>>
      tpu.enqueue_dma source(%dma_start3A_11 : memref<128x64xf32, #tpu.memory_space<hbm>>) target(%arg7 : memref<128x64xf32, #tpu.memory_space<vmem>>) target_semaphore(%run_scoped3A : memref<!tpu.dma_semaphore, #tpu.memory_space<semaphore_mem>>)
      %dma_wait3A = arith.constant 0 : i32
      %dma_wait3A_12 = tpu.memref_slice %arg3[%mul3A_2, %dma_wait3A] : memref<4096x64xf32, #tpu.memory_space<hbm>> -> memref<128x64xf32, #tpu.memory_space<hbm>>
      %dma_wait3A_13 = arith.constant 0 : i32
      %dma_wait3A_14 = tpu.memref_slice %arg3[%mul3A_2, %dma_wait3A_13] : memref<4096x64xf32, #tpu.memory_space<hbm>> -> memref<128x64xf32, #tpu.memory_space<hbm>>
      tpu.wait_dma2 semaphore(%run_scoped3A : memref<!tpu.dma_semaphore, #tpu.memory_space<semaphore_mem>>) src(%dma_wait3A_14 : memref<128x64xf32, #tpu.memory_space<hbm>>) dst(%arg7 : memref<128x64xf32, #tpu.memory_space<vmem>>)
      tpu.yield
    }) : () -> ()
    %scan3A = arith.constant 0 : i32
    %scan3A_3 = arith.constant 0 : i32
    %scan3A_4 = arith.constant 16 : i32
    %scan3A_5 = arith.addi %scan3A_3, %scan3A_4 : i32
    %scan3A_6 = arith.constant 1 : i32
    %scan3A_7 = scf.for %scan3A_9 = %scan3A_3 to %scan3A_5 step %scan3A_6 iter_args(%scan3A_10 = %scan3A) -> (i32)  : i32 {
      %mul3A_11 = arith.constant 8 : i32
      %mul3A_12 = arith.muli %scan3A_9, %mul3A_11 : i32
      %add3A_13 = arith.constant 0 : i32
      %add3A_14 = arith.addi %mul3A_12, %add3A_13 : i32
      %dma_start3A = arith.constant 0 : i32
      %dma_start3A_15 = arith.constant 0 : i32
      %dma_start3A_16 = arith.constant 0 : i32
      %dma_start3A_17 = tpu.memref_slice %arg8[%dma_start3A, %dma_start3A_15, %dma_start3A_16] : memref<8x50x128xf32, #tpu.memory_space<vmem>> -> memref<1x50x128xf32, #tpu.memory_space<vmem>>
      %dma_start3A_18 = tpu.memref_squeeze %dma_start3A_17 : memref<1x50x128xf32, #tpu.memory_space<vmem>> -> memref<50x128xf32, #tpu.memory_space<vmem>>
      %dma_start3A_19 = arith.constant 0 : i32
      %dma_start3A_20 = tpu.memref_slice %arg6[%add3A_14, %dma_start3A_19] : memref<128x50xi32, #tpu.memory_space<vmem>> -> memref<1x50xi32, #tpu.memory_space<vmem>>
      %dma_start3A_21 = tpu.memref_squeeze %dma_start3A_20 : memref<1x50xi32, #tpu.memory_space<vmem>> -> memref<50xi32, #tpu.memory_space<vmem>>
      %dma_start3A_22 = arith.constant 0 : i32
      %dma_start3A_23 = arith.constant 0 : i32
      %dma_start3A_24 = tpu.memref_slice %arg4[%dma_start3A_22, %dma_start3A_23] : memref<100002x128xf32, #tpu.memory_space<hbm>> -> memref<100002x128xf32, #tpu.memory_space<hbm>>
      tpu.enqueue_indirect_dma source(%dma_start3A_24 : memref<100002x128xf32, #tpu.memory_space<hbm>>) target(%dma_start3A_18 : memref<50x128xf32, #tpu.memory_space<vmem>>) offsets(%dma_start3A_21 : memref<50xi32, #tpu.memory_space<vmem>>) semaphore(%arg10 : memref<!tpu.dma_semaphore, #tpu.memory_space<semaphore_mem>>)
      %mul3A_25 = arith.constant 8 : i32
      %mul3A_26 = arith.muli %scan3A_9, %mul3A_25 : i32
      %add3A_27 = arith.constant 1 : i32
      %add3A_28 = arith.addi %mul3A_26, %add3A_27 : i32
      %dma_start3A_29 = arith.constant 1 : i32
      %dma_start3A_30 = arith.constant 0 : i32
      %dma_start3A_31 = arith.constant 0 : i32
      %dma_start3A_32 = tpu.memref_slice %arg8[%dma_start3A_29, %dma_start3A_30, %dma_start3A_31] : memref<8x50x128xf32, #tpu.memory_space<vmem>> -> memref<1x50x128xf32, #tpu.memory_space<vmem>>
      %dma_start3A_33 = tpu.memref_squeeze %dma_start3A_32 : memref<1x50x128xf32, #tpu.memory_space<vmem>> -> memref<50x128xf32, #tpu.memory_space<vmem>>
      %dma_start3A_34 = arith.constant 0 : i32
      %dma_start3A_35 = tpu.memref_slice %arg6[%add3A_28, %dma_start3A_34] : memref<128x50xi32, #tpu.memory_space<vmem>> -> memref<1x50xi32, #tpu.memory_space<vmem>>
      %dma_start3A_36 = tpu.memref_squeeze %dma_start3A_35 : memref<1x50xi32, #tpu.memory_space<vmem>> -> memref<50xi32, #tpu.memory_space<vmem>>
      %dma_start3A_37 = arith.constant 0 : i32
      %dma_start3A_38 = arith.constant 0 : i32
      %dma_start3A_39 = tpu.memref_slice %arg4[%dma_start3A_37, %dma_start3A_38] : memref<100002x128xf32, #tpu.memory_space<hbm>> -> memref<100002x128xf32, #tpu.memory_space<hbm>>
      tpu.enqueue_indirect_dma source(%dma_start3A_39 : memref<100002x128xf32, #tpu.memory_space<hbm>>) target(%dma_start3A_33 : memref<50x128xf32, #tpu.memory_space<vmem>>) offsets(%dma_start3A_36 : memref<50xi32, #tpu.memory_space<vmem>>) semaphore(%arg10 : memref<!tpu.dma_semaphore, #tpu.memory_space<semaphore_mem>>)
      %mul3A_40 = arith.constant 8 : i32
      %mul3A_41 = arith.muli %scan3A_9, %mul3A_40 : i32
      %add3A_42 = arith.constant 2 : i32
      %add3A_43 = arith.addi %mul3A_41, %add3A_42 : i32
      %dma_start3A_44 = arith.constant 2 : i32
      %dma_start3A_45 = arith.constant 0 : i32
      %dma_start3A_46 = arith.constant 0 : i32
      %dma_start3A_47 = tpu.memref_slice %arg8[%dma_start3A_44, %dma_start3A_45, %dma_start3A_46] : memref<8x50x128xf32, #tpu.memory_space<vmem>> -> memref<1x50x128xf32, #tpu.memory_space<vmem>>
      %dma_start3A_48 = tpu.memref_squeeze %dma_start3A_47 : memref<1x50x128xf32, #tpu.memory_space<vmem>> -> memref<50x128xf32, #tpu.memory_space<vmem>>
      %dma_start3A_49 = arith.constant 0 : i32
      %dma_start3A_50 = tpu.memref_slice %arg6[%add3A_43, %dma_start3A_49] : memref<128x50xi32, #tpu.memory_space<vmem>> -> memref<1x50xi32, #tpu.memory_space<vmem>>
      %dma_start3A_51 = tpu.memref_squeeze %dma_start3A_50 : memref<1x50xi32, #tpu.memory_space<vmem>> -> memref<50xi32, #tpu.memory_space<vmem>>
      %dma_start3A_52 = arith.constant 0 : i32
      %dma_start3A_53 = arith.constant 0 : i32
      %dma_start3A_54 = tpu.memref_slice %arg4[%dma_start3A_52, %dma_start3A_53] : memref<100002x128xf32, #tpu.memory_space<hbm>> -> memref<100002x128xf32, #tpu.memory_space<hbm>>
      tpu.enqueue_indirect_dma source(%dma_start3A_54 : memref<100002x128xf32, #tpu.memory_space<hbm>>) target(%dma_start3A_48 : memref<50x128xf32, #tpu.memory_space<vmem>>) offsets(%dma_start3A_51 : memref<50xi32, #tpu.memory_space<vmem>>) semaphore(%arg10 : memref<!tpu.dma_semaphore, #tpu.memory_space<semaphore_mem>>)
      %mul3A_55 = arith.constant 8 : i32
      %mul3A_56 = arith.muli %scan3A_9, %mul3A_55 : i32
      %add3A_57 = arith.constant 3 : i32
      %add3A_58 = arith.addi %mul3A_56, %add3A_57 : i32
      %dma_start3A_59 = arith.constant 3 : i32
      %dma_start3A_60 = arith.constant 0 : i32
      %dma_start3A_61 = arith.constant 0 : i32
      %dma_start3A_62 = tpu.memref_slice %arg8[%dma_start3A_59, %dma_start3A_60, %dma_start3A_61] : memref<8x50x128xf32, #tpu.memory_space<vmem>> -> memref<1x50x128xf32, #tpu.memory_space<vmem>>
      %dma_start3A_63 = tpu.memref_squeeze %dma_start3A_62 : memref<1x50x128xf32, #tpu.memory_space<vmem>> -> memref<50x128xf32, #tpu.memory_space<vmem>>
      %dma_start3A_64 = arith.constant 0 : i32
      %dma_start3A_65 = tpu.memref_slice %arg6[%add3A_58, %dma_start3A_64] : memref<128x50xi32, #tpu.memory_space<vmem>> -> memref<1x50xi32, #tpu.memory_space<vmem>>
      %dma_start3A_66 = tpu.memref_squeeze %dma_start3A_65 : memref<1x50xi32, #tpu.memory_space<vmem>> -> memref<50xi32, #tpu.memory_space<vmem>>
      %dma_start3A_67 = arith.constant 0 : i32
      %dma_start3A_68 = arith.constant 0 : i32
      %dma_start3A_69 = tpu.memref_slice %arg4[%dma_start3A_67, %dma_start3A_68] : memref<100002x128xf32, #tpu.memory_space<hbm>> -> memref<100002x128xf32, #tpu.memory_space<hbm>>
      tpu.enqueue_indirect_dma source(%dma_start3A_69 : memref<100002x128xf32, #tpu.memory_space<hbm>>) target(%dma_start3A_63 : memref<50x128xf32, #tpu.memory_space<vmem>>) offsets(%dma_start3A_66 : memref<50xi32, #tpu.memory_space<vmem>>) semaphore(%arg10 : memref<!tpu.dma_semaphore, #tpu.memory_space<semaphore_mem>>)
      %mul3A_70 = arith.constant 8 : i32
      %mul3A_71 = arith.muli %scan3A_9, %mul3A_70 : i32
      %add3A_72 = arith.constant 4 : i32
      %add3A_73 = arith.addi %mul3A_71, %add3A_72 : i32
      %dma_start3A_74 = arith.constant 4 : i32
      %dma_start3A_75 = arith.constant 0 : i32
      %dma_start3A_76 = arith.constant 0 : i32
      %dma_start3A_77 = tpu.memref_slice %arg8[%dma_start3A_74, %dma_start3A_75, %dma_start3A_76] : memref<8x50x128xf32, #tpu.memory_space<vmem>> -> memref<1x50x128xf32, #tpu.memory_space<vmem>>
      %dma_start3A_78 = tpu.memref_squeeze %dma_start3A_77 : memref<1x50x128xf32, #tpu.memory_space<vmem>> -> memref<50x128xf32, #tpu.memory_space<vmem>>
      %dma_start3A_79 = arith.constant 0 : i32
      %dma_start3A_80 = tpu.memref_slice %arg6[%add3A_73, %dma_start3A_79] : memref<128x50xi32, #tpu.memory_space<vmem>> -> memref<1x50xi32, #tpu.memory_space<vmem>>
      %dma_start3A_81 = tpu.memref_squeeze %dma_start3A_80 : memref<1x50xi32, #tpu.memory_space<vmem>> -> memref<50xi32, #tpu.memory_space<vmem>>
      %dma_start3A_82 = arith.constant 0 : i32
      %dma_start3A_83 = arith.constant 0 : i32
      %dma_start3A_84 = tpu.memref_slice %arg4[%dma_start3A_82, %dma_start3A_83] : memref<100002x128xf32, #tpu.memory_space<hbm>> -> memref<100002x128xf32, #tpu.memory_space<hbm>>
      tpu.enqueue_indirect_dma source(%dma_start3A_84 : memref<100002x128xf32, #tpu.memory_space<hbm>>) target(%dma_start3A_78 : memref<50x128xf32, #tpu.memory_space<vmem>>) offsets(%dma_start3A_81 : memref<50xi32, #tpu.memory_space<vmem>>) semaphore(%arg10 : memref<!tpu.dma_semaphore, #tpu.memory_space<semaphore_mem>>)
      %mul3A_85 = arith.constant 8 : i32
      %mul3A_86 = arith.muli %scan3A_9, %mul3A_85 : i32
      %add3A_87 = arith.constant 5 : i32
      %add3A_88 = arith.addi %mul3A_86, %add3A_87 : i32
      %dma_start3A_89 = arith.constant 5 : i32
      %dma_start3A_90 = arith.constant 0 : i32
      %dma_start3A_91 = arith.constant 0 : i32
      %dma_start3A_92 = tpu.memref_slice %arg8[%dma_start3A_89, %dma_start3A_90, %dma_start3A_91] : memref<8x50x128xf32, #tpu.memory_space<vmem>> -> memref<1x50x128xf32, #tpu.memory_space<vmem>>
      %dma_start3A_93 = tpu.memref_squeeze %dma_start3A_92 : memref<1x50x128xf32, #tpu.memory_space<vmem>> -> memref<50x128xf32, #tpu.memory_space<vmem>>
      %dma_start3A_94 = arith.constant 0 : i32
      %dma_start3A_95 = tpu.memref_slice %arg6[%add3A_88, %dma_start3A_94] : memref<128x50xi32, #tpu.memory_space<vmem>> -> memref<1x50xi32, #tpu.memory_space<vmem>>
      %dma_start3A_96 = tpu.memref_squeeze %dma_start3A_95 : memref<1x50xi32, #tpu.memory_space<vmem>> -> memref<50xi32, #tpu.memory_space<vmem>>
      %dma_start3A_97 = arith.constant 0 : i32
      %dma_start3A_98 = arith.constant 0 : i32
      %dma_start3A_99 = tpu.memref_slice %arg4[%dma_start3A_97, %dma_start3A_98] : memref<100002x128xf32, #tpu.memory_space<hbm>> -> memref<100002x128xf32, #tpu.memory_space<hbm>>
      tpu.enqueue_indirect_dma source(%dma_start3A_99 : memref<100002x128xf32, #tpu.memory_space<hbm>>) target(%dma_start3A_93 : memref<50x128xf32, #tpu.memory_space<vmem>>) offsets(%dma_start3A_96 : memref<50xi32, #tpu.memory_space<vmem>>) semaphore(%arg10 : memref<!tpu.dma_semaphore, #tpu.memory_space<semaphore_mem>>)
      %mul3A_100 = arith.constant 8 : i32
      %mul3A_101 = arith.muli %scan3A_9, %mul3A_100 : i32
      %add3A_102 = arith.constant 6 : i32
      %add3A_103 = arith.addi %mul3A_101, %add3A_102 : i32
      %dma_start3A_104 = arith.constant 6 : i32
      %dma_start3A_105 = arith.constant 0 : i32
      %dma_start3A_106 = arith.constant 0 : i32
      %dma_start3A_107 = tpu.memref_slice %arg8[%dma_start3A_104, %dma_start3A_105, %dma_start3A_106] : memref<8x50x128xf32, #tpu.memory_space<vmem>> -> memref<1x50x128xf32, #tpu.memory_space<vmem>>
      %dma_start3A_108 = tpu.memref_squeeze %dma_start3A_107 : memref<1x50x128xf32, #tpu.memory_space<vmem>> -> memref<50x128xf32, #tpu.memory_space<vmem>>
      %dma_start3A_109 = arith.constant 0 : i32
      %dma_start3A_110 = tpu.memref_slice %arg6[%add3A_103, %dma_start3A_109] : memref<128x50xi32, #tpu.memory_space<vmem>> -> memref<1x50xi32, #tpu.memory_space<vmem>>
      %dma_start3A_111 = tpu.memref_squeeze %dma_start3A_110 : memref<1x50xi32, #tpu.memory_space<vmem>> -> memref<50xi32, #tpu.memory_space<vmem>>
      %dma_start3A_112 = arith.constant 0 : i32
      %dma_start3A_113 = arith.constant 0 : i32
      %dma_start3A_114 = tpu.memref_slice %arg4[%dma_start3A_112, %dma_start3A_113] : memref<100002x128xf32, #tpu.memory_space<hbm>> -> memref<100002x128xf32, #tpu.memory_space<hbm>>
      tpu.enqueue_indirect_dma source(%dma_start3A_114 : memref<100002x128xf32, #tpu.memory_space<hbm>>) target(%dma_start3A_108 : memref<50x128xf32, #tpu.memory_space<vmem>>) offsets(%dma_start3A_111 : memref<50xi32, #tpu.memory_space<vmem>>) semaphore(%arg10 : memref<!tpu.dma_semaphore, #tpu.memory_space<semaphore_mem>>)
      %mul3A_115 = arith.constant 8 : i32
      %mul3A_116 = arith.muli %scan3A_9, %mul3A_115 : i32
      %add3A_117 = arith.constant 7 : i32
      %add3A_118 = arith.addi %mul3A_116, %add3A_117 : i32
      %dma_start3A_119 = arith.constant 7 : i32
      %dma_start3A_120 = arith.constant 0 : i32
      %dma_start3A_121 = arith.constant 0 : i32
      %dma_start3A_122 = tpu.memref_slice %arg8[%dma_start3A_119, %dma_start3A_120, %dma_start3A_121] : memref<8x50x128xf32, #tpu.memory_space<vmem>> -> memref<1x50x128xf32, #tpu.memory_space<vmem>>
      %dma_start3A_123 = tpu.memref_squeeze %dma_start3A_122 : memref<1x50x128xf32, #tpu.memory_space<vmem>> -> memref<50x128xf32, #tpu.memory_space<vmem>>
      %dma_start3A_124 = arith.constant 0 : i32
      %dma_start3A_125 = tpu.memref_slice %arg6[%add3A_118, %dma_start3A_124] : memref<128x50xi32, #tpu.memory_space<vmem>> -> memref<1x50xi32, #tpu.memory_space<vmem>>
      %dma_start3A_126 = tpu.memref_squeeze %dma_start3A_125 : memref<1x50xi32, #tpu.memory_space<vmem>> -> memref<50xi32, #tpu.memory_space<vmem>>
      %dma_start3A_127 = arith.constant 0 : i32
      %dma_start3A_128 = arith.constant 0 : i32
      %dma_start3A_129 = tpu.memref_slice %arg4[%dma_start3A_127, %dma_start3A_128] : memref<100002x128xf32, #tpu.memory_space<hbm>> -> memref<100002x128xf32, #tpu.memory_space<hbm>>
      tpu.enqueue_indirect_dma source(%dma_start3A_129 : memref<100002x128xf32, #tpu.memory_space<hbm>>) target(%dma_start3A_123 : memref<50x128xf32, #tpu.memory_space<vmem>>) offsets(%dma_start3A_126 : memref<50xi32, #tpu.memory_space<vmem>>) semaphore(%arg10 : memref<!tpu.dma_semaphore, #tpu.memory_space<semaphore_mem>>)
      %mul3A_130 = arith.constant 8 : i32
      %mul3A_131 = arith.muli %scan3A_9, %mul3A_130 : i32
      %add3A_132 = arith.constant 0 : i32
      %add3A_133 = arith.addi %mul3A_131, %add3A_132 : i32
      %dma_wait3A = arith.constant 0 : i32
      %dma_wait3A_134 = arith.constant 0 : i32
      %dma_wait3A_135 = arith.constant 0 : i32
      %dma_wait3A_136 = tpu.memref_slice %arg8[%dma_wait3A, %dma_wait3A_134, %dma_wait3A_135] : memref<8x50x128xf32, #tpu.memory_space<vmem>> -> memref<1x50x128xf32, #tpu.memory_space<vmem>>
      %dma_wait3A_137 = tpu.memref_squeeze %dma_wait3A_136 : memref<1x50x128xf32, #tpu.memory_space<vmem>> -> memref<50x128xf32, #tpu.memory_space<vmem>>
      %dma_wait3A_138 = arith.constant 0 : i32
      %dma_wait3A_139 = tpu.memref_slice %arg6[%add3A_133, %dma_wait3A_138] : memref<128x50xi32, #tpu.memory_space<vmem>> -> memref<1x50xi32, #tpu.memory_space<vmem>>
      %dma_wait3A_140 = tpu.memref_squeeze %dma_wait3A_139 : memref<1x50xi32, #tpu.memory_space<vmem>> -> memref<50xi32, #tpu.memory_space<vmem>>
      %dma_wait3A_141 = arith.constant 0 : i32
      %dma_wait3A_142 = arith.constant 0 : i32
      %dma_wait3A_143 = tpu.memref_slice %arg4[%dma_wait3A_141, %dma_wait3A_142] : memref<100002x128xf32, #tpu.memory_space<hbm>> -> memref<100002x128xf32, #tpu.memory_space<hbm>>
      tpu.wait_indirect_dma semaphore(%arg10 : memref<!tpu.dma_semaphore, #tpu.memory_space<semaphore_mem>>) src(%dma_wait3A_143 : memref<100002x128xf32, #tpu.memory_space<hbm>>) dst(%dma_wait3A_137 : memref<50x128xf32, #tpu.memory_space<vmem>>)
      %mul3A_144 = arith.constant 8 : i32
      %mul3A_145 = arith.muli %scan3A_9, %mul3A_144 : i32
      %add3A_146 = arith.constant 1 : i32
      %add3A_147 = arith.addi %mul3A_145, %add3A_146 : i32
      %dma_wait3A_148 = arith.constant 1 : i32
      %dma_wait3A_149 = arith.constant 0 : i32
      %dma_wait3A_150 = arith.constant 0 : i32
      %dma_wait3A_151 = tpu.memref_slice %arg8[%dma_wait3A_148, %dma_wait3A_149, %dma_wait3A_150] : memref<8x50x128xf32, #tpu.memory_space<vmem>> -> memref<1x50x128xf32, #tpu.memory_space<vmem>>
      %dma_wait3A_152 = tpu.memref_squeeze %dma_wait3A_151 : memref<1x50x128xf32, #tpu.memory_space<vmem>> -> memref<50x128xf32, #tpu.memory_space<vmem>>
      %dma_wait3A_153 = arith.constant 0 : i32
      %dma_wait3A_154 = tpu.memref_slice %arg6[%add3A_147, %dma_wait3A_153] : memref<128x50xi32, #tpu.memory_space<vmem>> -> memref<1x50xi32, #tpu.memory_space<vmem>>
      %dma_wait3A_155 = tpu.memref_squeeze %dma_wait3A_154 : memref<1x50xi32, #tpu.memory_space<vmem>> -> memref<50xi32, #tpu.memory_space<vmem>>
      %dma_wait3A_156 = arith.constant 0 : i32
      %dma_wait3A_157 = arith.constant 0 : i32
      %dma_wait3A_158 = tpu.memref_slice %arg4[%dma_wait3A_156, %dma_wait3A_157] : memref<100002x128xf32, #tpu.memory_space<hbm>> -> memref<100002x128xf32, #tpu.memory_space<hbm>>
      tpu.wait_indirect_dma semaphore(%arg10 : memref<!tpu.dma_semaphore, #tpu.memory_space<semaphore_mem>>) src(%dma_wait3A_158 : memref<100002x128xf32, #tpu.memory_space<hbm>>) dst(%dma_wait3A_152 : memref<50x128xf32, #tpu.memory_space<vmem>>)
      %mul3A_159 = arith.constant 8 : i32
      %mul3A_160 = arith.muli %scan3A_9, %mul3A_159 : i32
      %add3A_161 = arith.constant 2 : i32
      %add3A_162 = arith.addi %mul3A_160, %add3A_161 : i32
      %dma_wait3A_163 = arith.constant 2 : i32
      %dma_wait3A_164 = arith.constant 0 : i32
      %dma_wait3A_165 = arith.constant 0 : i32
      %dma_wait3A_166 = tpu.memref_slice %arg8[%dma_wait3A_163, %dma_wait3A_164, %dma_wait3A_165] : memref<8x50x128xf32, #tpu.memory_space<vmem>> -> memref<1x50x128xf32, #tpu.memory_space<vmem>>
      %dma_wait3A_167 = tpu.memref_squeeze %dma_wait3A_166 : memref<1x50x128xf32, #tpu.memory_space<vmem>> -> memref<50x128xf32, #tpu.memory_space<vmem>>
      %dma_wait3A_168 = arith.constant 0 : i32
      %dma_wait3A_169 = tpu.memref_slice %arg6[%add3A_162, %dma_wait3A_168] : memref<128x50xi32, #tpu.memory_space<vmem>> -> memref<1x50xi32, #tpu.memory_space<vmem>>
      %dma_wait3A_170 = tpu.memref_squeeze %dma_wait3A_169 : memref<1x50xi32, #tpu.memory_space<vmem>> -> memref<50xi32, #tpu.memory_space<vmem>>
      %dma_wait3A_171 = arith.constant 0 : i32
      %dma_wait3A_172 = arith.constant 0 : i32
      %dma_wait3A_173 = tpu.memref_slice %arg4[%dma_wait3A_171, %dma_wait3A_172] : memref<100002x128xf32, #tpu.memory_space<hbm>> -> memref<100002x128xf32, #tpu.memory_space<hbm>>
      tpu.wait_indirect_dma semaphore(%arg10 : memref<!tpu.dma_semaphore, #tpu.memory_space<semaphore_mem>>) src(%dma_wait3A_173 : memref<100002x128xf32, #tpu.memory_space<hbm>>) dst(%dma_wait3A_167 : memref<50x128xf32, #tpu.memory_space<vmem>>)
      %mul3A_174 = arith.constant 8 : i32
      %mul3A_175 = arith.muli %scan3A_9, %mul3A_174 : i32
      %add3A_176 = arith.constant 3 : i32
      %add3A_177 = arith.addi %mul3A_175, %add3A_176 : i32
      %dma_wait3A_178 = arith.constant 3 : i32
      %dma_wait3A_179 = arith.constant 0 : i32
      %dma_wait3A_180 = arith.constant 0 : i32
      %dma_wait3A_181 = tpu.memref_slice %arg8[%dma_wait3A_178, %dma_wait3A_179, %dma_wait3A_180] : memref<8x50x128xf32, #tpu.memory_space<vmem>> -> memref<1x50x128xf32, #tpu.memory_space<vmem>>
      %dma_wait3A_182 = tpu.memref_squeeze %dma_wait3A_181 : memref<1x50x128xf32, #tpu.memory_space<vmem>> -> memref<50x128xf32, #tpu.memory_space<vmem>>
      %dma_wait3A_183 = arith.constant 0 : i32
      %dma_wait3A_184 = tpu.memref_slice %arg6[%add3A_177, %dma_wait3A_183] : memref<128x50xi32, #tpu.memory_space<vmem>> -> memref<1x50xi32, #tpu.memory_space<vmem>>
      %dma_wait3A_185 = tpu.memref_squeeze %dma_wait3A_184 : memref<1x50xi32, #tpu.memory_space<vmem>> -> memref<50xi32, #tpu.memory_space<vmem>>
      %dma_wait3A_186 = arith.constant 0 : i32
      %dma_wait3A_187 = arith.constant 0 : i32
      %dma_wait3A_188 = tpu.memref_slice %arg4[%dma_wait3A_186, %dma_wait3A_187] : memref<100002x128xf32, #tpu.memory_space<hbm>> -> memref<100002x128xf32, #tpu.memory_space<hbm>>
      tpu.wait_indirect_dma semaphore(%arg10 : memref<!tpu.dma_semaphore, #tpu.memory_space<semaphore_mem>>) src(%dma_wait3A_188 : memref<100002x128xf32, #tpu.memory_space<hbm>>) dst(%dma_wait3A_182 : memref<50x128xf32, #tpu.memory_space<vmem>>)
      %mul3A_189 = arith.constant 8 : i32
      %mul3A_190 = arith.muli %scan3A_9, %mul3A_189 : i32
      %add3A_191 = arith.constant 4 : i32
      %add3A_192 = arith.addi %mul3A_190, %add3A_191 : i32
      %dma_wait3A_193 = arith.constant 4 : i32
      %dma_wait3A_194 = arith.constant 0 : i32
      %dma_wait3A_195 = arith.constant 0 : i32
      %dma_wait3A_196 = tpu.memref_slice %arg8[%dma_wait3A_193, %dma_wait3A_194, %dma_wait3A_195] : memref<8x50x128xf32, #tpu.memory_space<vmem>> -> memref<1x50x128xf32, #tpu.memory_space<vmem>>
      %dma_wait3A_197 = tpu.memref_squeeze %dma_wait3A_196 : memref<1x50x128xf32, #tpu.memory_space<vmem>> -> memref<50x128xf32, #tpu.memory_space<vmem>>
      %dma_wait3A_198 = arith.constant 0 : i32
      %dma_wait3A_199 = tpu.memref_slice %arg6[%add3A_192, %dma_wait3A_198] : memref<128x50xi32, #tpu.memory_space<vmem>> -> memref<1x50xi32, #tpu.memory_space<vmem>>
      %dma_wait3A_200 = tpu.memref_squeeze %dma_wait3A_199 : memref<1x50xi32, #tpu.memory_space<vmem>> -> memref<50xi32, #tpu.memory_space<vmem>>
      %dma_wait3A_201 = arith.constant 0 : i32
      %dma_wait3A_202 = arith.constant 0 : i32
      %dma_wait3A_203 = tpu.memref_slice %arg4[%dma_wait3A_201, %dma_wait3A_202] : memref<100002x128xf32, #tpu.memory_space<hbm>> -> memref<100002x128xf32, #tpu.memory_space<hbm>>
      tpu.wait_indirect_dma semaphore(%arg10 : memref<!tpu.dma_semaphore, #tpu.memory_space<semaphore_mem>>) src(%dma_wait3A_203 : memref<100002x128xf32, #tpu.memory_space<hbm>>) dst(%dma_wait3A_197 : memref<50x128xf32, #tpu.memory_space<vmem>>)
      %mul3A_204 = arith.constant 8 : i32
      %mul3A_205 = arith.muli %scan3A_9, %mul3A_204 : i32
      %add3A_206 = arith.constant 5 : i32
      %add3A_207 = arith.addi %mul3A_205, %add3A_206 : i32
      %dma_wait3A_208 = arith.constant 5 : i32
      %dma_wait3A_209 = arith.constant 0 : i32
      %dma_wait3A_210 = arith.constant 0 : i32
      %dma_wait3A_211 = tpu.memref_slice %arg8[%dma_wait3A_208, %dma_wait3A_209, %dma_wait3A_210] : memref<8x50x128xf32, #tpu.memory_space<vmem>> -> memref<1x50x128xf32, #tpu.memory_space<vmem>>
      %dma_wait3A_212 = tpu.memref_squeeze %dma_wait3A_211 : memref<1x50x128xf32, #tpu.memory_space<vmem>> -> memref<50x128xf32, #tpu.memory_space<vmem>>
      %dma_wait3A_213 = arith.constant 0 : i32
      %dma_wait3A_214 = tpu.memref_slice %arg6[%add3A_207, %dma_wait3A_213] : memref<128x50xi32, #tpu.memory_space<vmem>> -> memref<1x50xi32, #tpu.memory_space<vmem>>
      %dma_wait3A_215 = tpu.memref_squeeze %dma_wait3A_214 : memref<1x50xi32, #tpu.memory_space<vmem>> -> memref<50xi32, #tpu.memory_space<vmem>>
      %dma_wait3A_216 = arith.constant 0 : i32
      %dma_wait3A_217 = arith.constant 0 : i32
      %dma_wait3A_218 = tpu.memref_slice %arg4[%dma_wait3A_216, %dma_wait3A_217] : memref<100002x128xf32, #tpu.memory_space<hbm>> -> memref<100002x128xf32, #tpu.memory_space<hbm>>
      tpu.wait_indirect_dma semaphore(%arg10 : memref<!tpu.dma_semaphore, #tpu.memory_space<semaphore_mem>>) src(%dma_wait3A_218 : memref<100002x128xf32, #tpu.memory_space<hbm>>) dst(%dma_wait3A_212 : memref<50x128xf32, #tpu.memory_space<vmem>>)
      %mul3A_219 = arith.constant 8 : i32
      %mul3A_220 = arith.muli %scan3A_9, %mul3A_219 : i32
      %add3A_221 = arith.constant 6 : i32
      %add3A_222 = arith.addi %mul3A_220, %add3A_221 : i32
      %dma_wait3A_223 = arith.constant 6 : i32
      %dma_wait3A_224 = arith.constant 0 : i32
      %dma_wait3A_225 = arith.constant 0 : i32
      %dma_wait3A_226 = tpu.memref_slice %arg8[%dma_wait3A_223, %dma_wait3A_224, %dma_wait3A_225] : memref<8x50x128xf32, #tpu.memory_space<vmem>> -> memref<1x50x128xf32, #tpu.memory_space<vmem>>
      %dma_wait3A_227 = tpu.memref_squeeze %dma_wait3A_226 : memref<1x50x128xf32, #tpu.memory_space<vmem>> -> memref<50x128xf32, #tpu.memory_space<vmem>>
      %dma_wait3A_228 = arith.constant 0 : i32
      %dma_wait3A_229 = tpu.memref_slice %arg6[%add3A_222, %dma_wait3A_228] : memref<128x50xi32, #tpu.memory_space<vmem>> -> memref<1x50xi32, #tpu.memory_space<vmem>>
      %dma_wait3A_230 = tpu.memref_squeeze %dma_wait3A_229 : memref<1x50xi32, #tpu.memory_space<vmem>> -> memref<50xi32, #tpu.memory_space<vmem>>
      %dma_wait3A_231 = arith.constant 0 : i32
      %dma_wait3A_232 = arith.constant 0 : i32
      %dma_wait3A_233 = tpu.memref_slice %arg4[%dma_wait3A_231, %dma_wait3A_232] : memref<100002x128xf32, #tpu.memory_space<hbm>> -> memref<100002x128xf32, #tpu.memory_space<hbm>>
      tpu.wait_indirect_dma semaphore(%arg10 : memref<!tpu.dma_semaphore, #tpu.memory_space<semaphore_mem>>) src(%dma_wait3A_233 : memref<100002x128xf32, #tpu.memory_space<hbm>>) dst(%dma_wait3A_227 : memref<50x128xf32, #tpu.memory_space<vmem>>)
      %mul3A_234 = arith.constant 8 : i32
      %mul3A_235 = arith.muli %scan3A_9, %mul3A_234 : i32
      %add3A_236 = arith.constant 7 : i32
      %add3A_237 = arith.addi %mul3A_235, %add3A_236 : i32
      %dma_wait3A_238 = arith.constant 7 : i32
      %dma_wait3A_239 = arith.constant 0 : i32
      %dma_wait3A_240 = arith.constant 0 : i32
      %dma_wait3A_241 = tpu.memref_slice %arg8[%dma_wait3A_238, %dma_wait3A_239, %dma_wait3A_240] : memref<8x50x128xf32, #tpu.memory_space<vmem>> -> memref<1x50x128xf32, #tpu.memory_space<vmem>>
      %dma_wait3A_242 = tpu.memref_squeeze %dma_wait3A_241 : memref<1x50x128xf32, #tpu.memory_space<vmem>> -> memref<50x128xf32, #tpu.memory_space<vmem>>
      %dma_wait3A_243 = arith.constant 0 : i32
      %dma_wait3A_244 = tpu.memref_slice %arg6[%add3A_237, %dma_wait3A_243] : memref<128x50xi32, #tpu.memory_space<vmem>> -> memref<1x50xi32, #tpu.memory_space<vmem>>
      %dma_wait3A_245 = tpu.memref_squeeze %dma_wait3A_244 : memref<1x50xi32, #tpu.memory_space<vmem>> -> memref<50xi32, #tpu.memory_space<vmem>>
      %dma_wait3A_246 = arith.constant 0 : i32
      %dma_wait3A_247 = arith.constant 0 : i32
      %dma_wait3A_248 = tpu.memref_slice %arg4[%dma_wait3A_246, %dma_wait3A_247] : memref<100002x128xf32, #tpu.memory_space<hbm>> -> memref<100002x128xf32, #tpu.memory_space<hbm>>
      tpu.wait_indirect_dma semaphore(%arg10 : memref<!tpu.dma_semaphore, #tpu.memory_space<semaphore_mem>>) src(%dma_wait3A_248 : memref<100002x128xf32, #tpu.memory_space<hbm>>) dst(%dma_wait3A_242 : memref<50x128xf32, #tpu.memory_space<vmem>>)
      %mul3A_249 = arith.constant 8 : i32
      %mul3A_250 = arith.muli %scan3A_9, %mul3A_249 : i32
      %add3A_251 = arith.constant 0 : i32
      %add3A_252 = arith.addi %mul3A_250, %add3A_251 : i32
      %broadcast_in_dim3A = arith.constant 0.000000e+00 : f32
      %broadcast_in_dim3A_253 = vector.broadcast %broadcast_in_dim3A : f32 to vector<16xf32>
      %broadcast_in_dim3A_254 = arith.constant 0.000000e+00 : f32
      %broadcast_in_dim3A_255 = vector.broadcast %broadcast_in_dim3A_254 : f32 to vector<16xf32>
      %broadcast_in_dim3A_256 = arith.constant 0.000000e+00 : f32
      %broadcast_in_dim3A_257 = vector.broadcast %broadcast_in_dim3A_256 : f32 to vector<16xf32>
      %broadcast_in_dim3A_258 = arith.constant 0.000000e+00 : f32
      %broadcast_in_dim3A_259 = vector.broadcast %broadcast_in_dim3A_258 : f32 to vector<16xf32>
      %broadcast_in_dim3A_260 = arith.constant 0.000000e+00 : f32
      %broadcast_in_dim3A_261 = vector.broadcast %broadcast_in_dim3A_260 : f32 to vector<16xf32>
      %broadcast_in_dim3A_262 = arith.constant 0.000000e+00 : f32
      %broadcast_in_dim3A_263 = vector.broadcast %broadcast_in_dim3A_262 : f32 to vector<16xf32>
      %broadcast_in_dim3A_264 = arith.constant 0.000000e+00 : f32
      %broadcast_in_dim3A_265 = vector.broadcast %broadcast_in_dim3A_264 : f32 to vector<16xf32>
      %broadcast_in_dim3A_266 = arith.constant 0.000000e+00 : f32
      %broadcast_in_dim3A_267 = vector.broadcast %broadcast_in_dim3A_266 : f32 to vector<16xf32>
      %broadcast_in_dim3A_268 = arith.constant 0.000000e+00 : f32
      %broadcast_in_dim3A_269 = vector.broadcast %broadcast_in_dim3A_268 : f32 to vector<16xf32>
      %get3A = arith.index_cast %add3A_252 : i32 to index
      %get3A_270 = arith.constant 0 : index
      %get3A_271 = tpu.vector_load %arg7[%get3A, %get3A_270] {strides = array<i32>} : memref<128x64xf32, #tpu.memory_space<vmem>>, vector<1x16xf32>,
      %get3A_272 = vector.shape_cast %get3A_271 : vector<1x16xf32> to vector<16xf32>
      %scan3A_273 = arith.constant 0 : i32
      %scan3A_274 = arith.constant 16 : i32
      %scan3A_275 = arith.addi %scan3A_273, %scan3A_274 : i32
      %scan3A_276 = arith.constant 1 : i32
      %scan3A_277:9 = scf.for %scan3A_1240 = %scan3A_273 to %scan3A_275 step %scan3A_276 iter_args(%scan3A_1241 = %broadcast_in_dim3A_253, %scan3A_1242 = %broadcast_in_dim3A_255, %scan3A_1243 = %broadcast_in_dim3A_257, %scan3A_1244 = %broadcast_in_dim3A_259, %scan3A_1245 = %broadcast_in_dim3A_261, %scan3A_1246 = %broadcast_in_dim3A_263, %scan3A_1247 = %broadcast_in_dim3A_265, %scan3A_1248 = %broadcast_in_dim3A_267, %scan3A_1249 = %broadcast_in_dim3A_269) -> (vector<16xf32>, vector<16xf32>, vector<16xf32>, vector<16xf32>, vector<16xf32>, vector<16xf32>, vector<16xf32>, vector<16xf32>, vector<16xf32>)  : i32 {
        %broadcast_in_dim3A_1250 = vector.broadcast %scan3A_1240 : i32 to vector<16x1xi32>
        %gather3A = vector.shape_cast %broadcast_in_dim3A_1250 : vector<16x1xi32> to vector<16xi32>
        %gather3A_1251 = tpu.dynamic_gather %get3A_272[%gather3A] in [0] : vector<16xf32>, vector<16xi32> -> vector<16xf32>
        %add3A_1252 = arith.constant 0 : i32
        %add3A_1253 = arith.addi %add3A_1252, %scan3A_1240 : i32
        %get3A_1254 = arith.constant 0 : i32
        %get3A_1255 = arith.index_cast %get3A_1254 : i32 to index
        %get3A_1256 = arith.index_cast %add3A_1253 : i32 to index
        %get3A_1257 = arith.constant 0 : index
        %get3A_1258 = tpu.vector_load %arg8[%get3A_1255, %get3A_1256, %get3A_1257] {strides = array<i32>} : memref<8x50x128xf32, #tpu.memory_space<vmem>>, vector<1x1x16xf32>,
        %get3A_1259 = vector.shape_cast %get3A_1258 : vector<1x1x16xf32> to vector<16xf32>
        %mul3A_1260 = arith.mulf %gather3A_1251, %get3A_1259 : vector<16xf32>
        %add3A_1261 = arith.addf %scan3A_1241, %mul3A_1260 : vector<16xf32>
        %get3A_1262 = arith.constant 0 : i32
        %get3A_1263 = arith.index_cast %get3A_1262 : i32 to index
        %get3A_1264 = arith.index_cast %add3A_1253 : i32 to index
        %get3A_1265 = arith.constant 16 : index
        %get3A_1266 = tpu.vector_load %arg8[%get3A_1263, %get3A_1264, %get3A_1265] {strides = array<i32>} : memref<8x50x128xf32, #tpu.memory_space<vmem>>, vector<1x1x16xf32>,
        %get3A_1267 = vector.shape_cast %get3A_1266 : vector<1x1x16xf32> to vector<16xf32>
        %mul3A_1268 = arith.mulf %gather3A_1251, %get3A_1267 : vector<16xf32>
        %add3A_1269 = arith.addf %scan3A_1242, %mul3A_1268 : vector<16xf32>
        %get3A_1270 = arith.constant 0 : i32
        %get3A_1271 = arith.index_cast %get3A_1270 : i32 to index
        %get3A_1272 = arith.index_cast %add3A_1253 : i32 to index
        %get3A_1273 = arith.constant 32 : index
        %get3A_1274 = tpu.vector_load %arg8[%get3A_1271, %get3A_1272, %get3A_1273] {strides = array<i32>} : memref<8x50x128xf32, #tpu.memory_space<vmem>>, vector<1x1x16xf32>,
        %get3A_1275 = vector.shape_cast %get3A_1274 : vector<1x1x16xf32> to vector<16xf32>
        %mul3A_1276 = arith.mulf %gather3A_1251, %get3A_1275 : vector<16xf32>
        %add3A_1277 = arith.addf %scan3A_1243, %mul3A_1276 : vector<16xf32>
        %get3A_1278 = arith.constant 0 : i32
        %get3A_1279 = arith.index_cast %get3A_1278 : i32 to index
        %get3A_1280 = arith.index_cast %add3A_1253 : i32 to index
        %get3A_1281 = arith.constant 48 : index
        %get3A_1282 = tpu.vector_load %arg8[%get3A_1279, %get3A_1280, %get3A_1281] {strides = array<i32>} : memref<8x50x128xf32, #tpu.memory_space<vmem>>, vector<1x1x16xf32>,
        %get3A_1283 = vector.shape_cast %get3A_1282 : vector<1x1x16xf32> to vector<16xf32>
        %mul3A_1284 = arith.mulf %gather3A_1251, %get3A_1283 : vector<16xf32>
        %add3A_1285 = arith.addf %scan3A_1244, %mul3A_1284 : vector<16xf32>
        %get3A_1286 = arith.constant 0 : i32
        %get3A_1287 = arith.index_cast %get3A_1286 : i32 to index
        %get3A_1288 = arith.index_cast %add3A_1253 : i32 to index
        %get3A_1289 = arith.constant 64 : index
        %get3A_1290 = tpu.vector_load %arg8[%get3A_1287, %get3A_1288, %get3A_1289] {strides = array<i32>} : memref<8x50x128xf32, #tpu.memory_space<vmem>>, vector<1x1x16xf32>,
        %get3A_1291 = vector.shape_cast %get3A_1290 : vector<1x1x16xf32> to vector<16xf32>
        %mul3A_1292 = arith.mulf %gather3A_1251, %get3A_1291 : vector<16xf32>
        %add3A_1293 = arith.addf %scan3A_1245, %mul3A_1292 : vector<16xf32>
        %get3A_1294 = arith.constant 0 : i32
        %get3A_1295 = arith.index_cast %get3A_1294 : i32 to index
        %get3A_1296 = arith.index_cast %add3A_1253 : i32 to index
        %get3A_1297 = arith.constant 80 : index
        %get3A_1298 = tpu.vector_load %arg8[%get3A_1295, %get3A_1296, %get3A_1297] {strides = array<i32>} : memref<8x50x128xf32, #tpu.memory_space<vmem>>, vector<1x1x16xf32>,
        %get3A_1299 = vector.shape_cast %get3A_1298 : vector<1x1x16xf32> to vector<16xf32>
        %mul3A_1300 = arith.mulf %gather3A_1251, %get3A_1299 : vector<16xf32>
        %add3A_1301 = arith.addf %scan3A_1246, %mul3A_1300 : vector<16xf32>
        %get3A_1302 = arith.constant 0 : i32
        %get3A_1303 = arith.index_cast %get3A_1302 : i32 to index
        %get3A_1304 = arith.index_cast %add3A_1253 : i32 to index
        %get3A_1305 = arith.constant 96 : index
        %get3A_1306 = tpu.vector_load %arg8[%get3A_1303, %get3A_1304, %get3A_1305] {strides = array<i32>} : memref<8x50x128xf32, #tpu.memory_space<vmem>>, vector<1x1x16xf32>,
        %get3A_1307 = vector.shape_cast %get3A_1306 : vector<1x1x16xf32> to vector<16xf32>
        %mul3A_1308 = arith.mulf %gather3A_1251, %get3A_1307 : vector<16xf32>
        %add3A_1309 = arith.addf %scan3A_1247, %mul3A_1308 : vector<16xf32>
        %get3A_1310 = arith.constant 0 : i32
        %get3A_1311 = arith.index_cast %get3A_1310 : i32 to index
        %get3A_1312 = arith.index_cast %add3A_1253 : i32 to index
        %get3A_1313 = arith.constant 112 : index
        %get3A_1314 = tpu.vector_load %arg8[%get3A_1311, %get3A_1312, %get3A_1313] {strides = array<i32>} : memref<8x50x128xf32, #tpu.memory_space<vmem>>, vector<1x1x16xf32>,
        %get3A_1315 = vector.shape_cast %get3A_1314 : vector<1x1x16xf32> to vector<16xf32>
        %mul3A_1316 = arith.mulf %gather3A_1251, %get3A_1315 : vector<16xf32>
        %add3A_1317 = arith.addf %scan3A_1248, %mul3A_1316 : vector<16xf32>
        %add3A_1318 = arith.addf %scan3A_1249, %gather3A_1251 : vector<16xf32>
        scf.yield %add3A_1261, %add3A_1269, %add3A_1277, %add3A_1285, %add3A_1293, %add3A_1301, %add3A_1309, %add3A_1317, %add3A_1318 : vector<16xf32>, vector<16xf32>, vector<16xf32>, vector<16xf32>, vector<16xf32>, vector<16xf32>, vector<16xf32>, vector<16xf32>, vector<16xf32>
      }
      %scan3A_278 = arith.constant 16 : i32
      %get3A_279 = arith.index_cast %add3A_252 : i32 to index
      %get3A_280 = arith.constant 16 : index
      %get3A_281 = tpu.vector_load %arg7[%get3A_279, %get3A_280] {strides = array<i32>} : memref<128x64xf32, #tpu.memory_space<vmem>>, vector<1x16xf32>,
      %get3A_282 = vector.shape_cast %get3A_281 : vector<1x16xf32> to vector<16xf32>
      %scan3A_283 = arith.constant 0 : i32
      %scan3A_284 = arith.constant 16 : i32
      %scan3A_285 = arith.addi %scan3A_283, %scan3A_284 : i32
      %scan3A_286 = arith.constant 1 : i32
      %scan3A_287:9 = scf.for %scan3A_1240 = %scan3A_283 to %scan3A_285 step %scan3A_286 iter_args(%scan3A_1241 = %scan3A_277#0, %scan3A_1242 = %scan3A_277#1, %scan3A_1243 = %scan3A_277#2, %scan3A_1244 = %scan3A_277#3, %scan3A_1245 = %scan3A_277#4, %scan3A_1246 = %scan3A_277#5, %scan3A_1247 = %scan3A_277#6, %scan3A_1248 = %scan3A_277#7, %scan3A_1249 = %scan3A_277#8) -> (vector<16xf32>, vector<16xf32>, vector<16xf32>, vector<16xf32>, vector<16xf32>, vector<16xf32>, vector<16xf32>, vector<16xf32>, vector<16xf32>)  : i32 {
        %broadcast_in_dim3A_1250 = vector.broadcast %scan3A_1240 : i32 to vector<16x1xi32>
        %gather3A = vector.shape_cast %broadcast_in_dim3A_1250 : vector<16x1xi32> to vector<16xi32>
        %gather3A_1251 = tpu.dynamic_gather %get3A_282[%gather3A] in [0] : vector<16xf32>, vector<16xi32> -> vector<16xf32>
        %add3A_1252 = arith.constant 16 : i32
        %add3A_1253 = arith.addi %add3A_1252, %scan3A_1240 : i32
        %get3A_1254 = arith.constant 0 : i32
        %get3A_1255 = arith.index_cast %get3A_1254 : i32 to index
        %get3A_1256 = arith.index_cast %add3A_1253 : i32 to index
        %get3A_1257 = arith.constant 0 : index
        %get3A_1258 = tpu.vector_load %arg8[%get3A_1255, %get3A_1256, %get3A_1257] {strides = array<i32>} : memref<8x50x128xf32, #tpu.memory_space<vmem>>, vector<1x1x16xf32>,
        %get3A_1259 = vector.shape_cast %get3A_1258 : vector<1x1x16xf32> to vector<16xf32>
        %mul3A_1260 = arith.mulf %gather3A_1251, %get3A_1259 : vector<16xf32>
        %add3A_1261 = arith.addf %scan3A_1241, %mul3A_1260 : vector<16xf32>
        %get3A_1262 = arith.constant 0 : i32
        %get3A_1263 = arith.index_cast %get3A_1262 : i32 to index
        %get3A_1264 = arith.index_cast %add3A_1253 : i32 to index
        %get3A_1265 = arith.constant 16 : index
        %get3A_1266 = tpu.vector_load %arg8[%get3A_1263, %get3A_1264, %get3A_1265] {strides = array<i32>} : memref<8x50x128xf32, #tpu.memory_space<vmem>>, vector<1x1x16xf32>,
        %get3A_1267 = vector.shape_cast %get3A_1266 : vector<1x1x16xf32> to vector<16xf32>
        %mul3A_1268 = arith.mulf %gather3A_1251, %get3A_1267 : vector<16xf32>
        %add3A_1269 = arith.addf %scan3A_1242, %mul3A_1268 : vector<16xf32>
        %get3A_1270 = arith.constant 0 : i32
        %get3A_1271 = arith.index_cast %get3A_1270 : i32 to index
        %get3A_1272 = arith.index_cast %add3A_1253 : i32 to index
        %get3A_1273 = arith.constant 32 : index
        %get3A_1274 = tpu.vector_load %arg8[%get3A_1271, %get3A_1272, %get3A_1273] {strides = array<i32>} : memref<8x50x128xf32, #tpu.memory_space<vmem>>, vector<1x1x16xf32>,
        %get3A_1275 = vector.shape_cast %get3A_1274 : vector<1x1x16xf32> to vector<16xf32>
        %mul3A_1276 = arith.mulf %gather3A_1251, %get3A_1275 : vector<16xf32>
        %add3A_1277 = arith.addf %scan3A_1243, %mul3A_1276 : vector<16xf32>
        %get3A_1278 = arith.constant 0 : i32
        %get3A_1279 = arith.index_cast %get3A_1278 : i32 to index
        %get3A_1280 = arith.index_cast %add3A_1253 : i32 to index
        %get3A_1281 = arith.constant 48 : index
        %get3A_1282 = tpu.vector_load %arg8[%get3A_1279, %get3A_1280, %get3A_1281] {strides = array<i32>} : memref<8x50x128xf32, #tpu.memory_space<vmem>>, vector<1x1x16xf32>,
        %get3A_1283 = vector.shape_cast %get3A_1282 : vector<1x1x16xf32> to vector<16xf32>
        %mul3A_1284 = arith.mulf %gather3A_1251, %get3A_1283 : vector<16xf32>
        %add3A_1285 = arith.addf %scan3A_1244, %mul3A_1284 : vector<16xf32>
        %get3A_1286 = arith.constant 0 : i32
        %get3A_1287 = arith.index_cast %get3A_1286 : i32 to index
        %get3A_1288 = arith.index_cast %add3A_1253 : i32 to index
        %get3A_1289 = arith.constant 64 : index
        %get3A_1290 = tpu.vector_load %arg8[%get3A_1287, %get3A_1288, %get3A_1289] {strides = array<i32>} : memref<8x50x128xf32, #tpu.memory_space<vmem>>, vector<1x1x16xf32>,
        %get3A_1291 = vector.shape_cast %get3A_1290 : vector<1x1x16xf32> to vector<16xf32>
        %mul3A_1292 = arith.mulf %gather3A_1251, %get3A_1291 : vector<16xf32>
        %add3A_1293 = arith.addf %scan3A_1245, %mul3A_1292 : vector<16xf32>
        %get3A_1294 = arith.constant 0 : i32
        %get3A_1295 = arith.index_cast %get3A_1294 : i32 to index
        %get3A_1296 = arith.index_cast %add3A_1253 : i32 to index
        %get3A_1297 = arith.constant 80 : index
        %get3A_1298 = tpu.vector_load %arg8[%get3A_1295, %get3A_1296, %get3A_1297] {strides = array<i32>} : memref<8x50x128xf32, #tpu.memory_space<vmem>>, vector<1x1x16xf32>,
        %get3A_1299 = vector.shape_cast %get3A_1298 : vector<1x1x16xf32> to vector<16xf32>
        %mul3A_1300 = arith.mulf %gather3A_1251, %get3A_1299 : vector<16xf32>
        %add3A_1301 = arith.addf %scan3A_1246, %mul3A_1300 : vector<16xf32>
        %get3A_1302 = arith.constant 0 : i32
        %get3A_1303 = arith.index_cast %get3A_1302 : i32 to index
        %get3A_1304 = arith.index_cast %add3A_1253 : i32 to index
        %get3A_1305 = arith.constant 96 : index
        %get3A_1306 = tpu.vector_load %arg8[%get3A_1303, %get3A_1304, %get3A_1305] {strides = array<i32>} : memref<8x50x128xf32, #tpu.memory_space<vmem>>, vector<1x1x16xf32>,
        %get3A_1307 = vector.shape_cast %get3A_1306 : vector<1x1x16xf32> to vector<16xf32>
        %mul3A_1308 = arith.mulf %gather3A_1251, %get3A_1307 : vector<16xf32>
        %add3A_1309 = arith.addf %scan3A_1247, %mul3A_1308 : vector<16xf32>
        %get3A_1310 = arith.constant 0 : i32
        %get3A_1311 = arith.index_cast %get3A_1310 : i32 to index
        %get3A_1312 = arith.index_cast %add3A_1253 : i32 to index
        %get3A_1313 = arith.constant 112 : index
        %get3A_1314 = tpu.vector_load %arg8[%get3A_1311, %get3A_1312, %get3A_1313] {strides = array<i32>} : memref<8x50x128xf32, #tpu.memory_space<vmem>>, vector<1x1x16xf32>,
        %get3A_1315 = vector.shape_cast %get3A_1314 : vector<1x1x16xf32> to vector<16xf32>
        %mul3A_1316 = arith.mulf %gather3A_1251, %get3A_1315 : vector<16xf32>
        %add3A_1317 = arith.addf %scan3A_1248, %mul3A_1316 : vector<16xf32>
        %add3A_1318 = arith.addf %scan3A_1249, %gather3A_1251 : vector<16xf32>
        scf.yield %add3A_1261, %add3A_1269, %add3A_1277, %add3A_1285, %add3A_1293, %add3A_1301, %add3A_1309, %add3A_1317, %add3A_1318 : vector<16xf32>, vector<16xf32>, vector<16xf32>, vector<16xf32>, vector<16xf32>, vector<16xf32>, vector<16xf32>, vector<16xf32>, vector<16xf32>
      }
      %scan3A_288 = arith.constant 16 : i32
      %get3A_289 = arith.index_cast %add3A_252 : i32 to index
      %get3A_290 = arith.constant 32 : index
      %get3A_291 = tpu.vector_load %arg7[%get3A_289, %get3A_290] {strides = array<i32>} : memref<128x64xf32, #tpu.memory_space<vmem>>, vector<1x16xf32>,
      %get3A_292 = vector.shape_cast %get3A_291 : vector<1x16xf32> to vector<16xf32>
      %scan3A_293 = arith.constant 0 : i32
      %scan3A_294 = arith.constant 16 : i32
      %scan3A_295 = arith.addi %scan3A_293, %scan3A_294 : i32
      %scan3A_296 = arith.constant 1 : i32
      %scan3A_297:9 = scf.for %scan3A_1240 = %scan3A_293 to %scan3A_295 step %scan3A_296 iter_args(%scan3A_1241 = %scan3A_287#0, %scan3A_1242 = %scan3A_287#1, %scan3A_1243 = %scan3A_287#2, %scan3A_1244 = %scan3A_287#3, %scan3A_1245 = %scan3A_287#4, %scan3A_1246 = %scan3A_287#5, %scan3A_1247 = %scan3A_287#6, %scan3A_1248 = %scan3A_287#7, %scan3A_1249 = %scan3A_287#8) -> (vector<16xf32>, vector<16xf32>, vector<16xf32>, vector<16xf32>, vector<16xf32>, vector<16xf32>, vector<16xf32>, vector<16xf32>, vector<16xf32>)  : i32 {
        %broadcast_in_dim3A_1250 = vector.broadcast %scan3A_1240 : i32 to vector<16x1xi32>
        %gather3A = vector.shape_cast %broadcast_in_dim3A_1250 : vector<16x1xi32> to vector<16xi32>
        %gather3A_1251 = tpu.dynamic_gather %get3A_292[%gather3A] in [0] : vector<16xf32>, vector<16xi32> -> vector<16xf32>
        %add3A_1252 = arith.constant 32 : i32
        %add3A_1253 = arith.addi %add3A_1252, %scan3A_1240 : i32
        %get3A_1254 = arith.constant 0 : i32
        %get3A_1255 = arith.index_cast %get3A_1254 : i32 to index
        %get3A_1256 = arith.index_cast %add3A_1253 : i32 to index
        %get3A_1257 = arith.constant 0 : index
        %get3A_1258 = tpu.vector_load %arg8[%get3A_1255, %get3A_1256, %get3A_1257] {strides = array<i32>} : memref<8x50x128xf32, #tpu.memory_space<vmem>>, vector<1x1x16xf32>,
        %get3A_1259 = vector.shape_cast %get3A_1258 : vector<1x1x16xf32> to vector<16xf32>
        %mul3A_1260 = arith.mulf %gather3A_1251, %get3A_1259 : vector<16xf32>
        %add3A_1261 = arith.addf %scan3A_1241, %mul3A_1260 : vector<16xf32>
        %get3A_1262 = arith.constant 0 : i32
        %get3A_1263 = arith.index_cast %get3A_1262 : i32 to index
        %get3A_1264 = arith.index_cast %add3A_1253 : i32 to index
        %get3A_1265 = arith.constant 16 : index
        %get3A_1266 = tpu.vector_load %arg8[%get3A_1263, %get3A_1264, %get3A_1265] {strides = array<i32>} : memref<8x50x128xf32, #tpu.memory_space<vmem>>, vector<1x1x16xf32>,
        %get3A_1267 = vector.shape_cast %get3A_1266 : vector<1x1x16xf32> to vector<16xf32>
        %mul3A_1268 = arith.mulf %gather3A_1251, %get3A_1267 : vector<16xf32>
        %add3A_1269 = arith.addf %scan3A_1242, %mul3A_1268 : vector<16xf32>
        %get3A_1270 = arith.constant 0 : i32
        %get3A_1271 = arith.index_cast %get3A_1270 : i32 to index
        %get3A_1272 = arith.index_cast %add3A_1253 : i32 to index
        %get3A_1273 = arith.constant 32 : index
        %get3A_1274 = tpu.vector_load %arg8[%get3A_1271, %get3A_1272, %get3A_1273] {strides = array<i32>} : memref<8x50x128xf32, #tpu.memory_space<vmem>>, vector<1x1x16xf32>,
        %get3A_1275 = vector.shape_cast %get3A_1274 : vector<1x1x16xf32> to vector<16xf32>
        %mul3A_1276 = arith.mulf %gather3A_1251, %get3A_1275 : vector<16xf32>
        %add3A_1277 = arith.addf %scan3A_1243, %mul3A_1276 : vector<16xf32>
        %get3A_1278 = arith.constant 0 : i32
        %get3A_1279 = arith.index_cast %get3A_1278 : i32 to index
        %get3A_1280 = arith.index_cast %add3A_1253 : i32 to index
        %get3A_1281 = arith.constant 48 : index
        %get3A_1282 = tpu.vector_load %arg8[%get3A_1279, %get3A_1280, %get3A_1281] {strides = array<i32>} : memref<8x50x128xf32, #tpu.memory_space<vmem>>, vector<1x1x16xf32>,
        %get3A_1283 = vector.shape_cast %get3A_1282 : vector<1x1x16xf32> to vector<16xf32>
        %mul3A_1284 = arith.mulf %gather3A_1251, %get3A_1283 : vector<16xf32>
        %add3A_1285 = arith.addf %scan3A_1244, %mul3A_1284 : vector<16xf32>
        %get3A_1286 = arith.constant 0 : i32
        %get3A_1287 = arith.index_cast %get3A_1286 : i32 to index
        %get3A_1288 = arith.index_cast %add3A_1253 : i32 to index
        %get3A_1289 = arith.constant 64 : index
        %get3A_1290 = tpu.vector_load %arg8[%get3A_1287, %get3A_1288, %get3A_1289] {strides = array<i32>} : memref<8x50x128xf32, #tpu.memory_space<vmem>>, vector<1x1x16xf32>,
        %get3A_1291 = vector.shape_cast %get3A_1290 : vector<1x1x16xf32> to vector<16xf32>
        %mul3A_1292 = arith.mulf %gather3A_1251, %get3A_1291 : vector<16xf32>
        %add3A_1293 = arith.addf %scan3A_1245, %mul3A_1292 : vector<16xf32>
        %get3A_1294 = arith.constant 0 : i32
        %get3A_1295 = arith.index_cast %get3A_1294 : i32 to index
        %get3A_1296 = arith.index_cast %add3A_1253 : i32 to index
        %get3A_1297 = arith.constant 80 : index
        %get3A_1298 = tpu.vector_load %arg8[%get3A_1295, %get3A_1296, %get3A_1297] {strides = array<i32>} : memref<8x50x128xf32, #tpu.memory_space<vmem>>, vector<1x1x16xf32>,
        %get3A_1299 = vector.shape_cast %get3A_1298 : vector<1x1x16xf32> to vector<16xf32>
        %mul3A_1300 = arith.mulf %gather3A_1251, %get3A_1299 : vector<16xf32>
        %add3A_1301 = arith.addf %scan3A_1246, %mul3A_1300 : vector<16xf32>
        %get3A_1302 = arith.constant 0 : i32
        %get3A_1303 = arith.index_cast %get3A_1302 : i32 to index
        %get3A_1304 = arith.index_cast %add3A_1253 : i32 to index
        %get3A_1305 = arith.constant 96 : index
        %get3A_1306 = tpu.vector_load %arg8[%get3A_1303, %get3A_1304, %get3A_1305] {strides = array<i32>} : memref<8x50x128xf32, #tpu.memory_space<vmem>>, vector<1x1x16xf32>,
        %get3A_1307 = vector.shape_cast %get3A_1306 : vector<1x1x16xf32> to vector<16xf32>
        %mul3A_1308 = arith.mulf %gather3A_1251, %get3A_1307 : vector<16xf32>
        %add3A_1309 = arith.addf %scan3A_1247, %mul3A_1308 : vector<16xf32>
        %get3A_1310 = arith.constant 0 : i32
        %get3A_1311 = arith.index_cast %get3A_1310 : i32 to index
        %get3A_1312 = arith.index_cast %add3A_1253 : i32 to index
        %get3A_1313 = arith.constant 112 : index
        %get3A_1314 = tpu.vector_load %arg8[%get3A_1311, %get3A_1312, %get3A_1313] {strides = array<i32>} : memref<8x50x128xf32, #tpu.memory_space<vmem>>, vector<1x1x16xf32>,
        %get3A_1315 = vector.shape_cast %get3A_1314 : vector<1x1x16xf32> to vector<16xf32>
        %mul3A_1316 = arith.mulf %gather3A_1251, %get3A_1315 : vector<16xf32>
        %add3A_1317 = arith.addf %scan3A_1248, %mul3A_1316 : vector<16xf32>
        %add3A_1318 = arith.addf %scan3A_1249, %gather3A_1251 : vector<16xf32>
        scf.yield %add3A_1261, %add3A_1269, %add3A_1277, %add3A_1285, %add3A_1293, %add3A_1301, %add3A_1309, %add3A_1317, %add3A_1318 : vector<16xf32>, vector<16xf32>, vector<16xf32>, vector<16xf32>, vector<16xf32>, vector<16xf32>, vector<16xf32>, vector<16xf32>, vector<16xf32>
      }
      %scan3A_298 = arith.constant 16 : i32
      %get3A_299 = arith.index_cast %add3A_252 : i32 to index
      %get3A_300 = arith.constant 48 : index
      %get3A_301 = tpu.vector_load %arg7[%get3A_299, %get3A_300] {strides = array<i32>} : memref<128x64xf32, #tpu.memory_space<vmem>>, vector<1x16xf32>,
      %get3A_302 = vector.shape_cast %get3A_301 : vector<1x16xf32> to vector<16xf32>
      %scan3A_303 = arith.constant 0 : i32
      %scan3A_304 = arith.constant 2 : i32
      %scan3A_305 = arith.addi %scan3A_303, %scan3A_304 : i32
      %scan3A_306 = arith.constant 1 : i32
      %scan3A_307:9 = scf.for %scan3A_1240 = %scan3A_303 to %scan3A_305 step %scan3A_306 iter_args(%scan3A_1241 = %scan3A_297#0, %scan3A_1242 = %scan3A_297#1, %scan3A_1243 = %scan3A_297#2, %scan3A_1244 = %scan3A_297#3, %scan3A_1245 = %scan3A_297#4, %scan3A_1246 = %scan3A_297#5, %scan3A_1247 = %scan3A_297#6, %scan3A_1248 = %scan3A_297#7, %scan3A_1249 = %scan3A_297#8) -> (vector<16xf32>, vector<16xf32>, vector<16xf32>, vector<16xf32>, vector<16xf32>, vector<16xf32>, vector<16xf32>, vector<16xf32>, vector<16xf32>)  : i32 {
        %broadcast_in_dim3A_1250 = vector.broadcast %scan3A_1240 : i32 to vector<16x1xi32>
        %gather3A = vector.shape_cast %broadcast_in_dim3A_1250 : vector<16x1xi32> to vector<16xi32>
        %gather3A_1251 = tpu.dynamic_gather %get3A_302[%gather3A] in [0] : vector<16xf32>, vector<16xi32> -> vector<16xf32>
        %add3A_1252 = arith.constant 48 : i32
        %add3A_1253 = arith.addi %add3A_1252, %scan3A_1240 : i32
        %get3A_1254 = arith.constant 0 : i32
        %get3A_1255 = arith.index_cast %get3A_1254 : i32 to index
        %get3A_1256 = arith.index_cast %add3A_1253 : i32 to index
        %get3A_1257 = arith.constant 0 : index
        %get3A_1258 = tpu.vector_load %arg8[%get3A_1255, %get3A_1256, %get3A_1257] {strides = array<i32>} : memref<8x50x128xf32, #tpu.memory_space<vmem>>, vector<1x1x16xf32>,
        %get3A_1259 = vector.shape_cast %get3A_1258 : vector<1x1x16xf32> to vector<16xf32>
        %mul3A_1260 = arith.mulf %gather3A_1251, %get3A_1259 : vector<16xf32>
        %add3A_1261 = arith.addf %scan3A_1241, %mul3A_1260 : vector<16xf32>
        %get3A_1262 = arith.constant 0 : i32
        %get3A_1263 = arith.index_cast %get3A_1262 : i32 to index
        %get3A_1264 = arith.index_cast %add3A_1253 : i32 to index
        %get3A_1265 = arith.constant 16 : index
        %get3A_1266 = tpu.vector_load %arg8[%get3A_1263, %get3A_1264, %get3A_1265] {strides = array<i32>} : memref<8x50x128xf32, #tpu.memory_space<vmem>>, vector<1x1x16xf32>,
        %get3A_1267 = vector.shape_cast %get3A_1266 : vector<1x1x16xf32> to vector<16xf32>
        %mul3A_1268 = arith.mulf %gather3A_1251, %get3A_1267 : vector<16xf32>
        %add3A_1269 = arith.addf %scan3A_1242, %mul3A_1268 : vector<16xf32>
        %get3A_1270 = arith.constant 0 : i32
        %get3A_1271 = arith.index_cast %get3A_1270 : i32 to index
        %get3A_1272 = arith.index_cast %add3A_1253 : i32 to index
        %get3A_1273 = arith.constant 32 : index
        %get3A_1274 = tpu.vector_load %arg8[%get3A_1271, %get3A_1272, %get3A_1273] {strides = array<i32>} : memref<8x50x128xf32, #tpu.memory_space<vmem>>, vector<1x1x16xf32>,
        %get3A_1275 = vector.shape_cast %get3A_1274 : vector<1x1x16xf32> to vector<16xf32>
        %mul3A_1276 = arith.mulf %gather3A_1251, %get3A_1275 : vector<16xf32>
        %add3A_1277 = arith.addf %scan3A_1243, %mul3A_1276 : vector<16xf32>
        %get3A_1278 = arith.constant 0 : i32
        %get3A_1279 = arith.index_cast %get3A_1278 : i32 to index
        %get3A_1280 = arith.index_cast %add3A_1253 : i32 to index
        %get3A_1281 = arith.constant 48 : index
        %get3A_1282 = tpu.vector_load %arg8[%get3A_1279, %get3A_1280, %get3A_1281] {strides = array<i32>} : memref<8x50x128xf32, #tpu.memory_space<vmem>>, vector<1x1x16xf32>,
        %get3A_1283 = vector.shape_cast %get3A_1282 : vector<1x1x16xf32> to vector<16xf32>
        %mul3A_1284 = arith.mulf %gather3A_1251, %get3A_1283 : vector<16xf32>
        %add3A_1285 = arith.addf %scan3A_1244, %mul3A_1284 : vector<16xf32>
        %get3A_1286 = arith.constant 0 : i32
        %get3A_1287 = arith.index_cast %get3A_1286 : i32 to index
        %get3A_1288 = arith.index_cast %add3A_1253 : i32 to index
        %get3A_1289 = arith.constant 64 : index
        %get3A_1290 = tpu.vector_load %arg8[%get3A_1287, %get3A_1288, %get3A_1289] {strides = array<i32>} : memref<8x50x128xf32, #tpu.memory_space<vmem>>, vector<1x1x16xf32>,
        %get3A_1291 = vector.shape_cast %get3A_1290 : vector<1x1x16xf32> to vector<16xf32>
        %mul3A_1292 = arith.mulf %gather3A_1251, %get3A_1291 : vector<16xf32>
        %add3A_1293 = arith.addf %scan3A_1245, %mul3A_1292 : vector<16xf32>
        %get3A_1294 = arith.constant 0 : i32
        %get3A_1295 = arith.index_cast %get3A_1294 : i32 to index
        %get3A_1296 = arith.index_cast %add3A_1253 : i32 to index
        %get3A_1297 = arith.constant 80 : index
        %get3A_1298 = tpu.vector_load %arg8[%get3A_1295, %get3A_1296, %get3A_1297] {strides = array<i32>} : memref<8x50x128xf32, #tpu.memory_space<vmem>>, vector<1x1x16xf32>,
        %get3A_1299 = vector.shape_cast %get3A_1298 : vector<1x1x16xf32> to vector<16xf32>
        %mul3A_1300 = arith.mulf %gather3A_1251, %get3A_1299 : vector<16xf32>
        %add3A_1301 = arith.addf %scan3A_1246, %mul3A_1300 : vector<16xf32>
        %get3A_1302 = arith.constant 0 : i32
        %get3A_1303 = arith.index_cast %get3A_1302 : i32 to index
        %get3A_1304 = arith.index_cast %add3A_1253 : i32 to index
        %get3A_1305 = arith.constant 96 : index
        %get3A_1306 = tpu.vector_load %arg8[%get3A_1303, %get3A_1304, %get3A_1305] {strides = array<i32>} : memref<8x50x128xf32, #tpu.memory_space<vmem>>, vector<1x1x16xf32>,
        %get3A_1307 = vector.shape_cast %get3A_1306 : vector<1x1x16xf32> to vector<16xf32>
        %mul3A_1308 = arith.mulf %gather3A_1251, %get3A_1307 : vector<16xf32>
        %add3A_1309 = arith.addf %scan3A_1247, %mul3A_1308 : vector<16xf32>
        %get3A_1310 = arith.constant 0 : i32
        %get3A_1311 = arith.index_cast %get3A_1310 : i32 to index
        %get3A_1312 = arith.index_cast %add3A_1253 : i32 to index
        %get3A_1313 = arith.constant 112 : index
        %get3A_1314 = tpu.vector_load %arg8[%get3A_1311, %get3A_1312, %get3A_1313] {strides = array<i32>} : memref<8x50x128xf32, #tpu.memory_space<vmem>>, vector<1x1x16xf32>,
        %get3A_1315 = vector.shape_cast %get3A_1314 : vector<1x1x16xf32> to vector<16xf32>
        %mul3A_1316 = arith.mulf %gather3A_1251, %get3A_1315 : vector<16xf32>
        %add3A_1317 = arith.addf %scan3A_1248, %mul3A_1316 : vector<16xf32>
        %add3A_1318 = arith.addf %scan3A_1249, %gather3A_1251 : vector<16xf32>
        scf.yield %add3A_1261, %add3A_1269, %add3A_1277, %add3A_1285, %add3A_1293, %add3A_1301, %add3A_1309, %add3A_1317, %add3A_1318 : vector<16xf32>, vector<16xf32>, vector<16xf32>, vector<16xf32>, vector<16xf32>, vector<16xf32>, vector<16xf32>, vector<16xf32>, vector<16xf32>
      }
      %scan3A_308 = arith.constant 2 : i32
      %max3A = arith.constant 9.99999971E-10 : f32
      %max3A_309 = vector.broadcast %max3A : f32 to vector<16xf32>
      %max3A_310 = arith.maximumf %scan3A_307#8, %max3A_309 : vector<16xf32>
      %div3A = arith.constant 1.000000e+00 : f32
      %div3A_311 = vector.broadcast %div3A : f32 to vector<16xf32>
      %div3A_312 = arith.divf %div3A_311, %max3A_310 : vector<16xf32>
      %mul3A_313 = arith.mulf %scan3A_307#0, %div3A_312 : vector<16xf32>
      %swap3A = arith.constant 0 : i32
      %swap3A_314 = arith.index_cast %swap3A : i32 to index
      %swap3A_315 = arith.constant 0 : index
      %swap3A_316 = tpu.vector_load %arg9[%swap3A_314, %swap3A_315] {strides = array<i32>} : memref<8x128xf32, #tpu.memory_space<vmem>>, vector<1x16xf32>,
      %swap3A_317 = vector.shape_cast %swap3A_316 : vector<1x16xf32> to vector<16xf32>
      %swap3A_318 = vector.shape_cast %mul3A_313 : vector<16xf32> to vector<1x16xf32>
      tpu.vector_store %arg9[%swap3A_314, %swap3A_315], %swap3A_318 {strides = array<i32>} : memref<8x128xf32, #tpu.memory_space<vmem>>, vector<1x16xf32>,
      %mul3A_319 = arith.mulf %scan3A_307#1, %div3A_312 : vector<16xf32>
      %swap3A_320 = arith.constant 0 : i32
      %swap3A_321 = arith.index_cast %swap3A_320 : i32 to index
      %swap3A_322 = arith.constant 16 : index
      %swap3A_323 = tpu.vector_load %arg9[%swap3A_321, %swap3A_322] {strides = array<i32>} : memref<8x128xf32, #tpu.memory_space<vmem>>, vector<1x16xf32>,
      %swap3A_324 = vector.shape_cast %swap3A_323 : vector<1x16xf32> to vector<16xf32>
      %swap3A_325 = vector.shape_cast %mul3A_319 : vector<16xf32> to vector<1x16xf32>
      tpu.vector_store %arg9[%swap3A_321, %swap3A_322], %swap3A_325 {strides = array<i32>} : memref<8x128xf32, #tpu.memory_space<vmem>>, vector<1x16xf32>,
      %mul3A_326 = arith.mulf %scan3A_307#2, %div3A_312 : vector<16xf32>
      %swap3A_327 = arith.constant 0 : i32
      %swap3A_328 = arith.index_cast %swap3A_327 : i32 to index
      %swap3A_329 = arith.constant 32 : index
      %swap3A_330 = tpu.vector_load %arg9[%swap3A_328, %swap3A_329] {strides = array<i32>} : memref<8x128xf32, #tpu.memory_space<vmem>>, vector<1x16xf32>,
      %swap3A_331 = vector.shape_cast %swap3A_330 : vector<1x16xf32> to vector<16xf32>
      %swap3A_332 = vector.shape_cast %mul3A_326 : vector<16xf32> to vector<1x16xf32>
      tpu.vector_store %arg9[%swap3A_328, %swap3A_329], %swap3A_332 {strides = array<i32>} : memref<8x128xf32, #tpu.memory_space<vmem>>, vector<1x16xf32>,
      %mul3A_333 = arith.mulf %scan3A_307#3, %div3A_312 : vector<16xf32>
      %swap3A_334 = arith.constant 0 : i32
      %swap3A_335 = arith.index_cast %swap3A_334 : i32 to index
      %swap3A_336 = arith.constant 48 : index
      %swap3A_337 = tpu.vector_load %arg9[%swap3A_335, %swap3A_336] {strides = array<i32>} : memref<8x128xf32, #tpu.memory_space<vmem>>, vector<1x16xf32>,
      %swap3A_338 = vector.shape_cast %swap3A_337 : vector<1x16xf32> to vector<16xf32>
      %swap3A_339 = vector.shape_cast %mul3A_333 : vector<16xf32> to vector<1x16xf32>
      tpu.vector_store %arg9[%swap3A_335, %swap3A_336], %swap3A_339 {strides = array<i32>} : memref<8x128xf32, #tpu.memory_space<vmem>>, vector<1x16xf32>,
      %mul3A_340 = arith.mulf %scan3A_307#4, %div3A_312 : vector<16xf32>
      %swap3A_341 = arith.constant 0 : i32
      %swap3A_342 = arith.index_cast %swap3A_341 : i32 to index
      %swap3A_343 = arith.constant 64 : index
      %swap3A_344 = tpu.vector_load %arg9[%swap3A_342, %swap3A_343] {strides = array<i32>} : memref<8x128xf32, #tpu.memory_space<vmem>>, vector<1x16xf32>,
      %swap3A_345 = vector.shape_cast %swap3A_344 : vector<1x16xf32> to vector<16xf32>
      %swap3A_346 = vector.shape_cast %mul3A_340 : vector<16xf32> to vector<1x16xf32>
      tpu.vector_store %arg9[%swap3A_342, %swap3A_343], %swap3A_346 {strides = array<i32>} : memref<8x128xf32, #tpu.memory_space<vmem>>, vector<1x16xf32>,
      %mul3A_347 = arith.mulf %scan3A_307#5, %div3A_312 : vector<16xf32>
      %swap3A_348 = arith.constant 0 : i32
      %swap3A_349 = arith.index_cast %swap3A_348 : i32 to index
      %swap3A_350 = arith.constant 80 : index
      %swap3A_351 = tpu.vector_load %arg9[%swap3A_349, %swap3A_350] {strides = array<i32>} : memref<8x128xf32, #tpu.memory_space<vmem>>, vector<1x16xf32>,
      %swap3A_352 = vector.shape_cast %swap3A_351 : vector<1x16xf32> to vector<16xf32>
      %swap3A_353 = vector.shape_cast %mul3A_347 : vector<16xf32> to vector<1x16xf32>
      tpu.vector_store %arg9[%swap3A_349, %swap3A_350], %swap3A_353 {strides = array<i32>} : memref<8x128xf32, #tpu.memory_space<vmem>>, vector<1x16xf32>,
      %mul3A_354 = arith.mulf %scan3A_307#6, %div3A_312 : vector<16xf32>
      %swap3A_355 = arith.constant 0 : i32
      %swap3A_356 = arith.index_cast %swap3A_355 : i32 to index
      %swap3A_357 = arith.constant 96 : index
      %swap3A_358 = tpu.vector_load %arg9[%swap3A_356, %swap3A_357] {strides = array<i32>} : memref<8x128xf32, #tpu.memory_space<vmem>>, vector<1x16xf32>,
      %swap3A_359 = vector.shape_cast %swap3A_358 : vector<1x16xf32> to vector<16xf32>
      %swap3A_360 = vector.shape_cast %mul3A_354 : vector<16xf32> to vector<1x16xf32>
      tpu.vector_store %arg9[%swap3A_356, %swap3A_357], %swap3A_360 {strides = array<i32>} : memref<8x128xf32, #tpu.memory_space<vmem>>, vector<1x16xf32>,
      %mul3A_361 = arith.mulf %scan3A_307#7, %div3A_312 : vector<16xf32>
      %swap3A_362 = arith.constant 0 : i32
      %swap3A_363 = arith.index_cast %swap3A_362 : i32 to index
      %swap3A_364 = arith.constant 112 : index
      %swap3A_365 = tpu.vector_load %arg9[%swap3A_363, %swap3A_364] {strides = array<i32>} : memref<8x128xf32, #tpu.memory_space<vmem>>, vector<1x16xf32>,
      %swap3A_366 = vector.shape_cast %swap3A_365 : vector<1x16xf32> to vector<16xf32>
      %swap3A_367 = vector.shape_cast %mul3A_361 : vector<16xf32> to vector<1x16xf32>
      tpu.vector_store %arg9[%swap3A_363, %swap3A_364], %swap3A_367 {strides = array<i32>} : memref<8x128xf32, #tpu.memory_space<vmem>>, vector<1x16xf32>,
      %mul3A_368 = arith.constant 8 : i32
      %mul3A_369 = arith.muli %scan3A_9, %mul3A_368 : i32
      %add3A_370 = arith.constant 1 : i32
      %add3A_371 = arith.addi %mul3A_369, %add3A_370 : i32
      %broadcast_in_dim3A_372 = arith.constant 0.000000e+00 : f32
      %broadcast_in_dim3A_373 = vector.broadcast %broadcast_in_dim3A_372 : f32 to vector<16xf32>
      %broadcast_in_dim3A_374 = arith.constant 0.000000e+00 : f32
      %broadcast_in_dim3A_375 = vector.broadcast %broadcast_in_dim3A_374 : f32 to vector<16xf32>
      %broadcast_in_dim3A_376 = arith.constant 0.000000e+00 : f32
      %broadcast_in_dim3A_377 = vector.broadcast %broadcast_in_dim3A_376 : f32 to vector<16xf32>
      %broadcast_in_dim3A_378 = arith.constant 0.000000e+00 : f32
      %broadcast_in_dim3A_379 = vector.broadcast %broadcast_in_dim3A_378 : f32 to vector<16xf32>
      %broadcast_in_dim3A_380 = arith.constant 0.000000e+00 : f32
      %broadcast_in_dim3A_381 = vector.broadcast %broadcast_in_dim3A_380 : f32 to vector<16xf32>
      %broadcast_in_dim3A_382 = arith.constant 0.000000e+00 : f32
      %broadcast_in_dim3A_383 = vector.broadcast %broadcast_in_dim3A_382 : f32 to vector<16xf32>
      %broadcast_in_dim3A_384 = arith.constant 0.000000e+00 : f32
      %broadcast_in_dim3A_385 = vector.broadcast %broadcast_in_dim3A_384 : f32 to vector<16xf32>
      %broadcast_in_dim3A_386 = arith.constant 0.000000e+00 : f32
      %broadcast_in_dim3A_387 = vector.broadcast %broadcast_in_dim3A_386 : f32 to vector<16xf32>
      %broadcast_in_dim3A_388 = arith.constant 0.000000e+00 : f32
      %broadcast_in_dim3A_389 = vector.broadcast %broadcast_in_dim3A_388 : f32 to vector<16xf32>
      %get3A_390 = arith.index_cast %add3A_371 : i32 to index
      %get3A_391 = arith.constant 0 : index
      %get3A_392 = tpu.vector_load %arg7[%get3A_390, %get3A_391] {strides = array<i32>} : memref<128x64xf32, #tpu.memory_space<vmem>>, vector<1x16xf32>,
      %get3A_393 = vector.shape_cast %get3A_392 : vector<1x16xf32> to vector<16xf32>
      %scan3A_394 = arith.constant 0 : i32
      %scan3A_395 = arith.constant 16 : i32
      %scan3A_396 = arith.addi %scan3A_394, %scan3A_395 : i32
      %scan3A_397 = arith.constant 1 : i32
      %scan3A_398:9 = scf.for %scan3A_1240 = %scan3A_394 to %scan3A_396 step %scan3A_397 iter_args(%scan3A_1241 = %broadcast_in_dim3A_373, %scan3A_1242 = %broadcast_in_dim3A_375, %scan3A_1243 = %broadcast_in_dim3A_377, %scan3A_1244 = %broadcast_in_dim3A_379, %scan3A_1245 = %broadcast_in_dim3A_381, %scan3A_1246 = %broadcast_in_dim3A_383, %scan3A_1247 = %broadcast_in_dim3A_385, %scan3A_1248 = %broadcast_in_dim3A_387, %scan3A_1249 = %broadcast_in_dim3A_389) -> (vector<16xf32>, vector<16xf32>, vector<16xf32>, vector<16xf32>, vector<16xf32>, vector<16xf32>, vector<16xf32>, vector<16xf32>, vector<16xf32>)  : i32 {
        %broadcast_in_dim3A_1250 = vector.broadcast %scan3A_1240 : i32 to vector<16x1xi32>
        %gather3A = vector.shape_cast %broadcast_in_dim3A_1250 : vector<16x1xi32> to vector<16xi32>
        %gather3A_1251 = tpu.dynamic_gather %get3A_393[%gather3A] in [0] : vector<16xf32>, vector<16xi32> -> vector<16xf32>
        %add3A_1252 = arith.constant 0 : i32
        %add3A_1253 = arith.addi %add3A_1252, %scan3A_1240 : i32
        %get3A_1254 = arith.constant 1 : i32
        %get3A_1255 = arith.index_cast %get3A_1254 : i32 to index
        %get3A_1256 = arith.index_cast %add3A_1253 : i32 to index
        %get3A_1257 = arith.constant 0 : index
        %get3A_1258 = tpu.vector_load %arg8[%get3A_1255, %get3A_1256, %get3A_1257] {strides = array<i32>} : memref<8x50x128xf32, #tpu.memory_space<vmem>>, vector<1x1x16xf32>,
        %get3A_1259 = vector.shape_cast %get3A_1258 : vector<1x1x16xf32> to vector<16xf32>
        %mul3A_1260 = arith.mulf %gather3A_1251, %get3A_1259 : vector<16xf32>
        %add3A_1261 = arith.addf %scan3A_1241, %mul3A_1260 : vector<16xf32>
        %get3A_1262 = arith.constant 1 : i32
        %get3A_1263 = arith.index_cast %get3A_1262 : i32 to index
        %get3A_1264 = arith.index_cast %add3A_1253 : i32 to index
        %get3A_1265 = arith.constant 16 : index
        %get3A_1266 = tpu.vector_load %arg8[%get3A_1263, %get3A_1264, %get3A_1265] {strides = array<i32>} : memref<8x50x128xf32, #tpu.memory_space<vmem>>, vector<1x1x16xf32>,
        %get3A_1267 = vector.shape_cast %get3A_1266 : vector<1x1x16xf32> to vector<16xf32>
        %mul3A_1268 = arith.mulf %gather3A_1251, %get3A_1267 : vector<16xf32>
        %add3A_1269 = arith.addf %scan3A_1242, %mul3A_1268 : vector<16xf32>
        %get3A_1270 = arith.constant 1 : i32
        %get3A_1271 = arith.index_cast %get3A_1270 : i32 to index
        %get3A_1272 = arith.index_cast %add3A_1253 : i32 to index
        %get3A_1273 = arith.constant 32 : index
        %get3A_1274 = tpu.vector_load %arg8[%get3A_1271, %get3A_1272, %get3A_1273] {strides = array<i32>} : memref<8x50x128xf32, #tpu.memory_space<vmem>>, vector<1x1x16xf32>,
        %get3A_1275 = vector.shape_cast %get3A_1274 : vector<1x1x16xf32> to vector<16xf32>
        %mul3A_1276 = arith.mulf %gather3A_1251, %get3A_1275 : vector<16xf32>
        %add3A_1277 = arith.addf %scan3A_1243, %mul3A_1276 : vector<16xf32>
        %get3A_1278 = arith.constant 1 : i32
        %get3A_1279 = arith.index_cast %get3A_1278 : i32 to index
        %get3A_1280 = arith.index_cast %add3A_1253 : i32 to index
        %get3A_1281 = arith.constant 48 : index
        %get3A_1282 = tpu.vector_load %arg8[%get3A_1279, %get3A_1280, %get3A_1281] {strides = array<i32>} : memref<8x50x128xf32, #tpu.memory_space<vmem>>, vector<1x1x16xf32>,
        %get3A_1283 = vector.shape_cast %get3A_1282 : vector<1x1x16xf32> to vector<16xf32>
        %mul3A_1284 = arith.mulf %gather3A_1251, %get3A_1283 : vector<16xf32>
        %add3A_1285 = arith.addf %scan3A_1244, %mul3A_1284 : vector<16xf32>
        %get3A_1286 = arith.constant 1 : i32
        %get3A_1287 = arith.index_cast %get3A_1286 : i32 to index
        %get3A_1288 = arith.index_cast %add3A_1253 : i32 to index
        %get3A_1289 = arith.constant 64 : index
        %get3A_1290 = tpu.vector_load %arg8[%get3A_1287, %get3A_1288, %get3A_1289] {strides = array<i32>} : memref<8x50x128xf32, #tpu.memory_space<vmem>>, vector<1x1x16xf32>,
        %get3A_1291 = vector.shape_cast %get3A_1290 : vector<1x1x16xf32> to vector<16xf32>
        %mul3A_1292 = arith.mulf %gather3A_1251, %get3A_1291 : vector<16xf32>
        %add3A_1293 = arith.addf %scan3A_1245, %mul3A_1292 : vector<16xf32>
        %get3A_1294 = arith.constant 1 : i32
        %get3A_1295 = arith.index_cast %get3A_1294 : i32 to index
        %get3A_1296 = arith.index_cast %add3A_1253 : i32 to index
        %get3A_1297 = arith.constant 80 : index
        %get3A_1298 = tpu.vector_load %arg8[%get3A_1295, %get3A_1296, %get3A_1297] {strides = array<i32>} : memref<8x50x128xf32, #tpu.memory_space<vmem>>, vector<1x1x16xf32>,
        %get3A_1299 = vector.shape_cast %get3A_1298 : vector<1x1x16xf32> to vector<16xf32>
        %mul3A_1300 = arith.mulf %gather3A_1251, %get3A_1299 : vector<16xf32>
        %add3A_1301 = arith.addf %scan3A_1246, %mul3A_1300 : vector<16xf32>
        %get3A_1302 = arith.constant 1 : i32
        %get3A_1303 = arith.index_cast %get3A_1302 : i32 to index
        %get3A_1304 = arith.index_cast %add3A_1253 : i32 to index
        %get3A_1305 = arith.constant 96 : index
        %get3A_1306 = tpu.vector_load %arg8[%get3A_1303, %get3A_1304, %get3A_1305] {strides = array<i32>} : memref<8x50x128xf32, #tpu.memory_space<vmem>>, vector<1x1x16xf32>,
        %get3A_1307 = vector.shape_cast %get3A_1306 : vector<1x1x16xf32> to vector<16xf32>
        %mul3A_1308 = arith.mulf %gather3A_1251, %get3A_1307 : vector<16xf32>
        %add3A_1309 = arith.addf %scan3A_1247, %mul3A_1308 : vector<16xf32>
        %get3A_1310 = arith.constant 1 : i32
        %get3A_1311 = arith.index_cast %get3A_1310 : i32 to index
        %get3A_1312 = arith.index_cast %add3A_1253 : i32 to index
        %get3A_1313 = arith.constant 112 : index
        %get3A_1314 = tpu.vector_load %arg8[%get3A_1311, %get3A_1312, %get3A_1313] {strides = array<i32>} : memref<8x50x128xf32, #tpu.memory_space<vmem>>, vector<1x1x16xf32>,
        %get3A_1315 = vector.shape_cast %get3A_1314 : vector<1x1x16xf32> to vector<16xf32>
        %mul3A_1316 = arith.mulf %gather3A_1251, %get3A_1315 : vector<16xf32>
        %add3A_1317 = arith.addf %scan3A_1248, %mul3A_1316 : vector<16xf32>
        %add3A_1318 = arith.addf %scan3A_1249, %gather3A_1251 : vector<16xf32>
        scf.yield %add3A_1261, %add3A_1269, %add3A_1277, %add3A_1285, %add3A_1293, %add3A_1301, %add3A_1309, %add3A_1317, %add3A_1318 : vector<16xf32>, vector<16xf32>, vector<16xf32>, vector<16xf32>, vector<16xf32>, vector<16xf32>, vector<16xf32>, vector<16xf32>, vector<16xf32>
      }
      %scan3A_399 = arith.constant 16 : i32
      %get3A_400 = arith.index_cast %add3A_371 : i32 to index
      %get3A_401 = arith.constant 16 : index
      %get3A_402 = tpu.vector_load %arg7[%get3A_400, %get3A_401] {strides = array<i32>} : memref<128x64xf32, #tpu.memory_space<vmem>>, vector<1x16xf32>,
      %get3A_403 = vector.shape_cast %get3A_402 : vector<1x16xf32> to vector<16xf32>
      %scan3A_404 = arith.constant 0 : i32
      %scan3A_405 = arith.constant 16 : i32
      %scan3A_406 = arith.addi %scan3A_404, %scan3A_405 : i32
      %scan3A_407 = arith.constant 1 : i32
      %scan3A_408:9 = scf.for %scan3A_1240 = %scan3A_404 to %scan3A_406 step %scan3A_407 iter_args(%scan3A_1241 = %scan3A_398#0, %scan3A_1242 = %scan3A_398#1, %scan3A_1243 = %scan3A_398#2, %scan3A_1244 = %scan3A_398#3, %scan3A_1245 = %scan3A_398#4, %scan3A_1246 = %scan3A_398#5, %scan3A_1247 = %scan3A_398#6, %scan3A_1248 = %scan3A_398#7, %scan3A_1249 = %scan3A_398#8) -> (vector<16xf32>, vector<16xf32>, vector<16xf32>, vector<16xf32>, vector<16xf32>, vector<16xf32>, vector<16xf32>, vector<16xf32>, vector<16xf32>)  : i32 {
        %broadcast_in_dim3A_1250 = vector.broadcast %scan3A_1240 : i32 to vector<16x1xi32>
        %gather3A = vector.shape_cast %broadcast_in_dim3A_1250 : vector<16x1xi32> to vector<16xi32>
        %gather3A_1251 = tpu.dynamic_gather %get3A_403[%gather3A] in [0] : vector<16xf32>, vector<16xi32> -> vector<16xf32>
        %add3A_1252 = arith.constant 16 : i32
        %add3A_1253 = arith.addi %add3A_1252, %scan3A_1240 : i32
        %get3A_1254 = arith.constant 1 : i32
        %get3A_1255 = arith.index_cast %get3A_1254 : i32 to index
        %get3A_1256 = arith.index_cast %add3A_1253 : i32 to index
        %get3A_1257 = arith.constant 0 : index
        %get3A_1258 = tpu.vector_load %arg8[%get3A_1255, %get3A_1256, %get3A_1257] {strides = array<i32>} : memref<8x50x128xf32, #tpu.memory_space<vmem>>, vector<1x1x16xf32>,
        %get3A_1259 = vector.shape_cast %get3A_1258 : vector<1x1x16xf32> to vector<16xf32>
        %mul3A_1260 = arith.mulf %gather3A_1251, %get3A_1259 : vector<16xf32>
        %add3A_1261 = arith.addf %scan3A_1241, %mul3A_1260 : vector<16xf32>
        %get3A_1262 = arith.constant 1 : i32
        %get3A_1263 = arith.index_cast %get3A_1262 : i32 to index
        %get3A_1264 = arith.index_cast %add3A_1253 : i32 to index
        %get3A_1265 = arith.constant 16 : index
        %get3A_1266 = tpu.vector_load %arg8[%get3A_1263, %get3A_1264, %get3A_1265] {strides = array<i32>} : memref<8x50x128xf32, #tpu.memory_space<vmem>>, vector<1x1x16xf32>,
        %get3A_1267 = vector.shape_cast %get3A_1266 : vector<1x1x16xf32> to vector<16xf32>
        %mul3A_1268 = arith.mulf %gather3A_1251, %get3A_1267 : vector<16xf32>
        %add3A_1269 = arith.addf %scan3A_1242, %mul3A_1268 : vector<16xf32>
        %get3A_1270 = arith.constant 1 : i32
        %get3A_1271 = arith.index_cast %get3A_1270 : i32 to index
        %get3A_1272 = arith.index_cast %add3A_1253 : i32 to index
        %get3A_1273 = arith.constant 32 : index
        %get3A_1274 = tpu.vector_load %arg8[%get3A_1271, %get3A_1272, %get3A_1273] {strides = array<i32>} : memref<8x50x128xf32, #tpu.memory_space<vmem>>, vector<1x1x16xf32>,
        %get3A_1275 = vector.shape_cast %get3A_1274 : vector<1x1x16xf32> to vector<16xf32>
        %mul3A_1276 = arith.mulf %gather3A_1251, %get3A_1275 : vector<16xf32>
        %add3A_1277 = arith.addf %scan3A_1243, %mul3A_1276 : vector<16xf32>
        %get3A_1278 = arith.constant 1 : i32
        %get3A_1279 = arith.index_cast %get3A_1278 : i32 to index
        %get3A_1280 = arith.index_cast %add3A_1253 : i32 to index
        %get3A_1281 = arith.constant 48 : index
        %get3A_1282 = tpu.vector_load %arg8[%get3A_1279, %get3A_1280, %get3A_1281] {strides = array<i32>} : memref<8x50x128xf32, #tpu.memory_space<vmem>>, vector<1x1x16xf32>,
        %get3A_1283 = vector.shape_cast %get3A_1282 : vector<1x1x16xf32> to vector<16xf32>
        %mul3A_1284 = arith.mulf %gather3A_1251, %get3A_1283 : vector<16xf32>
        %add3A_1285 = arith.addf %scan3A_1244, %mul3A_1284 : vector<16xf32>
        %get3A_1286 = arith.constant 1 : i32
        %get3A_1287 = arith.index_cast %get3A_1286 : i32 to index
        %get3A_1288 = arith.index_cast %add3A_1253 : i32 to index
        %get3A_1289 = arith.constant 64 : index
        %get3A_1290 = tpu.vector_load %arg8[%get3A_1287, %get3A_1288, %get3A_1289] {strides = array<i32>} : memref<8x50x128xf32, #tpu.memory_space<vmem>>, vector<1x1x16xf32>,
        %get3A_1291 = vector.shape_cast %get3A_1290 : vector<1x1x16xf32> to vector<16xf32>
        %mul3A_1292 = arith.mulf %gather3A_1251, %get3A_1291 : vector<16xf32>
        %add3A_1293 = arith.addf %scan3A_1245, %mul3A_1292 : vector<16xf32>
        %get3A_1294 = arith.constant 1 : i32
        %get3A_1295 = arith.index_cast %get3A_1294 : i32 to index
        %get3A_1296 = arith.index_cast %add3A_1253 : i32 to index
        %get3A_1297 = arith.constant 80 : index
        %get3A_1298 = tpu.vector_load %arg8[%get3A_1295, %get3A_1296, %get3A_1297] {strides = array<i32>} : memref<8x50x128xf32, #tpu.memory_space<vmem>>, vector<1x1x16xf32>,
        %get3A_1299 = vector.shape_cast %get3A_1298 : vector<1x1x16xf32> to vector<16xf32>
        %mul3A_1300 = arith.mulf %gather3A_1251, %get3A_1299 : vector<16xf32>
        %add3A_1301 = arith.addf %scan3A_1246, %mul3A_1300 : vector<16xf32>
        %get3A_1302 = arith.constant 1 : i32
        %get3A_1303 = arith.index_cast %get3A_1302 : i32 to index
        %get3A_1304 = arith.index_cast %add3A_1253 : i32 to index
        %get3A_1305 = arith.constant 96 : index
        %get3A_1306 = tpu.vector_load %arg8[%get3A_1303, %get3A_1304, %get3A_1305] {strides = array<i32>} : memref<8x50x128xf32, #tpu.memory_space<vmem>>, vector<1x1x16xf32>,
        %get3A_1307 = vector.shape_cast %get3A_1306 : vector<1x1x16xf32> to vector<16xf32>
        %mul3A_1308 = arith.mulf %gather3A_1251, %get3A_1307 : vector<16xf32>
        %add3A_1309 = arith.addf %scan3A_1247, %mul3A_1308 : vector<16xf32>
        %get3A_1310 = arith.constant 1 : i32
        %get3A_1311 = arith.index_cast %get3A_1310 : i32 to index
        %get3A_1312 = arith.index_cast %add3A_1253 : i32 to index
        %get3A_1313 = arith.constant 112 : index
        %get3A_1314 = tpu.vector_load %arg8[%get3A_1311, %get3A_1312, %get3A_1313] {strides = array<i32>} : memref<8x50x128xf32, #tpu.memory_space<vmem>>, vector<1x1x16xf32>,
        %get3A_1315 = vector.shape_cast %get3A_1314 : vector<1x1x16xf32> to vector<16xf32>
        %mul3A_1316 = arith.mulf %gather3A_1251, %get3A_1315 : vector<16xf32>
        %add3A_1317 = arith.addf %scan3A_1248, %mul3A_1316 : vector<16xf32>
        %add3A_1318 = arith.addf %scan3A_1249, %gather3A_1251 : vector<16xf32>
        scf.yield %add3A_1261, %add3A_1269, %add3A_1277, %add3A_1285, %add3A_1293, %add3A_1301, %add3A_1309, %add3A_1317, %add3A_1318 : vector<16xf32>, vector<16xf32>, vector<16xf32>, vector<16xf32>, vector<16xf32>, vector<16xf32>, vector<16xf32>, vector<16xf32>, vector<16xf32>
      }
      %scan3A_409 = arith.constant 16 : i32
      %get3A_410 = arith.index_cast %add3A_371 : i32 to index
      %get3A_411 = arith.constant 32 : index
      %get3A_412 = tpu.vector_load %arg7[%get3A_410, %get3A_411] {strides = array<i32>} : memref<128x64xf32, #tpu.memory_space<vmem>>, vector<1x16xf32>,
      %get3A_413 = vector.shape_cast %get3A_412 : vector<1x16xf32> to vector<16xf32>
      %scan3A_414 = arith.constant 0 : i32
      %scan3A_415 = arith.constant 16 : i32
      %scan3A_416 = arith.addi %scan3A_414, %scan3A_415 : i32
      %scan3A_417 = arith.constant 1 : i32
      %scan3A_418:9 = scf.for %scan3A_1240 = %scan3A_414 to %scan3A_416 step %scan3A_417 iter_args(%scan3A_1241 = %scan3A_408#0, %scan3A_1242 = %scan3A_408#1, %scan3A_1243 = %scan3A_408#2, %scan3A_1244 = %scan3A_408#3, %scan3A_1245 = %scan3A_408#4, %scan3A_1246 = %scan3A_408#5, %scan3A_1247 = %scan3A_408#6, %scan3A_1248 = %scan3A_408#7, %scan3A_1249 = %scan3A_408#8) -> (vector<16xf32>, vector<16xf32>, vector<16xf32>, vector<16xf32>, vector<16xf32>, vector<16xf32>, vector<16xf32>, vector<16xf32>, vector<16xf32>)  : i32 {
        %broadcast_in_dim3A_1250 = vector.broadcast %scan3A_1240 : i32 to vector<16x1xi32>
        %gather3A = vector.shape_cast %broadcast_in_dim3A_1250 : vector<16x1xi32> to vector<16xi32>
        %gather3A_1251 = tpu.dynamic_gather %get3A_413[%gather3A] in [0] : vector<16xf32>, vector<16xi32> -> vector<16xf32>
        %add3A_1252 = arith.constant 32 : i32
        %add3A_1253 = arith.addi %add3A_1252, %scan3A_1240 : i32
        %get3A_1254 = arith.constant 1 : i32
        %get3A_1255 = arith.index_cast %get3A_1254 : i32 to index
        %get3A_1256 = arith.index_cast %add3A_1253 : i32 to index
        %get3A_1257 = arith.constant 0 : index
        %get3A_1258 = tpu.vector_load %arg8[%get3A_1255, %get3A_1256, %get3A_1257] {strides = array<i32>} : memref<8x50x128xf32, #tpu.memory_space<vmem>>, vector<1x1x16xf32>,
        %get3A_1259 = vector.shape_cast %get3A_1258 : vector<1x1x16xf32> to vector<16xf32>
        %mul3A_1260 = arith.mulf %gather3A_1251, %get3A_1259 : vector<16xf32>
        %add3A_1261 = arith.addf %scan3A_1241, %mul3A_1260 : vector<16xf32>
        %get3A_1262 = arith.constant 1 : i32
        %get3A_1263 = arith.index_cast %get3A_1262 : i32 to index
        %get3A_1264 = arith.index_cast %add3A_1253 : i32 to index
        %get3A_1265 = arith.constant 16 : index
        %get3A_1266 = tpu.vector_load %arg8[%get3A_1263, %get3A_1264, %get3A_1265] {strides = array<i32>} : memref<8x50x128xf32, #tpu.memory_space<vmem>>, vector<1x1x16xf32>,
        %get3A_1267 = vector.shape_cast %get3A_1266 : vector<1x1x16xf32> to vector<16xf32>
        %mul3A_1268 = arith.mulf %gather3A_1251, %get3A_1267 : vector<16xf32>
        %add3A_1269 = arith.addf %scan3A_1242, %mul3A_1268 : vector<16xf32>
        %get3A_1270 = arith.constant 1 : i32
        %get3A_1271 = arith.index_cast %get3A_1270 : i32 to index
        %get3A_1272 = arith.index_cast %add3A_1253 : i32 to index
        %get3A_1273 = arith.constant 32 : index
        %get3A_1274 = tpu.vector_load %arg8[%get3A_1271, %get3A_1272, %get3A_1273] {strides = array<i32>} : memref<8x50x128xf32, #tpu.memory_space<vmem>>, vector<1x1x16xf32>,
        %get3A_1275 = vector.shape_cast %get3A_1274 : vector<1x1x16xf32> to vector<16xf32>
        %mul3A_1276 = arith.mulf %gather3A_1251, %get3A_1275 : vector<16xf32>
        %add3A_1277 = arith.addf %scan3A_1243, %mul3A_1276 : vector<16xf32>
        %get3A_1278 = arith.constant 1 : i32
        %get3A_1279 = arith.index_cast %get3A_1278 : i32 to index
        %get3A_1280 = arith.index_cast %add3A_1253 : i32 to index
        %get3A_1281 = arith.constant 48 : index
        %get3A_1282 = tpu.vector_load %arg8[%get3A_1279, %get3A_1280, %get3A_1281] {strides = array<i32>} : memref<8x50x128xf32, #tpu.memory_space<vmem>>, vector<1x1x16xf32>,
        %get3A_1283 = vector.shape_cast %get3A_1282 : vector<1x1x16xf32> to vector<16xf32>
        %mul3A_1284 = arith.mulf %gather3A_1251, %get3A_1283 : vector<16xf32>
        %add3A_1285 = arith.addf %scan3A_1244, %mul3A_1284 : vector<16xf32>
        %get3A_1286 = arith.constant 1 : i32
        %get3A_1287 = arith.index_cast %get3A_1286 : i32 to index
        %get3A_1288 = arith.index_cast %add3A_1253 : i32 to index
        %get3A_1289 = arith.constant 64 : index
        %get3A_1290 = tpu.vector_load %arg8[%get3A_1287, %get3A_1288, %get3A_1289] {strides = array<i32>} : memref<8x50x128xf32, #tpu.memory_space<vmem>>, vector<1x1x16xf32>,
        %get3A_1291 = vector.shape_cast %get3A_1290 : vector<1x1x16xf32> to vector<16xf32>
        %mul3A_1292 = arith.mulf %gather3A_1251, %get3A_1291 : vector<16xf32>
        %add3A_1293 = arith.addf %scan3A_1245, %mul3A_1292 : vector<16xf32>
        %get3A_1294 = arith.constant 1 : i32
        %get3A_1295 = arith.index_cast %get3A_1294 : i32 to index
        %get3A_1296 = arith.index_cast %add3A_1253 : i32 to index
        %get3A_1297 = arith.constant 80 : index
        %get3A_1298 = tpu.vector_load %arg8[%get3A_1295, %get3A_1296, %get3A_1297] {strides = array<i32>} : memref<8x50x128xf32, #tpu.memory_space<vmem>>, vector<1x1x16xf32>,
        %get3A_1299 = vector.shape_cast %get3A_1298 : vector<1x1x16xf32> to vector<16xf32>
        %mul3A_1300 = arith.mulf %gather3A_1251, %get3A_1299 : vector<16xf32>
        %add3A_1301 = arith.addf %scan3A_1246, %mul3A_1300 : vector<16xf32>
        %get3A_1302 = arith.constant 1 : i32
        %get3A_1303 = arith.index_cast %get3A_1302 : i32 to index
        %get3A_1304 = arith.index_cast %add3A_1253 : i32 to index
        %get3A_1305 = arith.constant 96 : index
        %get3A_1306 = tpu.vector_load %arg8[%get3A_1303, %get3A_1304, %get3A_1305] {strides = array<i32>} : memref<8x50x128xf32, #tpu.memory_space<vmem>>, vector<1x1x16xf32>,
        %get3A_1307 = vector.shape_cast %get3A_1306 : vector<1x1x16xf32> to vector<16xf32>
        %mul3A_1308 = arith.mulf %gather3A_1251, %get3A_1307 : vector<16xf32>
        %add3A_1309 = arith.addf %scan3A_1247, %mul3A_1308 : vector<16xf32>
        %get3A_1310 = arith.constant 1 : i32
        %get3A_1311 = arith.index_cast %get3A_1310 : i32 to index
        %get3A_1312 = arith.index_cast %add3A_1253 : i32 to index
        %get3A_1313 = arith.constant 112 : index
        %get3A_1314 = tpu.vector_load %arg8[%get3A_1311, %get3A_1312, %get3A_1313] {strides = array<i32>} : memref<8x50x128xf32, #tpu.memory_space<vmem>>, vector<1x1x16xf32>,
        %get3A_1315 = vector.shape_cast %get3A_1314 : vector<1x1x16xf32> to vector<16xf32>
        %mul3A_1316 = arith.mulf %gather3A_1251, %get3A_1315 : vector<16xf32>
        %add3A_1317 = arith.addf %scan3A_1248, %mul3A_1316 : vector<16xf32>
        %add3A_1318 = arith.addf %scan3A_1249, %gather3A_1251 : vector<16xf32>
        scf.yield %add3A_1261, %add3A_1269, %add3A_1277, %add3A_1285, %add3A_1293, %add3A_1301, %add3A_1309, %add3A_1317, %add3A_1318 : vector<16xf32>, vector<16xf32>, vector<16xf32>, vector<16xf32>, vector<16xf32>, vector<16xf32>, vector<16xf32>, vector<16xf32>, vector<16xf32>
      }
      %scan3A_419 = arith.constant 16 : i32
      %get3A_420 = arith.index_cast %add3A_371 : i32 to index
      %get3A_421 = arith.constant 48 : index
      %get3A_422 = tpu.vector_load %arg7[%get3A_420, %get3A_421] {strides = array<i32>} : memref<128x64xf32, #tpu.memory_space<vmem>>, vector<1x16xf32>,
      %get3A_423 = vector.shape_cast %get3A_422 : vector<1x16xf32> to vector<16xf32>
      %scan3A_424 = arith.constant 0 : i32
      %scan3A_425 = arith.constant 2 : i32
      %scan3A_426 = arith.addi %scan3A_424, %scan3A_425 : i32
      %scan3A_427 = arith.constant 1 : i32
      %scan3A_428:9 = scf.for %scan3A_1240 = %scan3A_424 to %scan3A_426 step %scan3A_427 iter_args(%scan3A_1241 = %scan3A_418#0, %scan3A_1242 = %scan3A_418#1, %scan3A_1243 = %scan3A_418#2, %scan3A_1244 = %scan3A_418#3, %scan3A_1245 = %scan3A_418#4, %scan3A_1246 = %scan3A_418#5, %scan3A_1247 = %scan3A_418#6, %scan3A_1248 = %scan3A_418#7, %scan3A_1249 = %scan3A_418#8) -> (vector<16xf32>, vector<16xf32>, vector<16xf32>, vector<16xf32>, vector<16xf32>, vector<16xf32>, vector<16xf32>, vector<16xf32>, vector<16xf32>)  : i32 {
        %broadcast_in_dim3A_1250 = vector.broadcast %scan3A_1240 : i32 to vector<16x1xi32>
        %gather3A = vector.shape_cast %broadcast_in_dim3A_1250 : vector<16x1xi32> to vector<16xi32>
        %gather3A_1251 = tpu.dynamic_gather %get3A_423[%gather3A] in [0] : vector<16xf32>, vector<16xi32> -> vector<16xf32>
        %add3A_1252 = arith.constant 48 : i32
        %add3A_1253 = arith.addi %add3A_1252, %scan3A_1240 : i32
        %get3A_1254 = arith.constant 1 : i32
        %get3A_1255 = arith.index_cast %get3A_1254 : i32 to index
        %get3A_1256 = arith.index_cast %add3A_1253 : i32 to index
        %get3A_1257 = arith.constant 0 : index
        %get3A_1258 = tpu.vector_load %arg8[%get3A_1255, %get3A_1256, %get3A_1257] {strides = array<i32>} : memref<8x50x128xf32, #tpu.memory_space<vmem>>, vector<1x1x16xf32>,
        %get3A_1259 = vector.shape_cast %get3A_1258 : vector<1x1x16xf32> to vector<16xf32>
        %mul3A_1260 = arith.mulf %gather3A_1251, %get3A_1259 : vector<16xf32>
        %add3A_1261 = arith.addf %scan3A_1241, %mul3A_1260 : vector<16xf32>
        %get3A_1262 = arith.constant 1 : i32
        %get3A_1263 = arith.index_cast %get3A_1262 : i32 to index
        %get3A_1264 = arith.index_cast %add3A_1253 : i32 to index
        %get3A_1265 = arith.constant 16 : index
        %get3A_1266 = tpu.vector_load %arg8[%get3A_1263, %get3A_1264, %get3A_1265] {strides = array<i32>} : memref<8x50x128xf32, #tpu.memory_space<vmem>>, vector<1x1x16xf32>,
        %get3A_1267 = vector.shape_cast %get3A_1266 : vector<1x1x16xf32> to vector<16xf32>
        %mul3A_1268 = arith.mulf %gather3A_1251, %get3A_1267 : vector<16xf32>
        %add3A_1269 = arith.addf %scan3A_1242, %mul3A_1268 : vector<16xf32>
        %get3A_1270 = arith.constant 1 : i32
        %get3A_1271 = arith.index_cast %get3A_1270 : i32 to index
        %get3A_1272 = arith.index_cast %add3A_1253 : i32 to index
        %get3A_1273 = arith.constant 32 : index
        %get3A_1274 = tpu.vector_load %arg8[%get3A_1271, %get3A_1272, %get3A_1273] {strides = array<i32>} : memref<8x50x128xf32, #tpu.memory_space<vmem>>, vector<1x1x16xf32>,
        %get3A_1275 = vector.shape_cast %get3A_1274 : vector<1x1x16xf32> to vector<16xf32>
        %mul3A_1276 = arith.mulf %gather3A_1251, %get3A_1275 : vector<16xf32>
        %add3A_1277 = arith.addf %scan3A_1243, %mul3A_1276 : vector<16xf32>
        %get3A_1278 = arith.constant 1 : i32
        %get3A_1279 = arith.index_cast %get3A_1278 : i32 to index
        %get3A_1280 = arith.index_cast %add3A_1253 : i32 to index
        %get3A_1281 = arith.constant 48 : index
        %get3A_1282 = tpu.vector_load %arg8[%get3A_1279, %get3A_1280, %get3A_1281] {strides = array<i32>} : memref<8x50x128xf32, #tpu.memory_space<vmem>>, vector<1x1x16xf32>,
        %get3A_1283 = vector.shape_cast %get3A_1282 : vector<1x1x16xf32> to vector<16xf32>
        %mul3A_1284 = arith.mulf %gather3A_1251, %get3A_1283 : vector<16xf32>
        %add3A_1285 = arith.addf %scan3A_1244, %mul3A_1284 : vector<16xf32>
        %get3A_1286 = arith.constant 1 : i32
        %get3A_1287 = arith.index_cast %get3A_1286 : i32 to index
        %get3A_1288 = arith.index_cast %add3A_1253 : i32 to index
        %get3A_1289 = arith.constant 64 : index
        %get3A_1290 = tpu.vector_load %arg8[%get3A_1287, %get3A_1288, %get3A_1289] {strides = array<i32>} : memref<8x50x128xf32, #tpu.memory_space<vmem>>, vector<1x1x16xf32>,
        %get3A_1291 = vector.shape_cast %get3A_1290 : vector<1x1x16xf32> to vector<16xf32>
        %mul3A_1292 = arith.mulf %gather3A_1251, %get3A_1291 : vector<16xf32>
        %add3A_1293 = arith.addf %scan3A_1245, %mul3A_1292 : vector<16xf32>
        %get3A_1294 = arith.constant 1 : i32
        %get3A_1295 = arith.index_cast %get3A_1294 : i32 to index
        %get3A_1296 = arith.index_cast %add3A_1253 : i32 to index
        %get3A_1297 = arith.constant 80 : index
        %get3A_1298 = tpu.vector_load %arg8[%get3A_1295, %get3A_1296, %get3A_1297] {strides = array<i32>} : memref<8x50x128xf32, #tpu.memory_space<vmem>>, vector<1x1x16xf32>,
        %get3A_1299 = vector.shape_cast %get3A_1298 : vector<1x1x16xf32> to vector<16xf32>
        %mul3A_1300 = arith.mulf %gather3A_1251, %get3A_1299 : vector<16xf32>
        %add3A_1301 = arith.addf %scan3A_1246, %mul3A_1300 : vector<16xf32>
        %get3A_1302 = arith.constant 1 : i32
        %get3A_1303 = arith.index_cast %get3A_1302 : i32 to index
        %get3A_1304 = arith.index_cast %add3A_1253 : i32 to index
        %get3A_1305 = arith.constant 96 : index
        %get3A_1306 = tpu.vector_load %arg8[%get3A_1303, %get3A_1304, %get3A_1305] {strides = array<i32>} : memref<8x50x128xf32, #tpu.memory_space<vmem>>, vector<1x1x16xf32>,
        %get3A_1307 = vector.shape_cast %get3A_1306 : vector<1x1x16xf32> to vector<16xf32>
        %mul3A_1308 = arith.mulf %gather3A_1251, %get3A_1307 : vector<16xf32>
        %add3A_1309 = arith.addf %scan3A_1247, %mul3A_1308 : vector<16xf32>
        %get3A_1310 = arith.constant 1 : i32
        %get3A_1311 = arith.index_cast %get3A_1310 : i32 to index
        %get3A_1312 = arith.index_cast %add3A_1253 : i32 to index
        %get3A_1313 = arith.constant 112 : index
        %get3A_1314 = tpu.vector_load %arg8[%get3A_1311, %get3A_1312, %get3A_1313] {strides = array<i32>} : memref<8x50x128xf32, #tpu.memory_space<vmem>>, vector<1x1x16xf32>,
        %get3A_1315 = vector.shape_cast %get3A_1314 : vector<1x1x16xf32> to vector<16xf32>
        %mul3A_1316 = arith.mulf %gather3A_1251, %get3A_1315 : vector<16xf32>
        %add3A_1317 = arith.addf %scan3A_1248, %mul3A_1316 : vector<16xf32>
        %add3A_1318 = arith.addf %scan3A_1249, %gather3A_1251 : vector<16xf32>
        scf.yield %add3A_1261, %add3A_1269, %add3A_1277, %add3A_1285, %add3A_1293, %add3A_1301, %add3A_1309, %add3A_1317, %add3A_1318 : vector<16xf32>, vector<16xf32>, vector<16xf32>, vector<16xf32>, vector<16xf32>, vector<16xf32>, vector<16xf32>, vector<16xf32>, vector<16xf32>
      }
      %scan3A_429 = arith.constant 2 : i32
      %max3A_430 = arith.constant 9.99999971E-10 : f32
      %max3A_431 = vector.broadcast %max3A_430 : f32 to vector<16xf32>
      %max3A_432 = arith.maximumf %scan3A_428#8, %max3A_431 : vector<16xf32>
      %div3A_433 = arith.constant 1.000000e+00 : f32
      %div3A_434 = vector.broadcast %div3A_433 : f32 to vector<16xf32>
      %div3A_435 = arith.divf %div3A_434, %max3A_432 : vector<16xf32>
      %mul3A_436 = arith.mulf %scan3A_428#0, %div3A_435 : vector<16xf32>
      %swap3A_437 = arith.constant 1 : i32
      %swap3A_438 = arith.index_cast %swap3A_437 : i32 to index
      %swap3A_439 = arith.constant 0 : index
      %swap3A_440 = tpu.vector_load %arg9[%swap3A_438, %swap3A_439] {strides = array<i32>} : memref<8x128xf32, #tpu.memory_space<vmem>>, vector<1x16xf32>,
      %swap3A_441 = vector.shape_cast %swap3A_440 : vector<1x16xf32> to vector<16xf32>
      %swap3A_442 = vector.shape_cast %mul3A_436 : vector<16xf32> to vector<1x16xf32>
      tpu.vector_store %arg9[%swap3A_438, %swap3A_439], %swap3A_442 {strides = array<i32>} : memref<8x128xf32, #tpu.memory_space<vmem>>, vector<1x16xf32>,
      %mul3A_443 = arith.mulf %scan3A_428#1, %div3A_435 : vector<16xf32>
      %swap3A_444 = arith.constant 1 : i32
      %swap3A_445 = arith.index_cast %swap3A_444 : i32 to index
      %swap3A_446 = arith.constant 16 : index
      %swap3A_447 = tpu.vector_load %arg9[%swap3A_445, %swap3A_446] {strides = array<i32>} : memref<8x128xf32, #tpu.memory_space<vmem>>, vector<1x16xf32>,
      %swap3A_448 = vector.shape_cast %swap3A_447 : vector<1x16xf32> to vector<16xf32>
      %swap3A_449 = vector.shape_cast %mul3A_443 : vector<16xf32> to vector<1x16xf32>
      tpu.vector_store %arg9[%swap3A_445, %swap3A_446], %swap3A_449 {strides = array<i32>} : memref<8x128xf32, #tpu.memory_space<vmem>>, vector<1x16xf32>,
      %mul3A_450 = arith.mulf %scan3A_428#2, %div3A_435 : vector<16xf32>
      %swap3A_451 = arith.constant 1 : i32
      %swap3A_452 = arith.index_cast %swap3A_451 : i32 to index
      %swap3A_453 = arith.constant 32 : index
      %swap3A_454 = tpu.vector_load %arg9[%swap3A_452, %swap3A_453] {strides = array<i32>} : memref<8x128xf32, #tpu.memory_space<vmem>>, vector<1x16xf32>,
      %swap3A_455 = vector.shape_cast %swap3A_454 : vector<1x16xf32> to vector<16xf32>
      %swap3A_456 = vector.shape_cast %mul3A_450 : vector<16xf32> to vector<1x16xf32>
      tpu.vector_store %arg9[%swap3A_452, %swap3A_453], %swap3A_456 {strides = array<i32>} : memref<8x128xf32, #tpu.memory_space<vmem>>, vector<1x16xf32>,
      %mul3A_457 = arith.mulf %scan3A_428#3, %div3A_435 : vector<16xf32>
      %swap3A_458 = arith.constant 1 : i32
      %swap3A_459 = arith.index_cast %swap3A_458 : i32 to index
      %swap3A_460 = arith.constant 48 : index
      %swap3A_461 = tpu.vector_load %arg9[%swap3A_459, %swap3A_460] {strides = array<i32>} : memref<8x128xf32, #tpu.memory_space<vmem>>, vector<1x16xf32>,
      %swap3A_462 = vector.shape_cast %swap3A_461 : vector<1x16xf32> to vector<16xf32>
      %swap3A_463 = vector.shape_cast %mul3A_457 : vector<16xf32> to vector<1x16xf32>
      tpu.vector_store %arg9[%swap3A_459, %swap3A_460], %swap3A_463 {strides = array<i32>} : memref<8x128xf32, #tpu.memory_space<vmem>>, vector<1x16xf32>,
      %mul3A_464 = arith.mulf %scan3A_428#4, %div3A_435 : vector<16xf32>
      %swap3A_465 = arith.constant 1 : i32
      %swap3A_466 = arith.index_cast %swap3A_465 : i32 to index
      %swap3A_467 = arith.constant 64 : index
      %swap3A_468 = tpu.vector_load %arg9[%swap3A_466, %swap3A_467] {strides = array<i32>} : memref<8x128xf32, #tpu.memory_space<vmem>>, vector<1x16xf32>,
      %swap3A_469 = vector.shape_cast %swap3A_468 : vector<1x16xf32> to vector<16xf32>
      %swap3A_470 = vector.shape_cast %mul3A_464 : vector<16xf32> to vector<1x16xf32>
      tpu.vector_store %arg9[%swap3A_466, %swap3A_467], %swap3A_470 {strides = array<i32>} : memref<8x128xf32, #tpu.memory_space<vmem>>, vector<1x16xf32>,
      %mul3A_471 = arith.mulf %scan3A_428#5, %div3A_435 : vector<16xf32>
      %swap3A_472 = arith.constant 1 : i32
      %swap3A_473 = arith.index_cast %swap3A_472 : i32 to index
      %swap3A_474 = arith.constant 80 : index
      %swap3A_475 = tpu.vector_load %arg9[%swap3A_473, %swap3A_474] {strides = array<i32>} : memref<8x128xf32, #tpu.memory_space<vmem>>, vector<1x16xf32>,
      %swap3A_476 = vector.shape_cast %swap3A_475 : vector<1x16xf32> to vector<16xf32>
      %swap3A_477 = vector.shape_cast %mul3A_471 : vector<16xf32> to vector<1x16xf32>
      tpu.vector_store %arg9[%swap3A_473, %swap3A_474], %swap3A_477 {strides = array<i32>} : memref<8x128xf32, #tpu.memory_space<vmem>>, vector<1x16xf32>,
      %mul3A_478 = arith.mulf %scan3A_428#6, %div3A_435 : vector<16xf32>
      %swap3A_479 = arith.constant 1 : i32
      %swap3A_480 = arith.index_cast %swap3A_479 : i32 to index
      %swap3A_481 = arith.constant 96 : index
      %swap3A_482 = tpu.vector_load %arg9[%swap3A_480, %swap3A_481] {strides = array<i32>} : memref<8x128xf32, #tpu.memory_space<vmem>>, vector<1x16xf32>,
      %swap3A_483 = vector.shape_cast %swap3A_482 : vector<1x16xf32> to vector<16xf32>
      %swap3A_484 = vector.shape_cast %mul3A_478 : vector<16xf32> to vector<1x16xf32>
      tpu.vector_store %arg9[%swap3A_480, %swap3A_481], %swap3A_484 {strides = array<i32>} : memref<8x128xf32, #tpu.memory_space<vmem>>, vector<1x16xf32>,
      %mul3A_485 = arith.mulf %scan3A_428#7, %div3A_435 : vector<16xf32>
      %swap3A_486 = arith.constant 1 : i32
      %swap3A_487 = arith.index_cast %swap3A_486 : i32 to index
      %swap3A_488 = arith.constant 112 : index
      %swap3A_489 = tpu.vector_load %arg9[%swap3A_487, %swap3A_488] {strides = array<i32>} : memref<8x128xf32, #tpu.memory_space<vmem>>, vector<1x16xf32>,
      %swap3A_490 = vector.shape_cast %swap3A_489 : vector<1x16xf32> to vector<16xf32>
      %swap3A_491 = vector.shape_cast %mul3A_485 : vector<16xf32> to vector<1x16xf32>
      tpu.vector_store %arg9[%swap3A_487, %swap3A_488], %swap3A_491 {strides = array<i32>} : memref<8x128xf32, #tpu.memory_space<vmem>>, vector<1x16xf32>,
      %mul3A_492 = arith.constant 8 : i32
      %mul3A_493 = arith.muli %scan3A_9, %mul3A_492 : i32
      %add3A_494 = arith.constant 2 : i32
      %add3A_495 = arith.addi %mul3A_493, %add3A_494 : i32
      %broadcast_in_dim3A_496 = arith.constant 0.000000e+00 : f32
      %broadcast_in_dim3A_497 = vector.broadcast %broadcast_in_dim3A_496 : f32 to vector<16xf32>
      %broadcast_in_dim3A_498 = arith.constant 0.000000e+00 : f32
      %broadcast_in_dim3A_499 = vector.broadcast %broadcast_in_dim3A_498 : f32 to vector<16xf32>
      %broadcast_in_dim3A_500 = arith.constant 0.000000e+00 : f32
      %broadcast_in_dim3A_501 = vector.broadcast %broadcast_in_dim3A_500 : f32 to vector<16xf32>
      %broadcast_in_dim3A_502 = arith.constant 0.000000e+00 : f32
      %broadcast_in_dim3A_503 = vector.broadcast %broadcast_in_dim3A_502 : f32 to vector<16xf32>
      %broadcast_in_dim3A_504 = arith.constant 0.000000e+00 : f32
      %broadcast_in_dim3A_505 = vector.broadcast %broadcast_in_dim3A_504 : f32 to vector<16xf32>
      %broadcast_in_dim3A_506 = arith.constant 0.000000e+00 : f32
      %broadcast_in_dim3A_507 = vector.broadcast %broadcast_in_dim3A_506 : f32 to vector<16xf32>
      %broadcast_in_dim3A_508 = arith.constant 0.000000e+00 : f32
      %broadcast_in_dim3A_509 = vector.broadcast %broadcast_in_dim3A_508 : f32 to vector<16xf32>
      %broadcast_in_dim3A_510 = arith.constant 0.000000e+00 : f32
      %broadcast_in_dim3A_511 = vector.broadcast %broadcast_in_dim3A_510 : f32 to vector<16xf32>
      %broadcast_in_dim3A_512 = arith.constant 0.000000e+00 : f32
      %broadcast_in_dim3A_513 = vector.broadcast %broadcast_in_dim3A_512 : f32 to vector<16xf32>
      %get3A_514 = arith.index_cast %add3A_495 : i32 to index
      %get3A_515 = arith.constant 0 : index
      %get3A_516 = tpu.vector_load %arg7[%get3A_514, %get3A_515] {strides = array<i32>} : memref<128x64xf32, #tpu.memory_space<vmem>>, vector<1x16xf32>,
      %get3A_517 = vector.shape_cast %get3A_516 : vector<1x16xf32> to vector<16xf32>
      %scan3A_518 = arith.constant 0 : i32
      %scan3A_519 = arith.constant 16 : i32
      %scan3A_520 = arith.addi %scan3A_518, %scan3A_519 : i32
      %scan3A_521 = arith.constant 1 : i32
      %scan3A_522:9 = scf.for %scan3A_1240 = %scan3A_518 to %scan3A_520 step %scan3A_521 iter_args(%scan3A_1241 = %broadcast_in_dim3A_497, %scan3A_1242 = %broadcast_in_dim3A_499, %scan3A_1243 = %broadcast_in_dim3A_501, %scan3A_1244 = %broadcast_in_dim3A_503, %scan3A_1245 = %broadcast_in_dim3A_505, %scan3A_1246 = %broadcast_in_dim3A_507, %scan3A_1247 = %broadcast_in_dim3A_509, %scan3A_1248 = %broadcast_in_dim3A_511, %scan3A_1249 = %broadcast_in_dim3A_513) -> (vector<16xf32>, vector<16xf32>, vector<16xf32>, vector<16xf32>, vector<16xf32>, vector<16xf32>, vector<16xf32>, vector<16xf32>, vector<16xf32>)  : i32 {
        %broadcast_in_dim3A_1250 = vector.broadcast %scan3A_1240 : i32 to vector<16x1xi32>
        %gather3A = vector.shape_cast %broadcast_in_dim3A_1250 : vector<16x1xi32> to vector<16xi32>
        %gather3A_1251 = tpu.dynamic_gather %get3A_517[%gather3A] in [0] : vector<16xf32>, vector<16xi32> -> vector<16xf32>
        %add3A_1252 = arith.constant 0 : i32
        %add3A_1253 = arith.addi %add3A_1252, %scan3A_1240 : i32
        %get3A_1254 = arith.constant 2 : i32
        %get3A_1255 = arith.index_cast %get3A_1254 : i32 to index
        %get3A_1256 = arith.index_cast %add3A_1253 : i32 to index
        %get3A_1257 = arith.constant 0 : index
        %get3A_1258 = tpu.vector_load %arg8[%get3A_1255, %get3A_1256, %get3A_1257] {strides = array<i32>} : memref<8x50x128xf32, #tpu.memory_space<vmem>>, vector<1x1x16xf32>,
        %get3A_1259 = vector.shape_cast %get3A_1258 : vector<1x1x16xf32> to vector<16xf32>
        %mul3A_1260 = arith.mulf %gather3A_1251, %get3A_1259 : vector<16xf32>
        %add3A_1261 = arith.addf %scan3A_1241, %mul3A_1260 : vector<16xf32>
        %get3A_1262 = arith.constant 2 : i32
        %get3A_1263 = arith.index_cast %get3A_1262 : i32 to index
        %get3A_1264 = arith.index_cast %add3A_1253 : i32 to index
        %get3A_1265 = arith.constant 16 : index
        %get3A_1266 = tpu.vector_load %arg8[%get3A_1263, %get3A_1264, %get3A_1265] {strides = array<i32>} : memref<8x50x128xf32, #tpu.memory_space<vmem>>, vector<1x1x16xf32>,
        %get3A_1267 = vector.shape_cast %get3A_1266 : vector<1x1x16xf32> to vector<16xf32>
        %mul3A_1268 = arith.mulf %gather3A_1251, %get3A_1267 : vector<16xf32>
        %add3A_1269 = arith.addf %scan3A_1242, %mul3A_1268 : vector<16xf32>
        %get3A_1270 = arith.constant 2 : i32
        %get3A_1271 = arith.index_cast %get3A_1270 : i32 to index
        %get3A_1272 = arith.index_cast %add3A_1253 : i32 to index
        %get3A_1273 = arith.constant 32 : index
        %get3A_1274 = tpu.vector_load %arg8[%get3A_1271, %get3A_1272, %get3A_1273] {strides = array<i32>} : memref<8x50x128xf32, #tpu.memory_space<vmem>>, vector<1x1x16xf32>,
        %get3A_1275 = vector.shape_cast %get3A_1274 : vector<1x1x16xf32> to vector<16xf32>
        %mul3A_1276 = arith.mulf %gather3A_1251, %get3A_1275 : vector<16xf32>
        %add3A_1277 = arith.addf %scan3A_1243, %mul3A_1276 : vector<16xf32>
        %get3A_1278 = arith.constant 2 : i32
        %get3A_1279 = arith.index_cast %get3A_1278 : i32 to index
        %get3A_1280 = arith.index_cast %add3A_1253 : i32 to index
        %get3A_1281 = arith.constant 48 : index
        %get3A_1282 = tpu.vector_load %arg8[%get3A_1279, %get3A_1280, %get3A_1281] {strides = array<i32>} : memref<8x50x128xf32, #tpu.memory_space<vmem>>, vector<1x1x16xf32>,
        %get3A_1283 = vector.shape_cast %get3A_1282 : vector<1x1x16xf32> to vector<16xf32>
        %mul3A_1284 = arith.mulf %gather3A_1251, %get3A_1283 : vector<16xf32>
        %add3A_1285 = arith.addf %scan3A_1244, %mul3A_1284 : vector<16xf32>
        %get3A_1286 = arith.constant 2 : i32
        %get3A_1287 = arith.index_cast %get3A_1286 : i32 to index
        %get3A_1288 = arith.index_cast %add3A_1253 : i32 to index
        %get3A_1289 = arith.constant 64 : index
        %get3A_1290 = tpu.vector_load %arg8[%get3A_1287, %get3A_1288, %get3A_1289] {strides = array<i32>} : memref<8x50x128xf32, #tpu.memory_space<vmem>>, vector<1x1x16xf32>,
        %get3A_1291 = vector.shape_cast %get3A_1290 : vector<1x1x16xf32> to vector<16xf32>
        %mul3A_1292 = arith.mulf %gather3A_1251, %get3A_1291 : vector<16xf32>
        %add3A_1293 = arith.addf %scan3A_1245, %mul3A_1292 : vector<16xf32>
        %get3A_1294 = arith.constant 2 : i32
        %get3A_1295 = arith.index_cast %get3A_1294 : i32 to index
        %get3A_1296 = arith.index_cast %add3A_1253 : i32 to index
        %get3A_1297 = arith.constant 80 : index
        %get3A_1298 = tpu.vector_load %arg8[%get3A_1295, %get3A_1296, %get3A_1297] {strides = array<i32>} : memref<8x50x128xf32, #tpu.memory_space<vmem>>, vector<1x1x16xf32>,
        %get3A_1299 = vector.shape_cast %get3A_1298 : vector<1x1x16xf32> to vector<16xf32>
        %mul3A_1300 = arith.mulf %gather3A_1251, %get3A_1299 : vector<16xf32>
        %add3A_1301 = arith.addf %scan3A_1246, %mul3A_1300 : vector<16xf32>
        %get3A_1302 = arith.constant 2 : i32
        %get3A_1303 = arith.index_cast %get3A_1302 : i32 to index
        %get3A_1304 = arith.index_cast %add3A_1253 : i32 to index
        %get3A_1305 = arith.constant 96 : index
        %get3A_1306 = tpu.vector_load %arg8[%get3A_1303, %get3A_1304, %get3A_1305] {strides = array<i32>} : memref<8x50x128xf32, #tpu.memory_space<vmem>>, vector<1x1x16xf32>,
        %get3A_1307 = vector.shape_cast %get3A_1306 : vector<1x1x16xf32> to vector<16xf32>
        %mul3A_1308 = arith.mulf %gather3A_1251, %get3A_1307 : vector<16xf32>
        %add3A_1309 = arith.addf %scan3A_1247, %mul3A_1308 : vector<16xf32>
        %get3A_1310 = arith.constant 2 : i32
        %get3A_1311 = arith.index_cast %get3A_1310 : i32 to index
        %get3A_1312 = arith.index_cast %add3A_1253 : i32 to index
        %get3A_1313 = arith.constant 112 : index
        %get3A_1314 = tpu.vector_load %arg8[%get3A_1311, %get3A_1312, %get3A_1313] {strides = array<i32>} : memref<8x50x128xf32, #tpu.memory_space<vmem>>, vector<1x1x16xf32>,
        %get3A_1315 = vector.shape_cast %get3A_1314 : vector<1x1x16xf32> to vector<16xf32>
        %mul3A_1316 = arith.mulf %gather3A_1251, %get3A_1315 : vector<16xf32>
        %add3A_1317 = arith.addf %scan3A_1248, %mul3A_1316 : vector<16xf32>
        %add3A_1318 = arith.addf %scan3A_1249, %gather3A_1251 : vector<16xf32>
        scf.yield %add3A_1261, %add3A_1269, %add3A_1277, %add3A_1285, %add3A_1293, %add3A_1301, %add3A_1309, %add3A_1317, %add3A_1318 : vector<16xf32>, vector<16xf32>, vector<16xf32>, vector<16xf32>, vector<16xf32>, vector<16xf32>, vector<16xf32>, vector<16xf32>, vector<16xf32>
      }
      %scan3A_523 = arith.constant 16 : i32
      %get3A_524 = arith.index_cast %add3A_495 : i32 to index
      %get3A_525 = arith.constant 16 : index
      %get3A_526 = tpu.vector_load %arg7[%get3A_524, %get3A_525] {strides = array<i32>} : memref<128x64xf32, #tpu.memory_space<vmem>>, vector<1x16xf32>,
      %get3A_527 = vector.shape_cast %get3A_526 : vector<1x16xf32> to vector<16xf32>
      %scan3A_528 = arith.constant 0 : i32
      %scan3A_529 = arith.constant 16 : i32
      %scan3A_530 = arith.addi %scan3A_528, %scan3A_529 : i32
      %scan3A_531 = arith.constant 1 : i32
      %scan3A_532:9 = scf.for %scan3A_1240 = %scan3A_528 to %scan3A_530 step %scan3A_531 iter_args(%scan3A_1241 = %scan3A_522#0, %scan3A_1242 = %scan3A_522#1, %scan3A_1243 = %scan3A_522#2, %scan3A_1244 = %scan3A_522#3, %scan3A_1245 = %scan3A_522#4, %scan3A_1246 = %scan3A_522#5, %scan3A_1247 = %scan3A_522#6, %scan3A_1248 = %scan3A_522#7, %scan3A_1249 = %scan3A_522#8) -> (vector<16xf32>, vector<16xf32>, vector<16xf32>, vector<16xf32>, vector<16xf32>, vector<16xf32>, vector<16xf32>, vector<16xf32>, vector<16xf32>)  : i32 {
        %broadcast_in_dim3A_1250 = vector.broadcast %scan3A_1240 : i32 to vector<16x1xi32>
        %gather3A = vector.shape_cast %broadcast_in_dim3A_1250 : vector<16x1xi32> to vector<16xi32>
        %gather3A_1251 = tpu.dynamic_gather %get3A_527[%gather3A] in [0] : vector<16xf32>, vector<16xi32> -> vector<16xf32>
        %add3A_1252 = arith.constant 16 : i32
        %add3A_1253 = arith.addi %add3A_1252, %scan3A_1240 : i32
        %get3A_1254 = arith.constant 2 : i32
        %get3A_1255 = arith.index_cast %get3A_1254 : i32 to index
        %get3A_1256 = arith.index_cast %add3A_1253 : i32 to index
        %get3A_1257 = arith.constant 0 : index
        %get3A_1258 = tpu.vector_load %arg8[%get3A_1255, %get3A_1256, %get3A_1257] {strides = array<i32>} : memref<8x50x128xf32, #tpu.memory_space<vmem>>, vector<1x1x16xf32>,
        %get3A_1259 = vector.shape_cast %get3A_1258 : vector<1x1x16xf32> to vector<16xf32>
        %mul3A_1260 = arith.mulf %gather3A_1251, %get3A_1259 : vector<16xf32>
        %add3A_1261 = arith.addf %scan3A_1241, %mul3A_1260 : vector<16xf32>
        %get3A_1262 = arith.constant 2 : i32
        %get3A_1263 = arith.index_cast %get3A_1262 : i32 to index
        %get3A_1264 = arith.index_cast %add3A_1253 : i32 to index
        %get3A_1265 = arith.constant 16 : index
        %get3A_1266 = tpu.vector_load %arg8[%get3A_1263, %get3A_1264, %get3A_1265] {strides = array<i32>} : memref<8x50x128xf32, #tpu.memory_space<vmem>>, vector<1x1x16xf32>,
        %get3A_1267 = vector.shape_cast %get3A_1266 : vector<1x1x16xf32> to vector<16xf32>
        %mul3A_1268 = arith.mulf %gather3A_1251, %get3A_1267 : vector<16xf32>
        %add3A_1269 = arith.addf %scan3A_1242, %mul3A_1268 : vector<16xf32>
        %get3A_1270 = arith.constant 2 : i32
        %get3A_1271 = arith.index_cast %get3A_1270 : i32 to index
        %get3A_1272 = arith.index_cast %add3A_1253 : i32 to index
        %get3A_1273 = arith.constant 32 : index
        %get3A_1274 = tpu.vector_load %arg8[%get3A_1271, %get3A_1272, %get3A_1273] {strides = array<i32>} : memref<8x50x128xf32, #tpu.memory_space<vmem>>, vector<1x1x16xf32>,
        %get3A_1275 = vector.shape_cast %get3A_1274 : vector<1x1x16xf32> to vector<16xf32>
        %mul3A_1276 = arith.mulf %gather3A_1251, %get3A_1275 : vector<16xf32>
        %add3A_1277 = arith.addf %scan3A_1243, %mul3A_1276 : vector<16xf32>
        %get3A_1278 = arith.constant 2 : i32
        %get3A_1279 = arith.index_cast %get3A_1278 : i32 to index
        %get3A_1280 = arith.index_cast %add3A_1253 : i32 to index
        %get3A_1281 = arith.constant 48 : index
        %get3A_1282 = tpu.vector_load %arg8[%get3A_1279, %get3A_1280, %get3A_1281] {strides = array<i32>} : memref<8x50x128xf32, #tpu.memory_space<vmem>>, vector<1x1x16xf32>,
        %get3A_1283 = vector.shape_cast %get3A_1282 : vector<1x1x16xf32> to vector<16xf32>
        %mul3A_1284 = arith.mulf %gather3A_1251, %get3A_1283 : vector<16xf32>
        %add3A_1285 = arith.addf %scan3A_1244, %mul3A_1284 : vector<16xf32>
        %get3A_1286 = arith.constant 2 : i32
        %get3A_1287 = arith.index_cast %get3A_1286 : i32 to index
        %get3A_1288 = arith.index_cast %add3A_1253 : i32 to index
        %get3A_1289 = arith.constant 64 : index
        %get3A_1290 = tpu.vector_load %arg8[%get3A_1287, %get3A_1288, %get3A_1289] {strides = array<i32>} : memref<8x50x128xf32, #tpu.memory_space<vmem>>, vector<1x1x16xf32>,
        %get3A_1291 = vector.shape_cast %get3A_1290 : vector<1x1x16xf32> to vector<16xf32>
        %mul3A_1292 = arith.mulf %gather3A_1251, %get3A_1291 : vector<16xf32>
        %add3A_1293 = arith.addf %scan3A_1245, %mul3A_1292 : vector<16xf32>
        %get3A_1294 = arith.constant 2 : i32
        %get3A_1295 = arith.index_cast %get3A_1294 : i32 to index
        %get3A_1296 = arith.index_cast %add3A_1253 : i32 to index
        %get3A_1297 = arith.constant 80 : index
        %get3A_1298 = tpu.vector_load %arg8[%get3A_1295, %get3A_1296, %get3A_1297] {strides = array<i32>} : memref<8x50x128xf32, #tpu.memory_space<vmem>>, vector<1x1x16xf32>,
        %get3A_1299 = vector.shape_cast %get3A_1298 : vector<1x1x16xf32> to vector<16xf32>
        %mul3A_1300 = arith.mulf %gather3A_1251, %get3A_1299 : vector<16xf32>
        %add3A_1301 = arith.addf %scan3A_1246, %mul3A_1300 : vector<16xf32>
        %get3A_1302 = arith.constant 2 : i32
        %get3A_1303 = arith.index_cast %get3A_1302 : i32 to index
        %get3A_1304 = arith.index_cast %add3A_1253 : i32 to index
        %get3A_1305 = arith.constant 96 : index
        %get3A_1306 = tpu.vector_load %arg8[%get3A_1303, %get3A_1304, %get3A_1305] {strides = array<i32>} : memref<8x50x128xf32, #tpu.memory_space<vmem>>, vector<1x1x16xf32>,
        %get3A_1307 = vector.shape_cast %get3A_1306 : vector<1x1x16xf32> to vector<16xf32>
        %mul3A_1308 = arith.mulf %gather3A_1251, %get3A_1307 : vector<16xf32>
        %add3A_1309 = arith.addf %scan3A_1247, %mul3A_1308 : vector<16xf32>
        %get3A_1310 = arith.constant 2 : i32
        %get3A_1311 = arith.index_cast %get3A_1310 : i32 to index
        %get3A_1312 = arith.index_cast %add3A_1253 : i32 to index
        %get3A_1313 = arith.constant 112 : index
        %get3A_1314 = tpu.vector_load %arg8[%get3A_1311, %get3A_1312, %get3A_1313] {strides = array<i32>} : memref<8x50x128xf32, #tpu.memory_space<vmem>>, vector<1x1x16xf32>,
        %get3A_1315 = vector.shape_cast %get3A_1314 : vector<1x1x16xf32> to vector<16xf32>
        %mul3A_1316 = arith.mulf %gather3A_1251, %get3A_1315 : vector<16xf32>
        %add3A_1317 = arith.addf %scan3A_1248, %mul3A_1316 : vector<16xf32>
        %add3A_1318 = arith.addf %scan3A_1249, %gather3A_1251 : vector<16xf32>
        scf.yield %add3A_1261, %add3A_1269, %add3A_1277, %add3A_1285, %add3A_1293, %add3A_1301, %add3A_1309, %add3A_1317, %add3A_1318 : vector<16xf32>, vector<16xf32>, vector<16xf32>, vector<16xf32>, vector<16xf32>, vector<16xf32>, vector<16xf32>, vector<16xf32>, vector<16xf32>
      }
      %scan3A_533 = arith.constant 16 : i32
      %get3A_534 = arith.index_cast %add3A_495 : i32 to index
      %get3A_535 = arith.constant 32 : index
      %get3A_536 = tpu.vector_load %arg7[%get3A_534, %get3A_535] {strides = array<i32>} : memref<128x64xf32, #tpu.memory_space<vmem>>, vector<1x16xf32>,
      %get3A_537 = vector.shape_cast %get3A_536 : vector<1x16xf32> to vector<16xf32>
      %scan3A_538 = arith.constant 0 : i32
      %scan3A_539 = arith.constant 16 : i32
      %scan3A_540 = arith.addi %scan3A_538, %scan3A_539 : i32
      %scan3A_541 = arith.constant 1 : i32
      %scan3A_542:9 = scf.for %scan3A_1240 = %scan3A_538 to %scan3A_540 step %scan3A_541 iter_args(%scan3A_1241 = %scan3A_532#0, %scan3A_1242 = %scan3A_532#1, %scan3A_1243 = %scan3A_532#2, %scan3A_1244 = %scan3A_532#3, %scan3A_1245 = %scan3A_532#4, %scan3A_1246 = %scan3A_532#5, %scan3A_1247 = %scan3A_532#6, %scan3A_1248 = %scan3A_532#7, %scan3A_1249 = %scan3A_532#8) -> (vector<16xf32>, vector<16xf32>, vector<16xf32>, vector<16xf32>, vector<16xf32>, vector<16xf32>, vector<16xf32>, vector<16xf32>, vector<16xf32>)  : i32 {
        %broadcast_in_dim3A_1250 = vector.broadcast %scan3A_1240 : i32 to vector<16x1xi32>
        %gather3A = vector.shape_cast %broadcast_in_dim3A_1250 : vector<16x1xi32> to vector<16xi32>
        %gather3A_1251 = tpu.dynamic_gather %get3A_537[%gather3A] in [0] : vector<16xf32>, vector<16xi32> -> vector<16xf32>
        %add3A_1252 = arith.constant 32 : i32
        %add3A_1253 = arith.addi %add3A_1252, %scan3A_1240 : i32
        %get3A_1254 = arith.constant 2 : i32
        %get3A_1255 = arith.index_cast %get3A_1254 : i32 to index
        %get3A_1256 = arith.index_cast %add3A_1253 : i32 to index
        %get3A_1257 = arith.constant 0 : index
        %get3A_1258 = tpu.vector_load %arg8[%get3A_1255, %get3A_1256, %get3A_1257] {strides = array<i32>} : memref<8x50x128xf32, #tpu.memory_space<vmem>>, vector<1x1x16xf32>,
        %get3A_1259 = vector.shape_cast %get3A_1258 : vector<1x1x16xf32> to vector<16xf32>
        %mul3A_1260 = arith.mulf %gather3A_1251, %get3A_1259 : vector<16xf32>
        %add3A_1261 = arith.addf %scan3A_1241, %mul3A_1260 : vector<16xf32>
        %get3A_1262 = arith.constant 2 : i32
        %get3A_1263 = arith.index_cast %get3A_1262 : i32 to index
        %get3A_1264 = arith.index_cast %add3A_1253 : i32 to index
        %get3A_1265 = arith.constant 16 : index
        %get3A_1266 = tpu.vector_load %arg8[%get3A_1263, %get3A_1264, %get3A_1265] {strides = array<i32>} : memref<8x50x128xf32, #tpu.memory_space<vmem>>, vector<1x1x16xf32>,
        %get3A_1267 = vector.shape_cast %get3A_1266 : vector<1x1x16xf32> to vector<16xf32>
        %mul3A_1268 = arith.mulf %gather3A_1251, %get3A_1267 : vector<16xf32>
        %add3A_1269 = arith.addf %scan3A_1242, %mul3A_1268 : vector<16xf32>
        %get3A_1270 = arith.constant 2 : i32
        %get3A_1271 = arith.index_cast %get3A_1270 : i32 to index
        %get3A_1272 = arith.index_cast %add3A_1253 : i32 to index
        %get3A_1273 = arith.constant 32 : index
        %get3A_1274 = tpu.vector_load %arg8[%get3A_1271, %get3A_1272, %get3A_1273] {strides = array<i32>} : memref<8x50x128xf32, #tpu.memory_space<vmem>>, vector<1x1x16xf32>,
        %get3A_1275 = vector.shape_cast %get3A_1274 : vector<1x1x16xf32> to vector<16xf32>
        %mul3A_1276 = arith.mulf %gather3A_1251, %get3A_1275 : vector<16xf32>
        %add3A_1277 = arith.addf %scan3A_1243, %mul3A_1276 : vector<16xf32>
        %get3A_1278 = arith.constant 2 : i32
        %get3A_1279 = arith.index_cast %get3A_1278 : i32 to index
        %get3A_1280 = arith.index_cast %add3A_1253 : i32 to index
        %get3A_1281 = arith.constant 48 : index
        %get3A_1282 = tpu.vector_load %arg8[%get3A_1279, %get3A_1280, %get3A_1281] {strides = array<i32>} : memref<8x50x128xf32, #tpu.memory_space<vmem>>, vector<1x1x16xf32>,
        %get3A_1283 = vector.shape_cast %get3A_1282 : vector<1x1x16xf32> to vector<16xf32>
        %mul3A_1284 = arith.mulf %gather3A_1251, %get3A_1283 : vector<16xf32>
        %add3A_1285 = arith.addf %scan3A_1244, %mul3A_1284 : vector<16xf32>
        %get3A_1286 = arith.constant 2 : i32
        %get3A_1287 = arith.index_cast %get3A_1286 : i32 to index
        %get3A_1288 = arith.index_cast %add3A_1253 : i32 to index
        %get3A_1289 = arith.constant 64 : index
        %get3A_1290 = tpu.vector_load %arg8[%get3A_1287, %get3A_1288, %get3A_1289] {strides = array<i32>} : memref<8x50x128xf32, #tpu.memory_space<vmem>>, vector<1x1x16xf32>,
        %get3A_1291 = vector.shape_cast %get3A_1290 : vector<1x1x16xf32> to vector<16xf32>
        %mul3A_1292 = arith.mulf %gather3A_1251, %get3A_1291 : vector<16xf32>
        %add3A_1293 = arith.addf %scan3A_1245, %mul3A_1292 : vector<16xf32>
        %get3A_1294 = arith.constant 2 : i32
        %get3A_1295 = arith.index_cast %get3A_1294 : i32 to index
        %get3A_1296 = arith.index_cast %add3A_1253 : i32 to index
        %get3A_1297 = arith.constant 80 : index
        %get3A_1298 = tpu.vector_load %arg8[%get3A_1295, %get3A_1296, %get3A_1297] {strides = array<i32>} : memref<8x50x128xf32, #tpu.memory_space<vmem>>, vector<1x1x16xf32>,
        %get3A_1299 = vector.shape_cast %get3A_1298 : vector<1x1x16xf32> to vector<16xf32>
        %mul3A_1300 = arith.mulf %gather3A_1251, %get3A_1299 : vector<16xf32>
        %add3A_1301 = arith.addf %scan3A_1246, %mul3A_1300 : vector<16xf32>
        %get3A_1302 = arith.constant 2 : i32
        %get3A_1303 = arith.index_cast %get3A_1302 : i32 to index
        %get3A_1304 = arith.index_cast %add3A_1253 : i32 to index
        %get3A_1305 = arith.constant 96 : index
        %get3A_1306 = tpu.vector_load %arg8[%get3A_1303, %get3A_1304, %get3A_1305] {strides = array<i32>} : memref<8x50x128xf32, #tpu.memory_space<vmem>>, vector<1x1x16xf32>,
        %get3A_1307 = vector.shape_cast %get3A_1306 : vector<1x1x16xf32> to vector<16xf32>
        %mul3A_1308 = arith.mulf %gather3A_1251, %get3A_1307 : vector<16xf32>
        %add3A_1309 = arith.addf %scan3A_1247, %mul3A_1308 : vector<16xf32>
        %get3A_1310 = arith.constant 2 : i32
        %get3A_1311 = arith.index_cast %get3A_1310 : i32 to index
        %get3A_1312 = arith.index_cast %add3A_1253 : i32 to index
        %get3A_1313 = arith.constant 112 : index
        %get3A_1314 = tpu.vector_load %arg8[%get3A_1311, %get3A_1312, %get3A_1313] {strides = array<i32>} : memref<8x50x128xf32, #tpu.memory_space<vmem>>, vector<1x1x16xf32>,
        %get3A_1315 = vector.shape_cast %get3A_1314 : vector<1x1x16xf32> to vector<16xf32>
        %mul3A_1316 = arith.mulf %gather3A_1251, %get3A_1315 : vector<16xf32>
        %add3A_1317 = arith.addf %scan3A_1248, %mul3A_1316 : vector<16xf32>
        %add3A_1318 = arith.addf %scan3A_1249, %gather3A_1251 : vector<16xf32>
        scf.yield %add3A_1261, %add3A_1269, %add3A_1277, %add3A_1285, %add3A_1293, %add3A_1301, %add3A_1309, %add3A_1317, %add3A_1318 : vector<16xf32>, vector<16xf32>, vector<16xf32>, vector<16xf32>, vector<16xf32>, vector<16xf32>, vector<16xf32>, vector<16xf32>, vector<16xf32>
      }
      %scan3A_543 = arith.constant 16 : i32
      %get3A_544 = arith.index_cast %add3A_495 : i32 to index
      %get3A_545 = arith.constant 48 : index
      %get3A_546 = tpu.vector_load %arg7[%get3A_544, %get3A_545] {strides = array<i32>} : memref<128x64xf32, #tpu.memory_space<vmem>>, vector<1x16xf32>,
      %get3A_547 = vector.shape_cast %get3A_546 : vector<1x16xf32> to vector<16xf32>
      %scan3A_548 = arith.constant 0 : i32
      %scan3A_549 = arith.constant 2 : i32
      %scan3A_550 = arith.addi %scan3A_548, %scan3A_549 : i32
      %scan3A_551 = arith.constant 1 : i32
      %scan3A_552:9 = scf.for %scan3A_1240 = %scan3A_548 to %scan3A_550 step %scan3A_551 iter_args(%scan3A_1241 = %scan3A_542#0, %scan3A_1242 = %scan3A_542#1, %scan3A_1243 = %scan3A_542#2, %scan3A_1244 = %scan3A_542#3, %scan3A_1245 = %scan3A_542#4, %scan3A_1246 = %scan3A_542#5, %scan3A_1247 = %scan3A_542#6, %scan3A_1248 = %scan3A_542#7, %scan3A_1249 = %scan3A_542#8) -> (vector<16xf32>, vector<16xf32>, vector<16xf32>, vector<16xf32>, vector<16xf32>, vector<16xf32>, vector<16xf32>, vector<16xf32>, vector<16xf32>)  : i32 {
        %broadcast_in_dim3A_1250 = vector.broadcast %scan3A_1240 : i32 to vector<16x1xi32>
        %gather3A = vector.shape_cast %broadcast_in_dim3A_1250 : vector<16x1xi32> to vector<16xi32>
        %gather3A_1251 = tpu.dynamic_gather %get3A_547[%gather3A] in [0] : vector<16xf32>, vector<16xi32> -> vector<16xf32>
        %add3A_1252 = arith.constant 48 : i32
        %add3A_1253 = arith.addi %add3A_1252, %scan3A_1240 : i32
        %get3A_1254 = arith.constant 2 : i32
        %get3A_1255 = arith.index_cast %get3A_1254 : i32 to index
        %get3A_1256 = arith.index_cast %add3A_1253 : i32 to index
        %get3A_1257 = arith.constant 0 : index
        %get3A_1258 = tpu.vector_load %arg8[%get3A_1255, %get3A_1256, %get3A_1257] {strides = array<i32>} : memref<8x50x128xf32, #tpu.memory_space<vmem>>, vector<1x1x16xf32>,
        %get3A_1259 = vector.shape_cast %get3A_1258 : vector<1x1x16xf32> to vector<16xf32>
        %mul3A_1260 = arith.mulf %gather3A_1251, %get3A_1259 : vector<16xf32>
        %add3A_1261 = arith.addf %scan3A_1241, %mul3A_1260 : vector<16xf32>
        %get3A_1262 = arith.constant 2 : i32
        %get3A_1263 = arith.index_cast %get3A_1262 : i32 to index
        %get3A_1264 = arith.index_cast %add3A_1253 : i32 to index
        %get3A_1265 = arith.constant 16 : index
        %get3A_1266 = tpu.vector_load %arg8[%get3A_1263, %get3A_1264, %get3A_1265] {strides = array<i32>} : memref<8x50x128xf32, #tpu.memory_space<vmem>>, vector<1x1x16xf32>,
        %get3A_1267 = vector.shape_cast %get3A_1266 : vector<1x1x16xf32> to vector<16xf32>
        %mul3A_1268 = arith.mulf %gather3A_1251, %get3A_1267 : vector<16xf32>
        %add3A_1269 = arith.addf %scan3A_1242, %mul3A_1268 : vector<16xf32>
        %get3A_1270 = arith.constant 2 : i32
        %get3A_1271 = arith.index_cast %get3A_1270 : i32 to index
        %get3A_1272 = arith.index_cast %add3A_1253 : i32 to index
        %get3A_1273 = arith.constant 32 : index
        %get3A_1274 = tpu.vector_load %arg8[%get3A_1271, %get3A_1272, %get3A_1273] {strides = array<i32>} : memref<8x50x128xf32, #tpu.memory_space<vmem>>, vector<1x1x16xf32>,
        %get3A_1275 = vector.shape_cast %get3A_1274 : vector<1x1x16xf32> to vector<16xf32>
        %mul3A_1276 = arith.mulf %gather3A_1251, %get3A_1275 : vector<16xf32>
        %add3A_1277 = arith.addf %scan3A_1243, %mul3A_1276 : vector<16xf32>
        %get3A_1278 = arith.constant 2 : i32
        %get3A_1279 = arith.index_cast %get3A_1278 : i32 to index
        %get3A_1280 = arith.index_cast %add3A_1253 : i32 to index
        %get3A_1281 = arith.constant 48 : index
        %get3A_1282 = tpu.vector_load %arg8[%get3A_1279, %get3A_1280, %get3A_1281] {strides = array<i32>} : memref<8x50x128xf32, #tpu.memory_space<vmem>>, vector<1x1x16xf32>,
        %get3A_1283 = vector.shape_cast %get3A_1282 : vector<1x1x16xf32> to vector<16xf32>
        %mul3A_1284 = arith.mulf %gather3A_1251, %get3A_1283 : vector<16xf32>
        %add3A_1285 = arith.addf %scan3A_1244, %mul3A_1284 : vector<16xf32>
        %get3A_1286 = arith.constant 2 : i32
        %get3A_1287 = arith.index_cast %get3A_1286 : i32 to index
        %get3A_1288 = arith.index_cast %add3A_1253 : i32 to index
        %get3A_1289 = arith.constant 64 : index
        %get3A_1290 = tpu.vector_load %arg8[%get3A_1287, %get3A_1288, %get3A_1289] {strides = array<i32>} : memref<8x50x128xf32, #tpu.memory_space<vmem>>, vector<1x1x16xf32>,
        %get3A_1291 = vector.shape_cast %get3A_1290 : vector<1x1x16xf32> to vector<16xf32>
        %mul3A_1292 = arith.mulf %gather3A_1251, %get3A_1291 : vector<16xf32>
        %add3A_1293 = arith.addf %scan3A_1245, %mul3A_1292 : vector<16xf32>
        %get3A_1294 = arith.constant 2 : i32
        %get3A_1295 = arith.index_cast %get3A_1294 : i32 to index
        %get3A_1296 = arith.index_cast %add3A_1253 : i32 to index
        %get3A_1297 = arith.constant 80 : index
        %get3A_1298 = tpu.vector_load %arg8[%get3A_1295, %get3A_1296, %get3A_1297] {strides = array<i32>} : memref<8x50x128xf32, #tpu.memory_space<vmem>>, vector<1x1x16xf32>,
        %get3A_1299 = vector.shape_cast %get3A_1298 : vector<1x1x16xf32> to vector<16xf32>
        %mul3A_1300 = arith.mulf %gather3A_1251, %get3A_1299 : vector<16xf32>
        %add3A_1301 = arith.addf %scan3A_1246, %mul3A_1300 : vector<16xf32>
        %get3A_1302 = arith.constant 2 : i32
        %get3A_1303 = arith.index_cast %get3A_1302 : i32 to index
        %get3A_1304 = arith.index_cast %add3A_1253 : i32 to index
        %get3A_1305 = arith.constant 96 : index
        %get3A_1306 = tpu.vector_load %arg8[%get3A_1303, %get3A_1304, %get3A_1305] {strides = array<i32>} : memref<8x50x128xf32, #tpu.memory_space<vmem>>, vector<1x1x16xf32>,
        %get3A_1307 = vector.shape_cast %get3A_1306 : vector<1x1x16xf32> to vector<16xf32>
        %mul3A_1308 = arith.mulf %gather3A_1251, %get3A_1307 : vector<16xf32>
        %add3A_1309 = arith.addf %scan3A_1247, %mul3A_1308 : vector<16xf32>
        %get3A_1310 = arith.constant 2 : i32
        %get3A_1311 = arith.index_cast %get3A_1310 : i32 to index
        %get3A_1312 = arith.index_cast %add3A_1253 : i32 to index
        %get3A_1313 = arith.constant 112 : index
        %get3A_1314 = tpu.vector_load %arg8[%get3A_1311, %get3A_1312, %get3A_1313] {strides = array<i32>} : memref<8x50x128xf32, #tpu.memory_space<vmem>>, vector<1x1x16xf32>,
        %get3A_1315 = vector.shape_cast %get3A_1314 : vector<1x1x16xf32> to vector<16xf32>
        %mul3A_1316 = arith.mulf %gather3A_1251, %get3A_1315 : vector<16xf32>
        %add3A_1317 = arith.addf %scan3A_1248, %mul3A_1316 : vector<16xf32>
        %add3A_1318 = arith.addf %scan3A_1249, %gather3A_1251 : vector<16xf32>
        scf.yield %add3A_1261, %add3A_1269, %add3A_1277, %add3A_1285, %add3A_1293, %add3A_1301, %add3A_1309, %add3A_1317, %add3A_1318 : vector<16xf32>, vector<16xf32>, vector<16xf32>, vector<16xf32>, vector<16xf32>, vector<16xf32>, vector<16xf32>, vector<16xf32>, vector<16xf32>
      }
      %scan3A_553 = arith.constant 2 : i32
      %max3A_554 = arith.constant 9.99999971E-10 : f32
      %max3A_555 = vector.broadcast %max3A_554 : f32 to vector<16xf32>
      %max3A_556 = arith.maximumf %scan3A_552#8, %max3A_555 : vector<16xf32>
      %div3A_557 = arith.constant 1.000000e+00 : f32
      %div3A_558 = vector.broadcast %div3A_557 : f32 to vector<16xf32>
      %div3A_559 = arith.divf %div3A_558, %max3A_556 : vector<16xf32>
      %mul3A_560 = arith.mulf %scan3A_552#0, %div3A_559 : vector<16xf32>
      %swap3A_561 = arith.constant 2 : i32
      %swap3A_562 = arith.index_cast %swap3A_561 : i32 to index
      %swap3A_563 = arith.constant 0 : index
      %swap3A_564 = tpu.vector_load %arg9[%swap3A_562, %swap3A_563] {strides = array<i32>} : memref<8x128xf32, #tpu.memory_space<vmem>>, vector<1x16xf32>,
      %swap3A_565 = vector.shape_cast %swap3A_564 : vector<1x16xf32> to vector<16xf32>
      %swap3A_566 = vector.shape_cast %mul3A_560 : vector<16xf32> to vector<1x16xf32>
      tpu.vector_store %arg9[%swap3A_562, %swap3A_563], %swap3A_566 {strides = array<i32>} : memref<8x128xf32, #tpu.memory_space<vmem>>, vector<1x16xf32>,
      %mul3A_567 = arith.mulf %scan3A_552#1, %div3A_559 : vector<16xf32>
      %swap3A_568 = arith.constant 2 : i32
      %swap3A_569 = arith.index_cast %swap3A_568 : i32 to index
      %swap3A_570 = arith.constant 16 : index
      %swap3A_571 = tpu.vector_load %arg9[%swap3A_569, %swap3A_570] {strides = array<i32>} : memref<8x128xf32, #tpu.memory_space<vmem>>, vector<1x16xf32>,
      %swap3A_572 = vector.shape_cast %swap3A_571 : vector<1x16xf32> to vector<16xf32>
      %swap3A_573 = vector.shape_cast %mul3A_567 : vector<16xf32> to vector<1x16xf32>
      tpu.vector_store %arg9[%swap3A_569, %swap3A_570], %swap3A_573 {strides = array<i32>} : memref<8x128xf32, #tpu.memory_space<vmem>>, vector<1x16xf32>,
      %mul3A_574 = arith.mulf %scan3A_552#2, %div3A_559 : vector<16xf32>
      %swap3A_575 = arith.constant 2 : i32
      %swap3A_576 = arith.index_cast %swap3A_575 : i32 to index
      %swap3A_577 = arith.constant 32 : index
      %swap3A_578 = tpu.vector_load %arg9[%swap3A_576, %swap3A_577] {strides = array<i32>} : memref<8x128xf32, #tpu.memory_space<vmem>>, vector<1x16xf32>,
      %swap3A_579 = vector.shape_cast %swap3A_578 : vector<1x16xf32> to vector<16xf32>
      %swap3A_580 = vector.shape_cast %mul3A_574 : vector<16xf32> to vector<1x16xf32>
      tpu.vector_store %arg9[%swap3A_576, %swap3A_577], %swap3A_580 {strides = array<i32>} : memref<8x128xf32, #tpu.memory_space<vmem>>, vector<1x16xf32>,
      %mul3A_581 = arith.mulf %scan3A_552#3, %div3A_559 : vector<16xf32>
      %swap3A_582 = arith.constant 2 : i32
      %swap3A_583 = arith.index_cast %swap3A_582 : i32 to index
      %swap3A_584 = arith.constant 48 : index
      %swap3A_585 = tpu.vector_load %arg9[%swap3A_583, %swap3A_584] {strides = array<i32>} : memref<8x128xf32, #tpu.memory_space<vmem>>, vector<1x16xf32>,
      %swap3A_586 = vector.shape_cast %swap3A_585 : vector<1x16xf32> to vector<16xf32>
      %swap3A_587 = vector.shape_cast %mul3A_581 : vector<16xf32> to vector<1x16xf32>
      tpu.vector_store %arg9[%swap3A_583, %swap3A_584], %swap3A_587 {strides = array<i32>} : memref<8x128xf32, #tpu.memory_space<vmem>>, vector<1x16xf32>,
      %mul3A_588 = arith.mulf %scan3A_552#4, %div3A_559 : vector<16xf32>
      %swap3A_589 = arith.constant 2 : i32
      %swap3A_590 = arith.index_cast %swap3A_589 : i32 to index
      %swap3A_591 = arith.constant 64 : index
      %swap3A_592 = tpu.vector_load %arg9[%swap3A_590, %swap3A_591] {strides = array<i32>} : memref<8x128xf32, #tpu.memory_space<vmem>>, vector<1x16xf32>,
      %swap3A_593 = vector.shape_cast %swap3A_592 : vector<1x16xf32> to vector<16xf32>
      %swap3A_594 = vector.shape_cast %mul3A_588 : vector<16xf32> to vector<1x16xf32>
      tpu.vector_store %arg9[%swap3A_590, %swap3A_591], %swap3A_594 {strides = array<i32>} : memref<8x128xf32, #tpu.memory_space<vmem>>, vector<1x16xf32>,
      %mul3A_595 = arith.mulf %scan3A_552#5, %div3A_559 : vector<16xf32>
      %swap3A_596 = arith.constant 2 : i32
      %swap3A_597 = arith.index_cast %swap3A_596 : i32 to index
      %swap3A_598 = arith.constant 80 : index
      %swap3A_599 = tpu.vector_load %arg9[%swap3A_597, %swap3A_598] {strides = array<i32>} : memref<8x128xf32, #tpu.memory_space<vmem>>, vector<1x16xf32>,
      %swap3A_600 = vector.shape_cast %swap3A_599 : vector<1x16xf32> to vector<16xf32>
      %swap3A_601 = vector.shape_cast %mul3A_595 : vector<16xf32> to vector<1x16xf32>
      tpu.vector_store %arg9[%swap3A_597, %swap3A_598], %swap3A_601 {strides = array<i32>} : memref<8x128xf32, #tpu.memory_space<vmem>>, vector<1x16xf32>,
      %mul3A_602 = arith.mulf %scan3A_552#6, %div3A_559 : vector<16xf32>
      %swap3A_603 = arith.constant 2 : i32
      %swap3A_604 = arith.index_cast %swap3A_603 : i32 to index
      %swap3A_605 = arith.constant 96 : index
      %swap3A_606 = tpu.vector_load %arg9[%swap3A_604, %swap3A_605] {strides = array<i32>} : memref<8x128xf32, #tpu.memory_space<vmem>>, vector<1x16xf32>,
      %swap3A_607 = vector.shape_cast %swap3A_606 : vector<1x16xf32> to vector<16xf32>
      %swap3A_608 = vector.shape_cast %mul3A_602 : vector<16xf32> to vector<1x16xf32>
      tpu.vector_store %arg9[%swap3A_604, %swap3A_605], %swap3A_608 {strides = array<i32>} : memref<8x128xf32, #tpu.memory_space<vmem>>, vector<1x16xf32>,
      %mul3A_609 = arith.mulf %scan3A_552#7, %div3A_559 : vector<16xf32>
      %swap3A_610 = arith.constant 2 : i32
      %swap3A_611 = arith.index_cast %swap3A_610 : i32 to index
      %swap3A_612 = arith.constant 112 : index
      %swap3A_613 = tpu.vector_load %arg9[%swap3A_611, %swap3A_612] {strides = array<i32>} : memref<8x128xf32, #tpu.memory_space<vmem>>, vector<1x16xf32>,
      %swap3A_614 = vector.shape_cast %swap3A_613 : vector<1x16xf32> to vector<16xf32>
      %swap3A_615 = vector.shape_cast %mul3A_609 : vector<16xf32> to vector<1x16xf32>
      tpu.vector_store %arg9[%swap3A_611, %swap3A_612], %swap3A_615 {strides = array<i32>} : memref<8x128xf32, #tpu.memory_space<vmem>>, vector<1x16xf32>,
      %mul3A_616 = arith.constant 8 : i32
      %mul3A_617 = arith.muli %scan3A_9, %mul3A_616 : i32
      %add3A_618 = arith.constant 3 : i32
      %add3A_619 = arith.addi %mul3A_617, %add3A_618 : i32
      %broadcast_in_dim3A_620 = arith.constant 0.000000e+00 : f32
      %broadcast_in_dim3A_621 = vector.broadcast %broadcast_in_dim3A_620 : f32 to vector<16xf32>
      %broadcast_in_dim3A_622 = arith.constant 0.000000e+00 : f32
      %broadcast_in_dim3A_623 = vector.broadcast %broadcast_in_dim3A_622 : f32 to vector<16xf32>
      %broadcast_in_dim3A_624 = arith.constant 0.000000e+00 : f32
      %broadcast_in_dim3A_625 = vector.broadcast %broadcast_in_dim3A_624 : f32 to vector<16xf32>
      %broadcast_in_dim3A_626 = arith.constant 0.000000e+00 : f32
      %broadcast_in_dim3A_627 = vector.broadcast %broadcast_in_dim3A_626 : f32 to vector<16xf32>
      %broadcast_in_dim3A_628 = arith.constant 0.000000e+00 : f32
      %broadcast_in_dim3A_629 = vector.broadcast %broadcast_in_dim3A_628 : f32 to vector<16xf32>
      %broadcast_in_dim3A_630 = arith.constant 0.000000e+00 : f32
      %broadcast_in_dim3A_631 = vector.broadcast %broadcast_in_dim3A_630 : f32 to vector<16xf32>
      %broadcast_in_dim3A_632 = arith.constant 0.000000e+00 : f32
      %broadcast_in_dim3A_633 = vector.broadcast %broadcast_in_dim3A_632 : f32 to vector<16xf32>
      %broadcast_in_dim3A_634 = arith.constant 0.000000e+00 : f32
      %broadcast_in_dim3A_635 = vector.broadcast %broadcast_in_dim3A_634 : f32 to vector<16xf32>
      %broadcast_in_dim3A_636 = arith.constant 0.000000e+00 : f32
      %broadcast_in_dim3A_637 = vector.broadcast %broadcast_in_dim3A_636 : f32 to vector<16xf32>
      %get3A_638 = arith.index_cast %add3A_619 : i32 to index
      %get3A_639 = arith.constant 0 : index
      %get3A_640 = tpu.vector_load %arg7[%get3A_638, %get3A_639] {strides = array<i32>} : memref<128x64xf32, #tpu.memory_space<vmem>>, vector<1x16xf32>,
      %get3A_641 = vector.shape_cast %get3A_640 : vector<1x16xf32> to vector<16xf32>
      %scan3A_642 = arith.constant 0 : i32
      %scan3A_643 = arith.constant 16 : i32
      %scan3A_644 = arith.addi %scan3A_642, %scan3A_643 : i32
      %scan3A_645 = arith.constant 1 : i32
      %scan3A_646:9 = scf.for %scan3A_1240 = %scan3A_642 to %scan3A_644 step %scan3A_645 iter_args(%scan3A_1241 = %broadcast_in_dim3A_621, %scan3A_1242 = %broadcast_in_dim3A_623, %scan3A_1243 = %broadcast_in_dim3A_625, %scan3A_1244 = %broadcast_in_dim3A_627, %scan3A_1245 = %broadcast_in_dim3A_629, %scan3A_1246 = %broadcast_in_dim3A_631, %scan3A_1247 = %broadcast_in_dim3A_633, %scan3A_1248 = %broadcast_in_dim3A_635, %scan3A_1249 = %broadcast_in_dim3A_637) -> (vector<16xf32>, vector<16xf32>, vector<16xf32>, vector<16xf32>, vector<16xf32>, vector<16xf32>, vector<16xf32>, vector<16xf32>, vector<16xf32>)  : i32 {
        %broadcast_in_dim3A_1250 = vector.broadcast %scan3A_1240 : i32 to vector<16x1xi32>
        %gather3A = vector.shape_cast %broadcast_in_dim3A_1250 : vector<16x1xi32> to vector<16xi32>
        %gather3A_1251 = tpu.dynamic_gather %get3A_641[%gather3A] in [0] : vector<16xf32>, vector<16xi32> -> vector<16xf32>
        %add3A_1252 = arith.constant 0 : i32
        %add3A_1253 = arith.addi %add3A_1252, %scan3A_1240 : i32
        %get3A_1254 = arith.constant 3 : i32
        %get3A_1255 = arith.index_cast %get3A_1254 : i32 to index
        %get3A_1256 = arith.index_cast %add3A_1253 : i32 to index
        %get3A_1257 = arith.constant 0 : index
        %get3A_1258 = tpu.vector_load %arg8[%get3A_1255, %get3A_1256, %get3A_1257] {strides = array<i32>} : memref<8x50x128xf32, #tpu.memory_space<vmem>>, vector<1x1x16xf32>,
        %get3A_1259 = vector.shape_cast %get3A_1258 : vector<1x1x16xf32> to vector<16xf32>
        %mul3A_1260 = arith.mulf %gather3A_1251, %get3A_1259 : vector<16xf32>
        %add3A_1261 = arith.addf %scan3A_1241, %mul3A_1260 : vector<16xf32>
        %get3A_1262 = arith.constant 3 : i32
        %get3A_1263 = arith.index_cast %get3A_1262 : i32 to index
        %get3A_1264 = arith.index_cast %add3A_1253 : i32 to index
        %get3A_1265 = arith.constant 16 : index
        %get3A_1266 = tpu.vector_load %arg8[%get3A_1263, %get3A_1264, %get3A_1265] {strides = array<i32>} : memref<8x50x128xf32, #tpu.memory_space<vmem>>, vector<1x1x16xf32>,
        %get3A_1267 = vector.shape_cast %get3A_1266 : vector<1x1x16xf32> to vector<16xf32>
        %mul3A_1268 = arith.mulf %gather3A_1251, %get3A_1267 : vector<16xf32>
        %add3A_1269 = arith.addf %scan3A_1242, %mul3A_1268 : vector<16xf32>
        %get3A_1270 = arith.constant 3 : i32
        %get3A_1271 = arith.index_cast %get3A_1270 : i32 to index
        %get3A_1272 = arith.index_cast %add3A_1253 : i32 to index
        %get3A_1273 = arith.constant 32 : index
        %get3A_1274 = tpu.vector_load %arg8[%get3A_1271, %get3A_1272, %get3A_1273] {strides = array<i32>} : memref<8x50x128xf32, #tpu.memory_space<vmem>>, vector<1x1x16xf32>,
        %get3A_1275 = vector.shape_cast %get3A_1274 : vector<1x1x16xf32> to vector<16xf32>
        %mul3A_1276 = arith.mulf %gather3A_1251, %get3A_1275 : vector<16xf32>
        %add3A_1277 = arith.addf %scan3A_1243, %mul3A_1276 : vector<16xf32>
        %get3A_1278 = arith.constant 3 : i32
        %get3A_1279 = arith.index_cast %get3A_1278 : i32 to index
        %get3A_1280 = arith.index_cast %add3A_1253 : i32 to index
        %get3A_1281 = arith.constant 48 : index
        %get3A_1282 = tpu.vector_load %arg8[%get3A_1279, %get3A_1280, %get3A_1281] {strides = array<i32>} : memref<8x50x128xf32, #tpu.memory_space<vmem>>, vector<1x1x16xf32>,
        %get3A_1283 = vector.shape_cast %get3A_1282 : vector<1x1x16xf32> to vector<16xf32>
        %mul3A_1284 = arith.mulf %gather3A_1251, %get3A_1283 : vector<16xf32>
        %add3A_1285 = arith.addf %scan3A_1244, %mul3A_1284 : vector<16xf32>
        %get3A_1286 = arith.constant 3 : i32
        %get3A_1287 = arith.index_cast %get3A_1286 : i32 to index
        %get3A_1288 = arith.index_cast %add3A_1253 : i32 to index
        %get3A_1289 = arith.constant 64 : index
        %get3A_1290 = tpu.vector_load %arg8[%get3A_1287, %get3A_1288, %get3A_1289] {strides = array<i32>} : memref<8x50x128xf32, #tpu.memory_space<vmem>>, vector<1x1x16xf32>,
        %get3A_1291 = vector.shape_cast %get3A_1290 : vector<1x1x16xf32> to vector<16xf32>
        %mul3A_1292 = arith.mulf %gather3A_1251, %get3A_1291 : vector<16xf32>
        %add3A_1293 = arith.addf %scan3A_1245, %mul3A_1292 : vector<16xf32>
        %get3A_1294 = arith.constant 3 : i32
        %get3A_1295 = arith.index_cast %get3A_1294 : i32 to index
        %get3A_1296 = arith.index_cast %add3A_1253 : i32 to index
        %get3A_1297 = arith.constant 80 : index
        %get3A_1298 = tpu.vector_load %arg8[%get3A_1295, %get3A_1296, %get3A_1297] {strides = array<i32>} : memref<8x50x128xf32, #tpu.memory_space<vmem>>, vector<1x1x16xf32>,
        %get3A_1299 = vector.shape_cast %get3A_1298 : vector<1x1x16xf32> to vector<16xf32>
        %mul3A_1300 = arith.mulf %gather3A_1251, %get3A_1299 : vector<16xf32>
        %add3A_1301 = arith.addf %scan3A_1246, %mul3A_1300 : vector<16xf32>
        %get3A_1302 = arith.constant 3 : i32
        %get3A_1303 = arith.index_cast %get3A_1302 : i32 to index
        %get3A_1304 = arith.index_cast %add3A_1253 : i32 to index
        %get3A_1305 = arith.constant 96 : index
        %get3A_1306 = tpu.vector_load %arg8[%get3A_1303, %get3A_1304, %get3A_1305] {strides = array<i32>} : memref<8x50x128xf32, #tpu.memory_space<vmem>>, vector<1x1x16xf32>,
        %get3A_1307 = vector.shape_cast %get3A_1306 : vector<1x1x16xf32> to vector<16xf32>
        %mul3A_1308 = arith.mulf %gather3A_1251, %get3A_1307 : vector<16xf32>
        %add3A_1309 = arith.addf %scan3A_1247, %mul3A_1308 : vector<16xf32>
        %get3A_1310 = arith.constant 3 : i32
        %get3A_1311 = arith.index_cast %get3A_1310 : i32 to index
        %get3A_1312 = arith.index_cast %add3A_1253 : i32 to index
        %get3A_1313 = arith.constant 112 : index
        %get3A_1314 = tpu.vector_load %arg8[%get3A_1311, %get3A_1312, %get3A_1313] {strides = array<i32>} : memref<8x50x128xf32, #tpu.memory_space<vmem>>, vector<1x1x16xf32>,
        %get3A_1315 = vector.shape_cast %get3A_1314 : vector<1x1x16xf32> to vector<16xf32>
        %mul3A_1316 = arith.mulf %gather3A_1251, %get3A_1315 : vector<16xf32>
        %add3A_1317 = arith.addf %scan3A_1248, %mul3A_1316 : vector<16xf32>
        %add3A_1318 = arith.addf %scan3A_1249, %gather3A_1251 : vector<16xf32>
        scf.yield %add3A_1261, %add3A_1269, %add3A_1277, %add3A_1285, %add3A_1293, %add3A_1301, %add3A_1309, %add3A_1317, %add3A_1318 : vector<16xf32>, vector<16xf32>, vector<16xf32>, vector<16xf32>, vector<16xf32>, vector<16xf32>, vector<16xf32>, vector<16xf32>, vector<16xf32>
      }
      %scan3A_647 = arith.constant 16 : i32
      %get3A_648 = arith.index_cast %add3A_619 : i32 to index
      %get3A_649 = arith.constant 16 : index
      %get3A_650 = tpu.vector_load %arg7[%get3A_648, %get3A_649] {strides = array<i32>} : memref<128x64xf32, #tpu.memory_space<vmem>>, vector<1x16xf32>,
      %get3A_651 = vector.shape_cast %get3A_650 : vector<1x16xf32> to vector<16xf32>
      %scan3A_652 = arith.constant 0 : i32
      %scan3A_653 = arith.constant 16 : i32
      %scan3A_654 = arith.addi %scan3A_652, %scan3A_653 : i32
      %scan3A_655 = arith.constant 1 : i32
      %scan3A_656:9 = scf.for %scan3A_1240 = %scan3A_652 to %scan3A_654 step %scan3A_655 iter_args(%scan3A_1241 = %scan3A_646#0, %scan3A_1242 = %scan3A_646#1, %scan3A_1243 = %scan3A_646#2, %scan3A_1244 = %scan3A_646#3, %scan3A_1245 = %scan3A_646#4, %scan3A_1246 = %scan3A_646#5, %scan3A_1247 = %scan3A_646#6, %scan3A_1248 = %scan3A_646#7, %scan3A_1249 = %scan3A_646#8) -> (vector<16xf32>, vector<16xf32>, vector<16xf32>, vector<16xf32>, vector<16xf32>, vector<16xf32>, vector<16xf32>, vector<16xf32>, vector<16xf32>)  : i32 {
        %broadcast_in_dim3A_1250 = vector.broadcast %scan3A_1240 : i32 to vector<16x1xi32>
        %gather3A = vector.shape_cast %broadcast_in_dim3A_1250 : vector<16x1xi32> to vector<16xi32>
        %gather3A_1251 = tpu.dynamic_gather %get3A_651[%gather3A] in [0] : vector<16xf32>, vector<16xi32> -> vector<16xf32>
        %add3A_1252 = arith.constant 16 : i32
        %add3A_1253 = arith.addi %add3A_1252, %scan3A_1240 : i32
        %get3A_1254 = arith.constant 3 : i32
        %get3A_1255 = arith.index_cast %get3A_1254 : i32 to index
        %get3A_1256 = arith.index_cast %add3A_1253 : i32 to index
        %get3A_1257 = arith.constant 0 : index
        %get3A_1258 = tpu.vector_load %arg8[%get3A_1255, %get3A_1256, %get3A_1257] {strides = array<i32>} : memref<8x50x128xf32, #tpu.memory_space<vmem>>, vector<1x1x16xf32>,
        %get3A_1259 = vector.shape_cast %get3A_1258 : vector<1x1x16xf32> to vector<16xf32>
        %mul3A_1260 = arith.mulf %gather3A_1251, %get3A_1259 : vector<16xf32>
        %add3A_1261 = arith.addf %scan3A_1241, %mul3A_1260 : vector<16xf32>
        %get3A_1262 = arith.constant 3 : i32
        %get3A_1263 = arith.index_cast %get3A_1262 : i32 to index
        %get3A_1264 = arith.index_cast %add3A_1253 : i32 to index
        %get3A_1265 = arith.constant 16 : index
        %get3A_1266 = tpu.vector_load %arg8[%get3A_1263, %get3A_1264, %get3A_1265] {strides = array<i32>} : memref<8x50x128xf32, #tpu.memory_space<vmem>>, vector<1x1x16xf32>,
        %get3A_1267 = vector.shape_cast %get3A_1266 : vector<1x1x16xf32> to vector<16xf32>
        %mul3A_1268 = arith.mulf %gather3A_1251, %get3A_1267 : vector<16xf32>
        %add3A_1269 = arith.addf %scan3A_1242, %mul3A_1268 : vector<16xf32>
        %get3A_1270 = arith.constant 3 : i32
        %get3A_1271 = arith.index_cast %get3A_1270 : i32 to index
        %get3A_1272 = arith.index_cast %add3A_1253 : i32 to index
        %get3A_1273 = arith.constant 32 : index
        %get3A_1274 = tpu.vector_load %arg8[%get3A_1271, %get3A_1272, %get3A_1273] {strides = array<i32>} : memref<8x50x128xf32, #tpu.memory_space<vmem>>, vector<1x1x16xf32>,
        %get3A_1275 = vector.shape_cast %get3A_1274 : vector<1x1x16xf32> to vector<16xf32>
        %mul3A_1276 = arith.mulf %gather3A_1251, %get3A_1275 : vector<16xf32>
        %add3A_1277 = arith.addf %scan3A_1243, %mul3A_1276 : vector<16xf32>
        %get3A_1278 = arith.constant 3 : i32
        %get3A_1279 = arith.index_cast %get3A_1278 : i32 to index
        %get3A_1280 = arith.index_cast %add3A_1253 : i32 to index
        %get3A_1281 = arith.constant 48 : index
        %get3A_1282 = tpu.vector_load %arg8[%get3A_1279, %get3A_1280, %get3A_1281] {strides = array<i32>} : memref<8x50x128xf32, #tpu.memory_space<vmem>>, vector<1x1x16xf32>,
        %get3A_1283 = vector.shape_cast %get3A_1282 : vector<1x1x16xf32> to vector<16xf32>
        %mul3A_1284 = arith.mulf %gather3A_1251, %get3A_1283 : vector<16xf32>
        %add3A_1285 = arith.addf %scan3A_1244, %mul3A_1284 : vector<16xf32>
        %get3A_1286 = arith.constant 3 : i32
        %get3A_1287 = arith.index_cast %get3A_1286 : i32 to index
        %get3A_1288 = arith.index_cast %add3A_1253 : i32 to index
        %get3A_1289 = arith.constant 64 : index
        %get3A_1290 = tpu.vector_load %arg8[%get3A_1287, %get3A_1288, %get3A_1289] {strides = array<i32>} : memref<8x50x128xf32, #tpu.memory_space<vmem>>, vector<1x1x16xf32>,
        %get3A_1291 = vector.shape_cast %get3A_1290 : vector<1x1x16xf32> to vector<16xf32>
        %mul3A_1292 = arith.mulf %gather3A_1251, %get3A_1291 : vector<16xf32>
        %add3A_1293 = arith.addf %scan3A_1245, %mul3A_1292 : vector<16xf32>
        %get3A_1294 = arith.constant 3 : i32
        %get3A_1295 = arith.index_cast %get3A_1294 : i32 to index
        %get3A_1296 = arith.index_cast %add3A_1253 : i32 to index
        %get3A_1297 = arith.constant 80 : index
        %get3A_1298 = tpu.vector_load %arg8[%get3A_1295, %get3A_1296, %get3A_1297] {strides = array<i32>} : memref<8x50x128xf32, #tpu.memory_space<vmem>>, vector<1x1x16xf32>,
        %get3A_1299 = vector.shape_cast %get3A_1298 : vector<1x1x16xf32> to vector<16xf32>
        %mul3A_1300 = arith.mulf %gather3A_1251, %get3A_1299 : vector<16xf32>
        %add3A_1301 = arith.addf %scan3A_1246, %mul3A_1300 : vector<16xf32>
        %get3A_1302 = arith.constant 3 : i32
        %get3A_1303 = arith.index_cast %get3A_1302 : i32 to index
        %get3A_1304 = arith.index_cast %add3A_1253 : i32 to index
        %get3A_1305 = arith.constant 96 : index
        %get3A_1306 = tpu.vector_load %arg8[%get3A_1303, %get3A_1304, %get3A_1305] {strides = array<i32>} : memref<8x50x128xf32, #tpu.memory_space<vmem>>, vector<1x1x16xf32>,
        %get3A_1307 = vector.shape_cast %get3A_1306 : vector<1x1x16xf32> to vector<16xf32>
        %mul3A_1308 = arith.mulf %gather3A_1251, %get3A_1307 : vector<16xf32>
        %add3A_1309 = arith.addf %scan3A_1247, %mul3A_1308 : vector<16xf32>
        %get3A_1310 = arith.constant 3 : i32
        %get3A_1311 = arith.index_cast %get3A_1310 : i32 to index
        %get3A_1312 = arith.index_cast %add3A_1253 : i32 to index
        %get3A_1313 = arith.constant 112 : index
        %get3A_1314 = tpu.vector_load %arg8[%get3A_1311, %get3A_1312, %get3A_1313] {strides = array<i32>} : memref<8x50x128xf32, #tpu.memory_space<vmem>>, vector<1x1x16xf32>,
        %get3A_1315 = vector.shape_cast %get3A_1314 : vector<1x1x16xf32> to vector<16xf32>
        %mul3A_1316 = arith.mulf %gather3A_1251, %get3A_1315 : vector<16xf32>
        %add3A_1317 = arith.addf %scan3A_1248, %mul3A_1316 : vector<16xf32>
        %add3A_1318 = arith.addf %scan3A_1249, %gather3A_1251 : vector<16xf32>
        scf.yield %add3A_1261, %add3A_1269, %add3A_1277, %add3A_1285, %add3A_1293, %add3A_1301, %add3A_1309, %add3A_1317, %add3A_1318 : vector<16xf32>, vector<16xf32>, vector<16xf32>, vector<16xf32>, vector<16xf32>, vector<16xf32>, vector<16xf32>, vector<16xf32>, vector<16xf32>
      }
      %scan3A_657 = arith.constant 16 : i32
      %get3A_658 = arith.index_cast %add3A_619 : i32 to index
      %get3A_659 = arith.constant 32 : index
      %get3A_660 = tpu.vector_load %arg7[%get3A_658, %get3A_659] {strides = array<i32>} : memref<128x64xf32, #tpu.memory_space<vmem>>, vector<1x16xf32>,
      %get3A_661 = vector.shape_cast %get3A_660 : vector<1x16xf32> to vector<16xf32>
      %scan3A_662 = arith.constant 0 : i32
      %scan3A_663 = arith.constant 16 : i32
      %scan3A_664 = arith.addi %scan3A_662, %scan3A_663 : i32
      %scan3A_665 = arith.constant 1 : i32
      %scan3A_666:9 = scf.for %scan3A_1240 = %scan3A_662 to %scan3A_664 step %scan3A_665 iter_args(%scan3A_1241 = %scan3A_656#0, %scan3A_1242 = %scan3A_656#1, %scan3A_1243 = %scan3A_656#2, %scan3A_1244 = %scan3A_656#3, %scan3A_1245 = %scan3A_656#4, %scan3A_1246 = %scan3A_656#5, %scan3A_1247 = %scan3A_656#6, %scan3A_1248 = %scan3A_656#7, %scan3A_1249 = %scan3A_656#8) -> (vector<16xf32>, vector<16xf32>, vector<16xf32>, vector<16xf32>, vector<16xf32>, vector<16xf32>, vector<16xf32>, vector<16xf32>, vector<16xf32>)  : i32 {
        %broadcast_in_dim3A_1250 = vector.broadcast %scan3A_1240 : i32 to vector<16x1xi32>
        %gather3A = vector.shape_cast %broadcast_in_dim3A_1250 : vector<16x1xi32> to vector<16xi32>
        %gather3A_1251 = tpu.dynamic_gather %get3A_661[%gather3A] in [0] : vector<16xf32>, vector<16xi32> -> vector<16xf32>
        %add3A_1252 = arith.constant 32 : i32
        %add3A_1253 = arith.addi %add3A_1252, %scan3A_1240 : i32
        %get3A_1254 = arith.constant 3 : i32
        %get3A_1255 = arith.index_cast %get3A_1254 : i32 to index
        %get3A_1256 = arith.index_cast %add3A_1253 : i32 to index
        %get3A_1257 = arith.constant 0 : index
        %get3A_1258 = tpu.vector_load %arg8[%get3A_1255, %get3A_1256, %get3A_1257] {strides = array<i32>} : memref<8x50x128xf32, #tpu.memory_space<vmem>>, vector<1x1x16xf32>,
        %get3A_1259 = vector.shape_cast %get3A_1258 : vector<1x1x16xf32> to vector<16xf32>
        %mul3A_1260 = arith.mulf %gather3A_1251, %get3A_1259 : vector<16xf32>
        %add3A_1261 = arith.addf %scan3A_1241, %mul3A_1260 : vector<16xf32>
        %get3A_1262 = arith.constant 3 : i32
        %get3A_1263 = arith.index_cast %get3A_1262 : i32 to index
        %get3A_1264 = arith.index_cast %add3A_1253 : i32 to index
        %get3A_1265 = arith.constant 16 : index
        %get3A_1266 = tpu.vector_load %arg8[%get3A_1263, %get3A_1264, %get3A_1265] {strides = array<i32>} : memref<8x50x128xf32, #tpu.memory_space<vmem>>, vector<1x1x16xf32>,
        %get3A_1267 = vector.shape_cast %get3A_1266 : vector<1x1x16xf32> to vector<16xf32>
        %mul3A_1268 = arith.mulf %gather3A_1251, %get3A_1267 : vector<16xf32>
        %add3A_1269 = arith.addf %scan3A_1242, %mul3A_1268 : vector<16xf32>
        %get3A_1270 = arith.constant 3 : i32
        %get3A_1271 = arith.index_cast %get3A_1270 : i32 to index
        %get3A_1272 = arith.index_cast %add3A_1253 : i32 to index
        %get3A_1273 = arith.constant 32 : index
        %get3A_1274 = tpu.vector_load %arg8[%get3A_1271, %get3A_1272, %get3A_1273] {strides = array<i32>} : memref<8x50x128xf32, #tpu.memory_space<vmem>>, vector<1x1x16xf32>,
        %get3A_1275 = vector.shape_cast %get3A_1274 : vector<1x1x16xf32> to vector<16xf32>
        %mul3A_1276 = arith.mulf %gather3A_1251, %get3A_1275 : vector<16xf32>
        %add3A_1277 = arith.addf %scan3A_1243, %mul3A_1276 : vector<16xf32>
        %get3A_1278 = arith.constant 3 : i32
        %get3A_1279 = arith.index_cast %get3A_1278 : i32 to index
        %get3A_1280 = arith.index_cast %add3A_1253 : i32 to index
        %get3A_1281 = arith.constant 48 : index
        %get3A_1282 = tpu.vector_load %arg8[%get3A_1279, %get3A_1280, %get3A_1281] {strides = array<i32>} : memref<8x50x128xf32, #tpu.memory_space<vmem>>, vector<1x1x16xf32>,
        %get3A_1283 = vector.shape_cast %get3A_1282 : vector<1x1x16xf32> to vector<16xf32>
        %mul3A_1284 = arith.mulf %gather3A_1251, %get3A_1283 : vector<16xf32>
        %add3A_1285 = arith.addf %scan3A_1244, %mul3A_1284 : vector<16xf32>
        %get3A_1286 = arith.constant 3 : i32
        %get3A_1287 = arith.index_cast %get3A_1286 : i32 to index
        %get3A_1288 = arith.index_cast %add3A_1253 : i32 to index
        %get3A_1289 = arith.constant 64 : index
        %get3A_1290 = tpu.vector_load %arg8[%get3A_1287, %get3A_1288, %get3A_1289] {strides = array<i32>} : memref<8x50x128xf32, #tpu.memory_space<vmem>>, vector<1x1x16xf32>,
        %get3A_1291 = vector.shape_cast %get3A_1290 : vector<1x1x16xf32> to vector<16xf32>
        %mul3A_1292 = arith.mulf %gather3A_1251, %get3A_1291 : vector<16xf32>
        %add3A_1293 = arith.addf %scan3A_1245, %mul3A_1292 : vector<16xf32>
        %get3A_1294 = arith.constant 3 : i32
        %get3A_1295 = arith.index_cast %get3A_1294 : i32 to index
        %get3A_1296 = arith.index_cast %add3A_1253 : i32 to index
        %get3A_1297 = arith.constant 80 : index
        %get3A_1298 = tpu.vector_load %arg8[%get3A_1295, %get3A_1296, %get3A_1297] {strides = array<i32>} : memref<8x50x128xf32, #tpu.memory_space<vmem>>, vector<1x1x16xf32>,
        %get3A_1299 = vector.shape_cast %get3A_1298 : vector<1x1x16xf32> to vector<16xf32>
        %mul3A_1300 = arith.mulf %gather3A_1251, %get3A_1299 : vector<16xf32>
        %add3A_1301 = arith.addf %scan3A_1246, %mul3A_1300 : vector<16xf32>
        %get3A_1302 = arith.constant 3 : i32
        %get3A_1303 = arith.index_cast %get3A_1302 : i32 to index
        %get3A_1304 = arith.index_cast %add3A_1253 : i32 to index
        %get3A_1305 = arith.constant 96 : index
        %get3A_1306 = tpu.vector_load %arg8[%get3A_1303, %get3A_1304, %get3A_1305] {strides = array<i32>} : memref<8x50x128xf32, #tpu.memory_space<vmem>>, vector<1x1x16xf32>,
        %get3A_1307 = vector.shape_cast %get3A_1306 : vector<1x1x16xf32> to vector<16xf32>
        %mul3A_1308 = arith.mulf %gather3A_1251, %get3A_1307 : vector<16xf32>
        %add3A_1309 = arith.addf %scan3A_1247, %mul3A_1308 : vector<16xf32>
        %get3A_1310 = arith.constant 3 : i32
        %get3A_1311 = arith.index_cast %get3A_1310 : i32 to index
        %get3A_1312 = arith.index_cast %add3A_1253 : i32 to index
        %get3A_1313 = arith.constant 112 : index
        %get3A_1314 = tpu.vector_load %arg8[%get3A_1311, %get3A_1312, %get3A_1313] {strides = array<i32>} : memref<8x50x128xf32, #tpu.memory_space<vmem>>, vector<1x1x16xf32>,
        %get3A_1315 = vector.shape_cast %get3A_1314 : vector<1x1x16xf32> to vector<16xf32>
        %mul3A_1316 = arith.mulf %gather3A_1251, %get3A_1315 : vector<16xf32>
        %add3A_1317 = arith.addf %scan3A_1248, %mul3A_1316 : vector<16xf32>
        %add3A_1318 = arith.addf %scan3A_1249, %gather3A_1251 : vector<16xf32>
        scf.yield %add3A_1261, %add3A_1269, %add3A_1277, %add3A_1285, %add3A_1293, %add3A_1301, %add3A_1309, %add3A_1317, %add3A_1318 : vector<16xf32>, vector<16xf32>, vector<16xf32>, vector<16xf32>, vector<16xf32>, vector<16xf32>, vector<16xf32>, vector<16xf32>, vector<16xf32>
      }
      %scan3A_667 = arith.constant 16 : i32
      %get3A_668 = arith.index_cast %add3A_619 : i32 to index
      %get3A_669 = arith.constant 48 : index
      %get3A_670 = tpu.vector_load %arg7[%get3A_668, %get3A_669] {strides = array<i32>} : memref<128x64xf32, #tpu.memory_space<vmem>>, vector<1x16xf32>,
      %get3A_671 = vector.shape_cast %get3A_670 : vector<1x16xf32> to vector<16xf32>
      %scan3A_672 = arith.constant 0 : i32
      %scan3A_673 = arith.constant 2 : i32
      %scan3A_674 = arith.addi %scan3A_672, %scan3A_673 : i32
      %scan3A_675 = arith.constant 1 : i32
      %scan3A_676:9 = scf.for %scan3A_1240 = %scan3A_672 to %scan3A_674 step %scan3A_675 iter_args(%scan3A_1241 = %scan3A_666#0, %scan3A_1242 = %scan3A_666#1, %scan3A_1243 = %scan3A_666#2, %scan3A_1244 = %scan3A_666#3, %scan3A_1245 = %scan3A_666#4, %scan3A_1246 = %scan3A_666#5, %scan3A_1247 = %scan3A_666#6, %scan3A_1248 = %scan3A_666#7, %scan3A_1249 = %scan3A_666#8) -> (vector<16xf32>, vector<16xf32>, vector<16xf32>, vector<16xf32>, vector<16xf32>, vector<16xf32>, vector<16xf32>, vector<16xf32>, vector<16xf32>)  : i32 {
        %broadcast_in_dim3A_1250 = vector.broadcast %scan3A_1240 : i32 to vector<16x1xi32>
        %gather3A = vector.shape_cast %broadcast_in_dim3A_1250 : vector<16x1xi32> to vector<16xi32>
        %gather3A_1251 = tpu.dynamic_gather %get3A_671[%gather3A] in [0] : vector<16xf32>, vector<16xi32> -> vector<16xf32>
        %add3A_1252 = arith.constant 48 : i32
        %add3A_1253 = arith.addi %add3A_1252, %scan3A_1240 : i32
        %get3A_1254 = arith.constant 3 : i32
        %get3A_1255 = arith.index_cast %get3A_1254 : i32 to index
        %get3A_1256 = arith.index_cast %add3A_1253 : i32 to index
        %get3A_1257 = arith.constant 0 : index
        %get3A_1258 = tpu.vector_load %arg8[%get3A_1255, %get3A_1256, %get3A_1257] {strides = array<i32>} : memref<8x50x128xf32, #tpu.memory_space<vmem>>, vector<1x1x16xf32>,
        %get3A_1259 = vector.shape_cast %get3A_1258 : vector<1x1x16xf32> to vector<16xf32>
        %mul3A_1260 = arith.mulf %gather3A_1251, %get3A_1259 : vector<16xf32>
        %add3A_1261 = arith.addf %scan3A_1241, %mul3A_1260 : vector<16xf32>
        %get3A_1262 = arith.constant 3 : i32
        %get3A_1263 = arith.index_cast %get3A_1262 : i32 to index
        %get3A_1264 = arith.index_cast %add3A_1253 : i32 to index
        %get3A_1265 = arith.constant 16 : index
        %get3A_1266 = tpu.vector_load %arg8[%get3A_1263, %get3A_1264, %get3A_1265] {strides = array<i32>} : memref<8x50x128xf32, #tpu.memory_space<vmem>>, vector<1x1x16xf32>,
        %get3A_1267 = vector.shape_cast %get3A_1266 : vector<1x1x16xf32> to vector<16xf32>
        %mul3A_1268 = arith.mulf %gather3A_1251, %get3A_1267 : vector<16xf32>
        %add3A_1269 = arith.addf %scan3A_1242, %mul3A_1268 : vector<16xf32>
        %get3A_1270 = arith.constant 3 : i32
        %get3A_1271 = arith.index_cast %get3A_1270 : i32 to index
        %get3A_1272 = arith.index_cast %add3A_1253 : i32 to index
        %get3A_1273 = arith.constant 32 : index
        %get3A_1274 = tpu.vector_load %arg8[%get3A_1271, %get3A_1272, %get3A_1273] {strides = array<i32>} : memref<8x50x128xf32, #tpu.memory_space<vmem>>, vector<1x1x16xf32>,
        %get3A_1275 = vector.shape_cast %get3A_1274 : vector<1x1x16xf32> to vector<16xf32>
        %mul3A_1276 = arith.mulf %gather3A_1251, %get3A_1275 : vector<16xf32>
        %add3A_1277 = arith.addf %scan3A_1243, %mul3A_1276 : vector<16xf32>
        %get3A_1278 = arith.constant 3 : i32
        %get3A_1279 = arith.index_cast %get3A_1278 : i32 to index
        %get3A_1280 = arith.index_cast %add3A_1253 : i32 to index
        %get3A_1281 = arith.constant 48 : index
        %get3A_1282 = tpu.vector_load %arg8[%get3A_1279, %get3A_1280, %get3A_1281] {strides = array<i32>} : memref<8x50x128xf32, #tpu.memory_space<vmem>>, vector<1x1x16xf32>,
        %get3A_1283 = vector.shape_cast %get3A_1282 : vector<1x1x16xf32> to vector<16xf32>
        %mul3A_1284 = arith.mulf %gather3A_1251, %get3A_1283 : vector<16xf32>
        %add3A_1285 = arith.addf %scan3A_1244, %mul3A_1284 : vector<16xf32>
        %get3A_1286 = arith.constant 3 : i32
        %get3A_1287 = arith.index_cast %get3A_1286 : i32 to index
        %get3A_1288 = arith.index_cast %add3A_1253 : i32 to index
        %get3A_1289 = arith.constant 64 : index
        %get3A_1290 = tpu.vector_load %arg8[%get3A_1287, %get3A_1288, %get3A_1289] {strides = array<i32>} : memref<8x50x128xf32, #tpu.memory_space<vmem>>, vector<1x1x16xf32>,
        %get3A_1291 = vector.shape_cast %get3A_1290 : vector<1x1x16xf32> to vector<16xf32>
        %mul3A_1292 = arith.mulf %gather3A_1251, %get3A_1291 : vector<16xf32>
        %add3A_1293 = arith.addf %scan3A_1245, %mul3A_1292 : vector<16xf32>
        %get3A_1294 = arith.constant 3 : i32
        %get3A_1295 = arith.index_cast %get3A_1294 : i32 to index
        %get3A_1296 = arith.index_cast %add3A_1253 : i32 to index
        %get3A_1297 = arith.constant 80 : index
        %get3A_1298 = tpu.vector_load %arg8[%get3A_1295, %get3A_1296, %get3A_1297] {strides = array<i32>} : memref<8x50x128xf32, #tpu.memory_space<vmem>>, vector<1x1x16xf32>,
        %get3A_1299 = vector.shape_cast %get3A_1298 : vector<1x1x16xf32> to vector<16xf32>
        %mul3A_1300 = arith.mulf %gather3A_1251, %get3A_1299 : vector<16xf32>
        %add3A_1301 = arith.addf %scan3A_1246, %mul3A_1300 : vector<16xf32>
        %get3A_1302 = arith.constant 3 : i32
        %get3A_1303 = arith.index_cast %get3A_1302 : i32 to index
        %get3A_1304 = arith.index_cast %add3A_1253 : i32 to index
        %get3A_1305 = arith.constant 96 : index
        %get3A_1306 = tpu.vector_load %arg8[%get3A_1303, %get3A_1304, %get3A_1305] {strides = array<i32>} : memref<8x50x128xf32, #tpu.memory_space<vmem>>, vector<1x1x16xf32>,
        %get3A_1307 = vector.shape_cast %get3A_1306 : vector<1x1x16xf32> to vector<16xf32>
        %mul3A_1308 = arith.mulf %gather3A_1251, %get3A_1307 : vector<16xf32>
        %add3A_1309 = arith.addf %scan3A_1247, %mul3A_1308 : vector<16xf32>
        %get3A_1310 = arith.constant 3 : i32
        %get3A_1311 = arith.index_cast %get3A_1310 : i32 to index
        %get3A_1312 = arith.index_cast %add3A_1253 : i32 to index
        %get3A_1313 = arith.constant 112 : index
        %get3A_1314 = tpu.vector_load %arg8[%get3A_1311, %get3A_1312, %get3A_1313] {strides = array<i32>} : memref<8x50x128xf32, #tpu.memory_space<vmem>>, vector<1x1x16xf32>,
        %get3A_1315 = vector.shape_cast %get3A_1314 : vector<1x1x16xf32> to vector<16xf32>
        %mul3A_1316 = arith.mulf %gather3A_1251, %get3A_1315 : vector<16xf32>
        %add3A_1317 = arith.addf %scan3A_1248, %mul3A_1316 : vector<16xf32>
        %add3A_1318 = arith.addf %scan3A_1249, %gather3A_1251 : vector<16xf32>
        scf.yield %add3A_1261, %add3A_1269, %add3A_1277, %add3A_1285, %add3A_1293, %add3A_1301, %add3A_1309, %add3A_1317, %add3A_1318 : vector<16xf32>, vector<16xf32>, vector<16xf32>, vector<16xf32>, vector<16xf32>, vector<16xf32>, vector<16xf32>, vector<16xf32>, vector<16xf32>
      }
      %scan3A_677 = arith.constant 2 : i32
      %max3A_678 = arith.constant 9.99999971E-10 : f32
      %max3A_679 = vector.broadcast %max3A_678 : f32 to vector<16xf32>
      %max3A_680 = arith.maximumf %scan3A_676#8, %max3A_679 : vector<16xf32>
      %div3A_681 = arith.constant 1.000000e+00 : f32
      %div3A_682 = vector.broadcast %div3A_681 : f32 to vector<16xf32>
      %div3A_683 = arith.divf %div3A_682, %max3A_680 : vector<16xf32>
      %mul3A_684 = arith.mulf %scan3A_676#0, %div3A_683 : vector<16xf32>
      %swap3A_685 = arith.constant 3 : i32
      %swap3A_686 = arith.index_cast %swap3A_685 : i32 to index
      %swap3A_687 = arith.constant 0 : index
      %swap3A_688 = tpu.vector_load %arg9[%swap3A_686, %swap3A_687] {strides = array<i32>} : memref<8x128xf32, #tpu.memory_space<vmem>>, vector<1x16xf32>,
      %swap3A_689 = vector.shape_cast %swap3A_688 : vector<1x16xf32> to vector<16xf32>
      %swap3A_690 = vector.shape_cast %mul3A_684 : vector<16xf32> to vector<1x16xf32>
      tpu.vector_store %arg9[%swap3A_686, %swap3A_687], %swap3A_690 {strides = array<i32>} : memref<8x128xf32, #tpu.memory_space<vmem>>, vector<1x16xf32>,
      %mul3A_691 = arith.mulf %scan3A_676#1, %div3A_683 : vector<16xf32>
      %swap3A_692 = arith.constant 3 : i32
      %swap3A_693 = arith.index_cast %swap3A_692 : i32 to index
      %swap3A_694 = arith.constant 16 : index
      %swap3A_695 = tpu.vector_load %arg9[%swap3A_693, %swap3A_694] {strides = array<i32>} : memref<8x128xf32, #tpu.memory_space<vmem>>, vector<1x16xf32>,
      %swap3A_696 = vector.shape_cast %swap3A_695 : vector<1x16xf32> to vector<16xf32>
      %swap3A_697 = vector.shape_cast %mul3A_691 : vector<16xf32> to vector<1x16xf32>
      tpu.vector_store %arg9[%swap3A_693, %swap3A_694], %swap3A_697 {strides = array<i32>} : memref<8x128xf32, #tpu.memory_space<vmem>>, vector<1x16xf32>,
      %mul3A_698 = arith.mulf %scan3A_676#2, %div3A_683 : vector<16xf32>
      %swap3A_699 = arith.constant 3 : i32
      %swap3A_700 = arith.index_cast %swap3A_699 : i32 to index
      %swap3A_701 = arith.constant 32 : index
      %swap3A_702 = tpu.vector_load %arg9[%swap3A_700, %swap3A_701] {strides = array<i32>} : memref<8x128xf32, #tpu.memory_space<vmem>>, vector<1x16xf32>,
      %swap3A_703 = vector.shape_cast %swap3A_702 : vector<1x16xf32> to vector<16xf32>
      %swap3A_704 = vector.shape_cast %mul3A_698 : vector<16xf32> to vector<1x16xf32>
      tpu.vector_store %arg9[%swap3A_700, %swap3A_701], %swap3A_704 {strides = array<i32>} : memref<8x128xf32, #tpu.memory_space<vmem>>, vector<1x16xf32>,
      %mul3A_705 = arith.mulf %scan3A_676#3, %div3A_683 : vector<16xf32>
      %swap3A_706 = arith.constant 3 : i32
      %swap3A_707 = arith.index_cast %swap3A_706 : i32 to index
      %swap3A_708 = arith.constant 48 : index
      %swap3A_709 = tpu.vector_load %arg9[%swap3A_707, %swap3A_708] {strides = array<i32>} : memref<8x128xf32, #tpu.memory_space<vmem>>, vector<1x16xf32>,
      %swap3A_710 = vector.shape_cast %swap3A_709 : vector<1x16xf32> to vector<16xf32>
      %swap3A_711 = vector.shape_cast %mul3A_705 : vector<16xf32> to vector<1x16xf32>
      tpu.vector_store %arg9[%swap3A_707, %swap3A_708], %swap3A_711 {strides = array<i32>} : memref<8x128xf32, #tpu.memory_space<vmem>>, vector<1x16xf32>,
      %mul3A_712 = arith.mulf %scan3A_676#4, %div3A_683 : vector<16xf32>
      %swap3A_713 = arith.constant 3 : i32
      %swap3A_714 = arith.index_cast %swap3A_713 : i32 to index
      %swap3A_715 = arith.constant 64 : index
      %swap3A_716 = tpu.vector_load %arg9[%swap3A_714, %swap3A_715] {strides = array<i32>} : memref<8x128xf32, #tpu.memory_space<vmem>>, vector<1x16xf32>,
      %swap3A_717 = vector.shape_cast %swap3A_716 : vector<1x16xf32> to vector<16xf32>
      %swap3A_718 = vector.shape_cast %mul3A_712 : vector<16xf32> to vector<1x16xf32>
      tpu.vector_store %arg9[%swap3A_714, %swap3A_715], %swap3A_718 {strides = array<i32>} : memref<8x128xf32, #tpu.memory_space<vmem>>, vector<1x16xf32>,
      %mul3A_719 = arith.mulf %scan3A_676#5, %div3A_683 : vector<16xf32>
      %swap3A_720 = arith.constant 3 : i32
      %swap3A_721 = arith.index_cast %swap3A_720 : i32 to index
      %swap3A_722 = arith.constant 80 : index
      %swap3A_723 = tpu.vector_load %arg9[%swap3A_721, %swap3A_722] {strides = array<i32>} : memref<8x128xf32, #tpu.memory_space<vmem>>, vector<1x16xf32>,
      %swap3A_724 = vector.shape_cast %swap3A_723 : vector<1x16xf32> to vector<16xf32>
      %swap3A_725 = vector.shape_cast %mul3A_719 : vector<16xf32> to vector<1x16xf32>
      tpu.vector_store %arg9[%swap3A_721, %swap3A_722], %swap3A_725 {strides = array<i32>} : memref<8x128xf32, #tpu.memory_space<vmem>>, vector<1x16xf32>,
      %mul3A_726 = arith.mulf %scan3A_676#6, %div3A_683 : vector<16xf32>
      %swap3A_727 = arith.constant 3 : i32
      %swap3A_728 = arith.index_cast %swap3A_727 : i32 to index
      %swap3A_729 = arith.constant 96 : index
      %swap3A_730 = tpu.vector_load %arg9[%swap3A_728, %swap3A_729] {strides = array<i32>} : memref<8x128xf32, #tpu.memory_space<vmem>>, vector<1x16xf32>,
      %swap3A_731 = vector.shape_cast %swap3A_730 : vector<1x16xf32> to vector<16xf32>
      %swap3A_732 = vector.shape_cast %mul3A_726 : vector<16xf32> to vector<1x16xf32>
      tpu.vector_store %arg9[%swap3A_728, %swap3A_729], %swap3A_732 {strides = array<i32>} : memref<8x128xf32, #tpu.memory_space<vmem>>, vector<1x16xf32>,
      %mul3A_733 = arith.mulf %scan3A_676#7, %div3A_683 : vector<16xf32>
      %swap3A_734 = arith.constant 3 : i32
      %swap3A_735 = arith.index_cast %swap3A_734 : i32 to index
      %swap3A_736 = arith.constant 112 : index
      %swap3A_737 = tpu.vector_load %arg9[%swap3A_735, %swap3A_736] {strides = array<i32>} : memref<8x128xf32, #tpu.memory_space<vmem>>, vector<1x16xf32>,
      %swap3A_738 = vector.shape_cast %swap3A_737 : vector<1x16xf32> to vector<16xf32>
      %swap3A_739 = vector.shape_cast %mul3A_733 : vector<16xf32> to vector<1x16xf32>
      tpu.vector_store %arg9[%swap3A_735, %swap3A_736], %swap3A_739 {strides = array<i32>} : memref<8x128xf32, #tpu.memory_space<vmem>>, vector<1x16xf32>,
      %mul3A_740 = arith.constant 8 : i32
      %mul3A_741 = arith.muli %scan3A_9, %mul3A_740 : i32
      %add3A_742 = arith.constant 4 : i32
      %add3A_743 = arith.addi %mul3A_741, %add3A_742 : i32
      %broadcast_in_dim3A_744 = arith.constant 0.000000e+00 : f32
      %broadcast_in_dim3A_745 = vector.broadcast %broadcast_in_dim3A_744 : f32 to vector<16xf32>
      %broadcast_in_dim3A_746 = arith.constant 0.000000e+00 : f32
      %broadcast_in_dim3A_747 = vector.broadcast %broadcast_in_dim3A_746 : f32 to vector<16xf32>
      %broadcast_in_dim3A_748 = arith.constant 0.000000e+00 : f32
      %broadcast_in_dim3A_749 = vector.broadcast %broadcast_in_dim3A_748 : f32 to vector<16xf32>
      %broadcast_in_dim3A_750 = arith.constant 0.000000e+00 : f32
      %broadcast_in_dim3A_751 = vector.broadcast %broadcast_in_dim3A_750 : f32 to vector<16xf32>
      %broadcast_in_dim3A_752 = arith.constant 0.000000e+00 : f32
      %broadcast_in_dim3A_753 = vector.broadcast %broadcast_in_dim3A_752 : f32 to vector<16xf32>
      %broadcast_in_dim3A_754 = arith.constant 0.000000e+00 : f32
      %broadcast_in_dim3A_755 = vector.broadcast %broadcast_in_dim3A_754 : f32 to vector<16xf32>
      %broadcast_in_dim3A_756 = arith.constant 0.000000e+00 : f32
      %broadcast_in_dim3A_757 = vector.broadcast %broadcast_in_dim3A_756 : f32 to vector<16xf32>
      %broadcast_in_dim3A_758 = arith.constant 0.000000e+00 : f32
      %broadcast_in_dim3A_759 = vector.broadcast %broadcast_in_dim3A_758 : f32 to vector<16xf32>
      %broadcast_in_dim3A_760 = arith.constant 0.000000e+00 : f32
      %broadcast_in_dim3A_761 = vector.broadcast %broadcast_in_dim3A_760 : f32 to vector<16xf32>
      %get3A_762 = arith.index_cast %add3A_743 : i32 to index
      %get3A_763 = arith.constant 0 : index
      %get3A_764 = tpu.vector_load %arg7[%get3A_762, %get3A_763] {strides = array<i32>} : memref<128x64xf32, #tpu.memory_space<vmem>>, vector<1x16xf32>,
      %get3A_765 = vector.shape_cast %get3A_764 : vector<1x16xf32> to vector<16xf32>
      %scan3A_766 = arith.constant 0 : i32
      %scan3A_767 = arith.constant 16 : i32
      %scan3A_768 = arith.addi %scan3A_766, %scan3A_767 : i32
      %scan3A_769 = arith.constant 1 : i32
      %scan3A_770:9 = scf.for %scan3A_1240 = %scan3A_766 to %scan3A_768 step %scan3A_769 iter_args(%scan3A_1241 = %broadcast_in_dim3A_745, %scan3A_1242 = %broadcast_in_dim3A_747, %scan3A_1243 = %broadcast_in_dim3A_749, %scan3A_1244 = %broadcast_in_dim3A_751, %scan3A_1245 = %broadcast_in_dim3A_753, %scan3A_1246 = %broadcast_in_dim3A_755, %scan3A_1247 = %broadcast_in_dim3A_757, %scan3A_1248 = %broadcast_in_dim3A_759, %scan3A_1249 = %broadcast_in_dim3A_761) -> (vector<16xf32>, vector<16xf32>, vector<16xf32>, vector<16xf32>, vector<16xf32>, vector<16xf32>, vector<16xf32>, vector<16xf32>, vector<16xf32>)  : i32 {
        %broadcast_in_dim3A_1250 = vector.broadcast %scan3A_1240 : i32 to vector<16x1xi32>
        %gather3A = vector.shape_cast %broadcast_in_dim3A_1250 : vector<16x1xi32> to vector<16xi32>
        %gather3A_1251 = tpu.dynamic_gather %get3A_765[%gather3A] in [0] : vector<16xf32>, vector<16xi32> -> vector<16xf32>
        %add3A_1252 = arith.constant 0 : i32
        %add3A_1253 = arith.addi %add3A_1252, %scan3A_1240 : i32
        %get3A_1254 = arith.constant 4 : i32
        %get3A_1255 = arith.index_cast %get3A_1254 : i32 to index
        %get3A_1256 = arith.index_cast %add3A_1253 : i32 to index
        %get3A_1257 = arith.constant 0 : index
        %get3A_1258 = tpu.vector_load %arg8[%get3A_1255, %get3A_1256, %get3A_1257] {strides = array<i32>} : memref<8x50x128xf32, #tpu.memory_space<vmem>>, vector<1x1x16xf32>,
        %get3A_1259 = vector.shape_cast %get3A_1258 : vector<1x1x16xf32> to vector<16xf32>
        %mul3A_1260 = arith.mulf %gather3A_1251, %get3A_1259 : vector<16xf32>
        %add3A_1261 = arith.addf %scan3A_1241, %mul3A_1260 : vector<16xf32>
        %get3A_1262 = arith.constant 4 : i32
        %get3A_1263 = arith.index_cast %get3A_1262 : i32 to index
        %get3A_1264 = arith.index_cast %add3A_1253 : i32 to index
        %get3A_1265 = arith.constant 16 : index
        %get3A_1266 = tpu.vector_load %arg8[%get3A_1263, %get3A_1264, %get3A_1265] {strides = array<i32>} : memref<8x50x128xf32, #tpu.memory_space<vmem>>, vector<1x1x16xf32>,
        %get3A_1267 = vector.shape_cast %get3A_1266 : vector<1x1x16xf32> to vector<16xf32>
        %mul3A_1268 = arith.mulf %gather3A_1251, %get3A_1267 : vector<16xf32>
        %add3A_1269 = arith.addf %scan3A_1242, %mul3A_1268 : vector<16xf32>
        %get3A_1270 = arith.constant 4 : i32
        %get3A_1271 = arith.index_cast %get3A_1270 : i32 to index
        %get3A_1272 = arith.index_cast %add3A_1253 : i32 to index
        %get3A_1273 = arith.constant 32 : index
        %get3A_1274 = tpu.vector_load %arg8[%get3A_1271, %get3A_1272, %get3A_1273] {strides = array<i32>} : memref<8x50x128xf32, #tpu.memory_space<vmem>>, vector<1x1x16xf32>,
        %get3A_1275 = vector.shape_cast %get3A_1274 : vector<1x1x16xf32> to vector<16xf32>
        %mul3A_1276 = arith.mulf %gather3A_1251, %get3A_1275 : vector<16xf32>
        %add3A_1277 = arith.addf %scan3A_1243, %mul3A_1276 : vector<16xf32>
        %get3A_1278 = arith.constant 4 : i32
        %get3A_1279 = arith.index_cast %get3A_1278 : i32 to index
        %get3A_1280 = arith.index_cast %add3A_1253 : i32 to index
        %get3A_1281 = arith.constant 48 : index
        %get3A_1282 = tpu.vector_load %arg8[%get3A_1279, %get3A_1280, %get3A_1281] {strides = array<i32>} : memref<8x50x128xf32, #tpu.memory_space<vmem>>, vector<1x1x16xf32>,
        %get3A_1283 = vector.shape_cast %get3A_1282 : vector<1x1x16xf32> to vector<16xf32>
        %mul3A_1284 = arith.mulf %gather3A_1251, %get3A_1283 : vector<16xf32>
        %add3A_1285 = arith.addf %scan3A_1244, %mul3A_1284 : vector<16xf32>
        %get3A_1286 = arith.constant 4 : i32
        %get3A_1287 = arith.index_cast %get3A_1286 : i32 to index
        %get3A_1288 = arith.index_cast %add3A_1253 : i32 to index
        %get3A_1289 = arith.constant 64 : index
        %get3A_1290 = tpu.vector_load %arg8[%get3A_1287, %get3A_1288, %get3A_1289] {strides = array<i32>} : memref<8x50x128xf32, #tpu.memory_space<vmem>>, vector<1x1x16xf32>,
        %get3A_1291 = vector.shape_cast %get3A_1290 : vector<1x1x16xf32> to vector<16xf32>
        %mul3A_1292 = arith.mulf %gather3A_1251, %get3A_1291 : vector<16xf32>
        %add3A_1293 = arith.addf %scan3A_1245, %mul3A_1292 : vector<16xf32>
        %get3A_1294 = arith.constant 4 : i32
        %get3A_1295 = arith.index_cast %get3A_1294 : i32 to index
        %get3A_1296 = arith.index_cast %add3A_1253 : i32 to index
        %get3A_1297 = arith.constant 80 : index
        %get3A_1298 = tpu.vector_load %arg8[%get3A_1295, %get3A_1296, %get3A_1297] {strides = array<i32>} : memref<8x50x128xf32, #tpu.memory_space<vmem>>, vector<1x1x16xf32>,
        %get3A_1299 = vector.shape_cast %get3A_1298 : vector<1x1x16xf32> to vector<16xf32>
        %mul3A_1300 = arith.mulf %gather3A_1251, %get3A_1299 : vector<16xf32>
        %add3A_1301 = arith.addf %scan3A_1246, %mul3A_1300 : vector<16xf32>
        %get3A_1302 = arith.constant 4 : i32
        %get3A_1303 = arith.index_cast %get3A_1302 : i32 to index
        %get3A_1304 = arith.index_cast %add3A_1253 : i32 to index
        %get3A_1305 = arith.constant 96 : index
        %get3A_1306 = tpu.vector_load %arg8[%get3A_1303, %get3A_1304, %get3A_1305] {strides = array<i32>} : memref<8x50x128xf32, #tpu.memory_space<vmem>>, vector<1x1x16xf32>,
        %get3A_1307 = vector.shape_cast %get3A_1306 : vector<1x1x16xf32> to vector<16xf32>
        %mul3A_1308 = arith.mulf %gather3A_1251, %get3A_1307 : vector<16xf32>
        %add3A_1309 = arith.addf %scan3A_1247, %mul3A_1308 : vector<16xf32>
        %get3A_1310 = arith.constant 4 : i32
        %get3A_1311 = arith.index_cast %get3A_1310 : i32 to index
        %get3A_1312 = arith.index_cast %add3A_1253 : i32 to index
        %get3A_1313 = arith.constant 112 : index
        %get3A_1314 = tpu.vector_load %arg8[%get3A_1311, %get3A_1312, %get3A_1313] {strides = array<i32>} : memref<8x50x128xf32, #tpu.memory_space<vmem>>, vector<1x1x16xf32>,
        %get3A_1315 = vector.shape_cast %get3A_1314 : vector<1x1x16xf32> to vector<16xf32>
        %mul3A_1316 = arith.mulf %gather3A_1251, %get3A_1315 : vector<16xf32>
        %add3A_1317 = arith.addf %scan3A_1248, %mul3A_1316 : vector<16xf32>
        %add3A_1318 = arith.addf %scan3A_1249, %gather3A_1251 : vector<16xf32>
        scf.yield %add3A_1261, %add3A_1269, %add3A_1277, %add3A_1285, %add3A_1293, %add3A_1301, %add3A_1309, %add3A_1317, %add3A_1318 : vector<16xf32>, vector<16xf32>, vector<16xf32>, vector<16xf32>, vector<16xf32>, vector<16xf32>, vector<16xf32>, vector<16xf32>, vector<16xf32>
      }
      %scan3A_771 = arith.constant 16 : i32
      %get3A_772 = arith.index_cast %add3A_743 : i32 to index
      %get3A_773 = arith.constant 16 : index
      %get3A_774 = tpu.vector_load %arg7[%get3A_772, %get3A_773] {strides = array<i32>} : memref<128x64xf32, #tpu.memory_space<vmem>>, vector<1x16xf32>,
      %get3A_775 = vector.shape_cast %get3A_774 : vector<1x16xf32> to vector<16xf32>
      %scan3A_776 = arith.constant 0 : i32
      %scan3A_777 = arith.constant 16 : i32
      %scan3A_778 = arith.addi %scan3A_776, %scan3A_777 : i32
      %scan3A_779 = arith.constant 1 : i32
      %scan3A_780:9 = scf.for %scan3A_1240 = %scan3A_776 to %scan3A_778 step %scan3A_779 iter_args(%scan3A_1241 = %scan3A_770#0, %scan3A_1242 = %scan3A_770#1, %scan3A_1243 = %scan3A_770#2, %scan3A_1244 = %scan3A_770#3, %scan3A_1245 = %scan3A_770#4, %scan3A_1246 = %scan3A_770#5, %scan3A_1247 = %scan3A_770#6, %scan3A_1248 = %scan3A_770#7, %scan3A_1249 = %scan3A_770#8) -> (vector<16xf32>, vector<16xf32>, vector<16xf32>, vector<16xf32>, vector<16xf32>, vector<16xf32>, vector<16xf32>, vector<16xf32>, vector<16xf32>)  : i32 {
        %broadcast_in_dim3A_1250 = vector.broadcast %scan3A_1240 : i32 to vector<16x1xi32>
        %gather3A = vector.shape_cast %broadcast_in_dim3A_1250 : vector<16x1xi32> to vector<16xi32>
        %gather3A_1251 = tpu.dynamic_gather %get3A_775[%gather3A] in [0] : vector<16xf32>, vector<16xi32> -> vector<16xf32>
        %add3A_1252 = arith.constant 16 : i32
        %add3A_1253 = arith.addi %add3A_1252, %scan3A_1240 : i32
        %get3A_1254 = arith.constant 4 : i32
        %get3A_1255 = arith.index_cast %get3A_1254 : i32 to index
        %get3A_1256 = arith.index_cast %add3A_1253 : i32 to index
        %get3A_1257 = arith.constant 0 : index
        %get3A_1258 = tpu.vector_load %arg8[%get3A_1255, %get3A_1256, %get3A_1257] {strides = array<i32>} : memref<8x50x128xf32, #tpu.memory_space<vmem>>, vector<1x1x16xf32>,
        %get3A_1259 = vector.shape_cast %get3A_1258 : vector<1x1x16xf32> to vector<16xf32>
        %mul3A_1260 = arith.mulf %gather3A_1251, %get3A_1259 : vector<16xf32>
        %add3A_1261 = arith.addf %scan3A_1241, %mul3A_1260 : vector<16xf32>
        %get3A_1262 = arith.constant 4 : i32
        %get3A_1263 = arith.index_cast %get3A_1262 : i32 to index
        %get3A_1264 = arith.index_cast %add3A_1253 : i32 to index
        %get3A_1265 = arith.constant 16 : index
        %get3A_1266 = tpu.vector_load %arg8[%get3A_1263, %get3A_1264, %get3A_1265] {strides = array<i32>} : memref<8x50x128xf32, #tpu.memory_space<vmem>>, vector<1x1x16xf32>,
        %get3A_1267 = vector.shape_cast %get3A_1266 : vector<1x1x16xf32> to vector<16xf32>
        %mul3A_1268 = arith.mulf %gather3A_1251, %get3A_1267 : vector<16xf32>
        %add3A_1269 = arith.addf %scan3A_1242, %mul3A_1268 : vector<16xf32>
        %get3A_1270 = arith.constant 4 : i32
        %get3A_1271 = arith.index_cast %get3A_1270 : i32 to index
        %get3A_1272 = arith.index_cast %add3A_1253 : i32 to index
        %get3A_1273 = arith.constant 32 : index
        %get3A_1274 = tpu.vector_load %arg8[%get3A_1271, %get3A_1272, %get3A_1273] {strides = array<i32>} : memref<8x50x128xf32, #tpu.memory_space<vmem>>, vector<1x1x16xf32>,
        %get3A_1275 = vector.shape_cast %get3A_1274 : vector<1x1x16xf32> to vector<16xf32>
        %mul3A_1276 = arith.mulf %gather3A_1251, %get3A_1275 : vector<16xf32>
        %add3A_1277 = arith.addf %scan3A_1243, %mul3A_1276 : vector<16xf32>
        %get3A_1278 = arith.constant 4 : i32
        %get3A_1279 = arith.index_cast %get3A_1278 : i32 to index
        %get3A_1280 = arith.index_cast %add3A_1253 : i32 to index
        %get3A_1281 = arith.constant 48 : index
        %get3A_1282 = tpu.vector_load %arg8[%get3A_1279, %get3A_1280, %get3A_1281] {strides = array<i32>} : memref<8x50x128xf32, #tpu.memory_space<vmem>>, vector<1x1x16xf32>,
        %get3A_1283 = vector.shape_cast %get3A_1282 : vector<1x1x16xf32> to vector<16xf32>
        %mul3A_1284 = arith.mulf %gather3A_1251, %get3A_1283 : vector<16xf32>
        %add3A_1285 = arith.addf %scan3A_1244, %mul3A_1284 : vector<16xf32>
        %get3A_1286 = arith.constant 4 : i32
        %get3A_1287 = arith.index_cast %get3A_1286 : i32 to index
        %get3A_1288 = arith.index_cast %add3A_1253 : i32 to index
        %get3A_1289 = arith.constant 64 : index
        %get3A_1290 = tpu.vector_load %arg8[%get3A_1287, %get3A_1288, %get3A_1289] {strides = array<i32>} : memref<8x50x128xf32, #tpu.memory_space<vmem>>, vector<1x1x16xf32>,
        %get3A_1291 = vector.shape_cast %get3A_1290 : vector<1x1x16xf32> to vector<16xf32>
        %mul3A_1292 = arith.mulf %gather3A_1251, %get3A_1291 : vector<16xf32>
        %add3A_1293 = arith.addf %scan3A_1245, %mul3A_1292 : vector<16xf32>
        %get3A_1294 = arith.constant 4 : i32
        %get3A_1295 = arith.index_cast %get3A_1294 : i32 to index
        %get3A_1296 = arith.index_cast %add3A_1253 : i32 to index
        %get3A_1297 = arith.constant 80 : index
        %get3A_1298 = tpu.vector_load %arg8[%get3A_1295, %get3A_1296, %get3A_1297] {strides = array<i32>} : memref<8x50x128xf32, #tpu.memory_space<vmem>>, vector<1x1x16xf32>,
        %get3A_1299 = vector.shape_cast %get3A_1298 : vector<1x1x16xf32> to vector<16xf32>
        %mul3A_1300 = arith.mulf %gather3A_1251, %get3A_1299 : vector<16xf32>
        %add3A_1301 = arith.addf %scan3A_1246, %mul3A_1300 : vector<16xf32>
        %get3A_1302 = arith.constant 4 : i32
        %get3A_1303 = arith.index_cast %get3A_1302 : i32 to index
        %get3A_1304 = arith.index_cast %add3A_1253 : i32 to index
        %get3A_1305 = arith.constant 96 : index
        %get3A_1306 = tpu.vector_load %arg8[%get3A_1303, %get3A_1304, %get3A_1305] {strides = array<i32>} : memref<8x50x128xf32, #tpu.memory_space<vmem>>, vector<1x1x16xf32>,
        %get3A_1307 = vector.shape_cast %get3A_1306 : vector<1x1x16xf32> to vector<16xf32>
        %mul3A_1308 = arith.mulf %gather3A_1251, %get3A_1307 : vector<16xf32>
        %add3A_1309 = arith.addf %scan3A_1247, %mul3A_1308 : vector<16xf32>
        %get3A_1310 = arith.constant 4 : i32
        %get3A_1311 = arith.index_cast %get3A_1310 : i32 to index
        %get3A_1312 = arith.index_cast %add3A_1253 : i32 to index
        %get3A_1313 = arith.constant 112 : index
        %get3A_1314 = tpu.vector_load %arg8[%get3A_1311, %get3A_1312, %get3A_1313] {strides = array<i32>} : memref<8x50x128xf32, #tpu.memory_space<vmem>>, vector<1x1x16xf32>,
        %get3A_1315 = vector.shape_cast %get3A_1314 : vector<1x1x16xf32> to vector<16xf32>
        %mul3A_1316 = arith.mulf %gather3A_1251, %get3A_1315 : vector<16xf32>
        %add3A_1317 = arith.addf %scan3A_1248, %mul3A_1316 : vector<16xf32>
        %add3A_1318 = arith.addf %scan3A_1249, %gather3A_1251 : vector<16xf32>
        scf.yield %add3A_1261, %add3A_1269, %add3A_1277, %add3A_1285, %add3A_1293, %add3A_1301, %add3A_1309, %add3A_1317, %add3A_1318 : vector<16xf32>, vector<16xf32>, vector<16xf32>, vector<16xf32>, vector<16xf32>, vector<16xf32>, vector<16xf32>, vector<16xf32>, vector<16xf32>
      }
      %scan3A_781 = arith.constant 16 : i32
      %get3A_782 = arith.index_cast %add3A_743 : i32 to index
      %get3A_783 = arith.constant 32 : index
      %get3A_784 = tpu.vector_load %arg7[%get3A_782, %get3A_783] {strides = array<i32>} : memref<128x64xf32, #tpu.memory_space<vmem>>, vector<1x16xf32>,
      %get3A_785 = vector.shape_cast %get3A_784 : vector<1x16xf32> to vector<16xf32>
      %scan3A_786 = arith.constant 0 : i32
      %scan3A_787 = arith.constant 16 : i32
      %scan3A_788 = arith.addi %scan3A_786, %scan3A_787 : i32
      %scan3A_789 = arith.constant 1 : i32
      %scan3A_790:9 = scf.for %scan3A_1240 = %scan3A_786 to %scan3A_788 step %scan3A_789 iter_args(%scan3A_1241 = %scan3A_780#0, %scan3A_1242 = %scan3A_780#1, %scan3A_1243 = %scan3A_780#2, %scan3A_1244 = %scan3A_780#3, %scan3A_1245 = %scan3A_780#4, %scan3A_1246 = %scan3A_780#5, %scan3A_1247 = %scan3A_780#6, %scan3A_1248 = %scan3A_780#7, %scan3A_1249 = %scan3A_780#8) -> (vector<16xf32>, vector<16xf32>, vector<16xf32>, vector<16xf32>, vector<16xf32>, vector<16xf32>, vector<16xf32>, vector<16xf32>, vector<16xf32>)  : i32 {
        %broadcast_in_dim3A_1250 = vector.broadcast %scan3A_1240 : i32 to vector<16x1xi32>
        %gather3A = vector.shape_cast %broadcast_in_dim3A_1250 : vector<16x1xi32> to vector<16xi32>
        %gather3A_1251 = tpu.dynamic_gather %get3A_785[%gather3A] in [0] : vector<16xf32>, vector<16xi32> -> vector<16xf32>
        %add3A_1252 = arith.constant 32 : i32
        %add3A_1253 = arith.addi %add3A_1252, %scan3A_1240 : i32
        %get3A_1254 = arith.constant 4 : i32
        %get3A_1255 = arith.index_cast %get3A_1254 : i32 to index
        %get3A_1256 = arith.index_cast %add3A_1253 : i32 to index
        %get3A_1257 = arith.constant 0 : index
        %get3A_1258 = tpu.vector_load %arg8[%get3A_1255, %get3A_1256, %get3A_1257] {strides = array<i32>} : memref<8x50x128xf32, #tpu.memory_space<vmem>>, vector<1x1x16xf32>,
        %get3A_1259 = vector.shape_cast %get3A_1258 : vector<1x1x16xf32> to vector<16xf32>
        %mul3A_1260 = arith.mulf %gather3A_1251, %get3A_1259 : vector<16xf32>
        %add3A_1261 = arith.addf %scan3A_1241, %mul3A_1260 : vector<16xf32>
        %get3A_1262 = arith.constant 4 : i32
        %get3A_1263 = arith.index_cast %get3A_1262 : i32 to index
        %get3A_1264 = arith.index_cast %add3A_1253 : i32 to index
        %get3A_1265 = arith.constant 16 : index
        %get3A_1266 = tpu.vector_load %arg8[%get3A_1263, %get3A_1264, %get3A_1265] {strides = array<i32>} : memref<8x50x128xf32, #tpu.memory_space<vmem>>, vector<1x1x16xf32>,
        %get3A_1267 = vector.shape_cast %get3A_1266 : vector<1x1x16xf32> to vector<16xf32>
        %mul3A_1268 = arith.mulf %gather3A_1251, %get3A_1267 : vector<16xf32>
        %add3A_1269 = arith.addf %scan3A_1242, %mul3A_1268 : vector<16xf32>
        %get3A_1270 = arith.constant 4 : i32
        %get3A_1271 = arith.index_cast %get3A_1270 : i32 to index
        %get3A_1272 = arith.index_cast %add3A_1253 : i32 to index
        %get3A_1273 = arith.constant 32 : index
        %get3A_1274 = tpu.vector_load %arg8[%get3A_1271, %get3A_1272, %get3A_1273] {strides = array<i32>} : memref<8x50x128xf32, #tpu.memory_space<vmem>>, vector<1x1x16xf32>,
        %get3A_1275 = vector.shape_cast %get3A_1274 : vector<1x1x16xf32> to vector<16xf32>
        %mul3A_1276 = arith.mulf %gather3A_1251, %get3A_1275 : vector<16xf32>
        %add3A_1277 = arith.addf %scan3A_1243, %mul3A_1276 : vector<16xf32>
        %get3A_1278 = arith.constant 4 : i32
        %get3A_1279 = arith.index_cast %get3A_1278 : i32 to index
        %get3A_1280 = arith.index_cast %add3A_1253 : i32 to index
        %get3A_1281 = arith.constant 48 : index
        %get3A_1282 = tpu.vector_load %arg8[%get3A_1279, %get3A_1280, %get3A_1281] {strides = array<i32>} : memref<8x50x128xf32, #tpu.memory_space<vmem>>, vector<1x1x16xf32>,
        %get3A_1283 = vector.shape_cast %get3A_1282 : vector<1x1x16xf32> to vector<16xf32>
        %mul3A_1284 = arith.mulf %gather3A_1251, %get3A_1283 : vector<16xf32>
        %add3A_1285 = arith.addf %scan3A_1244, %mul3A_1284 : vector<16xf32>
        %get3A_1286 = arith.constant 4 : i32
        %get3A_1287 = arith.index_cast %get3A_1286 : i32 to index
        %get3A_1288 = arith.index_cast %add3A_1253 : i32 to index
        %get3A_1289 = arith.constant 64 : index
        %get3A_1290 = tpu.vector_load %arg8[%get3A_1287, %get3A_1288, %get3A_1289] {strides = array<i32>} : memref<8x50x128xf32, #tpu.memory_space<vmem>>, vector<1x1x16xf32>,
        %get3A_1291 = vector.shape_cast %get3A_1290 : vector<1x1x16xf32> to vector<16xf32>
        %mul3A_1292 = arith.mulf %gather3A_1251, %get3A_1291 : vector<16xf32>
        %add3A_1293 = arith.addf %scan3A_1245, %mul3A_1292 : vector<16xf32>
        %get3A_1294 = arith.constant 4 : i32
        %get3A_1295 = arith.index_cast %get3A_1294 : i32 to index
        %get3A_1296 = arith.index_cast %add3A_1253 : i32 to index
        %get3A_1297 = arith.constant 80 : index
        %get3A_1298 = tpu.vector_load %arg8[%get3A_1295, %get3A_1296, %get3A_1297] {strides = array<i32>} : memref<8x50x128xf32, #tpu.memory_space<vmem>>, vector<1x1x16xf32>,
        %get3A_1299 = vector.shape_cast %get3A_1298 : vector<1x1x16xf32> to vector<16xf32>
        %mul3A_1300 = arith.mulf %gather3A_1251, %get3A_1299 : vector<16xf32>
        %add3A_1301 = arith.addf %scan3A_1246, %mul3A_1300 : vector<16xf32>
        %get3A_1302 = arith.constant 4 : i32
        %get3A_1303 = arith.index_cast %get3A_1302 : i32 to index
        %get3A_1304 = arith.index_cast %add3A_1253 : i32 to index
        %get3A_1305 = arith.constant 96 : index
        %get3A_1306 = tpu.vector_load %arg8[%get3A_1303, %get3A_1304, %get3A_1305] {strides = array<i32>} : memref<8x50x128xf32, #tpu.memory_space<vmem>>, vector<1x1x16xf32>,
        %get3A_1307 = vector.shape_cast %get3A_1306 : vector<1x1x16xf32> to vector<16xf32>
        %mul3A_1308 = arith.mulf %gather3A_1251, %get3A_1307 : vector<16xf32>
        %add3A_1309 = arith.addf %scan3A_1247, %mul3A_1308 : vector<16xf32>
        %get3A_1310 = arith.constant 4 : i32
        %get3A_1311 = arith.index_cast %get3A_1310 : i32 to index
        %get3A_1312 = arith.index_cast %add3A_1253 : i32 to index
        %get3A_1313 = arith.constant 112 : index
        %get3A_1314 = tpu.vector_load %arg8[%get3A_1311, %get3A_1312, %get3A_1313] {strides = array<i32>} : memref<8x50x128xf32, #tpu.memory_space<vmem>>, vector<1x1x16xf32>,
        %get3A_1315 = vector.shape_cast %get3A_1314 : vector<1x1x16xf32> to vector<16xf32>
        %mul3A_1316 = arith.mulf %gather3A_1251, %get3A_1315 : vector<16xf32>
        %add3A_1317 = arith.addf %scan3A_1248, %mul3A_1316 : vector<16xf32>
        %add3A_1318 = arith.addf %scan3A_1249, %gather3A_1251 : vector<16xf32>
        scf.yield %add3A_1261, %add3A_1269, %add3A_1277, %add3A_1285, %add3A_1293, %add3A_1301, %add3A_1309, %add3A_1317, %add3A_1318 : vector<16xf32>, vector<16xf32>, vector<16xf32>, vector<16xf32>, vector<16xf32>, vector<16xf32>, vector<16xf32>, vector<16xf32>, vector<16xf32>
      }
      %scan3A_791 = arith.constant 16 : i32
      %get3A_792 = arith.index_cast %add3A_743 : i32 to index
      %get3A_793 = arith.constant 48 : index
      %get3A_794 = tpu.vector_load %arg7[%get3A_792, %get3A_793] {strides = array<i32>} : memref<128x64xf32, #tpu.memory_space<vmem>>, vector<1x16xf32>,
      %get3A_795 = vector.shape_cast %get3A_794 : vector<1x16xf32> to vector<16xf32>
      %scan3A_796 = arith.constant 0 : i32
      %scan3A_797 = arith.constant 2 : i32
      %scan3A_798 = arith.addi %scan3A_796, %scan3A_797 : i32
      %scan3A_799 = arith.constant 1 : i32
      %scan3A_800:9 = scf.for %scan3A_1240 = %scan3A_796 to %scan3A_798 step %scan3A_799 iter_args(%scan3A_1241 = %scan3A_790#0, %scan3A_1242 = %scan3A_790#1, %scan3A_1243 = %scan3A_790#2, %scan3A_1244 = %scan3A_790#3, %scan3A_1245 = %scan3A_790#4, %scan3A_1246 = %scan3A_790#5, %scan3A_1247 = %scan3A_790#6, %scan3A_1248 = %scan3A_790#7, %scan3A_1249 = %scan3A_790#8) -> (vector<16xf32>, vector<16xf32>, vector<16xf32>, vector<16xf32>, vector<16xf32>, vector<16xf32>, vector<16xf32>, vector<16xf32>, vector<16xf32>)  : i32 {
        %broadcast_in_dim3A_1250 = vector.broadcast %scan3A_1240 : i32 to vector<16x1xi32>
        %gather3A = vector.shape_cast %broadcast_in_dim3A_1250 : vector<16x1xi32> to vector<16xi32>
        %gather3A_1251 = tpu.dynamic_gather %get3A_795[%gather3A] in [0] : vector<16xf32>, vector<16xi32> -> vector<16xf32>
        %add3A_1252 = arith.constant 48 : i32
        %add3A_1253 = arith.addi %add3A_1252, %scan3A_1240 : i32
        %get3A_1254 = arith.constant 4 : i32
        %get3A_1255 = arith.index_cast %get3A_1254 : i32 to index
        %get3A_1256 = arith.index_cast %add3A_1253 : i32 to index
        %get3A_1257 = arith.constant 0 : index
        %get3A_1258 = tpu.vector_load %arg8[%get3A_1255, %get3A_1256, %get3A_1257] {strides = array<i32>} : memref<8x50x128xf32, #tpu.memory_space<vmem>>, vector<1x1x16xf32>,
        %get3A_1259 = vector.shape_cast %get3A_1258 : vector<1x1x16xf32> to vector<16xf32>
        %mul3A_1260 = arith.mulf %gather3A_1251, %get3A_1259 : vector<16xf32>
        %add3A_1261 = arith.addf %scan3A_1241, %mul3A_1260 : vector<16xf32>
        %get3A_1262 = arith.constant 4 : i32
        %get3A_1263 = arith.index_cast %get3A_1262 : i32 to index
        %get3A_1264 = arith.index_cast %add3A_1253 : i32 to index
        %get3A_1265 = arith.constant 16 : index
        %get3A_1266 = tpu.vector_load %arg8[%get3A_1263, %get3A_1264, %get3A_1265] {strides = array<i32>} : memref<8x50x128xf32, #tpu.memory_space<vmem>>, vector<1x1x16xf32>,
        %get3A_1267 = vector.shape_cast %get3A_1266 : vector<1x1x16xf32> to vector<16xf32>
        %mul3A_1268 = arith.mulf %gather3A_1251, %get3A_1267 : vector<16xf32>
        %add3A_1269 = arith.addf %scan3A_1242, %mul3A_1268 : vector<16xf32>
        %get3A_1270 = arith.constant 4 : i32
        %get3A_1271 = arith.index_cast %get3A_1270 : i32 to index
        %get3A_1272 = arith.index_cast %add3A_1253 : i32 to index
        %get3A_1273 = arith.constant 32 : index
        %get3A_1274 = tpu.vector_load %arg8[%get3A_1271, %get3A_1272, %get3A_1273] {strides = array<i32>} : memref<8x50x128xf32, #tpu.memory_space<vmem>>, vector<1x1x16xf32>,
        %get3A_1275 = vector.shape_cast %get3A_1274 : vector<1x1x16xf32> to vector<16xf32>
        %mul3A_1276 = arith.mulf %gather3A_1251, %get3A_1275 : vector<16xf32>
        %add3A_1277 = arith.addf %scan3A_1243, %mul3A_1276 : vector<16xf32>
        %get3A_1278 = arith.constant 4 : i32
        %get3A_1279 = arith.index_cast %get3A_1278 : i32 to index
        %get3A_1280 = arith.index_cast %add3A_1253 : i32 to index
        %get3A_1281 = arith.constant 48 : index
        %get3A_1282 = tpu.vector_load %arg8[%get3A_1279, %get3A_1280, %get3A_1281] {strides = array<i32>} : memref<8x50x128xf32, #tpu.memory_space<vmem>>, vector<1x1x16xf32>,
        %get3A_1283 = vector.shape_cast %get3A_1282 : vector<1x1x16xf32> to vector<16xf32>
        %mul3A_1284 = arith.mulf %gather3A_1251, %get3A_1283 : vector<16xf32>
        %add3A_1285 = arith.addf %scan3A_1244, %mul3A_1284 : vector<16xf32>
        %get3A_1286 = arith.constant 4 : i32
        %get3A_1287 = arith.index_cast %get3A_1286 : i32 to index
        %get3A_1288 = arith.index_cast %add3A_1253 : i32 to index
        %get3A_1289 = arith.constant 64 : index
        %get3A_1290 = tpu.vector_load %arg8[%get3A_1287, %get3A_1288, %get3A_1289] {strides = array<i32>} : memref<8x50x128xf32, #tpu.memory_space<vmem>>, vector<1x1x16xf32>,
        %get3A_1291 = vector.shape_cast %get3A_1290 : vector<1x1x16xf32> to vector<16xf32>
        %mul3A_1292 = arith.mulf %gather3A_1251, %get3A_1291 : vector<16xf32>
        %add3A_1293 = arith.addf %scan3A_1245, %mul3A_1292 : vector<16xf32>
        %get3A_1294 = arith.constant 4 : i32
        %get3A_1295 = arith.index_cast %get3A_1294 : i32 to index
        %get3A_1296 = arith.index_cast %add3A_1253 : i32 to index
        %get3A_1297 = arith.constant 80 : index
        %get3A_1298 = tpu.vector_load %arg8[%get3A_1295, %get3A_1296, %get3A_1297] {strides = array<i32>} : memref<8x50x128xf32, #tpu.memory_space<vmem>>, vector<1x1x16xf32>,
        %get3A_1299 = vector.shape_cast %get3A_1298 : vector<1x1x16xf32> to vector<16xf32>
        %mul3A_1300 = arith.mulf %gather3A_1251, %get3A_1299 : vector<16xf32>
        %add3A_1301 = arith.addf %scan3A_1246, %mul3A_1300 : vector<16xf32>
        %get3A_1302 = arith.constant 4 : i32
        %get3A_1303 = arith.index_cast %get3A_1302 : i32 to index
        %get3A_1304 = arith.index_cast %add3A_1253 : i32 to index
        %get3A_1305 = arith.constant 96 : index
        %get3A_1306 = tpu.vector_load %arg8[%get3A_1303, %get3A_1304, %get3A_1305] {strides = array<i32>} : memref<8x50x128xf32, #tpu.memory_space<vmem>>, vector<1x1x16xf32>,
        %get3A_1307 = vector.shape_cast %get3A_1306 : vector<1x1x16xf32> to vector<16xf32>
        %mul3A_1308 = arith.mulf %gather3A_1251, %get3A_1307 : vector<16xf32>
        %add3A_1309 = arith.addf %scan3A_1247, %mul3A_1308 : vector<16xf32>
        %get3A_1310 = arith.constant 4 : i32
        %get3A_1311 = arith.index_cast %get3A_1310 : i32 to index
        %get3A_1312 = arith.index_cast %add3A_1253 : i32 to index
        %get3A_1313 = arith.constant 112 : index
        %get3A_1314 = tpu.vector_load %arg8[%get3A_1311, %get3A_1312, %get3A_1313] {strides = array<i32>} : memref<8x50x128xf32, #tpu.memory_space<vmem>>, vector<1x1x16xf32>,
        %get3A_1315 = vector.shape_cast %get3A_1314 : vector<1x1x16xf32> to vector<16xf32>
        %mul3A_1316 = arith.mulf %gather3A_1251, %get3A_1315 : vector<16xf32>
        %add3A_1317 = arith.addf %scan3A_1248, %mul3A_1316 : vector<16xf32>
        %add3A_1318 = arith.addf %scan3A_1249, %gather3A_1251 : vector<16xf32>
        scf.yield %add3A_1261, %add3A_1269, %add3A_1277, %add3A_1285, %add3A_1293, %add3A_1301, %add3A_1309, %add3A_1317, %add3A_1318 : vector<16xf32>, vector<16xf32>, vector<16xf32>, vector<16xf32>, vector<16xf32>, vector<16xf32>, vector<16xf32>, vector<16xf32>, vector<16xf32>
      }
      %scan3A_801 = arith.constant 2 : i32
      %max3A_802 = arith.constant 9.99999971E-10 : f32
      %max3A_803 = vector.broadcast %max3A_802 : f32 to vector<16xf32>
      %max3A_804 = arith.maximumf %scan3A_800#8, %max3A_803 : vector<16xf32>
      %div3A_805 = arith.constant 1.000000e+00 : f32
      %div3A_806 = vector.broadcast %div3A_805 : f32 to vector<16xf32>
      %div3A_807 = arith.divf %div3A_806, %max3A_804 : vector<16xf32>
      %mul3A_808 = arith.mulf %scan3A_800#0, %div3A_807 : vector<16xf32>
      %swap3A_809 = arith.constant 4 : i32
      %swap3A_810 = arith.index_cast %swap3A_809 : i32 to index
      %swap3A_811 = arith.constant 0 : index
      %swap3A_812 = tpu.vector_load %arg9[%swap3A_810, %swap3A_811] {strides = array<i32>} : memref<8x128xf32, #tpu.memory_space<vmem>>, vector<1x16xf32>,
      %swap3A_813 = vector.shape_cast %swap3A_812 : vector<1x16xf32> to vector<16xf32>
      %swap3A_814 = vector.shape_cast %mul3A_808 : vector<16xf32> to vector<1x16xf32>
      tpu.vector_store %arg9[%swap3A_810, %swap3A_811], %swap3A_814 {strides = array<i32>} : memref<8x128xf32, #tpu.memory_space<vmem>>, vector<1x16xf32>,
      %mul3A_815 = arith.mulf %scan3A_800#1, %div3A_807 : vector<16xf32>
      %swap3A_816 = arith.constant 4 : i32
      %swap3A_817 = arith.index_cast %swap3A_816 : i32 to index
      %swap3A_818 = arith.constant 16 : index
      %swap3A_819 = tpu.vector_load %arg9[%swap3A_817, %swap3A_818] {strides = array<i32>} : memref<8x128xf32, #tpu.memory_space<vmem>>, vector<1x16xf32>,
      %swap3A_820 = vector.shape_cast %swap3A_819 : vector<1x16xf32> to vector<16xf32>
      %swap3A_821 = vector.shape_cast %mul3A_815 : vector<16xf32> to vector<1x16xf32>
      tpu.vector_store %arg9[%swap3A_817, %swap3A_818], %swap3A_821 {strides = array<i32>} : memref<8x128xf32, #tpu.memory_space<vmem>>, vector<1x16xf32>,
      %mul3A_822 = arith.mulf %scan3A_800#2, %div3A_807 : vector<16xf32>
      %swap3A_823 = arith.constant 4 : i32
      %swap3A_824 = arith.index_cast %swap3A_823 : i32 to index
      %swap3A_825 = arith.constant 32 : index
      %swap3A_826 = tpu.vector_load %arg9[%swap3A_824, %swap3A_825] {strides = array<i32>} : memref<8x128xf32, #tpu.memory_space<vmem>>, vector<1x16xf32>,
      %swap3A_827 = vector.shape_cast %swap3A_826 : vector<1x16xf32> to vector<16xf32>
      %swap3A_828 = vector.shape_cast %mul3A_822 : vector<16xf32> to vector<1x16xf32>
      tpu.vector_store %arg9[%swap3A_824, %swap3A_825], %swap3A_828 {strides = array<i32>} : memref<8x128xf32, #tpu.memory_space<vmem>>, vector<1x16xf32>,
      %mul3A_829 = arith.mulf %scan3A_800#3, %div3A_807 : vector<16xf32>
      %swap3A_830 = arith.constant 4 : i32
      %swap3A_831 = arith.index_cast %swap3A_830 : i32 to index
      %swap3A_832 = arith.constant 48 : index
      %swap3A_833 = tpu.vector_load %arg9[%swap3A_831, %swap3A_832] {strides = array<i32>} : memref<8x128xf32, #tpu.memory_space<vmem>>, vector<1x16xf32>,
      %swap3A_834 = vector.shape_cast %swap3A_833 : vector<1x16xf32> to vector<16xf32>
      %swap3A_835 = vector.shape_cast %mul3A_829 : vector<16xf32> to vector<1x16xf32>
      tpu.vector_store %arg9[%swap3A_831, %swap3A_832], %swap3A_835 {strides = array<i32>} : memref<8x128xf32, #tpu.memory_space<vmem>>, vector<1x16xf32>,
      %mul3A_836 = arith.mulf %scan3A_800#4, %div3A_807 : vector<16xf32>
      %swap3A_837 = arith.constant 4 : i32
      %swap3A_838 = arith.index_cast %swap3A_837 : i32 to index
      %swap3A_839 = arith.constant 64 : index
      %swap3A_840 = tpu.vector_load %arg9[%swap3A_838, %swap3A_839] {strides = array<i32>} : memref<8x128xf32, #tpu.memory_space<vmem>>, vector<1x16xf32>,
      %swap3A_841 = vector.shape_cast %swap3A_840 : vector<1x16xf32> to vector<16xf32>
      %swap3A_842 = vector.shape_cast %mul3A_836 : vector<16xf32> to vector<1x16xf32>
      tpu.vector_store %arg9[%swap3A_838, %swap3A_839], %swap3A_842 {strides = array<i32>} : memref<8x128xf32, #tpu.memory_space<vmem>>, vector<1x16xf32>,
      %mul3A_843 = arith.mulf %scan3A_800#5, %div3A_807 : vector<16xf32>
      %swap3A_844 = arith.constant 4 : i32
      %swap3A_845 = arith.index_cast %swap3A_844 : i32 to index
      %swap3A_846 = arith.constant 80 : index
      %swap3A_847 = tpu.vector_load %arg9[%swap3A_845, %swap3A_846] {strides = array<i32>} : memref<8x128xf32, #tpu.memory_space<vmem>>, vector<1x16xf32>,
      %swap3A_848 = vector.shape_cast %swap3A_847 : vector<1x16xf32> to vector<16xf32>
      %swap3A_849 = vector.shape_cast %mul3A_843 : vector<16xf32> to vector<1x16xf32>
      tpu.vector_store %arg9[%swap3A_845, %swap3A_846], %swap3A_849 {strides = array<i32>} : memref<8x128xf32, #tpu.memory_space<vmem>>, vector<1x16xf32>,
      %mul3A_850 = arith.mulf %scan3A_800#6, %div3A_807 : vector<16xf32>
      %swap3A_851 = arith.constant 4 : i32
      %swap3A_852 = arith.index_cast %swap3A_851 : i32 to index
      %swap3A_853 = arith.constant 96 : index
      %swap3A_854 = tpu.vector_load %arg9[%swap3A_852, %swap3A_853] {strides = array<i32>} : memref<8x128xf32, #tpu.memory_space<vmem>>, vector<1x16xf32>,
      %swap3A_855 = vector.shape_cast %swap3A_854 : vector<1x16xf32> to vector<16xf32>
      %swap3A_856 = vector.shape_cast %mul3A_850 : vector<16xf32> to vector<1x16xf32>
      tpu.vector_store %arg9[%swap3A_852, %swap3A_853], %swap3A_856 {strides = array<i32>} : memref<8x128xf32, #tpu.memory_space<vmem>>, vector<1x16xf32>,
      %mul3A_857 = arith.mulf %scan3A_800#7, %div3A_807 : vector<16xf32>
      %swap3A_858 = arith.constant 4 : i32
      %swap3A_859 = arith.index_cast %swap3A_858 : i32 to index
      %swap3A_860 = arith.constant 112 : index
      %swap3A_861 = tpu.vector_load %arg9[%swap3A_859, %swap3A_860] {strides = array<i32>} : memref<8x128xf32, #tpu.memory_space<vmem>>, vector<1x16xf32>,
      %swap3A_862 = vector.shape_cast %swap3A_861 : vector<1x16xf32> to vector<16xf32>
      %swap3A_863 = vector.shape_cast %mul3A_857 : vector<16xf32> to vector<1x16xf32>
      tpu.vector_store %arg9[%swap3A_859, %swap3A_860], %swap3A_863 {strides = array<i32>} : memref<8x128xf32, #tpu.memory_space<vmem>>, vector<1x16xf32>,
      %mul3A_864 = arith.constant 8 : i32
      %mul3A_865 = arith.muli %scan3A_9, %mul3A_864 : i32
      %add3A_866 = arith.constant 5 : i32
      %add3A_867 = arith.addi %mul3A_865, %add3A_866 : i32
      %broadcast_in_dim3A_868 = arith.constant 0.000000e+00 : f32
      %broadcast_in_dim3A_869 = vector.broadcast %broadcast_in_dim3A_868 : f32 to vector<16xf32>
      %broadcast_in_dim3A_870 = arith.constant 0.000000e+00 : f32
      %broadcast_in_dim3A_871 = vector.broadcast %broadcast_in_dim3A_870 : f32 to vector<16xf32>
      %broadcast_in_dim3A_872 = arith.constant 0.000000e+00 : f32
      %broadcast_in_dim3A_873 = vector.broadcast %broadcast_in_dim3A_872 : f32 to vector<16xf32>
      %broadcast_in_dim3A_874 = arith.constant 0.000000e+00 : f32
      %broadcast_in_dim3A_875 = vector.broadcast %broadcast_in_dim3A_874 : f32 to vector<16xf32>
      %broadcast_in_dim3A_876 = arith.constant 0.000000e+00 : f32
      %broadcast_in_dim3A_877 = vector.broadcast %broadcast_in_dim3A_876 : f32 to vector<16xf32>
      %broadcast_in_dim3A_878 = arith.constant 0.000000e+00 : f32
      %broadcast_in_dim3A_879 = vector.broadcast %broadcast_in_dim3A_878 : f32 to vector<16xf32>
      %broadcast_in_dim3A_880 = arith.constant 0.000000e+00 : f32
      %broadcast_in_dim3A_881 = vector.broadcast %broadcast_in_dim3A_880 : f32 to vector<16xf32>
      %broadcast_in_dim3A_882 = arith.constant 0.000000e+00 : f32
      %broadcast_in_dim3A_883 = vector.broadcast %broadcast_in_dim3A_882 : f32 to vector<16xf32>
      %broadcast_in_dim3A_884 = arith.constant 0.000000e+00 : f32
      %broadcast_in_dim3A_885 = vector.broadcast %broadcast_in_dim3A_884 : f32 to vector<16xf32>
      %get3A_886 = arith.index_cast %add3A_867 : i32 to index
      %get3A_887 = arith.constant 0 : index
      %get3A_888 = tpu.vector_load %arg7[%get3A_886, %get3A_887] {strides = array<i32>} : memref<128x64xf32, #tpu.memory_space<vmem>>, vector<1x16xf32>,
      %get3A_889 = vector.shape_cast %get3A_888 : vector<1x16xf32> to vector<16xf32>
      %scan3A_890 = arith.constant 0 : i32
      %scan3A_891 = arith.constant 16 : i32
      %scan3A_892 = arith.addi %scan3A_890, %scan3A_891 : i32
      %scan3A_893 = arith.constant 1 : i32
      %scan3A_894:9 = scf.for %scan3A_1240 = %scan3A_890 to %scan3A_892 step %scan3A_893 iter_args(%scan3A_1241 = %broadcast_in_dim3A_869, %scan3A_1242 = %broadcast_in_dim3A_871, %scan3A_1243 = %broadcast_in_dim3A_873, %scan3A_1244 = %broadcast_in_dim3A_875, %scan3A_1245 = %broadcast_in_dim3A_877, %scan3A_1246 = %broadcast_in_dim3A_879, %scan3A_1247 = %broadcast_in_dim3A_881, %scan3A_1248 = %broadcast_in_dim3A_883, %scan3A_1249 = %broadcast_in_dim3A_885) -> (vector<16xf32>, vector<16xf32>, vector<16xf32>, vector<16xf32>, vector<16xf32>, vector<16xf32>, vector<16xf32>, vector<16xf32>, vector<16xf32>)  : i32 {
        %broadcast_in_dim3A_1250 = vector.broadcast %scan3A_1240 : i32 to vector<16x1xi32>
        %gather3A = vector.shape_cast %broadcast_in_dim3A_1250 : vector<16x1xi32> to vector<16xi32>
        %gather3A_1251 = tpu.dynamic_gather %get3A_889[%gather3A] in [0] : vector<16xf32>, vector<16xi32> -> vector<16xf32>
        %add3A_1252 = arith.constant 0 : i32
        %add3A_1253 = arith.addi %add3A_1252, %scan3A_1240 : i32
        %get3A_1254 = arith.constant 5 : i32
        %get3A_1255 = arith.index_cast %get3A_1254 : i32 to index
        %get3A_1256 = arith.index_cast %add3A_1253 : i32 to index
        %get3A_1257 = arith.constant 0 : index
        %get3A_1258 = tpu.vector_load %arg8[%get3A_1255, %get3A_1256, %get3A_1257] {strides = array<i32>} : memref<8x50x128xf32, #tpu.memory_space<vmem>>, vector<1x1x16xf32>,
        %get3A_1259 = vector.shape_cast %get3A_1258 : vector<1x1x16xf32> to vector<16xf32>
        %mul3A_1260 = arith.mulf %gather3A_1251, %get3A_1259 : vector<16xf32>
        %add3A_1261 = arith.addf %scan3A_1241, %mul3A_1260 : vector<16xf32>
        %get3A_1262 = arith.constant 5 : i32
        %get3A_1263 = arith.index_cast %get3A_1262 : i32 to index
        %get3A_1264 = arith.index_cast %add3A_1253 : i32 to index
        %get3A_1265 = arith.constant 16 : index
        %get3A_1266 = tpu.vector_load %arg8[%get3A_1263, %get3A_1264, %get3A_1265] {strides = array<i32>} : memref<8x50x128xf32, #tpu.memory_space<vmem>>, vector<1x1x16xf32>,
        %get3A_1267 = vector.shape_cast %get3A_1266 : vector<1x1x16xf32> to vector<16xf32>
        %mul3A_1268 = arith.mulf %gather3A_1251, %get3A_1267 : vector<16xf32>
        %add3A_1269 = arith.addf %scan3A_1242, %mul3A_1268 : vector<16xf32>
        %get3A_1270 = arith.constant 5 : i32
        %get3A_1271 = arith.index_cast %get3A_1270 : i32 to index
        %get3A_1272 = arith.index_cast %add3A_1253 : i32 to index
        %get3A_1273 = arith.constant 32 : index
        %get3A_1274 = tpu.vector_load %arg8[%get3A_1271, %get3A_1272, %get3A_1273] {strides = array<i32>} : memref<8x50x128xf32, #tpu.memory_space<vmem>>, vector<1x1x16xf32>,
        %get3A_1275 = vector.shape_cast %get3A_1274 : vector<1x1x16xf32> to vector<16xf32>
        %mul3A_1276 = arith.mulf %gather3A_1251, %get3A_1275 : vector<16xf32>
        %add3A_1277 = arith.addf %scan3A_1243, %mul3A_1276 : vector<16xf32>
        %get3A_1278 = arith.constant 5 : i32
        %get3A_1279 = arith.index_cast %get3A_1278 : i32 to index
        %get3A_1280 = arith.index_cast %add3A_1253 : i32 to index
        %get3A_1281 = arith.constant 48 : index
        %get3A_1282 = tpu.vector_load %arg8[%get3A_1279, %get3A_1280, %get3A_1281] {strides = array<i32>} : memref<8x50x128xf32, #tpu.memory_space<vmem>>, vector<1x1x16xf32>,
        %get3A_1283 = vector.shape_cast %get3A_1282 : vector<1x1x16xf32> to vector<16xf32>
        %mul3A_1284 = arith.mulf %gather3A_1251, %get3A_1283 : vector<16xf32>
        %add3A_1285 = arith.addf %scan3A_1244, %mul3A_1284 : vector<16xf32>
        %get3A_1286 = arith.constant 5 : i32
        %get3A_1287 = arith.index_cast %get3A_1286 : i32 to index
        %get3A_1288 = arith.index_cast %add3A_1253 : i32 to index
        %get3A_1289 = arith.constant 64 : index
        %get3A_1290 = tpu.vector_load %arg8[%get3A_1287, %get3A_1288, %get3A_1289] {strides = array<i32>} : memref<8x50x128xf32, #tpu.memory_space<vmem>>, vector<1x1x16xf32>,
        %get3A_1291 = vector.shape_cast %get3A_1290 : vector<1x1x16xf32> to vector<16xf32>
        %mul3A_1292 = arith.mulf %gather3A_1251, %get3A_1291 : vector<16xf32>
        %add3A_1293 = arith.addf %scan3A_1245, %mul3A_1292 : vector<16xf32>
        %get3A_1294 = arith.constant 5 : i32
        %get3A_1295 = arith.index_cast %get3A_1294 : i32 to index
        %get3A_1296 = arith.index_cast %add3A_1253 : i32 to index
        %get3A_1297 = arith.constant 80 : index
        %get3A_1298 = tpu.vector_load %arg8[%get3A_1295, %get3A_1296, %get3A_1297] {strides = array<i32>} : memref<8x50x128xf32, #tpu.memory_space<vmem>>, vector<1x1x16xf32>,
        %get3A_1299 = vector.shape_cast %get3A_1298 : vector<1x1x16xf32> to vector<16xf32>
        %mul3A_1300 = arith.mulf %gather3A_1251, %get3A_1299 : vector<16xf32>
        %add3A_1301 = arith.addf %scan3A_1246, %mul3A_1300 : vector<16xf32>
        %get3A_1302 = arith.constant 5 : i32
        %get3A_1303 = arith.index_cast %get3A_1302 : i32 to index
        %get3A_1304 = arith.index_cast %add3A_1253 : i32 to index
        %get3A_1305 = arith.constant 96 : index
        %get3A_1306 = tpu.vector_load %arg8[%get3A_1303, %get3A_1304, %get3A_1305] {strides = array<i32>} : memref<8x50x128xf32, #tpu.memory_space<vmem>>, vector<1x1x16xf32>,
        %get3A_1307 = vector.shape_cast %get3A_1306 : vector<1x1x16xf32> to vector<16xf32>
        %mul3A_1308 = arith.mulf %gather3A_1251, %get3A_1307 : vector<16xf32>
        %add3A_1309 = arith.addf %scan3A_1247, %mul3A_1308 : vector<16xf32>
        %get3A_1310 = arith.constant 5 : i32
        %get3A_1311 = arith.index_cast %get3A_1310 : i32 to index
        %get3A_1312 = arith.index_cast %add3A_1253 : i32 to index
        %get3A_1313 = arith.constant 112 : index
        %get3A_1314 = tpu.vector_load %arg8[%get3A_1311, %get3A_1312, %get3A_1313] {strides = array<i32>} : memref<8x50x128xf32, #tpu.memory_space<vmem>>, vector<1x1x16xf32>,
        %get3A_1315 = vector.shape_cast %get3A_1314 : vector<1x1x16xf32> to vector<16xf32>
        %mul3A_1316 = arith.mulf %gather3A_1251, %get3A_1315 : vector<16xf32>
        %add3A_1317 = arith.addf %scan3A_1248, %mul3A_1316 : vector<16xf32>
        %add3A_1318 = arith.addf %scan3A_1249, %gather3A_1251 : vector<16xf32>
        scf.yield %add3A_1261, %add3A_1269, %add3A_1277, %add3A_1285, %add3A_1293, %add3A_1301, %add3A_1309, %add3A_1317, %add3A_1318 : vector<16xf32>, vector<16xf32>, vector<16xf32>, vector<16xf32>, vector<16xf32>, vector<16xf32>, vector<16xf32>, vector<16xf32>, vector<16xf32>
      }
      %scan3A_895 = arith.constant 16 : i32
      %get3A_896 = arith.index_cast %add3A_867 : i32 to index
      %get3A_897 = arith.constant 16 : index
      %get3A_898 = tpu.vector_load %arg7[%get3A_896, %get3A_897] {strides = array<i32>} : memref<128x64xf32, #tpu.memory_space<vmem>>, vector<1x16xf32>,
      %get3A_899 = vector.shape_cast %get3A_898 : vector<1x16xf32> to vector<16xf32>
      %scan3A_900 = arith.constant 0 : i32
      %scan3A_901 = arith.constant 16 : i32
      %scan3A_902 = arith.addi %scan3A_900, %scan3A_901 : i32
      %scan3A_903 = arith.constant 1 : i32
      %scan3A_904:9 = scf.for %scan3A_1240 = %scan3A_900 to %scan3A_902 step %scan3A_903 iter_args(%scan3A_1241 = %scan3A_894#0, %scan3A_1242 = %scan3A_894#1, %scan3A_1243 = %scan3A_894#2, %scan3A_1244 = %scan3A_894#3, %scan3A_1245 = %scan3A_894#4, %scan3A_1246 = %scan3A_894#5, %scan3A_1247 = %scan3A_894#6, %scan3A_1248 = %scan3A_894#7, %scan3A_1249 = %scan3A_894#8) -> (vector<16xf32>, vector<16xf32>, vector<16xf32>, vector<16xf32>, vector<16xf32>, vector<16xf32>, vector<16xf32>, vector<16xf32>, vector<16xf32>)  : i32 {
        %broadcast_in_dim3A_1250 = vector.broadcast %scan3A_1240 : i32 to vector<16x1xi32>
        %gather3A = vector.shape_cast %broadcast_in_dim3A_1250 : vector<16x1xi32> to vector<16xi32>
        %gather3A_1251 = tpu.dynamic_gather %get3A_899[%gather3A] in [0] : vector<16xf32>, vector<16xi32> -> vector<16xf32>
        %add3A_1252 = arith.constant 16 : i32
        %add3A_1253 = arith.addi %add3A_1252, %scan3A_1240 : i32
        %get3A_1254 = arith.constant 5 : i32
        %get3A_1255 = arith.index_cast %get3A_1254 : i32 to index
        %get3A_1256 = arith.index_cast %add3A_1253 : i32 to index
        %get3A_1257 = arith.constant 0 : index
        %get3A_1258 = tpu.vector_load %arg8[%get3A_1255, %get3A_1256, %get3A_1257] {strides = array<i32>} : memref<8x50x128xf32, #tpu.memory_space<vmem>>, vector<1x1x16xf32>,
        %get3A_1259 = vector.shape_cast %get3A_1258 : vector<1x1x16xf32> to vector<16xf32>
        %mul3A_1260 = arith.mulf %gather3A_1251, %get3A_1259 : vector<16xf32>
        %add3A_1261 = arith.addf %scan3A_1241, %mul3A_1260 : vector<16xf32>
        %get3A_1262 = arith.constant 5 : i32
        %get3A_1263 = arith.index_cast %get3A_1262 : i32 to index
        %get3A_1264 = arith.index_cast %add3A_1253 : i32 to index
        %get3A_1265 = arith.constant 16 : index
        %get3A_1266 = tpu.vector_load %arg8[%get3A_1263, %get3A_1264, %get3A_1265] {strides = array<i32>} : memref<8x50x128xf32, #tpu.memory_space<vmem>>, vector<1x1x16xf32>,
        %get3A_1267 = vector.shape_cast %get3A_1266 : vector<1x1x16xf32> to vector<16xf32>
        %mul3A_1268 = arith.mulf %gather3A_1251, %get3A_1267 : vector<16xf32>
        %add3A_1269 = arith.addf %scan3A_1242, %mul3A_1268 : vector<16xf32>
        %get3A_1270 = arith.constant 5 : i32
        %get3A_1271 = arith.index_cast %get3A_1270 : i32 to index
        %get3A_1272 = arith.index_cast %add3A_1253 : i32 to index
        %get3A_1273 = arith.constant 32 : index
        %get3A_1274 = tpu.vector_load %arg8[%get3A_1271, %get3A_1272, %get3A_1273] {strides = array<i32>} : memref<8x50x128xf32, #tpu.memory_space<vmem>>, vector<1x1x16xf32>,
        %get3A_1275 = vector.shape_cast %get3A_1274 : vector<1x1x16xf32> to vector<16xf32>
        %mul3A_1276 = arith.mulf %gather3A_1251, %get3A_1275 : vector<16xf32>
        %add3A_1277 = arith.addf %scan3A_1243, %mul3A_1276 : vector<16xf32>
        %get3A_1278 = arith.constant 5 : i32
        %get3A_1279 = arith.index_cast %get3A_1278 : i32 to index
        %get3A_1280 = arith.index_cast %add3A_1253 : i32 to index
        %get3A_1281 = arith.constant 48 : index
        %get3A_1282 = tpu.vector_load %arg8[%get3A_1279, %get3A_1280, %get3A_1281] {strides = array<i32>} : memref<8x50x128xf32, #tpu.memory_space<vmem>>, vector<1x1x16xf32>,
        %get3A_1283 = vector.shape_cast %get3A_1282 : vector<1x1x16xf32> to vector<16xf32>
        %mul3A_1284 = arith.mulf %gather3A_1251, %get3A_1283 : vector<16xf32>
        %add3A_1285 = arith.addf %scan3A_1244, %mul3A_1284 : vector<16xf32>
        %get3A_1286 = arith.constant 5 : i32
        %get3A_1287 = arith.index_cast %get3A_1286 : i32 to index
        %get3A_1288 = arith.index_cast %add3A_1253 : i32 to index
        %get3A_1289 = arith.constant 64 : index
        %get3A_1290 = tpu.vector_load %arg8[%get3A_1287, %get3A_1288, %get3A_1289] {strides = array<i32>} : memref<8x50x128xf32, #tpu.memory_space<vmem>>, vector<1x1x16xf32>,
        %get3A_1291 = vector.shape_cast %get3A_1290 : vector<1x1x16xf32> to vector<16xf32>
        %mul3A_1292 = arith.mulf %gather3A_1251, %get3A_1291 : vector<16xf32>
        %add3A_1293 = arith.addf %scan3A_1245, %mul3A_1292 : vector<16xf32>
        %get3A_1294 = arith.constant 5 : i32
        %get3A_1295 = arith.index_cast %get3A_1294 : i32 to index
        %get3A_1296 = arith.index_cast %add3A_1253 : i32 to index
        %get3A_1297 = arith.constant 80 : index
        %get3A_1298 = tpu.vector_load %arg8[%get3A_1295, %get3A_1296, %get3A_1297] {strides = array<i32>} : memref<8x50x128xf32, #tpu.memory_space<vmem>>, vector<1x1x16xf32>,
        %get3A_1299 = vector.shape_cast %get3A_1298 : vector<1x1x16xf32> to vector<16xf32>
        %mul3A_1300 = arith.mulf %gather3A_1251, %get3A_1299 : vector<16xf32>
        %add3A_1301 = arith.addf %scan3A_1246, %mul3A_1300 : vector<16xf32>
        %get3A_1302 = arith.constant 5 : i32
        %get3A_1303 = arith.index_cast %get3A_1302 : i32 to index
        %get3A_1304 = arith.index_cast %add3A_1253 : i32 to index
        %get3A_1305 = arith.constant 96 : index
        %get3A_1306 = tpu.vector_load %arg8[%get3A_1303, %get3A_1304, %get3A_1305] {strides = array<i32>} : memref<8x50x128xf32, #tpu.memory_space<vmem>>, vector<1x1x16xf32>,
        %get3A_1307 = vector.shape_cast %get3A_1306 : vector<1x1x16xf32> to vector<16xf32>
        %mul3A_1308 = arith.mulf %gather3A_1251, %get3A_1307 : vector<16xf32>
        %add3A_1309 = arith.addf %scan3A_1247, %mul3A_1308 : vector<16xf32>
        %get3A_1310 = arith.constant 5 : i32
        %get3A_1311 = arith.index_cast %get3A_1310 : i32 to index
        %get3A_1312 = arith.index_cast %add3A_1253 : i32 to index
        %get3A_1313 = arith.constant 112 : index
        %get3A_1314 = tpu.vector_load %arg8[%get3A_1311, %get3A_1312, %get3A_1313] {strides = array<i32>} : memref<8x50x128xf32, #tpu.memory_space<vmem>>, vector<1x1x16xf32>,
        %get3A_1315 = vector.shape_cast %get3A_1314 : vector<1x1x16xf32> to vector<16xf32>
        %mul3A_1316 = arith.mulf %gather3A_1251, %get3A_1315 : vector<16xf32>
        %add3A_1317 = arith.addf %scan3A_1248, %mul3A_1316 : vector<16xf32>
        %add3A_1318 = arith.addf %scan3A_1249, %gather3A_1251 : vector<16xf32>
        scf.yield %add3A_1261, %add3A_1269, %add3A_1277, %add3A_1285, %add3A_1293, %add3A_1301, %add3A_1309, %add3A_1317, %add3A_1318 : vector<16xf32>, vector<16xf32>, vector<16xf32>, vector<16xf32>, vector<16xf32>, vector<16xf32>, vector<16xf32>, vector<16xf32>, vector<16xf32>
      }
      %scan3A_905 = arith.constant 16 : i32
      %get3A_906 = arith.index_cast %add3A_867 : i32 to index
      %get3A_907 = arith.constant 32 : index
      %get3A_908 = tpu.vector_load %arg7[%get3A_906, %get3A_907] {strides = array<i32>} : memref<128x64xf32, #tpu.memory_space<vmem>>, vector<1x16xf32>,
      %get3A_909 = vector.shape_cast %get3A_908 : vector<1x16xf32> to vector<16xf32>
      %scan3A_910 = arith.constant 0 : i32
      %scan3A_911 = arith.constant 16 : i32
      %scan3A_912 = arith.addi %scan3A_910, %scan3A_911 : i32
      %scan3A_913 = arith.constant 1 : i32
      %scan3A_914:9 = scf.for %scan3A_1240 = %scan3A_910 to %scan3A_912 step %scan3A_913 iter_args(%scan3A_1241 = %scan3A_904#0, %scan3A_1242 = %scan3A_904#1, %scan3A_1243 = %scan3A_904#2, %scan3A_1244 = %scan3A_904#3, %scan3A_1245 = %scan3A_904#4, %scan3A_1246 = %scan3A_904#5, %scan3A_1247 = %scan3A_904#6, %scan3A_1248 = %scan3A_904#7, %scan3A_1249 = %scan3A_904#8) -> (vector<16xf32>, vector<16xf32>, vector<16xf32>, vector<16xf32>, vector<16xf32>, vector<16xf32>, vector<16xf32>, vector<16xf32>, vector<16xf32>)  : i32 {
        %broadcast_in_dim3A_1250 = vector.broadcast %scan3A_1240 : i32 to vector<16x1xi32>
        %gather3A = vector.shape_cast %broadcast_in_dim3A_1250 : vector<16x1xi32> to vector<16xi32>
        %gather3A_1251 = tpu.dynamic_gather %get3A_909[%gather3A] in [0] : vector<16xf32>, vector<16xi32> -> vector<16xf32>
        %add3A_1252 = arith.constant 32 : i32
        %add3A_1253 = arith.addi %add3A_1252, %scan3A_1240 : i32
        %get3A_1254 = arith.constant 5 : i32
        %get3A_1255 = arith.index_cast %get3A_1254 : i32 to index
        %get3A_1256 = arith.index_cast %add3A_1253 : i32 to index
        %get3A_1257 = arith.constant 0 : index
        %get3A_1258 = tpu.vector_load %arg8[%get3A_1255, %get3A_1256, %get3A_1257] {strides = array<i32>} : memref<8x50x128xf32, #tpu.memory_space<vmem>>, vector<1x1x16xf32>,
        %get3A_1259 = vector.shape_cast %get3A_1258 : vector<1x1x16xf32> to vector<16xf32>
        %mul3A_1260 = arith.mulf %gather3A_1251, %get3A_1259 : vector<16xf32>
        %add3A_1261 = arith.addf %scan3A_1241, %mul3A_1260 : vector<16xf32>
        %get3A_1262 = arith.constant 5 : i32
        %get3A_1263 = arith.index_cast %get3A_1262 : i32 to index
        %get3A_1264 = arith.index_cast %add3A_1253 : i32 to index
        %get3A_1265 = arith.constant 16 : index
        %get3A_1266 = tpu.vector_load %arg8[%get3A_1263, %get3A_1264, %get3A_1265] {strides = array<i32>} : memref<8x50x128xf32, #tpu.memory_space<vmem>>, vector<1x1x16xf32>,
        %get3A_1267 = vector.shape_cast %get3A_1266 : vector<1x1x16xf32> to vector<16xf32>
        %mul3A_1268 = arith.mulf %gather3A_1251, %get3A_1267 : vector<16xf32>
        %add3A_1269 = arith.addf %scan3A_1242, %mul3A_1268 : vector<16xf32>
        %get3A_1270 = arith.constant 5 : i32
        %get3A_1271 = arith.index_cast %get3A_1270 : i32 to index
        %get3A_1272 = arith.index_cast %add3A_1253 : i32 to index
        %get3A_1273 = arith.constant 32 : index
        %get3A_1274 = tpu.vector_load %arg8[%get3A_1271, %get3A_1272, %get3A_1273] {strides = array<i32>} : memref<8x50x128xf32, #tpu.memory_space<vmem>>, vector<1x1x16xf32>,
        %get3A_1275 = vector.shape_cast %get3A_1274 : vector<1x1x16xf32> to vector<16xf32>
        %mul3A_1276 = arith.mulf %gather3A_1251, %get3A_1275 : vector<16xf32>
        %add3A_1277 = arith.addf %scan3A_1243, %mul3A_1276 : vector<16xf32>
        %get3A_1278 = arith.constant 5 : i32
        %get3A_1279 = arith.index_cast %get3A_1278 : i32 to index
        %get3A_1280 = arith.index_cast %add3A_1253 : i32 to index
        %get3A_1281 = arith.constant 48 : index
        %get3A_1282 = tpu.vector_load %arg8[%get3A_1279, %get3A_1280, %get3A_1281] {strides = array<i32>} : memref<8x50x128xf32, #tpu.memory_space<vmem>>, vector<1x1x16xf32>,
        %get3A_1283 = vector.shape_cast %get3A_1282 : vector<1x1x16xf32> to vector<16xf32>
        %mul3A_1284 = arith.mulf %gather3A_1251, %get3A_1283 : vector<16xf32>
        %add3A_1285 = arith.addf %scan3A_1244, %mul3A_1284 : vector<16xf32>
        %get3A_1286 = arith.constant 5 : i32
        %get3A_1287 = arith.index_cast %get3A_1286 : i32 to index
        %get3A_1288 = arith.index_cast %add3A_1253 : i32 to index
        %get3A_1289 = arith.constant 64 : index
        %get3A_1290 = tpu.vector_load %arg8[%get3A_1287, %get3A_1288, %get3A_1289] {strides = array<i32>} : memref<8x50x128xf32, #tpu.memory_space<vmem>>, vector<1x1x16xf32>,
        %get3A_1291 = vector.shape_cast %get3A_1290 : vector<1x1x16xf32> to vector<16xf32>
        %mul3A_1292 = arith.mulf %gather3A_1251, %get3A_1291 : vector<16xf32>
        %add3A_1293 = arith.addf %scan3A_1245, %mul3A_1292 : vector<16xf32>
        %get3A_1294 = arith.constant 5 : i32
        %get3A_1295 = arith.index_cast %get3A_1294 : i32 to index
        %get3A_1296 = arith.index_cast %add3A_1253 : i32 to index
        %get3A_1297 = arith.constant 80 : index
        %get3A_1298 = tpu.vector_load %arg8[%get3A_1295, %get3A_1296, %get3A_1297] {strides = array<i32>} : memref<8x50x128xf32, #tpu.memory_space<vmem>>, vector<1x1x16xf32>,
        %get3A_1299 = vector.shape_cast %get3A_1298 : vector<1x1x16xf32> to vector<16xf32>
        %mul3A_1300 = arith.mulf %gather3A_1251, %get3A_1299 : vector<16xf32>
        %add3A_1301 = arith.addf %scan3A_1246, %mul3A_1300 : vector<16xf32>
        %get3A_1302 = arith.constant 5 : i32
        %get3A_1303 = arith.index_cast %get3A_1302 : i32 to index
        %get3A_1304 = arith.index_cast %add3A_1253 : i32 to index
        %get3A_1305 = arith.constant 96 : index
        %get3A_1306 = tpu.vector_load %arg8[%get3A_1303, %get3A_1304, %get3A_1305] {strides = array<i32>} : memref<8x50x128xf32, #tpu.memory_space<vmem>>, vector<1x1x16xf32>,
        %get3A_1307 = vector.shape_cast %get3A_1306 : vector<1x1x16xf32> to vector<16xf32>
        %mul3A_1308 = arith.mulf %gather3A_1251, %get3A_1307 : vector<16xf32>
        %add3A_1309 = arith.addf %scan3A_1247, %mul3A_1308 : vector<16xf32>
        %get3A_1310 = arith.constant 5 : i32
        %get3A_1311 = arith.index_cast %get3A_1310 : i32 to index
        %get3A_1312 = arith.index_cast %add3A_1253 : i32 to index
        %get3A_1313 = arith.constant 112 : index
        %get3A_1314 = tpu.vector_load %arg8[%get3A_1311, %get3A_1312, %get3A_1313] {strides = array<i32>} : memref<8x50x128xf32, #tpu.memory_space<vmem>>, vector<1x1x16xf32>,
        %get3A_1315 = vector.shape_cast %get3A_1314 : vector<1x1x16xf32> to vector<16xf32>
        %mul3A_1316 = arith.mulf %gather3A_1251, %get3A_1315 : vector<16xf32>
        %add3A_1317 = arith.addf %scan3A_1248, %mul3A_1316 : vector<16xf32>
        %add3A_1318 = arith.addf %scan3A_1249, %gather3A_1251 : vector<16xf32>
        scf.yield %add3A_1261, %add3A_1269, %add3A_1277, %add3A_1285, %add3A_1293, %add3A_1301, %add3A_1309, %add3A_1317, %add3A_1318 : vector<16xf32>, vector<16xf32>, vector<16xf32>, vector<16xf32>, vector<16xf32>, vector<16xf32>, vector<16xf32>, vector<16xf32>, vector<16xf32>
      }
      %scan3A_915 = arith.constant 16 : i32
      %get3A_916 = arith.index_cast %add3A_867 : i32 to index
      %get3A_917 = arith.constant 48 : index
      %get3A_918 = tpu.vector_load %arg7[%get3A_916, %get3A_917] {strides = array<i32>} : memref<128x64xf32, #tpu.memory_space<vmem>>, vector<1x16xf32>,
      %get3A_919 = vector.shape_cast %get3A_918 : vector<1x16xf32> to vector<16xf32>
      %scan3A_920 = arith.constant 0 : i32
      %scan3A_921 = arith.constant 2 : i32
      %scan3A_922 = arith.addi %scan3A_920, %scan3A_921 : i32
      %scan3A_923 = arith.constant 1 : i32
      %scan3A_924:9 = scf.for %scan3A_1240 = %scan3A_920 to %scan3A_922 step %scan3A_923 iter_args(%scan3A_1241 = %scan3A_914#0, %scan3A_1242 = %scan3A_914#1, %scan3A_1243 = %scan3A_914#2, %scan3A_1244 = %scan3A_914#3, %scan3A_1245 = %scan3A_914#4, %scan3A_1246 = %scan3A_914#5, %scan3A_1247 = %scan3A_914#6, %scan3A_1248 = %scan3A_914#7, %scan3A_1249 = %scan3A_914#8) -> (vector<16xf32>, vector<16xf32>, vector<16xf32>, vector<16xf32>, vector<16xf32>, vector<16xf32>, vector<16xf32>, vector<16xf32>, vector<16xf32>)  : i32 {
        %broadcast_in_dim3A_1250 = vector.broadcast %scan3A_1240 : i32 to vector<16x1xi32>
        %gather3A = vector.shape_cast %broadcast_in_dim3A_1250 : vector<16x1xi32> to vector<16xi32>
        %gather3A_1251 = tpu.dynamic_gather %get3A_919[%gather3A] in [0] : vector<16xf32>, vector<16xi32> -> vector<16xf32>
        %add3A_1252 = arith.constant 48 : i32
        %add3A_1253 = arith.addi %add3A_1252, %scan3A_1240 : i32
        %get3A_1254 = arith.constant 5 : i32
        %get3A_1255 = arith.index_cast %get3A_1254 : i32 to index
        %get3A_1256 = arith.index_cast %add3A_1253 : i32 to index
        %get3A_1257 = arith.constant 0 : index
        %get3A_1258 = tpu.vector_load %arg8[%get3A_1255, %get3A_1256, %get3A_1257] {strides = array<i32>} : memref<8x50x128xf32, #tpu.memory_space<vmem>>, vector<1x1x16xf32>,
        %get3A_1259 = vector.shape_cast %get3A_1258 : vector<1x1x16xf32> to vector<16xf32>
        %mul3A_1260 = arith.mulf %gather3A_1251, %get3A_1259 : vector<16xf32>
        %add3A_1261 = arith.addf %scan3A_1241, %mul3A_1260 : vector<16xf32>
        %get3A_1262 = arith.constant 5 : i32
        %get3A_1263 = arith.index_cast %get3A_1262 : i32 to index
        %get3A_1264 = arith.index_cast %add3A_1253 : i32 to index
        %get3A_1265 = arith.constant 16 : index
        %get3A_1266 = tpu.vector_load %arg8[%get3A_1263, %get3A_1264, %get3A_1265] {strides = array<i32>} : memref<8x50x128xf32, #tpu.memory_space<vmem>>, vector<1x1x16xf32>,
        %get3A_1267 = vector.shape_cast %get3A_1266 : vector<1x1x16xf32> to vector<16xf32>
        %mul3A_1268 = arith.mulf %gather3A_1251, %get3A_1267 : vector<16xf32>
        %add3A_1269 = arith.addf %scan3A_1242, %mul3A_1268 : vector<16xf32>
        %get3A_1270 = arith.constant 5 : i32
        %get3A_1271 = arith.index_cast %get3A_1270 : i32 to index
        %get3A_1272 = arith.index_cast %add3A_1253 : i32 to index
        %get3A_1273 = arith.constant 32 : index
        %get3A_1274 = tpu.vector_load %arg8[%get3A_1271, %get3A_1272, %get3A_1273] {strides = array<i32>} : memref<8x50x128xf32, #tpu.memory_space<vmem>>, vector<1x1x16xf32>,
        %get3A_1275 = vector.shape_cast %get3A_1274 : vector<1x1x16xf32> to vector<16xf32>
        %mul3A_1276 = arith.mulf %gather3A_1251, %get3A_1275 : vector<16xf32>
        %add3A_1277 = arith.addf %scan3A_1243, %mul3A_1276 : vector<16xf32>
        %get3A_1278 = arith.constant 5 : i32
        %get3A_1279 = arith.index_cast %get3A_1278 : i32 to index
        %get3A_1280 = arith.index_cast %add3A_1253 : i32 to index
        %get3A_1281 = arith.constant 48 : index
        %get3A_1282 = tpu.vector_load %arg8[%get3A_1279, %get3A_1280, %get3A_1281] {strides = array<i32>} : memref<8x50x128xf32, #tpu.memory_space<vmem>>, vector<1x1x16xf32>,
        %get3A_1283 = vector.shape_cast %get3A_1282 : vector<1x1x16xf32> to vector<16xf32>
        %mul3A_1284 = arith.mulf %gather3A_1251, %get3A_1283 : vector<16xf32>
        %add3A_1285 = arith.addf %scan3A_1244, %mul3A_1284 : vector<16xf32>
        %get3A_1286 = arith.constant 5 : i32
        %get3A_1287 = arith.index_cast %get3A_1286 : i32 to index
        %get3A_1288 = arith.index_cast %add3A_1253 : i32 to index
        %get3A_1289 = arith.constant 64 : index
        %get3A_1290 = tpu.vector_load %arg8[%get3A_1287, %get3A_1288, %get3A_1289] {strides = array<i32>} : memref<8x50x128xf32, #tpu.memory_space<vmem>>, vector<1x1x16xf32>,
        %get3A_1291 = vector.shape_cast %get3A_1290 : vector<1x1x16xf32> to vector<16xf32>
        %mul3A_1292 = arith.mulf %gather3A_1251, %get3A_1291 : vector<16xf32>
        %add3A_1293 = arith.addf %scan3A_1245, %mul3A_1292 : vector<16xf32>
        %get3A_1294 = arith.constant 5 : i32
        %get3A_1295 = arith.index_cast %get3A_1294 : i32 to index
        %get3A_1296 = arith.index_cast %add3A_1253 : i32 to index
        %get3A_1297 = arith.constant 80 : index
        %get3A_1298 = tpu.vector_load %arg8[%get3A_1295, %get3A_1296, %get3A_1297] {strides = array<i32>} : memref<8x50x128xf32, #tpu.memory_space<vmem>>, vector<1x1x16xf32>,
        %get3A_1299 = vector.shape_cast %get3A_1298 : vector<1x1x16xf32> to vector<16xf32>
        %mul3A_1300 = arith.mulf %gather3A_1251, %get3A_1299 : vector<16xf32>
        %add3A_1301 = arith.addf %scan3A_1246, %mul3A_1300 : vector<16xf32>
        %get3A_1302 = arith.constant 5 : i32
        %get3A_1303 = arith.index_cast %get3A_1302 : i32 to index
        %get3A_1304 = arith.index_cast %add3A_1253 : i32 to index
        %get3A_1305 = arith.constant 96 : index
        %get3A_1306 = tpu.vector_load %arg8[%get3A_1303, %get3A_1304, %get3A_1305] {strides = array<i32>} : memref<8x50x128xf32, #tpu.memory_space<vmem>>, vector<1x1x16xf32>,
        %get3A_1307 = vector.shape_cast %get3A_1306 : vector<1x1x16xf32> to vector<16xf32>
        %mul3A_1308 = arith.mulf %gather3A_1251, %get3A_1307 : vector<16xf32>
        %add3A_1309 = arith.addf %scan3A_1247, %mul3A_1308 : vector<16xf32>
        %get3A_1310 = arith.constant 5 : i32
        %get3A_1311 = arith.index_cast %get3A_1310 : i32 to index
        %get3A_1312 = arith.index_cast %add3A_1253 : i32 to index
        %get3A_1313 = arith.constant 112 : index
        %get3A_1314 = tpu.vector_load %arg8[%get3A_1311, %get3A_1312, %get3A_1313] {strides = array<i32>} : memref<8x50x128xf32, #tpu.memory_space<vmem>>, vector<1x1x16xf32>,
        %get3A_1315 = vector.shape_cast %get3A_1314 : vector<1x1x16xf32> to vector<16xf32>
        %mul3A_1316 = arith.mulf %gather3A_1251, %get3A_1315 : vector<16xf32>
        %add3A_1317 = arith.addf %scan3A_1248, %mul3A_1316 : vector<16xf32>
        %add3A_1318 = arith.addf %scan3A_1249, %gather3A_1251 : vector<16xf32>
        scf.yield %add3A_1261, %add3A_1269, %add3A_1277, %add3A_1285, %add3A_1293, %add3A_1301, %add3A_1309, %add3A_1317, %add3A_1318 : vector<16xf32>, vector<16xf32>, vector<16xf32>, vector<16xf32>, vector<16xf32>, vector<16xf32>, vector<16xf32>, vector<16xf32>, vector<16xf32>
      }
      %scan3A_925 = arith.constant 2 : i32
      %max3A_926 = arith.constant 9.99999971E-10 : f32
      %max3A_927 = vector.broadcast %max3A_926 : f32 to vector<16xf32>
      %max3A_928 = arith.maximumf %scan3A_924#8, %max3A_927 : vector<16xf32>
      %div3A_929 = arith.constant 1.000000e+00 : f32
      %div3A_930 = vector.broadcast %div3A_929 : f32 to vector<16xf32>
      %div3A_931 = arith.divf %div3A_930, %max3A_928 : vector<16xf32>
      %mul3A_932 = arith.mulf %scan3A_924#0, %div3A_931 : vector<16xf32>
      %swap3A_933 = arith.constant 5 : i32
      %swap3A_934 = arith.index_cast %swap3A_933 : i32 to index
      %swap3A_935 = arith.constant 0 : index
      %swap3A_936 = tpu.vector_load %arg9[%swap3A_934, %swap3A_935] {strides = array<i32>} : memref<8x128xf32, #tpu.memory_space<vmem>>, vector<1x16xf32>,
      %swap3A_937 = vector.shape_cast %swap3A_936 : vector<1x16xf32> to vector<16xf32>
      %swap3A_938 = vector.shape_cast %mul3A_932 : vector<16xf32> to vector<1x16xf32>
      tpu.vector_store %arg9[%swap3A_934, %swap3A_935], %swap3A_938 {strides = array<i32>} : memref<8x128xf32, #tpu.memory_space<vmem>>, vector<1x16xf32>,
      %mul3A_939 = arith.mulf %scan3A_924#1, %div3A_931 : vector<16xf32>
      %swap3A_940 = arith.constant 5 : i32
      %swap3A_941 = arith.index_cast %swap3A_940 : i32 to index
      %swap3A_942 = arith.constant 16 : index
      %swap3A_943 = tpu.vector_load %arg9[%swap3A_941, %swap3A_942] {strides = array<i32>} : memref<8x128xf32, #tpu.memory_space<vmem>>, vector<1x16xf32>,
      %swap3A_944 = vector.shape_cast %swap3A_943 : vector<1x16xf32> to vector<16xf32>
      %swap3A_945 = vector.shape_cast %mul3A_939 : vector<16xf32> to vector<1x16xf32>
      tpu.vector_store %arg9[%swap3A_941, %swap3A_942], %swap3A_945 {strides = array<i32>} : memref<8x128xf32, #tpu.memory_space<vmem>>, vector<1x16xf32>,
      %mul3A_946 = arith.mulf %scan3A_924#2, %div3A_931 : vector<16xf32>
      %swap3A_947 = arith.constant 5 : i32
      %swap3A_948 = arith.index_cast %swap3A_947 : i32 to index
      %swap3A_949 = arith.constant 32 : index
      %swap3A_950 = tpu.vector_load %arg9[%swap3A_948, %swap3A_949] {strides = array<i32>} : memref<8x128xf32, #tpu.memory_space<vmem>>, vector<1x16xf32>,
      %swap3A_951 = vector.shape_cast %swap3A_950 : vector<1x16xf32> to vector<16xf32>
      %swap3A_952 = vector.shape_cast %mul3A_946 : vector<16xf32> to vector<1x16xf32>
      tpu.vector_store %arg9[%swap3A_948, %swap3A_949], %swap3A_952 {strides = array<i32>} : memref<8x128xf32, #tpu.memory_space<vmem>>, vector<1x16xf32>,
      %mul3A_953 = arith.mulf %scan3A_924#3, %div3A_931 : vector<16xf32>
      %swap3A_954 = arith.constant 5 : i32
      %swap3A_955 = arith.index_cast %swap3A_954 : i32 to index
      %swap3A_956 = arith.constant 48 : index
      %swap3A_957 = tpu.vector_load %arg9[%swap3A_955, %swap3A_956] {strides = array<i32>} : memref<8x128xf32, #tpu.memory_space<vmem>>, vector<1x16xf32>,
      %swap3A_958 = vector.shape_cast %swap3A_957 : vector<1x16xf32> to vector<16xf32>
      %swap3A_959 = vector.shape_cast %mul3A_953 : vector<16xf32> to vector<1x16xf32>
      tpu.vector_store %arg9[%swap3A_955, %swap3A_956], %swap3A_959 {strides = array<i32>} : memref<8x128xf32, #tpu.memory_space<vmem>>, vector<1x16xf32>,
      %mul3A_960 = arith.mulf %scan3A_924#4, %div3A_931 : vector<16xf32>
      %swap3A_961 = arith.constant 5 : i32
      %swap3A_962 = arith.index_cast %swap3A_961 : i32 to index
      %swap3A_963 = arith.constant 64 : index
      %swap3A_964 = tpu.vector_load %arg9[%swap3A_962, %swap3A_963] {strides = array<i32>} : memref<8x128xf32, #tpu.memory_space<vmem>>, vector<1x16xf32>,
      %swap3A_965 = vector.shape_cast %swap3A_964 : vector<1x16xf32> to vector<16xf32>
      %swap3A_966 = vector.shape_cast %mul3A_960 : vector<16xf32> to vector<1x16xf32>
      tpu.vector_store %arg9[%swap3A_962, %swap3A_963], %swap3A_966 {strides = array<i32>} : memref<8x128xf32, #tpu.memory_space<vmem>>, vector<1x16xf32>,
      %mul3A_967 = arith.mulf %scan3A_924#5, %div3A_931 : vector<16xf32>
      %swap3A_968 = arith.constant 5 : i32
      %swap3A_969 = arith.index_cast %swap3A_968 : i32 to index
      %swap3A_970 = arith.constant 80 : index
      %swap3A_971 = tpu.vector_load %arg9[%swap3A_969, %swap3A_970] {strides = array<i32>} : memref<8x128xf32, #tpu.memory_space<vmem>>, vector<1x16xf32>,
      %swap3A_972 = vector.shape_cast %swap3A_971 : vector<1x16xf32> to vector<16xf32>
      %swap3A_973 = vector.shape_cast %mul3A_967 : vector<16xf32> to vector<1x16xf32>
      tpu.vector_store %arg9[%swap3A_969, %swap3A_970], %swap3A_973 {strides = array<i32>} : memref<8x128xf32, #tpu.memory_space<vmem>>, vector<1x16xf32>,
      %mul3A_974 = arith.mulf %scan3A_924#6, %div3A_931 : vector<16xf32>
      %swap3A_975 = arith.constant 5 : i32
      %swap3A_976 = arith.index_cast %swap3A_975 : i32 to index
      %swap3A_977 = arith.constant 96 : index
      %swap3A_978 = tpu.vector_load %arg9[%swap3A_976, %swap3A_977] {strides = array<i32>} : memref<8x128xf32, #tpu.memory_space<vmem>>, vector<1x16xf32>,
      %swap3A_979 = vector.shape_cast %swap3A_978 : vector<1x16xf32> to vector<16xf32>
      %swap3A_980 = vector.shape_cast %mul3A_974 : vector<16xf32> to vector<1x16xf32>
      tpu.vector_store %arg9[%swap3A_976, %swap3A_977], %swap3A_980 {strides = array<i32>} : memref<8x128xf32, #tpu.memory_space<vmem>>, vector<1x16xf32>,
      %mul3A_981 = arith.mulf %scan3A_924#7, %div3A_931 : vector<16xf32>
      %swap3A_982 = arith.constant 5 : i32
      %swap3A_983 = arith.index_cast %swap3A_982 : i32 to index
      %swap3A_984 = arith.constant 112 : index
      %swap3A_985 = tpu.vector_load %arg9[%swap3A_983, %swap3A_984] {strides = array<i32>} : memref<8x128xf32, #tpu.memory_space<vmem>>, vector<1x16xf32>,
      %swap3A_986 = vector.shape_cast %swap3A_985 : vector<1x16xf32> to vector<16xf32>
      %swap3A_987 = vector.shape_cast %mul3A_981 : vector<16xf32> to vector<1x16xf32>
      tpu.vector_store %arg9[%swap3A_983, %swap3A_984], %swap3A_987 {strides = array<i32>} : memref<8x128xf32, #tpu.memory_space<vmem>>, vector<1x16xf32>,
      %mul3A_988 = arith.constant 8 : i32
      %mul3A_989 = arith.muli %scan3A_9, %mul3A_988 : i32
      %add3A_990 = arith.constant 6 : i32
      %add3A_991 = arith.addi %mul3A_989, %add3A_990 : i32
      %broadcast_in_dim3A_992 = arith.constant 0.000000e+00 : f32
      %broadcast_in_dim3A_993 = vector.broadcast %broadcast_in_dim3A_992 : f32 to vector<16xf32>
      %broadcast_in_dim3A_994 = arith.constant 0.000000e+00 : f32
      %broadcast_in_dim3A_995 = vector.broadcast %broadcast_in_dim3A_994 : f32 to vector<16xf32>
      %broadcast_in_dim3A_996 = arith.constant 0.000000e+00 : f32
      %broadcast_in_dim3A_997 = vector.broadcast %broadcast_in_dim3A_996 : f32 to vector<16xf32>
      %broadcast_in_dim3A_998 = arith.constant 0.000000e+00 : f32
      %broadcast_in_dim3A_999 = vector.broadcast %broadcast_in_dim3A_998 : f32 to vector<16xf32>
      %broadcast_in_dim3A_1000 = arith.constant 0.000000e+00 : f32
      %broadcast_in_dim3A_1001 = vector.broadcast %broadcast_in_dim3A_1000 : f32 to vector<16xf32>
      %broadcast_in_dim3A_1002 = arith.constant 0.000000e+00 : f32
      %broadcast_in_dim3A_1003 = vector.broadcast %broadcast_in_dim3A_1002 : f32 to vector<16xf32>
      %broadcast_in_dim3A_1004 = arith.constant 0.000000e+00 : f32
      %broadcast_in_dim3A_1005 = vector.broadcast %broadcast_in_dim3A_1004 : f32 to vector<16xf32>
      %broadcast_in_dim3A_1006 = arith.constant 0.000000e+00 : f32
      %broadcast_in_dim3A_1007 = vector.broadcast %broadcast_in_dim3A_1006 : f32 to vector<16xf32>
      %broadcast_in_dim3A_1008 = arith.constant 0.000000e+00 : f32
      %broadcast_in_dim3A_1009 = vector.broadcast %broadcast_in_dim3A_1008 : f32 to vector<16xf32>
      %get3A_1010 = arith.index_cast %add3A_991 : i32 to index
      %get3A_1011 = arith.constant 0 : index
      %get3A_1012 = tpu.vector_load %arg7[%get3A_1010, %get3A_1011] {strides = array<i32>} : memref<128x64xf32, #tpu.memory_space<vmem>>, vector<1x16xf32>,
      %get3A_1013 = vector.shape_cast %get3A_1012 : vector<1x16xf32> to vector<16xf32>
      %scan3A_1014 = arith.constant 0 : i32
      %scan3A_1015 = arith.constant 16 : i32
      %scan3A_1016 = arith.addi %scan3A_1014, %scan3A_1015 : i32
      %scan3A_1017 = arith.constant 1 : i32
      %scan3A_1018:9 = scf.for %scan3A_1240 = %scan3A_1014 to %scan3A_1016 step %scan3A_1017 iter_args(%scan3A_1241 = %broadcast_in_dim3A_993, %scan3A_1242 = %broadcast_in_dim3A_995, %scan3A_1243 = %broadcast_in_dim3A_997, %scan3A_1244 = %broadcast_in_dim3A_999, %scan3A_1245 = %broadcast_in_dim3A_1001, %scan3A_1246 = %broadcast_in_dim3A_1003, %scan3A_1247 = %broadcast_in_dim3A_1005, %scan3A_1248 = %broadcast_in_dim3A_1007, %scan3A_1249 = %broadcast_in_dim3A_1009) -> (vector<16xf32>, vector<16xf32>, vector<16xf32>, vector<16xf32>, vector<16xf32>, vector<16xf32>, vector<16xf32>, vector<16xf32>, vector<16xf32>)  : i32 {
        %broadcast_in_dim3A_1250 = vector.broadcast %scan3A_1240 : i32 to vector<16x1xi32>
        %gather3A = vector.shape_cast %broadcast_in_dim3A_1250 : vector<16x1xi32> to vector<16xi32>
        %gather3A_1251 = tpu.dynamic_gather %get3A_1013[%gather3A] in [0] : vector<16xf32>, vector<16xi32> -> vector<16xf32>
        %add3A_1252 = arith.constant 0 : i32
        %add3A_1253 = arith.addi %add3A_1252, %scan3A_1240 : i32
        %get3A_1254 = arith.constant 6 : i32
        %get3A_1255 = arith.index_cast %get3A_1254 : i32 to index
        %get3A_1256 = arith.index_cast %add3A_1253 : i32 to index
        %get3A_1257 = arith.constant 0 : index
        %get3A_1258 = tpu.vector_load %arg8[%get3A_1255, %get3A_1256, %get3A_1257] {strides = array<i32>} : memref<8x50x128xf32, #tpu.memory_space<vmem>>, vector<1x1x16xf32>,
        %get3A_1259 = vector.shape_cast %get3A_1258 : vector<1x1x16xf32> to vector<16xf32>
        %mul3A_1260 = arith.mulf %gather3A_1251, %get3A_1259 : vector<16xf32>
        %add3A_1261 = arith.addf %scan3A_1241, %mul3A_1260 : vector<16xf32>
        %get3A_1262 = arith.constant 6 : i32
        %get3A_1263 = arith.index_cast %get3A_1262 : i32 to index
        %get3A_1264 = arith.index_cast %add3A_1253 : i32 to index
        %get3A_1265 = arith.constant 16 : index
        %get3A_1266 = tpu.vector_load %arg8[%get3A_1263, %get3A_1264, %get3A_1265] {strides = array<i32>} : memref<8x50x128xf32, #tpu.memory_space<vmem>>, vector<1x1x16xf32>,
        %get3A_1267 = vector.shape_cast %get3A_1266 : vector<1x1x16xf32> to vector<16xf32>
        %mul3A_1268 = arith.mulf %gather3A_1251, %get3A_1267 : vector<16xf32>
        %add3A_1269 = arith.addf %scan3A_1242, %mul3A_1268 : vector<16xf32>
        %get3A_1270 = arith.constant 6 : i32
        %get3A_1271 = arith.index_cast %get3A_1270 : i32 to index
        %get3A_1272 = arith.index_cast %add3A_1253 : i32 to index
        %get3A_1273 = arith.constant 32 : index
        %get3A_1274 = tpu.vector_load %arg8[%get3A_1271, %get3A_1272, %get3A_1273] {strides = array<i32>} : memref<8x50x128xf32, #tpu.memory_space<vmem>>, vector<1x1x16xf32>,
        %get3A_1275 = vector.shape_cast %get3A_1274 : vector<1x1x16xf32> to vector<16xf32>
        %mul3A_1276 = arith.mulf %gather3A_1251, %get3A_1275 : vector<16xf32>
        %add3A_1277 = arith.addf %scan3A_1243, %mul3A_1276 : vector<16xf32>
        %get3A_1278 = arith.constant 6 : i32
        %get3A_1279 = arith.index_cast %get3A_1278 : i32 to index
        %get3A_1280 = arith.index_cast %add3A_1253 : i32 to index
        %get3A_1281 = arith.constant 48 : index
        %get3A_1282 = tpu.vector_load %arg8[%get3A_1279, %get3A_1280, %get3A_1281] {strides = array<i32>} : memref<8x50x128xf32, #tpu.memory_space<vmem>>, vector<1x1x16xf32>,
        %get3A_1283 = vector.shape_cast %get3A_1282 : vector<1x1x16xf32> to vector<16xf32>
        %mul3A_1284 = arith.mulf %gather3A_1251, %get3A_1283 : vector<16xf32>
        %add3A_1285 = arith.addf %scan3A_1244, %mul3A_1284 : vector<16xf32>
        %get3A_1286 = arith.constant 6 : i32
        %get3A_1287 = arith.index_cast %get3A_1286 : i32 to index
        %get3A_1288 = arith.index_cast %add3A_1253 : i32 to index
        %get3A_1289 = arith.constant 64 : index
        %get3A_1290 = tpu.vector_load %arg8[%get3A_1287, %get3A_1288, %get3A_1289] {strides = array<i32>} : memref<8x50x128xf32, #tpu.memory_space<vmem>>, vector<1x1x16xf32>,
        %get3A_1291 = vector.shape_cast %get3A_1290 : vector<1x1x16xf32> to vector<16xf32>
        %mul3A_1292 = arith.mulf %gather3A_1251, %get3A_1291 : vector<16xf32>
        %add3A_1293 = arith.addf %scan3A_1245, %mul3A_1292 : vector<16xf32>
        %get3A_1294 = arith.constant 6 : i32
        %get3A_1295 = arith.index_cast %get3A_1294 : i32 to index
        %get3A_1296 = arith.index_cast %add3A_1253 : i32 to index
        %get3A_1297 = arith.constant 80 : index
        %get3A_1298 = tpu.vector_load %arg8[%get3A_1295, %get3A_1296, %get3A_1297] {strides = array<i32>} : memref<8x50x128xf32, #tpu.memory_space<vmem>>, vector<1x1x16xf32>,
        %get3A_1299 = vector.shape_cast %get3A_1298 : vector<1x1x16xf32> to vector<16xf32>
        %mul3A_1300 = arith.mulf %gather3A_1251, %get3A_1299 : vector<16xf32>
        %add3A_1301 = arith.addf %scan3A_1246, %mul3A_1300 : vector<16xf32>
        %get3A_1302 = arith.constant 6 : i32
        %get3A_1303 = arith.index_cast %get3A_1302 : i32 to index
        %get3A_1304 = arith.index_cast %add3A_1253 : i32 to index
        %get3A_1305 = arith.constant 96 : index
        %get3A_1306 = tpu.vector_load %arg8[%get3A_1303, %get3A_1304, %get3A_1305] {strides = array<i32>} : memref<8x50x128xf32, #tpu.memory_space<vmem>>, vector<1x1x16xf32>,
        %get3A_1307 = vector.shape_cast %get3A_1306 : vector<1x1x16xf32> to vector<16xf32>
        %mul3A_1308 = arith.mulf %gather3A_1251, %get3A_1307 : vector<16xf32>
        %add3A_1309 = arith.addf %scan3A_1247, %mul3A_1308 : vector<16xf32>
        %get3A_1310 = arith.constant 6 : i32
        %get3A_1311 = arith.index_cast %get3A_1310 : i32 to index
        %get3A_1312 = arith.index_cast %add3A_1253 : i32 to index
        %get3A_1313 = arith.constant 112 : index
        %get3A_1314 = tpu.vector_load %arg8[%get3A_1311, %get3A_1312, %get3A_1313] {strides = array<i32>} : memref<8x50x128xf32, #tpu.memory_space<vmem>>, vector<1x1x16xf32>,
        %get3A_1315 = vector.shape_cast %get3A_1314 : vector<1x1x16xf32> to vector<16xf32>
        %mul3A_1316 = arith.mulf %gather3A_1251, %get3A_1315 : vector<16xf32>
        %add3A_1317 = arith.addf %scan3A_1248, %mul3A_1316 : vector<16xf32>
        %add3A_1318 = arith.addf %scan3A_1249, %gather3A_1251 : vector<16xf32>
        scf.yield %add3A_1261, %add3A_1269, %add3A_1277, %add3A_1285, %add3A_1293, %add3A_1301, %add3A_1309, %add3A_1317, %add3A_1318 : vector<16xf32>, vector<16xf32>, vector<16xf32>, vector<16xf32>, vector<16xf32>, vector<16xf32>, vector<16xf32>, vector<16xf32>, vector<16xf32>
      }
      %scan3A_1019 = arith.constant 16 : i32
      %get3A_1020 = arith.index_cast %add3A_991 : i32 to index
      %get3A_1021 = arith.constant 16 : index
      %get3A_1022 = tpu.vector_load %arg7[%get3A_1020, %get3A_1021] {strides = array<i32>} : memref<128x64xf32, #tpu.memory_space<vmem>>, vector<1x16xf32>,
      %get3A_1023 = vector.shape_cast %get3A_1022 : vector<1x16xf32> to vector<16xf32>
      %scan3A_1024 = arith.constant 0 : i32
      %scan3A_1025 = arith.constant 16 : i32
      %scan3A_1026 = arith.addi %scan3A_1024, %scan3A_1025 : i32
      %scan3A_1027 = arith.constant 1 : i32
      %scan3A_1028:9 = scf.for %scan3A_1240 = %scan3A_1024 to %scan3A_1026 step %scan3A_1027 iter_args(%scan3A_1241 = %scan3A_1018#0, %scan3A_1242 = %scan3A_1018#1, %scan3A_1243 = %scan3A_1018#2, %scan3A_1244 = %scan3A_1018#3, %scan3A_1245 = %scan3A_1018#4, %scan3A_1246 = %scan3A_1018#5, %scan3A_1247 = %scan3A_1018#6, %scan3A_1248 = %scan3A_1018#7, %scan3A_1249 = %scan3A_1018#8) -> (vector<16xf32>, vector<16xf32>, vector<16xf32>, vector<16xf32>, vector<16xf32>, vector<16xf32>, vector<16xf32>, vector<16xf32>, vector<16xf32>)  : i32 {
        %broadcast_in_dim3A_1250 = vector.broadcast %scan3A_1240 : i32 to vector<16x1xi32>
        %gather3A = vector.shape_cast %broadcast_in_dim3A_1250 : vector<16x1xi32> to vector<16xi32>
        %gather3A_1251 = tpu.dynamic_gather %get3A_1023[%gather3A] in [0] : vector<16xf32>, vector<16xi32> -> vector<16xf32>
        %add3A_1252 = arith.constant 16 : i32
        %add3A_1253 = arith.addi %add3A_1252, %scan3A_1240 : i32
        %get3A_1254 = arith.constant 6 : i32
        %get3A_1255 = arith.index_cast %get3A_1254 : i32 to index
        %get3A_1256 = arith.index_cast %add3A_1253 : i32 to index
        %get3A_1257 = arith.constant 0 : index
        %get3A_1258 = tpu.vector_load %arg8[%get3A_1255, %get3A_1256, %get3A_1257] {strides = array<i32>} : memref<8x50x128xf32, #tpu.memory_space<vmem>>, vector<1x1x16xf32>,
        %get3A_1259 = vector.shape_cast %get3A_1258 : vector<1x1x16xf32> to vector<16xf32>
        %mul3A_1260 = arith.mulf %gather3A_1251, %get3A_1259 : vector<16xf32>
        %add3A_1261 = arith.addf %scan3A_1241, %mul3A_1260 : vector<16xf32>
        %get3A_1262 = arith.constant 6 : i32
        %get3A_1263 = arith.index_cast %get3A_1262 : i32 to index
        %get3A_1264 = arith.index_cast %add3A_1253 : i32 to index
        %get3A_1265 = arith.constant 16 : index
        %get3A_1266 = tpu.vector_load %arg8[%get3A_1263, %get3A_1264, %get3A_1265] {strides = array<i32>} : memref<8x50x128xf32, #tpu.memory_space<vmem>>, vector<1x1x16xf32>,
        %get3A_1267 = vector.shape_cast %get3A_1266 : vector<1x1x16xf32> to vector<16xf32>
        %mul3A_1268 = arith.mulf %gather3A_1251, %get3A_1267 : vector<16xf32>
        %add3A_1269 = arith.addf %scan3A_1242, %mul3A_1268 : vector<16xf32>
        %get3A_1270 = arith.constant 6 : i32
        %get3A_1271 = arith.index_cast %get3A_1270 : i32 to index
        %get3A_1272 = arith.index_cast %add3A_1253 : i32 to index
        %get3A_1273 = arith.constant 32 : index
        %get3A_1274 = tpu.vector_load %arg8[%get3A_1271, %get3A_1272, %get3A_1273] {strides = array<i32>} : memref<8x50x128xf32, #tpu.memory_space<vmem>>, vector<1x1x16xf32>,
        %get3A_1275 = vector.shape_cast %get3A_1274 : vector<1x1x16xf32> to vector<16xf32>
        %mul3A_1276 = arith.mulf %gather3A_1251, %get3A_1275 : vector<16xf32>
        %add3A_1277 = arith.addf %scan3A_1243, %mul3A_1276 : vector<16xf32>
        %get3A_1278 = arith.constant 6 : i32
        %get3A_1279 = arith.index_cast %get3A_1278 : i32 to index
        %get3A_1280 = arith.index_cast %add3A_1253 : i32 to index
        %get3A_1281 = arith.constant 48 : index
        %get3A_1282 = tpu.vector_load %arg8[%get3A_1279, %get3A_1280, %get3A_1281] {strides = array<i32>} : memref<8x50x128xf32, #tpu.memory_space<vmem>>, vector<1x1x16xf32>,
        %get3A_1283 = vector.shape_cast %get3A_1282 : vector<1x1x16xf32> to vector<16xf32>
        %mul3A_1284 = arith.mulf %gather3A_1251, %get3A_1283 : vector<16xf32>
        %add3A_1285 = arith.addf %scan3A_1244, %mul3A_1284 : vector<16xf32>
        %get3A_1286 = arith.constant 6 : i32
        %get3A_1287 = arith.index_cast %get3A_1286 : i32 to index
        %get3A_1288 = arith.index_cast %add3A_1253 : i32 to index
        %get3A_1289 = arith.constant 64 : index
        %get3A_1290 = tpu.vector_load %arg8[%get3A_1287, %get3A_1288, %get3A_1289] {strides = array<i32>} : memref<8x50x128xf32, #tpu.memory_space<vmem>>, vector<1x1x16xf32>,
        %get3A_1291 = vector.shape_cast %get3A_1290 : vector<1x1x16xf32> to vector<16xf32>
        %mul3A_1292 = arith.mulf %gather3A_1251, %get3A_1291 : vector<16xf32>
        %add3A_1293 = arith.addf %scan3A_1245, %mul3A_1292 : vector<16xf32>
        %get3A_1294 = arith.constant 6 : i32
        %get3A_1295 = arith.index_cast %get3A_1294 : i32 to index
        %get3A_1296 = arith.index_cast %add3A_1253 : i32 to index
        %get3A_1297 = arith.constant 80 : index
        %get3A_1298 = tpu.vector_load %arg8[%get3A_1295, %get3A_1296, %get3A_1297] {strides = array<i32>} : memref<8x50x128xf32, #tpu.memory_space<vmem>>, vector<1x1x16xf32>,
        %get3A_1299 = vector.shape_cast %get3A_1298 : vector<1x1x16xf32> to vector<16xf32>
        %mul3A_1300 = arith.mulf %gather3A_1251, %get3A_1299 : vector<16xf32>
        %add3A_1301 = arith.addf %scan3A_1246, %mul3A_1300 : vector<16xf32>
        %get3A_1302 = arith.constant 6 : i32
        %get3A_1303 = arith.index_cast %get3A_1302 : i32 to index
        %get3A_1304 = arith.index_cast %add3A_1253 : i32 to index
        %get3A_1305 = arith.constant 96 : index
        %get3A_1306 = tpu.vector_load %arg8[%get3A_1303, %get3A_1304, %get3A_1305] {strides = array<i32>} : memref<8x50x128xf32, #tpu.memory_space<vmem>>, vector<1x1x16xf32>,
        %get3A_1307 = vector.shape_cast %get3A_1306 : vector<1x1x16xf32> to vector<16xf32>
        %mul3A_1308 = arith.mulf %gather3A_1251, %get3A_1307 : vector<16xf32>
        %add3A_1309 = arith.addf %scan3A_1247, %mul3A_1308 : vector<16xf32>
        %get3A_1310 = arith.constant 6 : i32
        %get3A_1311 = arith.index_cast %get3A_1310 : i32 to index
        %get3A_1312 = arith.index_cast %add3A_1253 : i32 to index
        %get3A_1313 = arith.constant 112 : index
        %get3A_1314 = tpu.vector_load %arg8[%get3A_1311, %get3A_1312, %get3A_1313] {strides = array<i32>} : memref<8x50x128xf32, #tpu.memory_space<vmem>>, vector<1x1x16xf32>,
        %get3A_1315 = vector.shape_cast %get3A_1314 : vector<1x1x16xf32> to vector<16xf32>
        %mul3A_1316 = arith.mulf %gather3A_1251, %get3A_1315 : vector<16xf32>
        %add3A_1317 = arith.addf %scan3A_1248, %mul3A_1316 : vector<16xf32>
        %add3A_1318 = arith.addf %scan3A_1249, %gather3A_1251 : vector<16xf32>
        scf.yield %add3A_1261, %add3A_1269, %add3A_1277, %add3A_1285, %add3A_1293, %add3A_1301, %add3A_1309, %add3A_1317, %add3A_1318 : vector<16xf32>, vector<16xf32>, vector<16xf32>, vector<16xf32>, vector<16xf32>, vector<16xf32>, vector<16xf32>, vector<16xf32>, vector<16xf32>
      }
      %scan3A_1029 = arith.constant 16 : i32
      %get3A_1030 = arith.index_cast %add3A_991 : i32 to index
      %get3A_1031 = arith.constant 32 : index
      %get3A_1032 = tpu.vector_load %arg7[%get3A_1030, %get3A_1031] {strides = array<i32>} : memref<128x64xf32, #tpu.memory_space<vmem>>, vector<1x16xf32>,
      %get3A_1033 = vector.shape_cast %get3A_1032 : vector<1x16xf32> to vector<16xf32>
      %scan3A_1034 = arith.constant 0 : i32
      %scan3A_1035 = arith.constant 16 : i32
      %scan3A_1036 = arith.addi %scan3A_1034, %scan3A_1035 : i32
      %scan3A_1037 = arith.constant 1 : i32
      %scan3A_1038:9 = scf.for %scan3A_1240 = %scan3A_1034 to %scan3A_1036 step %scan3A_1037 iter_args(%scan3A_1241 = %scan3A_1028#0, %scan3A_1242 = %scan3A_1028#1, %scan3A_1243 = %scan3A_1028#2, %scan3A_1244 = %scan3A_1028#3, %scan3A_1245 = %scan3A_1028#4, %scan3A_1246 = %scan3A_1028#5, %scan3A_1247 = %scan3A_1028#6, %scan3A_1248 = %scan3A_1028#7, %scan3A_1249 = %scan3A_1028#8) -> (vector<16xf32>, vector<16xf32>, vector<16xf32>, vector<16xf32>, vector<16xf32>, vector<16xf32>, vector<16xf32>, vector<16xf32>, vector<16xf32>)  : i32 {
        %broadcast_in_dim3A_1250 = vector.broadcast %scan3A_1240 : i32 to vector<16x1xi32>
        %gather3A = vector.shape_cast %broadcast_in_dim3A_1250 : vector<16x1xi32> to vector<16xi32>
        %gather3A_1251 = tpu.dynamic_gather %get3A_1033[%gather3A] in [0] : vector<16xf32>, vector<16xi32> -> vector<16xf32>
        %add3A_1252 = arith.constant 32 : i32
        %add3A_1253 = arith.addi %add3A_1252, %scan3A_1240 : i32
        %get3A_1254 = arith.constant 6 : i32
        %get3A_1255 = arith.index_cast %get3A_1254 : i32 to index
        %get3A_1256 = arith.index_cast %add3A_1253 : i32 to index
        %get3A_1257 = arith.constant 0 : index
        %get3A_1258 = tpu.vector_load %arg8[%get3A_1255, %get3A_1256, %get3A_1257] {strides = array<i32>} : memref<8x50x128xf32, #tpu.memory_space<vmem>>, vector<1x1x16xf32>,
        %get3A_1259 = vector.shape_cast %get3A_1258 : vector<1x1x16xf32> to vector<16xf32>
        %mul3A_1260 = arith.mulf %gather3A_1251, %get3A_1259 : vector<16xf32>
        %add3A_1261 = arith.addf %scan3A_1241, %mul3A_1260 : vector<16xf32>
        %get3A_1262 = arith.constant 6 : i32
        %get3A_1263 = arith.index_cast %get3A_1262 : i32 to index
        %get3A_1264 = arith.index_cast %add3A_1253 : i32 to index
        %get3A_1265 = arith.constant 16 : index
        %get3A_1266 = tpu.vector_load %arg8[%get3A_1263, %get3A_1264, %get3A_1265] {strides = array<i32>} : memref<8x50x128xf32, #tpu.memory_space<vmem>>, vector<1x1x16xf32>,
        %get3A_1267 = vector.shape_cast %get3A_1266 : vector<1x1x16xf32> to vector<16xf32>
        %mul3A_1268 = arith.mulf %gather3A_1251, %get3A_1267 : vector<16xf32>
        %add3A_1269 = arith.addf %scan3A_1242, %mul3A_1268 : vector<16xf32>
        %get3A_1270 = arith.constant 6 : i32
        %get3A_1271 = arith.index_cast %get3A_1270 : i32 to index
        %get3A_1272 = arith.index_cast %add3A_1253 : i32 to index
        %get3A_1273 = arith.constant 32 : index
        %get3A_1274 = tpu.vector_load %arg8[%get3A_1271, %get3A_1272, %get3A_1273] {strides = array<i32>} : memref<8x50x128xf32, #tpu.memory_space<vmem>>, vector<1x1x16xf32>,
        %get3A_1275 = vector.shape_cast %get3A_1274 : vector<1x1x16xf32> to vector<16xf32>
        %mul3A_1276 = arith.mulf %gather3A_1251, %get3A_1275 : vector<16xf32>
        %add3A_1277 = arith.addf %scan3A_1243, %mul3A_1276 : vector<16xf32>
        %get3A_1278 = arith.constant 6 : i32
        %get3A_1279 = arith.index_cast %get3A_1278 : i32 to index
        %get3A_1280 = arith.index_cast %add3A_1253 : i32 to index
        %get3A_1281 = arith.constant 48 : index
        %get3A_1282 = tpu.vector_load %arg8[%get3A_1279, %get3A_1280, %get3A_1281] {strides = array<i32>} : memref<8x50x128xf32, #tpu.memory_space<vmem>>, vector<1x1x16xf32>,
        %get3A_1283 = vector.shape_cast %get3A_1282 : vector<1x1x16xf32> to vector<16xf32>
        %mul3A_1284 = arith.mulf %gather3A_1251, %get3A_1283 : vector<16xf32>
        %add3A_1285 = arith.addf %scan3A_1244, %mul3A_1284 : vector<16xf32>
        %get3A_1286 = arith.constant 6 : i32
        %get3A_1287 = arith.index_cast %get3A_1286 : i32 to index
        %get3A_1288 = arith.index_cast %add3A_1253 : i32 to index
        %get3A_1289 = arith.constant 64 : index
        %get3A_1290 = tpu.vector_load %arg8[%get3A_1287, %get3A_1288, %get3A_1289] {strides = array<i32>} : memref<8x50x128xf32, #tpu.memory_space<vmem>>, vector<1x1x16xf32>,
        %get3A_1291 = vector.shape_cast %get3A_1290 : vector<1x1x16xf32> to vector<16xf32>
        %mul3A_1292 = arith.mulf %gather3A_1251, %get3A_1291 : vector<16xf32>
        %add3A_1293 = arith.addf %scan3A_1245, %mul3A_1292 : vector<16xf32>
        %get3A_1294 = arith.constant 6 : i32
        %get3A_1295 = arith.index_cast %get3A_1294 : i32 to index
        %get3A_1296 = arith.index_cast %add3A_1253 : i32 to index
        %get3A_1297 = arith.constant 80 : index
        %get3A_1298 = tpu.vector_load %arg8[%get3A_1295, %get3A_1296, %get3A_1297] {strides = array<i32>} : memref<8x50x128xf32, #tpu.memory_space<vmem>>, vector<1x1x16xf32>,
        %get3A_1299 = vector.shape_cast %get3A_1298 : vector<1x1x16xf32> to vector<16xf32>
        %mul3A_1300 = arith.mulf %gather3A_1251, %get3A_1299 : vector<16xf32>
        %add3A_1301 = arith.addf %scan3A_1246, %mul3A_1300 : vector<16xf32>
        %get3A_1302 = arith.constant 6 : i32
        %get3A_1303 = arith.index_cast %get3A_1302 : i32 to index
        %get3A_1304 = arith.index_cast %add3A_1253 : i32 to index
        %get3A_1305 = arith.constant 96 : index
        %get3A_1306 = tpu.vector_load %arg8[%get3A_1303, %get3A_1304, %get3A_1305] {strides = array<i32>} : memref<8x50x128xf32, #tpu.memory_space<vmem>>, vector<1x1x16xf32>,
        %get3A_1307 = vector.shape_cast %get3A_1306 : vector<1x1x16xf32> to vector<16xf32>
        %mul3A_1308 = arith.mulf %gather3A_1251, %get3A_1307 : vector<16xf32>
        %add3A_1309 = arith.addf %scan3A_1247, %mul3A_1308 : vector<16xf32>
        %get3A_1310 = arith.constant 6 : i32
        %get3A_1311 = arith.index_cast %get3A_1310 : i32 to index
        %get3A_1312 = arith.index_cast %add3A_1253 : i32 to index
        %get3A_1313 = arith.constant 112 : index
        %get3A_1314 = tpu.vector_load %arg8[%get3A_1311, %get3A_1312, %get3A_1313] {strides = array<i32>} : memref<8x50x128xf32, #tpu.memory_space<vmem>>, vector<1x1x16xf32>,
        %get3A_1315 = vector.shape_cast %get3A_1314 : vector<1x1x16xf32> to vector<16xf32>
        %mul3A_1316 = arith.mulf %gather3A_1251, %get3A_1315 : vector<16xf32>
        %add3A_1317 = arith.addf %scan3A_1248, %mul3A_1316 : vector<16xf32>
        %add3A_1318 = arith.addf %scan3A_1249, %gather3A_1251 : vector<16xf32>
        scf.yield %add3A_1261, %add3A_1269, %add3A_1277, %add3A_1285, %add3A_1293, %add3A_1301, %add3A_1309, %add3A_1317, %add3A_1318 : vector<16xf32>, vector<16xf32>, vector<16xf32>, vector<16xf32>, vector<16xf32>, vector<16xf32>, vector<16xf32>, vector<16xf32>, vector<16xf32>
      }
      %scan3A_1039 = arith.constant 16 : i32
      %get3A_1040 = arith.index_cast %add3A_991 : i32 to index
      %get3A_1041 = arith.constant 48 : index
      %get3A_1042 = tpu.vector_load %arg7[%get3A_1040, %get3A_1041] {strides = array<i32>} : memref<128x64xf32, #tpu.memory_space<vmem>>, vector<1x16xf32>,
      %get3A_1043 = vector.shape_cast %get3A_1042 : vector<1x16xf32> to vector<16xf32>
      %scan3A_1044 = arith.constant 0 : i32
      %scan3A_1045 = arith.constant 2 : i32
      %scan3A_1046 = arith.addi %scan3A_1044, %scan3A_1045 : i32
      %scan3A_1047 = arith.constant 1 : i32
      %scan3A_1048:9 = scf.for %scan3A_1240 = %scan3A_1044 to %scan3A_1046 step %scan3A_1047 iter_args(%scan3A_1241 = %scan3A_1038#0, %scan3A_1242 = %scan3A_1038#1, %scan3A_1243 = %scan3A_1038#2, %scan3A_1244 = %scan3A_1038#3, %scan3A_1245 = %scan3A_1038#4, %scan3A_1246 = %scan3A_1038#5, %scan3A_1247 = %scan3A_1038#6, %scan3A_1248 = %scan3A_1038#7, %scan3A_1249 = %scan3A_1038#8) -> (vector<16xf32>, vector<16xf32>, vector<16xf32>, vector<16xf32>, vector<16xf32>, vector<16xf32>, vector<16xf32>, vector<16xf32>, vector<16xf32>)  : i32 {
        %broadcast_in_dim3A_1250 = vector.broadcast %scan3A_1240 : i32 to vector<16x1xi32>
        %gather3A = vector.shape_cast %broadcast_in_dim3A_1250 : vector<16x1xi32> to vector<16xi32>
        %gather3A_1251 = tpu.dynamic_gather %get3A_1043[%gather3A] in [0] : vector<16xf32>, vector<16xi32> -> vector<16xf32>
        %add3A_1252 = arith.constant 48 : i32
        %add3A_1253 = arith.addi %add3A_1252, %scan3A_1240 : i32
        %get3A_1254 = arith.constant 6 : i32
        %get3A_1255 = arith.index_cast %get3A_1254 : i32 to index
        %get3A_1256 = arith.index_cast %add3A_1253 : i32 to index
        %get3A_1257 = arith.constant 0 : index
        %get3A_1258 = tpu.vector_load %arg8[%get3A_1255, %get3A_1256, %get3A_1257] {strides = array<i32>} : memref<8x50x128xf32, #tpu.memory_space<vmem>>, vector<1x1x16xf32>,
        %get3A_1259 = vector.shape_cast %get3A_1258 : vector<1x1x16xf32> to vector<16xf32>
        %mul3A_1260 = arith.mulf %gather3A_1251, %get3A_1259 : vector<16xf32>
        %add3A_1261 = arith.addf %scan3A_1241, %mul3A_1260 : vector<16xf32>
        %get3A_1262 = arith.constant 6 : i32
        %get3A_1263 = arith.index_cast %get3A_1262 : i32 to index
        %get3A_1264 = arith.index_cast %add3A_1253 : i32 to index
        %get3A_1265 = arith.constant 16 : index
        %get3A_1266 = tpu.vector_load %arg8[%get3A_1263, %get3A_1264, %get3A_1265] {strides = array<i32>} : memref<8x50x128xf32, #tpu.memory_space<vmem>>, vector<1x1x16xf32>,
        %get3A_1267 = vector.shape_cast %get3A_1266 : vector<1x1x16xf32> to vector<16xf32>
        %mul3A_1268 = arith.mulf %gather3A_1251, %get3A_1267 : vector<16xf32>
        %add3A_1269 = arith.addf %scan3A_1242, %mul3A_1268 : vector<16xf32>
        %get3A_1270 = arith.constant 6 : i32
        %get3A_1271 = arith.index_cast %get3A_1270 : i32 to index
        %get3A_1272 = arith.index_cast %add3A_1253 : i32 to index
        %get3A_1273 = arith.constant 32 : index
        %get3A_1274 = tpu.vector_load %arg8[%get3A_1271, %get3A_1272, %get3A_1273] {strides = array<i32>} : memref<8x50x128xf32, #tpu.memory_space<vmem>>, vector<1x1x16xf32>,
        %get3A_1275 = vector.shape_cast %get3A_1274 : vector<1x1x16xf32> to vector<16xf32>
        %mul3A_1276 = arith.mulf %gather3A_1251, %get3A_1275 : vector<16xf32>
        %add3A_1277 = arith.addf %scan3A_1243, %mul3A_1276 : vector<16xf32>
        %get3A_1278 = arith.constant 6 : i32
        %get3A_1279 = arith.index_cast %get3A_1278 : i32 to index
        %get3A_1280 = arith.index_cast %add3A_1253 : i32 to index
        %get3A_1281 = arith.constant 48 : index
        %get3A_1282 = tpu.vector_load %arg8[%get3A_1279, %get3A_1280, %get3A_1281] {strides = array<i32>} : memref<8x50x128xf32, #tpu.memory_space<vmem>>, vector<1x1x16xf32>,
        %get3A_1283 = vector.shape_cast %get3A_1282 : vector<1x1x16xf32> to vector<16xf32>
        %mul3A_1284 = arith.mulf %gather3A_1251, %get3A_1283 : vector<16xf32>
        %add3A_1285 = arith.addf %scan3A_1244, %mul3A_1284 : vector<16xf32>
        %get3A_1286 = arith.constant 6 : i32
        %get3A_1287 = arith.index_cast %get3A_1286 : i32 to index
        %get3A_1288 = arith.index_cast %add3A_1253 : i32 to index
        %get3A_1289 = arith.constant 64 : index
        %get3A_1290 = tpu.vector_load %arg8[%get3A_1287, %get3A_1288, %get3A_1289] {strides = array<i32>} : memref<8x50x128xf32, #tpu.memory_space<vmem>>, vector<1x1x16xf32>,
        %get3A_1291 = vector.shape_cast %get3A_1290 : vector<1x1x16xf32> to vector<16xf32>
        %mul3A_1292 = arith.mulf %gather3A_1251, %get3A_1291 : vector<16xf32>
        %add3A_1293 = arith.addf %scan3A_1245, %mul3A_1292 : vector<16xf32>
        %get3A_1294 = arith.constant 6 : i32
        %get3A_1295 = arith.index_cast %get3A_1294 : i32 to index
        %get3A_1296 = arith.index_cast %add3A_1253 : i32 to index
        %get3A_1297 = arith.constant 80 : index
        %get3A_1298 = tpu.vector_load %arg8[%get3A_1295, %get3A_1296, %get3A_1297] {strides = array<i32>} : memref<8x50x128xf32, #tpu.memory_space<vmem>>, vector<1x1x16xf32>,
        %get3A_1299 = vector.shape_cast %get3A_1298 : vector<1x1x16xf32> to vector<16xf32>
        %mul3A_1300 = arith.mulf %gather3A_1251, %get3A_1299 : vector<16xf32>
        %add3A_1301 = arith.addf %scan3A_1246, %mul3A_1300 : vector<16xf32>
        %get3A_1302 = arith.constant 6 : i32
        %get3A_1303 = arith.index_cast %get3A_1302 : i32 to index
        %get3A_1304 = arith.index_cast %add3A_1253 : i32 to index
        %get3A_1305 = arith.constant 96 : index
        %get3A_1306 = tpu.vector_load %arg8[%get3A_1303, %get3A_1304, %get3A_1305] {strides = array<i32>} : memref<8x50x128xf32, #tpu.memory_space<vmem>>, vector<1x1x16xf32>,
        %get3A_1307 = vector.shape_cast %get3A_1306 : vector<1x1x16xf32> to vector<16xf32>
        %mul3A_1308 = arith.mulf %gather3A_1251, %get3A_1307 : vector<16xf32>
        %add3A_1309 = arith.addf %scan3A_1247, %mul3A_1308 : vector<16xf32>
        %get3A_1310 = arith.constant 6 : i32
        %get3A_1311 = arith.index_cast %get3A_1310 : i32 to index
        %get3A_1312 = arith.index_cast %add3A_1253 : i32 to index
        %get3A_1313 = arith.constant 112 : index
        %get3A_1314 = tpu.vector_load %arg8[%get3A_1311, %get3A_1312, %get3A_1313] {strides = array<i32>} : memref<8x50x128xf32, #tpu.memory_space<vmem>>, vector<1x1x16xf32>,
        %get3A_1315 = vector.shape_cast %get3A_1314 : vector<1x1x16xf32> to vector<16xf32>
        %mul3A_1316 = arith.mulf %gather3A_1251, %get3A_1315 : vector<16xf32>
        %add3A_1317 = arith.addf %scan3A_1248, %mul3A_1316 : vector<16xf32>
        %add3A_1318 = arith.addf %scan3A_1249, %gather3A_1251 : vector<16xf32>
        scf.yield %add3A_1261, %add3A_1269, %add3A_1277, %add3A_1285, %add3A_1293, %add3A_1301, %add3A_1309, %add3A_1317, %add3A_1318 : vector<16xf32>, vector<16xf32>, vector<16xf32>, vector<16xf32>, vector<16xf32>, vector<16xf32>, vector<16xf32>, vector<16xf32>, vector<16xf32>
      }
      %scan3A_1049 = arith.constant 2 : i32
      %max3A_1050 = arith.constant 9.99999971E-10 : f32
      %max3A_1051 = vector.broadcast %max3A_1050 : f32 to vector<16xf32>
      %max3A_1052 = arith.maximumf %scan3A_1048#8, %max3A_1051 : vector<16xf32>
      %div3A_1053 = arith.constant 1.000000e+00 : f32
      %div3A_1054 = vector.broadcast %div3A_1053 : f32 to vector<16xf32>
      %div3A_1055 = arith.divf %div3A_1054, %max3A_1052 : vector<16xf32>
      %mul3A_1056 = arith.mulf %scan3A_1048#0, %div3A_1055 : vector<16xf32>
      %swap3A_1057 = arith.constant 6 : i32
      %swap3A_1058 = arith.index_cast %swap3A_1057 : i32 to index
      %swap3A_1059 = arith.constant 0 : index
      %swap3A_1060 = tpu.vector_load %arg9[%swap3A_1058, %swap3A_1059] {strides = array<i32>} : memref<8x128xf32, #tpu.memory_space<vmem>>, vector<1x16xf32>,
      %swap3A_1061 = vector.shape_cast %swap3A_1060 : vector<1x16xf32> to vector<16xf32>
      %swap3A_1062 = vector.shape_cast %mul3A_1056 : vector<16xf32> to vector<1x16xf32>
      tpu.vector_store %arg9[%swap3A_1058, %swap3A_1059], %swap3A_1062 {strides = array<i32>} : memref<8x128xf32, #tpu.memory_space<vmem>>, vector<1x16xf32>,
      %mul3A_1063 = arith.mulf %scan3A_1048#1, %div3A_1055 : vector<16xf32>
      %swap3A_1064 = arith.constant 6 : i32
      %swap3A_1065 = arith.index_cast %swap3A_1064 : i32 to index
      %swap3A_1066 = arith.constant 16 : index
      %swap3A_1067 = tpu.vector_load %arg9[%swap3A_1065, %swap3A_1066] {strides = array<i32>} : memref<8x128xf32, #tpu.memory_space<vmem>>, vector<1x16xf32>,
      %swap3A_1068 = vector.shape_cast %swap3A_1067 : vector<1x16xf32> to vector<16xf32>
      %swap3A_1069 = vector.shape_cast %mul3A_1063 : vector<16xf32> to vector<1x16xf32>
      tpu.vector_store %arg9[%swap3A_1065, %swap3A_1066], %swap3A_1069 {strides = array<i32>} : memref<8x128xf32, #tpu.memory_space<vmem>>, vector<1x16xf32>,
      %mul3A_1070 = arith.mulf %scan3A_1048#2, %div3A_1055 : vector<16xf32>
      %swap3A_1071 = arith.constant 6 : i32
      %swap3A_1072 = arith.index_cast %swap3A_1071 : i32 to index
      %swap3A_1073 = arith.constant 32 : index
      %swap3A_1074 = tpu.vector_load %arg9[%swap3A_1072, %swap3A_1073] {strides = array<i32>} : memref<8x128xf32, #tpu.memory_space<vmem>>, vector<1x16xf32>,
      %swap3A_1075 = vector.shape_cast %swap3A_1074 : vector<1x16xf32> to vector<16xf32>
      %swap3A_1076 = vector.shape_cast %mul3A_1070 : vector<16xf32> to vector<1x16xf32>
      tpu.vector_store %arg9[%swap3A_1072, %swap3A_1073], %swap3A_1076 {strides = array<i32>} : memref<8x128xf32, #tpu.memory_space<vmem>>, vector<1x16xf32>,
      %mul3A_1077 = arith.mulf %scan3A_1048#3, %div3A_1055 : vector<16xf32>
      %swap3A_1078 = arith.constant 6 : i32
      %swap3A_1079 = arith.index_cast %swap3A_1078 : i32 to index
      %swap3A_1080 = arith.constant 48 : index
      %swap3A_1081 = tpu.vector_load %arg9[%swap3A_1079, %swap3A_1080] {strides = array<i32>} : memref<8x128xf32, #tpu.memory_space<vmem>>, vector<1x16xf32>,
      %swap3A_1082 = vector.shape_cast %swap3A_1081 : vector<1x16xf32> to vector<16xf32>
      %swap3A_1083 = vector.shape_cast %mul3A_1077 : vector<16xf32> to vector<1x16xf32>
      tpu.vector_store %arg9[%swap3A_1079, %swap3A_1080], %swap3A_1083 {strides = array<i32>} : memref<8x128xf32, #tpu.memory_space<vmem>>, vector<1x16xf32>,
      %mul3A_1084 = arith.mulf %scan3A_1048#4, %div3A_1055 : vector<16xf32>
      %swap3A_1085 = arith.constant 6 : i32
      %swap3A_1086 = arith.index_cast %swap3A_1085 : i32 to index
      %swap3A_1087 = arith.constant 64 : index
      %swap3A_1088 = tpu.vector_load %arg9[%swap3A_1086, %swap3A_1087] {strides = array<i32>} : memref<8x128xf32, #tpu.memory_space<vmem>>, vector<1x16xf32>,
      %swap3A_1089 = vector.shape_cast %swap3A_1088 : vector<1x16xf32> to vector<16xf32>
      %swap3A_1090 = vector.shape_cast %mul3A_1084 : vector<16xf32> to vector<1x16xf32>
      tpu.vector_store %arg9[%swap3A_1086, %swap3A_1087], %swap3A_1090 {strides = array<i32>} : memref<8x128xf32, #tpu.memory_space<vmem>>, vector<1x16xf32>,
      %mul3A_1091 = arith.mulf %scan3A_1048#5, %div3A_1055 : vector<16xf32>
      %swap3A_1092 = arith.constant 6 : i32
      %swap3A_1093 = arith.index_cast %swap3A_1092 : i32 to index
      %swap3A_1094 = arith.constant 80 : index
      %swap3A_1095 = tpu.vector_load %arg9[%swap3A_1093, %swap3A_1094] {strides = array<i32>} : memref<8x128xf32, #tpu.memory_space<vmem>>, vector<1x16xf32>,
      %swap3A_1096 = vector.shape_cast %swap3A_1095 : vector<1x16xf32> to vector<16xf32>
      %swap3A_1097 = vector.shape_cast %mul3A_1091 : vector<16xf32> to vector<1x16xf32>
      tpu.vector_store %arg9[%swap3A_1093, %swap3A_1094], %swap3A_1097 {strides = array<i32>} : memref<8x128xf32, #tpu.memory_space<vmem>>, vector<1x16xf32>,
      %mul3A_1098 = arith.mulf %scan3A_1048#6, %div3A_1055 : vector<16xf32>
      %swap3A_1099 = arith.constant 6 : i32
      %swap3A_1100 = arith.index_cast %swap3A_1099 : i32 to index
      %swap3A_1101 = arith.constant 96 : index
      %swap3A_1102 = tpu.vector_load %arg9[%swap3A_1100, %swap3A_1101] {strides = array<i32>} : memref<8x128xf32, #tpu.memory_space<vmem>>, vector<1x16xf32>,
      %swap3A_1103 = vector.shape_cast %swap3A_1102 : vector<1x16xf32> to vector<16xf32>
      %swap3A_1104 = vector.shape_cast %mul3A_1098 : vector<16xf32> to vector<1x16xf32>
      tpu.vector_store %arg9[%swap3A_1100, %swap3A_1101], %swap3A_1104 {strides = array<i32>} : memref<8x128xf32, #tpu.memory_space<vmem>>, vector<1x16xf32>,
      %mul3A_1105 = arith.mulf %scan3A_1048#7, %div3A_1055 : vector<16xf32>
      %swap3A_1106 = arith.constant 6 : i32
      %swap3A_1107 = arith.index_cast %swap3A_1106 : i32 to index
      %swap3A_1108 = arith.constant 112 : index
      %swap3A_1109 = tpu.vector_load %arg9[%swap3A_1107, %swap3A_1108] {strides = array<i32>} : memref<8x128xf32, #tpu.memory_space<vmem>>, vector<1x16xf32>,
      %swap3A_1110 = vector.shape_cast %swap3A_1109 : vector<1x16xf32> to vector<16xf32>
      %swap3A_1111 = vector.shape_cast %mul3A_1105 : vector<16xf32> to vector<1x16xf32>
      tpu.vector_store %arg9[%swap3A_1107, %swap3A_1108], %swap3A_1111 {strides = array<i32>} : memref<8x128xf32, #tpu.memory_space<vmem>>, vector<1x16xf32>,
      %mul3A_1112 = arith.constant 8 : i32
      %mul3A_1113 = arith.muli %scan3A_9, %mul3A_1112 : i32
      %add3A_1114 = arith.constant 7 : i32
      %add3A_1115 = arith.addi %mul3A_1113, %add3A_1114 : i32
      %broadcast_in_dim3A_1116 = arith.constant 0.000000e+00 : f32
      %broadcast_in_dim3A_1117 = vector.broadcast %broadcast_in_dim3A_1116 : f32 to vector<16xf32>
      %broadcast_in_dim3A_1118 = arith.constant 0.000000e+00 : f32
      %broadcast_in_dim3A_1119 = vector.broadcast %broadcast_in_dim3A_1118 : f32 to vector<16xf32>
      %broadcast_in_dim3A_1120 = arith.constant 0.000000e+00 : f32
      %broadcast_in_dim3A_1121 = vector.broadcast %broadcast_in_dim3A_1120 : f32 to vector<16xf32>
      %broadcast_in_dim3A_1122 = arith.constant 0.000000e+00 : f32
      %broadcast_in_dim3A_1123 = vector.broadcast %broadcast_in_dim3A_1122 : f32 to vector<16xf32>
      %broadcast_in_dim3A_1124 = arith.constant 0.000000e+00 : f32
      %broadcast_in_dim3A_1125 = vector.broadcast %broadcast_in_dim3A_1124 : f32 to vector<16xf32>
      %broadcast_in_dim3A_1126 = arith.constant 0.000000e+00 : f32
      %broadcast_in_dim3A_1127 = vector.broadcast %broadcast_in_dim3A_1126 : f32 to vector<16xf32>
      %broadcast_in_dim3A_1128 = arith.constant 0.000000e+00 : f32
      %broadcast_in_dim3A_1129 = vector.broadcast %broadcast_in_dim3A_1128 : f32 to vector<16xf32>
      %broadcast_in_dim3A_1130 = arith.constant 0.000000e+00 : f32
      %broadcast_in_dim3A_1131 = vector.broadcast %broadcast_in_dim3A_1130 : f32 to vector<16xf32>
      %broadcast_in_dim3A_1132 = arith.constant 0.000000e+00 : f32
      %broadcast_in_dim3A_1133 = vector.broadcast %broadcast_in_dim3A_1132 : f32 to vector<16xf32>
      %get3A_1134 = arith.index_cast %add3A_1115 : i32 to index
      %get3A_1135 = arith.constant 0 : index
      %get3A_1136 = tpu.vector_load %arg7[%get3A_1134, %get3A_1135] {strides = array<i32>} : memref<128x64xf32, #tpu.memory_space<vmem>>, vector<1x16xf32>,
      %get3A_1137 = vector.shape_cast %get3A_1136 : vector<1x16xf32> to vector<16xf32>
      %scan3A_1138 = arith.constant 0 : i32
      %scan3A_1139 = arith.constant 16 : i32
      %scan3A_1140 = arith.addi %scan3A_1138, %scan3A_1139 : i32
      %scan3A_1141 = arith.constant 1 : i32
      %scan3A_1142:9 = scf.for %scan3A_1240 = %scan3A_1138 to %scan3A_1140 step %scan3A_1141 iter_args(%scan3A_1241 = %broadcast_in_dim3A_1117, %scan3A_1242 = %broadcast_in_dim3A_1119, %scan3A_1243 = %broadcast_in_dim3A_1121, %scan3A_1244 = %broadcast_in_dim3A_1123, %scan3A_1245 = %broadcast_in_dim3A_1125, %scan3A_1246 = %broadcast_in_dim3A_1127, %scan3A_1247 = %broadcast_in_dim3A_1129, %scan3A_1248 = %broadcast_in_dim3A_1131, %scan3A_1249 = %broadcast_in_dim3A_1133) -> (vector<16xf32>, vector<16xf32>, vector<16xf32>, vector<16xf32>, vector<16xf32>, vector<16xf32>, vector<16xf32>, vector<16xf32>, vector<16xf32>)  : i32 {
        %broadcast_in_dim3A_1250 = vector.broadcast %scan3A_1240 : i32 to vector<16x1xi32>
        %gather3A = vector.shape_cast %broadcast_in_dim3A_1250 : vector<16x1xi32> to vector<16xi32>
        %gather3A_1251 = tpu.dynamic_gather %get3A_1137[%gather3A] in [0] : vector<16xf32>, vector<16xi32> -> vector<16xf32>
        %add3A_1252 = arith.constant 0 : i32
        %add3A_1253 = arith.addi %add3A_1252, %scan3A_1240 : i32
        %get3A_1254 = arith.constant 7 : i32
        %get3A_1255 = arith.index_cast %get3A_1254 : i32 to index
        %get3A_1256 = arith.index_cast %add3A_1253 : i32 to index
        %get3A_1257 = arith.constant 0 : index
        %get3A_1258 = tpu.vector_load %arg8[%get3A_1255, %get3A_1256, %get3A_1257] {strides = array<i32>} : memref<8x50x128xf32, #tpu.memory_space<vmem>>, vector<1x1x16xf32>,
        %get3A_1259 = vector.shape_cast %get3A_1258 : vector<1x1x16xf32> to vector<16xf32>
        %mul3A_1260 = arith.mulf %gather3A_1251, %get3A_1259 : vector<16xf32>
        %add3A_1261 = arith.addf %scan3A_1241, %mul3A_1260 : vector<16xf32>
        %get3A_1262 = arith.constant 7 : i32
        %get3A_1263 = arith.index_cast %get3A_1262 : i32 to index
        %get3A_1264 = arith.index_cast %add3A_1253 : i32 to index
        %get3A_1265 = arith.constant 16 : index
        %get3A_1266 = tpu.vector_load %arg8[%get3A_1263, %get3A_1264, %get3A_1265] {strides = array<i32>} : memref<8x50x128xf32, #tpu.memory_space<vmem>>, vector<1x1x16xf32>,
        %get3A_1267 = vector.shape_cast %get3A_1266 : vector<1x1x16xf32> to vector<16xf32>
        %mul3A_1268 = arith.mulf %gather3A_1251, %get3A_1267 : vector<16xf32>
        %add3A_1269 = arith.addf %scan3A_1242, %mul3A_1268 : vector<16xf32>
        %get3A_1270 = arith.constant 7 : i32
        %get3A_1271 = arith.index_cast %get3A_1270 : i32 to index
        %get3A_1272 = arith.index_cast %add3A_1253 : i32 to index
        %get3A_1273 = arith.constant 32 : index
        %get3A_1274 = tpu.vector_load %arg8[%get3A_1271, %get3A_1272, %get3A_1273] {strides = array<i32>} : memref<8x50x128xf32, #tpu.memory_space<vmem>>, vector<1x1x16xf32>,
        %get3A_1275 = vector.shape_cast %get3A_1274 : vector<1x1x16xf32> to vector<16xf32>
        %mul3A_1276 = arith.mulf %gather3A_1251, %get3A_1275 : vector<16xf32>
        %add3A_1277 = arith.addf %scan3A_1243, %mul3A_1276 : vector<16xf32>
        %get3A_1278 = arith.constant 7 : i32
        %get3A_1279 = arith.index_cast %get3A_1278 : i32 to index
        %get3A_1280 = arith.index_cast %add3A_1253 : i32 to index
        %get3A_1281 = arith.constant 48 : index
        %get3A_1282 = tpu.vector_load %arg8[%get3A_1279, %get3A_1280, %get3A_1281] {strides = array<i32>} : memref<8x50x128xf32, #tpu.memory_space<vmem>>, vector<1x1x16xf32>,
        %get3A_1283 = vector.shape_cast %get3A_1282 : vector<1x1x16xf32> to vector<16xf32>
        %mul3A_1284 = arith.mulf %gather3A_1251, %get3A_1283 : vector<16xf32>
        %add3A_1285 = arith.addf %scan3A_1244, %mul3A_1284 : vector<16xf32>
        %get3A_1286 = arith.constant 7 : i32
        %get3A_1287 = arith.index_cast %get3A_1286 : i32 to index
        %get3A_1288 = arith.index_cast %add3A_1253 : i32 to index
        %get3A_1289 = arith.constant 64 : index
        %get3A_1290 = tpu.vector_load %arg8[%get3A_1287, %get3A_1288, %get3A_1289] {strides = array<i32>} : memref<8x50x128xf32, #tpu.memory_space<vmem>>, vector<1x1x16xf32>,
        %get3A_1291 = vector.shape_cast %get3A_1290 : vector<1x1x16xf32> to vector<16xf32>
        %mul3A_1292 = arith.mulf %gather3A_1251, %get3A_1291 : vector<16xf32>
        %add3A_1293 = arith.addf %scan3A_1245, %mul3A_1292 : vector<16xf32>
        %get3A_1294 = arith.constant 7 : i32
        %get3A_1295 = arith.index_cast %get3A_1294 : i32 to index
        %get3A_1296 = arith.index_cast %add3A_1253 : i32 to index
        %get3A_1297 = arith.constant 80 : index
        %get3A_1298 = tpu.vector_load %arg8[%get3A_1295, %get3A_1296, %get3A_1297] {strides = array<i32>} : memref<8x50x128xf32, #tpu.memory_space<vmem>>, vector<1x1x16xf32>,
        %get3A_1299 = vector.shape_cast %get3A_1298 : vector<1x1x16xf32> to vector<16xf32>
        %mul3A_1300 = arith.mulf %gather3A_1251, %get3A_1299 : vector<16xf32>
        %add3A_1301 = arith.addf %scan3A_1246, %mul3A_1300 : vector<16xf32>
        %get3A_1302 = arith.constant 7 : i32
        %get3A_1303 = arith.index_cast %get3A_1302 : i32 to index
        %get3A_1304 = arith.index_cast %add3A_1253 : i32 to index
        %get3A_1305 = arith.constant 96 : index
        %get3A_1306 = tpu.vector_load %arg8[%get3A_1303, %get3A_1304, %get3A_1305] {strides = array<i32>} : memref<8x50x128xf32, #tpu.memory_space<vmem>>, vector<1x1x16xf32>,
        %get3A_1307 = vector.shape_cast %get3A_1306 : vector<1x1x16xf32> to vector<16xf32>
        %mul3A_1308 = arith.mulf %gather3A_1251, %get3A_1307 : vector<16xf32>
        %add3A_1309 = arith.addf %scan3A_1247, %mul3A_1308 : vector<16xf32>
        %get3A_1310 = arith.constant 7 : i32
        %get3A_1311 = arith.index_cast %get3A_1310 : i32 to index
        %get3A_1312 = arith.index_cast %add3A_1253 : i32 to index
        %get3A_1313 = arith.constant 112 : index
        %get3A_1314 = tpu.vector_load %arg8[%get3A_1311, %get3A_1312, %get3A_1313] {strides = array<i32>} : memref<8x50x128xf32, #tpu.memory_space<vmem>>, vector<1x1x16xf32>,
        %get3A_1315 = vector.shape_cast %get3A_1314 : vector<1x1x16xf32> to vector<16xf32>
        %mul3A_1316 = arith.mulf %gather3A_1251, %get3A_1315 : vector<16xf32>
        %add3A_1317 = arith.addf %scan3A_1248, %mul3A_1316 : vector<16xf32>
        %add3A_1318 = arith.addf %scan3A_1249, %gather3A_1251 : vector<16xf32>
        scf.yield %add3A_1261, %add3A_1269, %add3A_1277, %add3A_1285, %add3A_1293, %add3A_1301, %add3A_1309, %add3A_1317, %add3A_1318 : vector<16xf32>, vector<16xf32>, vector<16xf32>, vector<16xf32>, vector<16xf32>, vector<16xf32>, vector<16xf32>, vector<16xf32>, vector<16xf32>
      }
      %scan3A_1143 = arith.constant 16 : i32
      %get3A_1144 = arith.index_cast %add3A_1115 : i32 to index
      %get3A_1145 = arith.constant 16 : index
      %get3A_1146 = tpu.vector_load %arg7[%get3A_1144, %get3A_1145] {strides = array<i32>} : memref<128x64xf32, #tpu.memory_space<vmem>>, vector<1x16xf32>,
      %get3A_1147 = vector.shape_cast %get3A_1146 : vector<1x16xf32> to vector<16xf32>
      %scan3A_1148 = arith.constant 0 : i32
      %scan3A_1149 = arith.constant 16 : i32
      %scan3A_1150 = arith.addi %scan3A_1148, %scan3A_1149 : i32
      %scan3A_1151 = arith.constant 1 : i32
      %scan3A_1152:9 = scf.for %scan3A_1240 = %scan3A_1148 to %scan3A_1150 step %scan3A_1151 iter_args(%scan3A_1241 = %scan3A_1142#0, %scan3A_1242 = %scan3A_1142#1, %scan3A_1243 = %scan3A_1142#2, %scan3A_1244 = %scan3A_1142#3, %scan3A_1245 = %scan3A_1142#4, %scan3A_1246 = %scan3A_1142#5, %scan3A_1247 = %scan3A_1142#6, %scan3A_1248 = %scan3A_1142#7, %scan3A_1249 = %scan3A_1142#8) -> (vector<16xf32>, vector<16xf32>, vector<16xf32>, vector<16xf32>, vector<16xf32>, vector<16xf32>, vector<16xf32>, vector<16xf32>, vector<16xf32>)  : i32 {
        %broadcast_in_dim3A_1250 = vector.broadcast %scan3A_1240 : i32 to vector<16x1xi32>
        %gather3A = vector.shape_cast %broadcast_in_dim3A_1250 : vector<16x1xi32> to vector<16xi32>
        %gather3A_1251 = tpu.dynamic_gather %get3A_1147[%gather3A] in [0] : vector<16xf32>, vector<16xi32> -> vector<16xf32>
        %add3A_1252 = arith.constant 16 : i32
        %add3A_1253 = arith.addi %add3A_1252, %scan3A_1240 : i32
        %get3A_1254 = arith.constant 7 : i32
        %get3A_1255 = arith.index_cast %get3A_1254 : i32 to index
        %get3A_1256 = arith.index_cast %add3A_1253 : i32 to index
        %get3A_1257 = arith.constant 0 : index
        %get3A_1258 = tpu.vector_load %arg8[%get3A_1255, %get3A_1256, %get3A_1257] {strides = array<i32>} : memref<8x50x128xf32, #tpu.memory_space<vmem>>, vector<1x1x16xf32>,
        %get3A_1259 = vector.shape_cast %get3A_1258 : vector<1x1x16xf32> to vector<16xf32>
        %mul3A_1260 = arith.mulf %gather3A_1251, %get3A_1259 : vector<16xf32>
        %add3A_1261 = arith.addf %scan3A_1241, %mul3A_1260 : vector<16xf32>
        %get3A_1262 = arith.constant 7 : i32
        %get3A_1263 = arith.index_cast %get3A_1262 : i32 to index
        %get3A_1264 = arith.index_cast %add3A_1253 : i32 to index
        %get3A_1265 = arith.constant 16 : index
        %get3A_1266 = tpu.vector_load %arg8[%get3A_1263, %get3A_1264, %get3A_1265] {strides = array<i32>} : memref<8x50x128xf32, #tpu.memory_space<vmem>>, vector<1x1x16xf32>,
        %get3A_1267 = vector.shape_cast %get3A_1266 : vector<1x1x16xf32> to vector<16xf32>
        %mul3A_1268 = arith.mulf %gather3A_1251, %get3A_1267 : vector<16xf32>
        %add3A_1269 = arith.addf %scan3A_1242, %mul3A_1268 : vector<16xf32>
        %get3A_1270 = arith.constant 7 : i32
        %get3A_1271 = arith.index_cast %get3A_1270 : i32 to index
        %get3A_1272 = arith.index_cast %add3A_1253 : i32 to index
        %get3A_1273 = arith.constant 32 : index
        %get3A_1274 = tpu.vector_load %arg8[%get3A_1271, %get3A_1272, %get3A_1273] {strides = array<i32>} : memref<8x50x128xf32, #tpu.memory_space<vmem>>, vector<1x1x16xf32>,
        %get3A_1275 = vector.shape_cast %get3A_1274 : vector<1x1x16xf32> to vector<16xf32>
        %mul3A_1276 = arith.mulf %gather3A_1251, %get3A_1275 : vector<16xf32>
        %add3A_1277 = arith.addf %scan3A_1243, %mul3A_1276 : vector<16xf32>
        %get3A_1278 = arith.constant 7 : i32
        %get3A_1279 = arith.index_cast %get3A_1278 : i32 to index
        %get3A_1280 = arith.index_cast %add3A_1253 : i32 to index
        %get3A_1281 = arith.constant 48 : index
        %get3A_1282 = tpu.vector_load %arg8[%get3A_1279, %get3A_1280, %get3A_1281] {strides = array<i32>} : memref<8x50x128xf32, #tpu.memory_space<vmem>>, vector<1x1x16xf32>,
        %get3A_1283 = vector.shape_cast %get3A_1282 : vector<1x1x16xf32> to vector<16xf32>
        %mul3A_1284 = arith.mulf %gather3A_1251, %get3A_1283 : vector<16xf32>
        %add3A_1285 = arith.addf %scan3A_1244, %mul3A_1284 : vector<16xf32>
        %get3A_1286 = arith.constant 7 : i32
        %get3A_1287 = arith.index_cast %get3A_1286 : i32 to index
        %get3A_1288 = arith.index_cast %add3A_1253 : i32 to index
        %get3A_1289 = arith.constant 64 : index
        %get3A_1290 = tpu.vector_load %arg8[%get3A_1287, %get3A_1288, %get3A_1289] {strides = array<i32>} : memref<8x50x128xf32, #tpu.memory_space<vmem>>, vector<1x1x16xf32>,
        %get3A_1291 = vector.shape_cast %get3A_1290 : vector<1x1x16xf32> to vector<16xf32>
        %mul3A_1292 = arith.mulf %gather3A_1251, %get3A_1291 : vector<16xf32>
        %add3A_1293 = arith.addf %scan3A_1245, %mul3A_1292 : vector<16xf32>
        %get3A_1294 = arith.constant 7 : i32
        %get3A_1295 = arith.index_cast %get3A_1294 : i32 to index
        %get3A_1296 = arith.index_cast %add3A_1253 : i32 to index
        %get3A_1297 = arith.constant 80 : index
        %get3A_1298 = tpu.vector_load %arg8[%get3A_1295, %get3A_1296, %get3A_1297] {strides = array<i32>} : memref<8x50x128xf32, #tpu.memory_space<vmem>>, vector<1x1x16xf32>,
        %get3A_1299 = vector.shape_cast %get3A_1298 : vector<1x1x16xf32> to vector<16xf32>
        %mul3A_1300 = arith.mulf %gather3A_1251, %get3A_1299 : vector<16xf32>
        %add3A_1301 = arith.addf %scan3A_1246, %mul3A_1300 : vector<16xf32>
        %get3A_1302 = arith.constant 7 : i32
        %get3A_1303 = arith.index_cast %get3A_1302 : i32 to index
        %get3A_1304 = arith.index_cast %add3A_1253 : i32 to index
        %get3A_1305 = arith.constant 96 : index
        %get3A_1306 = tpu.vector_load %arg8[%get3A_1303, %get3A_1304, %get3A_1305] {strides = array<i32>} : memref<8x50x128xf32, #tpu.memory_space<vmem>>, vector<1x1x16xf32>,
        %get3A_1307 = vector.shape_cast %get3A_1306 : vector<1x1x16xf32> to vector<16xf32>
        %mul3A_1308 = arith.mulf %gather3A_1251, %get3A_1307 : vector<16xf32>
        %add3A_1309 = arith.addf %scan3A_1247, %mul3A_1308 : vector<16xf32>
        %get3A_1310 = arith.constant 7 : i32
        %get3A_1311 = arith.index_cast %get3A_1310 : i32 to index
        %get3A_1312 = arith.index_cast %add3A_1253 : i32 to index
        %get3A_1313 = arith.constant 112 : index
        %get3A_1314 = tpu.vector_load %arg8[%get3A_1311, %get3A_1312, %get3A_1313] {strides = array<i32>} : memref<8x50x128xf32, #tpu.memory_space<vmem>>, vector<1x1x16xf32>,
        %get3A_1315 = vector.shape_cast %get3A_1314 : vector<1x1x16xf32> to vector<16xf32>
        %mul3A_1316 = arith.mulf %gather3A_1251, %get3A_1315 : vector<16xf32>
        %add3A_1317 = arith.addf %scan3A_1248, %mul3A_1316 : vector<16xf32>
        %add3A_1318 = arith.addf %scan3A_1249, %gather3A_1251 : vector<16xf32>
        scf.yield %add3A_1261, %add3A_1269, %add3A_1277, %add3A_1285, %add3A_1293, %add3A_1301, %add3A_1309, %add3A_1317, %add3A_1318 : vector<16xf32>, vector<16xf32>, vector<16xf32>, vector<16xf32>, vector<16xf32>, vector<16xf32>, vector<16xf32>, vector<16xf32>, vector<16xf32>
      }
      %scan3A_1153 = arith.constant 16 : i32
      %get3A_1154 = arith.index_cast %add3A_1115 : i32 to index
      %get3A_1155 = arith.constant 32 : index
      %get3A_1156 = tpu.vector_load %arg7[%get3A_1154, %get3A_1155] {strides = array<i32>} : memref<128x64xf32, #tpu.memory_space<vmem>>, vector<1x16xf32>,
      %get3A_1157 = vector.shape_cast %get3A_1156 : vector<1x16xf32> to vector<16xf32>
      %scan3A_1158 = arith.constant 0 : i32
      %scan3A_1159 = arith.constant 16 : i32
      %scan3A_1160 = arith.addi %scan3A_1158, %scan3A_1159 : i32
      %scan3A_1161 = arith.constant 1 : i32
      %scan3A_1162:9 = scf.for %scan3A_1240 = %scan3A_1158 to %scan3A_1160 step %scan3A_1161 iter_args(%scan3A_1241 = %scan3A_1152#0, %scan3A_1242 = %scan3A_1152#1, %scan3A_1243 = %scan3A_1152#2, %scan3A_1244 = %scan3A_1152#3, %scan3A_1245 = %scan3A_1152#4, %scan3A_1246 = %scan3A_1152#5, %scan3A_1247 = %scan3A_1152#6, %scan3A_1248 = %scan3A_1152#7, %scan3A_1249 = %scan3A_1152#8) -> (vector<16xf32>, vector<16xf32>, vector<16xf32>, vector<16xf32>, vector<16xf32>, vector<16xf32>, vector<16xf32>, vector<16xf32>, vector<16xf32>)  : i32 {
        %broadcast_in_dim3A_1250 = vector.broadcast %scan3A_1240 : i32 to vector<16x1xi32>
        %gather3A = vector.shape_cast %broadcast_in_dim3A_1250 : vector<16x1xi32> to vector<16xi32>
        %gather3A_1251 = tpu.dynamic_gather %get3A_1157[%gather3A] in [0] : vector<16xf32>, vector<16xi32> -> vector<16xf32>
        %add3A_1252 = arith.constant 32 : i32
        %add3A_1253 = arith.addi %add3A_1252, %scan3A_1240 : i32
        %get3A_1254 = arith.constant 7 : i32
        %get3A_1255 = arith.index_cast %get3A_1254 : i32 to index
        %get3A_1256 = arith.index_cast %add3A_1253 : i32 to index
        %get3A_1257 = arith.constant 0 : index
        %get3A_1258 = tpu.vector_load %arg8[%get3A_1255, %get3A_1256, %get3A_1257] {strides = array<i32>} : memref<8x50x128xf32, #tpu.memory_space<vmem>>, vector<1x1x16xf32>,
        %get3A_1259 = vector.shape_cast %get3A_1258 : vector<1x1x16xf32> to vector<16xf32>
        %mul3A_1260 = arith.mulf %gather3A_1251, %get3A_1259 : vector<16xf32>
        %add3A_1261 = arith.addf %scan3A_1241, %mul3A_1260 : vector<16xf32>
        %get3A_1262 = arith.constant 7 : i32
        %get3A_1263 = arith.index_cast %get3A_1262 : i32 to index
        %get3A_1264 = arith.index_cast %add3A_1253 : i32 to index
        %get3A_1265 = arith.constant 16 : index
        %get3A_1266 = tpu.vector_load %arg8[%get3A_1263, %get3A_1264, %get3A_1265] {strides = array<i32>} : memref<8x50x128xf32, #tpu.memory_space<vmem>>, vector<1x1x16xf32>,
        %get3A_1267 = vector.shape_cast %get3A_1266 : vector<1x1x16xf32> to vector<16xf32>
        %mul3A_1268 = arith.mulf %gather3A_1251, %get3A_1267 : vector<16xf32>
        %add3A_1269 = arith.addf %scan3A_1242, %mul3A_1268 : vector<16xf32>
        %get3A_1270 = arith.constant 7 : i32
        %get3A_1271 = arith.index_cast %get3A_1270 : i32 to index
        %get3A_1272 = arith.index_cast %add3A_1253 : i32 to index
        %get3A_1273 = arith.constant 32 : index
        %get3A_1274 = tpu.vector_load %arg8[%get3A_1271, %get3A_1272, %get3A_1273] {strides = array<i32>} : memref<8x50x128xf32, #tpu.memory_space<vmem>>, vector<1x1x16xf32>,
        %get3A_1275 = vector.shape_cast %get3A_1274 : vector<1x1x16xf32> to vector<16xf32>
        %mul3A_1276 = arith.mulf %gather3A_1251, %get3A_1275 : vector<16xf32>
        %add3A_1277 = arith.addf %scan3A_1243, %mul3A_1276 : vector<16xf32>
        %get3A_1278 = arith.constant 7 : i32
        %get3A_1279 = arith.index_cast %get3A_1278 : i32 to index
        %get3A_1280 = arith.index_cast %add3A_1253 : i32 to index
        %get3A_1281 = arith.constant 48 : index
        %get3A_1282 = tpu.vector_load %arg8[%get3A_1279, %get3A_1280, %get3A_1281] {strides = array<i32>} : memref<8x50x128xf32, #tpu.memory_space<vmem>>, vector<1x1x16xf32>,
        %get3A_1283 = vector.shape_cast %get3A_1282 : vector<1x1x16xf32> to vector<16xf32>
        %mul3A_1284 = arith.mulf %gather3A_1251, %get3A_1283 : vector<16xf32>
        %add3A_1285 = arith.addf %scan3A_1244, %mul3A_1284 : vector<16xf32>
        %get3A_1286 = arith.constant 7 : i32
        %get3A_1287 = arith.index_cast %get3A_1286 : i32 to index
        %get3A_1288 = arith.index_cast %add3A_1253 : i32 to index
        %get3A_1289 = arith.constant 64 : index
        %get3A_1290 = tpu.vector_load %arg8[%get3A_1287, %get3A_1288, %get3A_1289] {strides = array<i32>} : memref<8x50x128xf32, #tpu.memory_space<vmem>>, vector<1x1x16xf32>,
        %get3A_1291 = vector.shape_cast %get3A_1290 : vector<1x1x16xf32> to vector<16xf32>
        %mul3A_1292 = arith.mulf %gather3A_1251, %get3A_1291 : vector<16xf32>
        %add3A_1293 = arith.addf %scan3A_1245, %mul3A_1292 : vector<16xf32>
        %get3A_1294 = arith.constant 7 : i32
        %get3A_1295 = arith.index_cast %get3A_1294 : i32 to index
        %get3A_1296 = arith.index_cast %add3A_1253 : i32 to index
        %get3A_1297 = arith.constant 80 : index
        %get3A_1298 = tpu.vector_load %arg8[%get3A_1295, %get3A_1296, %get3A_1297] {strides = array<i32>} : memref<8x50x128xf32, #tpu.memory_space<vmem>>, vector<1x1x16xf32>,
        %get3A_1299 = vector.shape_cast %get3A_1298 : vector<1x1x16xf32> to vector<16xf32>
        %mul3A_1300 = arith.mulf %gather3A_1251, %get3A_1299 : vector<16xf32>
        %add3A_1301 = arith.addf %scan3A_1246, %mul3A_1300 : vector<16xf32>
        %get3A_1302 = arith.constant 7 : i32
        %get3A_1303 = arith.index_cast %get3A_1302 : i32 to index
        %get3A_1304 = arith.index_cast %add3A_1253 : i32 to index
        %get3A_1305 = arith.constant 96 : index
        %get3A_1306 = tpu.vector_load %arg8[%get3A_1303, %get3A_1304, %get3A_1305] {strides = array<i32>} : memref<8x50x128xf32, #tpu.memory_space<vmem>>, vector<1x1x16xf32>,
        %get3A_1307 = vector.shape_cast %get3A_1306 : vector<1x1x16xf32> to vector<16xf32>
        %mul3A_1308 = arith.mulf %gather3A_1251, %get3A_1307 : vector<16xf32>
        %add3A_1309 = arith.addf %scan3A_1247, %mul3A_1308 : vector<16xf32>
        %get3A_1310 = arith.constant 7 : i32
        %get3A_1311 = arith.index_cast %get3A_1310 : i32 to index
        %get3A_1312 = arith.index_cast %add3A_1253 : i32 to index
        %get3A_1313 = arith.constant 112 : index
        %get3A_1314 = tpu.vector_load %arg8[%get3A_1311, %get3A_1312, %get3A_1313] {strides = array<i32>} : memref<8x50x128xf32, #tpu.memory_space<vmem>>, vector<1x1x16xf32>,
        %get3A_1315 = vector.shape_cast %get3A_1314 : vector<1x1x16xf32> to vector<16xf32>
        %mul3A_1316 = arith.mulf %gather3A_1251, %get3A_1315 : vector<16xf32>
        %add3A_1317 = arith.addf %scan3A_1248, %mul3A_1316 : vector<16xf32>
        %add3A_1318 = arith.addf %scan3A_1249, %gather3A_1251 : vector<16xf32>
        scf.yield %add3A_1261, %add3A_1269, %add3A_1277, %add3A_1285, %add3A_1293, %add3A_1301, %add3A_1309, %add3A_1317, %add3A_1318 : vector<16xf32>, vector<16xf32>, vector<16xf32>, vector<16xf32>, vector<16xf32>, vector<16xf32>, vector<16xf32>, vector<16xf32>, vector<16xf32>
      }
      %scan3A_1163 = arith.constant 16 : i32
      %get3A_1164 = arith.index_cast %add3A_1115 : i32 to index
      %get3A_1165 = arith.constant 48 : index
      %get3A_1166 = tpu.vector_load %arg7[%get3A_1164, %get3A_1165] {strides = array<i32>} : memref<128x64xf32, #tpu.memory_space<vmem>>, vector<1x16xf32>,
      %get3A_1167 = vector.shape_cast %get3A_1166 : vector<1x16xf32> to vector<16xf32>
      %scan3A_1168 = arith.constant 0 : i32
      %scan3A_1169 = arith.constant 2 : i32
      %scan3A_1170 = arith.addi %scan3A_1168, %scan3A_1169 : i32
      %scan3A_1171 = arith.constant 1 : i32
      %scan3A_1172:9 = scf.for %scan3A_1240 = %scan3A_1168 to %scan3A_1170 step %scan3A_1171 iter_args(%scan3A_1241 = %scan3A_1162#0, %scan3A_1242 = %scan3A_1162#1, %scan3A_1243 = %scan3A_1162#2, %scan3A_1244 = %scan3A_1162#3, %scan3A_1245 = %scan3A_1162#4, %scan3A_1246 = %scan3A_1162#5, %scan3A_1247 = %scan3A_1162#6, %scan3A_1248 = %scan3A_1162#7, %scan3A_1249 = %scan3A_1162#8) -> (vector<16xf32>, vector<16xf32>, vector<16xf32>, vector<16xf32>, vector<16xf32>, vector<16xf32>, vector<16xf32>, vector<16xf32>, vector<16xf32>)  : i32 {
        %broadcast_in_dim3A_1250 = vector.broadcast %scan3A_1240 : i32 to vector<16x1xi32>
        %gather3A = vector.shape_cast %broadcast_in_dim3A_1250 : vector<16x1xi32> to vector<16xi32>
        %gather3A_1251 = tpu.dynamic_gather %get3A_1167[%gather3A] in [0] : vector<16xf32>, vector<16xi32> -> vector<16xf32>
        %add3A_1252 = arith.constant 48 : i32
        %add3A_1253 = arith.addi %add3A_1252, %scan3A_1240 : i32
        %get3A_1254 = arith.constant 7 : i32
        %get3A_1255 = arith.index_cast %get3A_1254 : i32 to index
        %get3A_1256 = arith.index_cast %add3A_1253 : i32 to index
        %get3A_1257 = arith.constant 0 : index
        %get3A_1258 = tpu.vector_load %arg8[%get3A_1255, %get3A_1256, %get3A_1257] {strides = array<i32>} : memref<8x50x128xf32, #tpu.memory_space<vmem>>, vector<1x1x16xf32>,
        %get3A_1259 = vector.shape_cast %get3A_1258 : vector<1x1x16xf32> to vector<16xf32>
        %mul3A_1260 = arith.mulf %gather3A_1251, %get3A_1259 : vector<16xf32>
        %add3A_1261 = arith.addf %scan3A_1241, %mul3A_1260 : vector<16xf32>
        %get3A_1262 = arith.constant 7 : i32
        %get3A_1263 = arith.index_cast %get3A_1262 : i32 to index
        %get3A_1264 = arith.index_cast %add3A_1253 : i32 to index
        %get3A_1265 = arith.constant 16 : index
        %get3A_1266 = tpu.vector_load %arg8[%get3A_1263, %get3A_1264, %get3A_1265] {strides = array<i32>} : memref<8x50x128xf32, #tpu.memory_space<vmem>>, vector<1x1x16xf32>,
        %get3A_1267 = vector.shape_cast %get3A_1266 : vector<1x1x16xf32> to vector<16xf32>
        %mul3A_1268 = arith.mulf %gather3A_1251, %get3A_1267 : vector<16xf32>
        %add3A_1269 = arith.addf %scan3A_1242, %mul3A_1268 : vector<16xf32>
        %get3A_1270 = arith.constant 7 : i32
        %get3A_1271 = arith.index_cast %get3A_1270 : i32 to index
        %get3A_1272 = arith.index_cast %add3A_1253 : i32 to index
        %get3A_1273 = arith.constant 32 : index
        %get3A_1274 = tpu.vector_load %arg8[%get3A_1271, %get3A_1272, %get3A_1273] {strides = array<i32>} : memref<8x50x128xf32, #tpu.memory_space<vmem>>, vector<1x1x16xf32>,
        %get3A_1275 = vector.shape_cast %get3A_1274 : vector<1x1x16xf32> to vector<16xf32>
        %mul3A_1276 = arith.mulf %gather3A_1251, %get3A_1275 : vector<16xf32>
        %add3A_1277 = arith.addf %scan3A_1243, %mul3A_1276 : vector<16xf32>
        %get3A_1278 = arith.constant 7 : i32
        %get3A_1279 = arith.index_cast %get3A_1278 : i32 to index
        %get3A_1280 = arith.index_cast %add3A_1253 : i32 to index
        %get3A_1281 = arith.constant 48 : index
        %get3A_1282 = tpu.vector_load %arg8[%get3A_1279, %get3A_1280, %get3A_1281] {strides = array<i32>} : memref<8x50x128xf32, #tpu.memory_space<vmem>>, vector<1x1x16xf32>,
        %get3A_1283 = vector.shape_cast %get3A_1282 : vector<1x1x16xf32> to vector<16xf32>
        %mul3A_1284 = arith.mulf %gather3A_1251, %get3A_1283 : vector<16xf32>
        %add3A_1285 = arith.addf %scan3A_1244, %mul3A_1284 : vector<16xf32>
        %get3A_1286 = arith.constant 7 : i32
        %get3A_1287 = arith.index_cast %get3A_1286 : i32 to index
        %get3A_1288 = arith.index_cast %add3A_1253 : i32 to index
        %get3A_1289 = arith.constant 64 : index
        %get3A_1290 = tpu.vector_load %arg8[%get3A_1287, %get3A_1288, %get3A_1289] {strides = array<i32>} : memref<8x50x128xf32, #tpu.memory_space<vmem>>, vector<1x1x16xf32>,
        %get3A_1291 = vector.shape_cast %get3A_1290 : vector<1x1x16xf32> to vector<16xf32>
        %mul3A_1292 = arith.mulf %gather3A_1251, %get3A_1291 : vector<16xf32>
        %add3A_1293 = arith.addf %scan3A_1245, %mul3A_1292 : vector<16xf32>
        %get3A_1294 = arith.constant 7 : i32
        %get3A_1295 = arith.index_cast %get3A_1294 : i32 to index
        %get3A_1296 = arith.index_cast %add3A_1253 : i32 to index
        %get3A_1297 = arith.constant 80 : index
        %get3A_1298 = tpu.vector_load %arg8[%get3A_1295, %get3A_1296, %get3A_1297] {strides = array<i32>} : memref<8x50x128xf32, #tpu.memory_space<vmem>>, vector<1x1x16xf32>,
        %get3A_1299 = vector.shape_cast %get3A_1298 : vector<1x1x16xf32> to vector<16xf32>
        %mul3A_1300 = arith.mulf %gather3A_1251, %get3A_1299 : vector<16xf32>
        %add3A_1301 = arith.addf %scan3A_1246, %mul3A_1300 : vector<16xf32>
        %get3A_1302 = arith.constant 7 : i32
        %get3A_1303 = arith.index_cast %get3A_1302 : i32 to index
        %get3A_1304 = arith.index_cast %add3A_1253 : i32 to index
        %get3A_1305 = arith.constant 96 : index
        %get3A_1306 = tpu.vector_load %arg8[%get3A_1303, %get3A_1304, %get3A_1305] {strides = array<i32>} : memref<8x50x128xf32, #tpu.memory_space<vmem>>, vector<1x1x16xf32>,
        %get3A_1307 = vector.shape_cast %get3A_1306 : vector<1x1x16xf32> to vector<16xf32>
        %mul3A_1308 = arith.mulf %gather3A_1251, %get3A_1307 : vector<16xf32>
        %add3A_1309 = arith.addf %scan3A_1247, %mul3A_1308 : vector<16xf32>
        %get3A_1310 = arith.constant 7 : i32
        %get3A_1311 = arith.index_cast %get3A_1310 : i32 to index
        %get3A_1312 = arith.index_cast %add3A_1253 : i32 to index
        %get3A_1313 = arith.constant 112 : index
        %get3A_1314 = tpu.vector_load %arg8[%get3A_1311, %get3A_1312, %get3A_1313] {strides = array<i32>} : memref<8x50x128xf32, #tpu.memory_space<vmem>>, vector<1x1x16xf32>,
        %get3A_1315 = vector.shape_cast %get3A_1314 : vector<1x1x16xf32> to vector<16xf32>
        %mul3A_1316 = arith.mulf %gather3A_1251, %get3A_1315 : vector<16xf32>
        %add3A_1317 = arith.addf %scan3A_1248, %mul3A_1316 : vector<16xf32>
        %add3A_1318 = arith.addf %scan3A_1249, %gather3A_1251 : vector<16xf32>
        scf.yield %add3A_1261, %add3A_1269, %add3A_1277, %add3A_1285, %add3A_1293, %add3A_1301, %add3A_1309, %add3A_1317, %add3A_1318 : vector<16xf32>, vector<16xf32>, vector<16xf32>, vector<16xf32>, vector<16xf32>, vector<16xf32>, vector<16xf32>, vector<16xf32>, vector<16xf32>
      }
      %scan3A_1173 = arith.constant 2 : i32
      %max3A_1174 = arith.constant 9.99999971E-10 : f32
      %max3A_1175 = vector.broadcast %max3A_1174 : f32 to vector<16xf32>
      %max3A_1176 = arith.maximumf %scan3A_1172#8, %max3A_1175 : vector<16xf32>
      %div3A_1177 = arith.constant 1.000000e+00 : f32
      %div3A_1178 = vector.broadcast %div3A_1177 : f32 to vector<16xf32>
      %div3A_1179 = arith.divf %div3A_1178, %max3A_1176 : vector<16xf32>
      %mul3A_1180 = arith.mulf %scan3A_1172#0, %div3A_1179 : vector<16xf32>
      %swap3A_1181 = arith.constant 7 : i32
      %swap3A_1182 = arith.index_cast %swap3A_1181 : i32 to index
      %swap3A_1183 = arith.constant 0 : index
      %swap3A_1184 = tpu.vector_load %arg9[%swap3A_1182, %swap3A_1183] {strides = array<i32>} : memref<8x128xf32, #tpu.memory_space<vmem>>, vector<1x16xf32>,
      %swap3A_1185 = vector.shape_cast %swap3A_1184 : vector<1x16xf32> to vector<16xf32>
      %swap3A_1186 = vector.shape_cast %mul3A_1180 : vector<16xf32> to vector<1x16xf32>
      tpu.vector_store %arg9[%swap3A_1182, %swap3A_1183], %swap3A_1186 {strides = array<i32>} : memref<8x128xf32, #tpu.memory_space<vmem>>, vector<1x16xf32>,
      %mul3A_1187 = arith.mulf %scan3A_1172#1, %div3A_1179 : vector<16xf32>
      %swap3A_1188 = arith.constant 7 : i32
      %swap3A_1189 = arith.index_cast %swap3A_1188 : i32 to index
      %swap3A_1190 = arith.constant 16 : index
      %swap3A_1191 = tpu.vector_load %arg9[%swap3A_1189, %swap3A_1190] {strides = array<i32>} : memref<8x128xf32, #tpu.memory_space<vmem>>, vector<1x16xf32>,
      %swap3A_1192 = vector.shape_cast %swap3A_1191 : vector<1x16xf32> to vector<16xf32>
      %swap3A_1193 = vector.shape_cast %mul3A_1187 : vector<16xf32> to vector<1x16xf32>
      tpu.vector_store %arg9[%swap3A_1189, %swap3A_1190], %swap3A_1193 {strides = array<i32>} : memref<8x128xf32, #tpu.memory_space<vmem>>, vector<1x16xf32>,
      %mul3A_1194 = arith.mulf %scan3A_1172#2, %div3A_1179 : vector<16xf32>
      %swap3A_1195 = arith.constant 7 : i32
      %swap3A_1196 = arith.index_cast %swap3A_1195 : i32 to index
      %swap3A_1197 = arith.constant 32 : index
      %swap3A_1198 = tpu.vector_load %arg9[%swap3A_1196, %swap3A_1197] {strides = array<i32>} : memref<8x128xf32, #tpu.memory_space<vmem>>, vector<1x16xf32>,
      %swap3A_1199 = vector.shape_cast %swap3A_1198 : vector<1x16xf32> to vector<16xf32>
      %swap3A_1200 = vector.shape_cast %mul3A_1194 : vector<16xf32> to vector<1x16xf32>
      tpu.vector_store %arg9[%swap3A_1196, %swap3A_1197], %swap3A_1200 {strides = array<i32>} : memref<8x128xf32, #tpu.memory_space<vmem>>, vector<1x16xf32>,
      %mul3A_1201 = arith.mulf %scan3A_1172#3, %div3A_1179 : vector<16xf32>
      %swap3A_1202 = arith.constant 7 : i32
      %swap3A_1203 = arith.index_cast %swap3A_1202 : i32 to index
      %swap3A_1204 = arith.constant 48 : index
      %swap3A_1205 = tpu.vector_load %arg9[%swap3A_1203, %swap3A_1204] {strides = array<i32>} : memref<8x128xf32, #tpu.memory_space<vmem>>, vector<1x16xf32>,
      %swap3A_1206 = vector.shape_cast %swap3A_1205 : vector<1x16xf32> to vector<16xf32>
      %swap3A_1207 = vector.shape_cast %mul3A_1201 : vector<16xf32> to vector<1x16xf32>
      tpu.vector_store %arg9[%swap3A_1203, %swap3A_1204], %swap3A_1207 {strides = array<i32>} : memref<8x128xf32, #tpu.memory_space<vmem>>, vector<1x16xf32>,
      %mul3A_1208 = arith.mulf %scan3A_1172#4, %div3A_1179 : vector<16xf32>
      %swap3A_1209 = arith.constant 7 : i32
      %swap3A_1210 = arith.index_cast %swap3A_1209 : i32 to index
      %swap3A_1211 = arith.constant 64 : index
      %swap3A_1212 = tpu.vector_load %arg9[%swap3A_1210, %swap3A_1211] {strides = array<i32>} : memref<8x128xf32, #tpu.memory_space<vmem>>, vector<1x16xf32>,
      %swap3A_1213 = vector.shape_cast %swap3A_1212 : vector<1x16xf32> to vector<16xf32>
      %swap3A_1214 = vector.shape_cast %mul3A_1208 : vector<16xf32> to vector<1x16xf32>
      tpu.vector_store %arg9[%swap3A_1210, %swap3A_1211], %swap3A_1214 {strides = array<i32>} : memref<8x128xf32, #tpu.memory_space<vmem>>, vector<1x16xf32>,
      %mul3A_1215 = arith.mulf %scan3A_1172#5, %div3A_1179 : vector<16xf32>
      %swap3A_1216 = arith.constant 7 : i32
      %swap3A_1217 = arith.index_cast %swap3A_1216 : i32 to index
      %swap3A_1218 = arith.constant 80 : index
      %swap3A_1219 = tpu.vector_load %arg9[%swap3A_1217, %swap3A_1218] {strides = array<i32>} : memref<8x128xf32, #tpu.memory_space<vmem>>, vector<1x16xf32>,
      %swap3A_1220 = vector.shape_cast %swap3A_1219 : vector<1x16xf32> to vector<16xf32>
      %swap3A_1221 = vector.shape_cast %mul3A_1215 : vector<16xf32> to vector<1x16xf32>
      tpu.vector_store %arg9[%swap3A_1217, %swap3A_1218], %swap3A_1221 {strides = array<i32>} : memref<8x128xf32, #tpu.memory_space<vmem>>, vector<1x16xf32>,
      %mul3A_1222 = arith.mulf %scan3A_1172#6, %div3A_1179 : vector<16xf32>
      %swap3A_1223 = arith.constant 7 : i32
      %swap3A_1224 = arith.index_cast %swap3A_1223 : i32 to index
      %swap3A_1225 = arith.constant 96 : index
      %swap3A_1226 = tpu.vector_load %arg9[%swap3A_1224, %swap3A_1225] {strides = array<i32>} : memref<8x128xf32, #tpu.memory_space<vmem>>, vector<1x16xf32>,
      %swap3A_1227 = vector.shape_cast %swap3A_1226 : vector<1x16xf32> to vector<16xf32>
      %swap3A_1228 = vector.shape_cast %mul3A_1222 : vector<16xf32> to vector<1x16xf32>
      tpu.vector_store %arg9[%swap3A_1224, %swap3A_1225], %swap3A_1228 {strides = array<i32>} : memref<8x128xf32, #tpu.memory_space<vmem>>, vector<1x16xf32>,
      %mul3A_1229 = arith.mulf %scan3A_1172#7, %div3A_1179 : vector<16xf32>
      %swap3A_1230 = arith.constant 7 : i32
      %swap3A_1231 = arith.index_cast %swap3A_1230 : i32 to index
      %swap3A_1232 = arith.constant 112 : index
      %swap3A_1233 = tpu.vector_load %arg9[%swap3A_1231, %swap3A_1232] {strides = array<i32>} : memref<8x128xf32, #tpu.memory_space<vmem>>, vector<1x16xf32>,
      %swap3A_1234 = vector.shape_cast %swap3A_1233 : vector<1x16xf32> to vector<16xf32>
      %swap3A_1235 = vector.shape_cast %mul3A_1229 : vector<16xf32> to vector<1x16xf32>
      tpu.vector_store %arg9[%swap3A_1231, %swap3A_1232], %swap3A_1235 {strides = array<i32>} : memref<8x128xf32, #tpu.memory_space<vmem>>, vector<1x16xf32>,
      %mul3A_1236 = arith.constant 8 : i32
      %mul3A_1237 = arith.muli %scan3A_9, %mul3A_1236 : i32
      %add3A_1238 = arith.addi %mul3A_2, %mul3A_1237 : i32
      "tpu.region"() ({
        %run_scoped3A = tpu.sem_alloc : memref<!tpu.dma_semaphore, #tpu.memory_space<semaphore_mem>>
        %dma_start3A_1240 = arith.constant 0 : i32
        %dma_start3A_1241 = tpu.memref_slice %arg5[%add3A_1238, %dma_start3A_1240] : memref<4096x128xf32, #tpu.memory_space<hbm>> -> memref<8x128xf32, #tpu.memory_space<hbm>>
        %dma_start3A_1242 = arith.constant 0 : i32
        %dma_start3A_1243 = tpu.memref_slice %arg5[%add3A_1238, %dma_start3A_1242] : memref<4096x128xf32, #tpu.memory_space<hbm>> -> memref<8x128xf32, #tpu.memory_space<hbm>>
        tpu.enqueue_dma source(%arg9 : memref<8x128xf32, #tpu.memory_space<vmem>>) target(%dma_start3A_1243 : memref<8x128xf32, #tpu.memory_space<hbm>>) target_semaphore(%run_scoped3A : memref<!tpu.dma_semaphore, #tpu.memory_space<semaphore_mem>>)
        %dma_wait3A_1244 = arith.constant 0 : i32
        %dma_wait3A_1245 = tpu.memref_slice %arg5[%add3A_1238, %dma_wait3A_1244] : memref<4096x128xf32, #tpu.memory_space<hbm>> -> memref<8x128xf32, #tpu.memory_space<hbm>>
        %dma_wait3A_1246 = arith.constant 0 : i32
        %dma_wait3A_1247 = tpu.memref_slice %arg5[%add3A_1238, %dma_wait3A_1246] : memref<4096x128xf32, #tpu.memory_space<hbm>> -> memref<8x128xf32, #tpu.memory_space<hbm>>
        tpu.wait_dma2 semaphore(%run_scoped3A : memref<!tpu.dma_semaphore, #tpu.memory_space<semaphore_mem>>) src(%arg9 : memref<8x128xf32, #tpu.memory_space<vmem>>) dst(%dma_wait3A_1247 : memref<8x128xf32, #tpu.memory_space<hbm>>)
        tpu.yield
      }) : () -> ()
      %scan3A_1239 = arith.constant 0 : i32
      scf.yield %scan3A_1239 : i32
    }
    %scan3A_8 = arith.constant 16 : i32
    return
  }
}

</mosaic_0001>

<sc_bundles>
// kernel: kernel.3.cloned.1.call-start
scs
__scs_entry_jumppad:
0x0: {  	(pc) =	sbr.rel $0x88, $3  }
0x1: {  	(tag) =	ssettag $0x0;
	lr =	simm.s32 $0x1  }
0x2: {  	[smem:$0x3F9E] =	sst lr;
	_ =	strace $0xD0000000  }
0x3: {  	_ = 	snop  }
0x4: {  	_ = 	snop  }
0x5: {  	_ = 	snop  }
0x6: {  	_ = 	snop  }
0x7: {  	_ = 	snop  }
__scs_overlays_trampoline_lowered:
0x8: {  	[smem:$0x3FAD] =	sst s0  }
0x9: {  	[smem:$0x3FAE] =	sst s1  }
0xa: {  	[smem:$0x3FAF] =	sst s2  }
0xb: {  	[smem:$0x3FB0] =	sst s3  }
0xc: {  	[smem:$0x3FB1] =	sst s4  }
0xd: {  	[smem:$0x3FB2] =	sst s5  }
0xe: {  	[smem:$0x3FB3] =	sst s6  }
0xf: {  	[smem:$0x3FB4] =	sst s7  }
0x10: {  	[smem:$0x3FB5] =	sst s8  }
0x11: {  	[smem:$0x3FB6] =	sst s9;
	s0 =	simm.s32 @!p0 $0x0  }
0x12: {  	s1 =	sld [smem:$0x3F9C];
	s0 =	simm.s32 @p0 $0x1  }
0x13: {  	[smem:$0x3FB7] =	sst s0;
	s0 =	simm.s32 @!p1 $0x0  }
0x14: {  	s2 =	sld [smem:$0x3F9B];
	s0 =	simm.s32 @p1 $0x1  }
0x15: {  	[smem:$0x3FB8] =	sst s0;
	s0 =	simm.s32 @!p2 $0x0  }
0x16: {  	s3 =	sld [smem:$0x3FDB];
	s0 =	simm.s32 @p2 $0x1  }
0x17: {  	s4 =	simm.s32 $0x1BF5;
	[smem:$0x3FBA] =	sst s0  }
0x18: {  	s0 =	sld [smem:$0x3F9D];
	_ =	swait.ge [sflag:s4], $0x0  }
0x19: {  	s7 =	sld [smem:$0x3F9E]  }
0x1a: {  	s8 =	sadd.s32 $0xFFFFE003, lr  }
0x1b: {  	s9 =	sadd.s32 $0xFFFFFEF7, lr;
	s5 =	simm.s32 $0xFFFFFFFF;
	p2 =	slt.u32 s8, $0xFFFFF086  }
0x1c: {  	p1 =	slt.u32 s9, $0xF7A;
	s5 =	simm.s32 @!p2 $0x0  }
0x1d: {  	s5 =	simm.s32 @p1 $0x1;
	p0 =	seq.s32 s7, s2  }
0x1e: {  	s7 =	smul.u32 @!p0 $0xF7A, s2;
	p2 =	seq.s32 @!p0 s5, $0x0  }
0x1f: {  	s9 =	smul.u32 $0xF7A, s1;
	s8 =	simm.s32 @!p0 $0x1BF5;
	p2 =	por !p2, p0  }
0x20: {  	[sflag:s8] =	ssyncset.s32 @!p0 $0xFFFFF086;
	s6 =	sadd.s32 @!p0 s3, s7;
	s7 =	simm.s32 @!p0 $0x108  }
0x21: {  	s3 =	sadd.s32 s3, s9;
	s6 =	sadd.s32 @!p0 $0x88, s6;
	s7 =	simm.s32 @p2 $0x1082  }
0x22: {  	[simem:s7], [sflag:s8] =	dma.local @!p0 [hbm:s6], $0xF7A  }
0x23: {  	s9 =	sor.u32 $0xD0000000, s2;
	s6 =	simm.s32 $0x108;
	_ =	swait.ge @!p0 [sflag:s8], $0x0  }
0x24: {  	s3 =	sadd.s32 $0x88, s3;
	s6 =	simm.s32 @!p1 $0x1082;
	[sflag:s4] =	ssyncset.s32 $0xFFFFF086  }
0x25: {  	[simem:s6], [sflag:s4] =	dma.local [hbm:s3], $0xF7A  }
0x26: {  	[smem:$0x3F9E] =	sst s1;
	(tag) =	ssettag s2;
	_ =	strace s9  }
0x27: {  	s1 =	sld [smem:$0x3FAE]  }
0x28: {  	s2 =	sld [smem:$0x3FAF]  }
0x29: {  	s4 =	sld [smem:$0x3FB1]  }
0x2a: {  	p0 =	seq.s32 s5, $0x0;
	s5 =	sld [smem:$0x3FB2]  }
0x2b: {  	s6 =	sld [smem:$0x3FB3]  }
0x2c: {  	s7 =	sld [smem:$0x3FB4]  }
0x2d: {  	s3 =	simm.s32 $0x108;
	s8 =	sld [smem:$0x3FB5]  }
0x2e: {  	s3 =	simm.s32 @!p0 $0x1082;
	s9 =	sld [smem:$0x3FB6]  }
0x2f: {  	lr =	sadd.s32 s0, s3;
	s0 =	sld [smem:$0x3FAD]  }
0x30: {  	s3 =	sld [smem:$0x3FB0]  }
0x31: {  	[smem:$0x3FB9] =	sst s10  }
0x32: {  	s10 =	sld [smem:$0x3FB7];
	_ =	sdelay $0x3  }
0x33: {  	p0 =	seq.s32 s10, $0x1;
	s10 =	sld [smem:$0x3FB9];
	_ =	sdelay $0x3  }
0x34: {  	[smem:$0x3FB9] =	sst s10  }
0x35: {  	s10 =	sld [smem:$0x3FB8];
	_ =	sdelay $0x3  }
0x36: {  	p1 =	seq.s32 s10, $0x1;
	s10 =	sld [smem:$0x3FB9];
	_ =	sdelay $0x3  }
0x37: {  	[smem:$0x3FB9] =	sst s10  }
0x38: {  	s10 =	sld [smem:$0x3FBA]  }
0x39: {  	_ = 	snop;
	(pc) =	sbr.ind lr, $3  }
0x3a: {  	_ = 	snop  }
0x3b: {  	_ = 	snop  }
0x3c: {  	p2 =	seq.s32 s10, $0x1;
	s10 =	sld [smem:$0x3FB9]  }
0x3d: {  	_ =	shalt  }
0x3e: {  	_ =	shalt  }
0x3f: {  	_ =	shalt  }
0x40: {  	_ =	shalt  }
0x41: {  	_ =	shalt  }
0x42: {  	_ =	shalt  }
0x43: {  	_ =	shalt  }
0x44: {  	_ =	shalt  }
0x45: {  	_ =	shalt  }
0x46: {  	_ =	shalt  }
0x47: {  	_ =	shalt  }
0x48: {  	_ =	shalt  }
0x49: {  	_ =	shalt  }
0x4a: {  	_ =	shalt  }
0x4b: {  	_ =	shalt  }
0x4c: {  	_ =	shalt  }
0x4d: {  	_ =	shalt  }
0x4e: {  	_ =	shalt  }
0x4f: {  	_ =	shalt  }
0x50: {  	_ =	shalt  }
0x51: {  	_ =	shalt  }
0x52: {  	_ =	shalt  }
0x53: {  	_ =	shalt  }
0x54: {  	_ =	shalt  }
0x55: {  	_ =	shalt  }
0x56: {  	_ =	shalt  }
0x57: {  	_ =	shalt  }
0x58: {  	_ =	shalt  }
0x59: {  	_ =	shalt  }
0x5a: {  	_ =	shalt  }
0x5b: {  	_ =	shalt  }
0x5c: {  	_ =	shalt  }
0x5d: {  	_ =	shalt  }
0x5e: {  	_ =	shalt  }
0x5f: {  	_ =	shalt  }
0x60: {  	_ =	shalt  }
0x61: {  	_ =	shalt  }
0x62: {  	_ =	shalt  }
0x63: {  	_ =	shalt  }
0x64: {  	_ =	shalt  }
0x65: {  	_ =	shalt  }
0x66: {  	_ =	shalt  }
0x67: {  	_ =	shalt  }
0x68: {  	_ =	shalt  }
0x69: {  	_ =	shalt  }
0x6a: {  	_ =	shalt  }
0x6b: {  	_ =	shalt  }
0x6c: {  	_ =	shalt  }
0x6d: {  	_ =	shalt  }
0x6e: {  	_ =	shalt  }
0x6f: {  	_ =	shalt  }
0x70: {  	_ =	shalt  }
0x71: {  	_ =	shalt  }
0x72: {  	_ =	shalt  }
0x73: {  	_ =	shalt  }
0x74: {  	_ =	shalt  }
0x75: {  	_ =	shalt  }
0x76: {  	_ =	shalt  }
0x77: {  	_ =	shalt  }
0x78: {  	_ =	shalt  }
0x79: {  	_ =	shalt  }
0x7a: {  	_ =	shalt  }
0x7b: {  	_ =	shalt  }
0x7c: {  	_ =	shalt  }
0x7d: {  	_ =	shalt  }
0x7e: {  	_ =	shalt  }
0x7f: {  	_ =	shalt  }
0x80: {  	_ =	shalt  }
0x81: {  	_ =	shalt  }
0x82: {  	_ =	shalt  }
0x83: {  	_ =	shalt  }
0x84: {  	_ =	shalt  }
0x85: {  	_ =	shalt  }
0x86: {  	_ =	shalt  }
0x87: {  	_ =	shalt  }
.Lfunc_end0:
.L_simem_size_0:
called_computation_lowered:
.L_overlay_start_0:
0x88: {  	s2 =	sld [smem:$0x3FD9]  }
0x89: {  	s3 =	sld [smem:$0x3FFE];
	_ =	sdelay $0x1  }
0x8a: {  	s1 =	srdreg.scid  }
0x8b: {  	s0 =	sand.u32 $0x1, s1  }
0x8c: {  	s17 =	sshll.u32 s0, $0xA;
	s2 =	sadd.s32 s3, s2  }
0x8d: {  	s2 =	sadd.s32 s2, s17  }
0x8e: {  	[smem:$0x3FC5] =	sst s2  }
0x8f: {  	_ = 	snop  }
0x90: {  	s2 =	sld [smem:$0x3FC7]  }
0x91: {  	s18 =	sld [smem:$0x3FD0];
	(tm) =	ssettm $0x1  }
0x92: {  	s4 =	sld [smem:$0x3FFB];
	_ =	sdelay $0x3  }
0x93: {  	_ =	strace s4  }
0x94: {  	s4 =	sld [smem:$0x3FFC];
	_ =	sdelay $0x3  }
0x95: {  	_ =	strace s4  }
0x96: {  	s4 =	sld [smem:$0x3FFD];
	_ =	sdelay $0x3  }
0x97: {  	_ =	strace s4  }
0x98: {  	_ =	strace $0x8FFFFFFF  }
0x99: {  	s19 =	sld [smem:$0x3FDB];
	_ =	sdelay $0x1  }
0x9a: {  	s5 =	simm.s32 $_scs_section_size  }
0x9b: {  	s6 =	simm.s32 $_size__tile_overlayer_lowered;
	s7 =	simm.s32 $_tile_overlayer_lowered  }
0x9c: {  	s22 =	simm.s32 $0x1BFF;
	s21 =	sshll.u32 s7, $0x1;
	s4 =	sadd.s32 s5, s19  }
0x9d: {  	s8 =	simm.s32 $0x0;
	s20 =	sshll.u32 s6, $0x1;
	s6 =	sadd.s32 s21, s4  }
0x9e: {  	[timem:s8], [sflag:s22] =	dma.local [hbm:s6], s20  }
0x9f: {  	_ =	swait.ge [sflag:s22], s20  }
0xa0: {  	s5 =	ssub.s32 $0x0, s20;
	[sflag:s22] =	ssyncset.done $0x0  }
0xa1: {  	[sflag:s22] =	ssyncadd.s32 s5;
	_ =	sdelay $0x1  }
0xa2: {  	s23 =	simm.s32 $0x1B8B  }
0xa3: {  	_ =	swait.ge [sflag:s23], $0x1  }
0xa4: {  	[sflag:s23] =	ssyncset.done $0x0  }
0xa5: {  	s25 =	simm.s32 $0x1B8E;
	s24 =	sld [smem:$0x3FFE];
	[sflag:s23] =	ssyncadd.s32 $0xFFFFFFFF  }
0xa6: {  	s26 =	simm.s32 $execute0_lowered;
	[smem:$0x3FD2] =	sst s25  }
0xa7: {  	s6 =	sshll.u32 s26, $0x1;
	_ =	strace $0x80000046;
	[dreg:$0x1] =	wrdreg $0xFFFFFFFF  }
0xa8: {  	s28 =	simm.s32 $_size_execute0_lowered;
	s4 =	sadd.s32 s4, s6;
	[dreg:$0x0] =	wrdreg $0x0  }
0xa9: {  	s6 =	sshll.u32 s28, $0x1;
	[dreg:$0x2] =	wrdreg s4  }
0xaa: {  	[dreg:$0x3] =	wrdreg s6  }
0xab: {  	[dreg:$0x4] =	wrdreg $0xC0  }
0xac: {  	_ =	task [dreg:s8], $0x5FFFF  }
0xad: {  	[dreg:$0x1] =	wrdreg $0xFFFFFFFF  }
0xae: {  	[dreg:$0x0] =	wrdreg $0x60  }
0xaf: {  	[dreg:$0x2] =	wrdreg s24  }
0xb0: {  	[dreg:$0x3] =	wrdreg s2  }
0xb1: {  	[dreg:$0x4] =	wrdreg s18  }
0xb2: {  	[dreg:$0x5] =	wrdreg $0x9  }
0xb3: {  	_ =	task.clear_ibuf [dreg:s8], $0x6FFFF;
	_ =	strace $0x90000046  }
0xb4: {  	s29 =	simm.s32 $0x9;
	_ =	strace $0x80000048  }
0xb5: {  	_ =	swait.ge [sflag:s29], $0x1  }
0xb6: {  	[sflag:s29] =	ssyncadd.s32 $0xFFFFFFFF  }
0xb7: {  	_ =	strace $0x90000048  }
0xb8: {  	_ =	sfence  }
0xb9: {  	s30 =	sld [smem:$0x0];
	_ =	sdelay $0x2  }
0xba: {  	s31 =	sshll.u32 s1, $0xD;
	s1 =	sshrl.u32 s1, $0x2  }
0xbb: {  	s3 =	sand.u32 $0x4000, s31;
	s1 =	sadd.s32 s1, s30  }
0xbc: {  	s0 =	sor.u32 s3, s0;
	s1 =	sshll.u32 s1, $0x11  }
0xbd: {  	s0 =	sor.u32 s1, s0  }
0xbe: {  	s0 =	sadd.s32 $0x8F2B, s0  }
0xbf: {  	[sflag:s0] =	ssyncadd.remote.s32 $0x1  }
0xc0: {  	_ =	sfence.sel $0xFFFF  }
0xc1: {  	[dreg:$0x0] =	wrdreg $0xFFFFFFFF;
	(pc) =	sbr.abs _section_cstart, $3  }
0xc2: {  	[dreg:$0x1] =	wrdreg $0xFFFFFFFF  }
0xc3: {  	_ =	task.clear_ibuf [dreg:s8], $0x2FFFF;
	_ =	strace $0x9FFFFFFF  }
0xc4: {  	(tm) =	ssettm $0x7FFFFFFF  }
0xc5: {  	_ =	shalt  }
tec
execute0_lowered:
.L_overlay_start_1:
0x0: {  	(tag) =	ssettag $0x1  }
0x1: {  	s0 =	rddreg [dreg:$0x0]  }
0x2: {  	s2 =	rddreg [dreg:$0x1];
	s1 =	srdreg.scid  }
0x3: {  	s3 =	rddreg [dreg:$0x2];
	s4 =	stileid.u32  }
0x4: {  	s9 =	simm.s32 $0x2;
	s11 =	simm.s32 $0x32;
	s12 =	simm.s32 $0x8000  }
0x5: {  	s13 =	simm.s32 $0x9C00;
	s14 =	simm.s32 $0xB800;
	s15 =	simm.s32 $0xD400  }
0x6: {  	s16 =	simm.s32 $0xF000;
	s17 =	simm.s32 $0x10C00;
	s18 =	simm.s32 $0x12800  }
0x7: {  	s19 =	simm.s32 $0x14400;
	s20 =	simm.s32 $0x1;
	s1 =	sand.u32 $0x1, s1  }
0x8: {  	s21 =	simm.s32 $0x16000;
	s5 =	sshll.u32 s4, $0x8;
	s6 =	sshll.u32 s1, $0x7  }
0x9: {  	s22 =	simm.s32 $0x0;
	s4 =	simm.s32 $0x0;
	s5 =	sor.u32 s6, s5  }
0xa: {  	s1 =	ssub.s32 $0x2, s1;
	[smem:$0x7FF] =	sst s4;
	s6 =	sshll.u32 s5, $0x4  }
0xb: {  	s7 =	sshrl.u32 s1, $0x1;
	_ =	strace $0x80000047;
	s0 =	sadd.s32 s6, s0  }
0xc: {  	s1 =	ssub.s32 s1, s7;
	s7 =	sshrl.u32 s5, $0x3;
	s6 =	sadd.s32 $0x600, s0  }
0xd: {  	v0 =	vimm.s32 $0x0;
	v1 =	vimm.s32 $0x1;
	s8 =	smax.u32 s1, $0x1;
	[dreg:$0x4] =	wrdreg s6;
	s6 =	sadd.s32 $0x10600, s0  }
.LBB2_1:
0xe: {  	s0 =	rddreg [dreg:$0x4]  }
0xf: {  	[tilespmem:s4], [sflag:$0x2] =	stream.linear.gather [hbm4b:s0+s4], $0x4000, $0x38;
	[tilespmem:$0x16400] =	vst v63  }
0x10: {  	_ =	swait.ge [sflag:s9], $0x4000  }
0x11: {  	[sflag:s9] =	ssyncset.done $0x0  }
0x12: {  	s31 =	simm.s32 $0x4000;
	[sflag:s9] =	ssyncadd.s32 $0xFFFFC000  }
0x13: {  	[tilespmem:s31], [sflag:$0x2] =	stream.linear.gather [hbm4b:s6+s4], $0x4000, $0x38;
	[tilespmem:$0x16400] =	vst v63  }
0x14: {  	_ =	swait.ge [sflag:s9], $0x4000  }
0x15: {  	[sflag:s9] =	ssyncset.done $0x0  }
0x16: {  	s23 =	simm.s32 $0x0;
	[sflag:s9] =	ssyncadd.s32 $0xFFFFC000  }
.LBB2_2:
0x17: {  	s24 =	sshll.u32 s23, $0xA  }
0x18: {  	[tilespmem:s12], [sflag:$0x1] =	stream.indirect.gather [hbm4b:s2+s11], $0x80, s24, s11, $0xb8;
	[tilespmem:$0x16400] =	vst v63  }
0x19: {  	s0 =	sor.u32 $0x80, s24  }
0x1a: {  	[tilespmem:s13], [sflag:$0x1] =	stream.indirect.gather [hbm4b:s2+s11], $0x80, s0, s11, $0xb8;
	[tilespmem:$0x16400] =	vst v63  }
0x1b: {  	s31 =	sor.u32 $0x100, s24  }
0x1c: {  	[tilespmem:s14], [sflag:$0x1] =	stream.indirect.gather [hbm4b:s2+s11], $0x80, s31, s11, $0xb8;
	[tilespmem:$0x16400] =	vst v63  }
0x1d: {  	s30 =	sor.u32 $0x180, s24  }
0x1e: {  	[tilespmem:s15], [sflag:$0x1] =	stream.indirect.gather [hbm4b:s2+s11], $0x80, s30, s11, $0xb8;
	[tilespmem:$0x16400] =	vst v63  }
0x1f: {  	s29 =	sor.u32 $0x200, s24  }
0x20: {  	[tilespmem:s16], [sflag:$0x1] =	stream.indirect.gather [hbm4b:s2+s11], $0x80, s29, s11, $0xb8;
	[tilespmem:$0x16400] =	vst v63  }
0x21: {  	s28 =	sor.u32 $0x280, s24  }
0x22: {  	[tilespmem:s17], [sflag:$0x1] =	stream.indirect.gather [hbm4b:s2+s11], $0x80, s28, s11, $0xb8;
	[tilespmem:$0x16400] =	vst v63  }
0x23: {  	s26 =	sor.u32 $0x300, s24  }
0x24: {  	[tilespmem:s18], [sflag:$0x1] =	stream.indirect.gather [hbm4b:s2+s11], $0x80, s26, s11, $0xb8;
	[tilespmem:$0x16400] =	vst v63  }
0x25: {  	s25 =	sor.u32 $0x380, s24  }
0x26: {  	[tilespmem:s19], [sflag:$0x1] =	stream.indirect.gather [hbm4b:s2+s11], $0x80, s25, s11, $0xb8;
	[tilespmem:$0x16400] =	vst v63  }
0x27: {  	_ =	swait.ge [sflag:s20], $0x1900  }
0x28: {  	[sflag:s20] =	ssyncset.done $0x0  }
0x29: {  	[sflag:s20] =	ssyncadd.s32 $0xFFFFE700  }
0x2a: {  	_ =	swait.ge [sflag:s20], $0x1900  }
0x2b: {  	[sflag:s20] =	ssyncset.done $0x0  }
0x2c: {  	[sflag:s20] =	ssyncadd.s32 $0xFFFFE700  }
0x2d: {  	_ =	swait.ge [sflag:s20], $0x1900  }
0x2e: {  	[sflag:s20] =	ssyncset.done $0x0  }
0x2f: {  	[sflag:s20] =	ssyncadd.s32 $0xFFFFE700  }
0x30: {  	_ =	swait.ge [sflag:s20], $0x1900  }
0x31: {  	[sflag:s20] =	ssyncset.done $0x0  }
0x32: {  	[sflag:s20] =	ssyncadd.s32 $0xFFFFE700  }
0x33: {  	_ =	swait.ge [sflag:s20], $0x1900  }
0x34: {  	[sflag:s20] =	ssyncset.done $0x0  }
0x35: {  	[sflag:s20] =	ssyncadd.s32 $0xFFFFE700  }
0x36: {  	_ =	swait.ge [sflag:s20], $0x1900  }
0x37: {  	[sflag:s20] =	ssyncset.done $0x0  }
0x38: {  	[sflag:s20] =	ssyncadd.s32 $0xFFFFE700  }
0x39: {  	_ =	swait.ge [sflag:s20], $0x1900  }
0x3a: {  	[sflag:s20] =	ssyncset.done $0x0  }
0x3b: {  	[sflag:s20] =	ssyncadd.s32 $0xFFFFE700  }
0x3c: {  	_ =	swait.ge [sflag:s20], $0x1900  }
0x3d: {  	[sflag:s20] =	ssyncset.done $0x0  }
0x3e: {  	[sflag:s20] =	ssyncadd.s32 $0xFFFFE700  }
0x3f: {  	s1 =	simm.s32 $0x8040;
	v3 =	vld [tilespmem:s24+$0x4000]  }
0x40: {  	v2 =	vld [tilespmem:s1+$0x30]  }
0x41: {  	v4 =	vld [tilespmem:s1+$0xFFFFFFC0]  }
0x42: {  	v8 =	vld [tilespmem:s1+$0xFFFFFFD0]  }
0x43: {  	s5 =	simm.s32 $0x0;
	v9 =	vld [tilespmem:s1+$0xFFFFFFE0]  }
0x44: {  	v5 =	vmov s5  }
0x45: {  	v7 =	vimm.f32 $0.0e+00;
	v16 =	vld [tilespmem:s1+$0xFFFFFFF0];
	v6 =	vperm.xlane v3, v5  }
0x46: {  	v10 =	vimm.f32 $0.0e+00;
	v11 =	vimm.f32 $0.0e+00;
	v12 =	vimm.f32 $0.0e+00;
	v15 =	vld [tilespmem:s1+$0x0]  }
0x47: {  	v13 =	vld [tilespmem:s1+$0x10];
	v5 =	vmul.f32 v2, v6;
	v4 =	vmul.f32 v4, v6;
	v2 =	vadd.f32 v6, v7  }
0x48: {  	v14 =	vld [tilespmem:s1+$0x20];
	s1 =	simm.s32 $0x80C0;
	v18 =	vmul.f32 v8, v6;
	v19 =	vmul.f32 v9, v6;
	v9 =	vimm.f32 $0.0e+00  }
0x49: {  	s10 =	simm.s32 $0x1;
	s5 =	simm.s32 $0x2;
	v17 =	vld [tilespmem:s1+$0x30];
	v8 =	vimm.f32 $0.0e+00;
	v5 =	vadd.f32 v5, v7;
	v4 =	vadd.f32 v4, v7  }
.LBB2_3:
0x4a: {  	p0 =	sne.s32 s5, $0xF;
	v20 =	vld [tilespmem:s1+$0xFFFFFFC0];
	v7 =	vadd.f32 v18, v7;
	v16 =	vmul.f32 v16, v6  }
0x4b: {  	v18 =	vmov s10;
	s10 =	smov.u32 s5;
	v21 =	vld [tilespmem:s1+$0xFFFFFFD0];
	v10 =	vadd.f32 v19, v10;
	v15 =	vmul.f32 v15, v6  }
0x4c: {  	v18 =	vperm.xlane v3, v18;
	v19 =	vld [tilespmem:s1+$0xFFFFFFE0];
	v11 =	vadd.f32 v16, v11;
	v13 =	vmul.f32 v13, v6  }
.Ltmp0:
0x4d: {  	v16 =	vld [tilespmem:s1+$0xFFFFFFF0];
	v12 =	vadd.f32 v15, v12;
	v14 =	vmul.f32 v14, v6;
	(pc) =	sbr.rel @p0 .LBB2_3-.Ltmp0, $4  }
0x4e: {  	v2 =	vadd.f32 v18, v2;
	v6 =	vmovc v18;
	v15 =	vld [tilespmem:s1+$0x0];
	v17 =	vmul.f32 v17, v18;
	v9 =	vadd.f32 v13, v9  }
0x4f: {  	v20 =	vmul.f32 v20, v6;
	v13 =	vld [tilespmem:s1+$0x10];
	v8 =	vadd.f32 v14, v8  }
0x50: {  	v18 =	vmul.f32 v21, v6;
	v14 =	vld [tilespmem:s1+$0x20];
	v5 =	vadd.f32 v17, v5;
	s1 =	sadd.s32 $0x80, s1  }
0x51: {  	s5 =	sadd.s32 $0x1, s5;
	v17 =	vld [tilespmem:s1+$0x30];
	v4 =	vadd.f32 v20, v4;
	v19 =	vmul.f32 v19, v6  }
0x52: {  	v20 =	vld [tilespmem:s1+$0xFFFFFFC0]  }
0x53: {  	v21 =	vld [tilespmem:s1+$0xFFFFFFD0]  }
0x54: {  	v22 =	vld [tilespmem:s1+$0xFFFFFFE0]  }
0x55: {  	v23 =	vld [tilespmem:s1+$0xFFFFFFF0]  }
0x56: {  	v16 =	vmul.f32 v16, v6;
	v24 =	vmov s10;
	v25 =	vld [tilespmem:s1+$0x0]  }
0x57: {  	v7 =	vadd.f32 v18, v7;
	v59 =	vld [tilespmem:s1+$0x10];
	v15 =	vmul.f32 v15, v6;
	v18 =	vperm.xlane v3, v24  }
0x58: {  	v10 =	vadd.f32 v19, v10;
	v3 =	vld [tilespmem:s24+$0x4010];
	v11 =	vadd.f32 v16, v11;
	v13 =	vmul.f32 v13, v6  }
0x59: {  	s10 =	simm.s32 $0x8870;
	v16 =	vld [tilespmem:s1+$0x20];
	v12 =	vadd.f32 v15, v12;
	v6 =	vmul.f32 v14, v6;
	v14 =	vmul.f32 v17, v18  }
0x5a: {  	v9 =	vadd.f32 v13, v9;
	v17 =	vld [tilespmem:s10+$0x0];
	v13 =	vmul.f32 v20, v18;
	v15 =	vmul.f32 v21, v18  }
0x5b: {  	v19 =	vadd.f32 v6, v8;
	v6 =	vmul.f32 v22, v18;
	v20 =	vadd.f32 v14, v5;
	v14 =	vld [tilespmem:s10+$0xFFFFFF90]  }
0x5c: {  	s5 =	simm.s32 $0x0;
	v61 =	vld [tilespmem:s10+$0xFFFFFFA0];
	v8 =	vmul.f32 v25, v18;
	v60 =	vadd.f32 v13, v4;
	v4 =	vmul.f32 v23, v18  }
0x5d: {  	v62 =	vld [tilespmem:s10+$0xFFFFFFB0];
	v5 =	vadd.f32 v15, v7;
	v6 =	vadd.f32 v6, v10;
	v10 =	vmov s5  }
0x5e: {  	v15 =	vld [tilespmem:s10+$0xFFFFFFC0];
	v10 =	vperm.xlane v3, v10;
	v7 =	vadd.f32 v4, v11;
	v4 =	vmul.f32 v59, v18  }
0x5f: {  	v13 =	vld [tilespmem:s10+$0xFFFFFFD0];
	v11 =	vadd.f32 v18, v2;
	v2 =	vadd.f32 v8, v12;
	v12 =	vmul.f32 v16, v18  }
0x60: {  	v17 =	vmul.f32 v17, v10;
	v8 =	vadd.f32 v4, v9;
	v63 =	vmul.f32 v14, v10;
	v14 =	vld [tilespmem:s10+$0xFFFFFFE0]  }
0x61: {  	s1 =	simm.s32 $0x88F0;
	v16 =	vld [tilespmem:s10+$0xFFFFFFF0];
	v18 =	vmul.f32 v61, v10;
	v9 =	vadd.f32 v12, v19;
	v4 =	vadd.f32 v10, v11  }
0x62: {  	s5 =	simm.s32 $0x2;
	s10 =	simm.s32 $0x1;
	v19 =	vmul.f32 v62, v10;
	v11 =	vadd.f32 v17, v20;
	v17 =	vld [tilespmem:s1+$0x0];
	v12 =	vadd.f32 v63, v60  }
.LBB2_5:
0x63: {  	p0 =	sne.s32 s5, $0xF;
	v20 =	vld [tilespmem:s1+$0xFFFFFF90];
	v5 =	vadd.f32 v18, v5;
	v15 =	vmul.f32 v15, v10  }
0x64: {  	v18 =	vmov s10;
	s10 =	smov.u32 s5;
	v21 =	vld [tilespmem:s1+$0xFFFFFFA0];
	v6 =	vadd.f32 v19, v6;
	v13 =	vmul.f32 v13, v10  }
0x65: {  	v18 =	vperm.xlane v3, v18;
	v19 =	vld [tilespmem:s1+$0xFFFFFFB0];
	v7 =	vadd.f32 v15, v7;
	v14 =	vmul.f32 v14, v10  }
.Ltmp1:
0x66: {  	v15 =	vld [tilespmem:s1+$0xFFFFFFC0];
	v2 =	vadd.f32 v13, v2;
	v16 =	vmul.f32 v16, v10;
	(pc) =	sbr.rel @p0 .LBB2_5-.Ltmp1, $4  }
0x67: {  	v4 =	vadd.f32 v18, v4;
	v10 =	vmovc v18;
	v13 =	vld [tilespmem:s1+$0xFFFFFFD0];
	v17 =	vmul.f32 v17, v18;
	v8 =	vadd.f32 v14, v8  }
0x68: {  	v20 =	vmul.f32 v20, v10;
	v14 =	vld [tilespmem:s1+$0xFFFFFFE0];
	v9 =	vadd.f32 v16, v9  }
0x69: {  	v18 =	vmul.f32 v21, v10;
	v16 =	vld [tilespmem:s1+$0xFFFFFFF0];
	v11 =	vadd.f32 v17, v11;
	s1 =	sadd.s32 $0x80, s1  }
0x6a: {  	s5 =	sadd.s32 $0x1, s5;
	v17 =	vld [tilespmem:s1+$0x0];
	v12 =	vadd.f32 v20, v12;
	v19 =	vmul.f32 v19, v10  }
0x6b: {  	v20 =	vld [tilespmem:s1+$0xFFFFFF90]  }
0x6c: {  	v21 =	vld [tilespmem:s1+$0xFFFFFFA0]  }
0x6d: {  	v22 =	vld [tilespmem:s1+$0xFFFFFFB0]  }
0x6e: {  	v23 =	vld [tilespmem:s1+$0xFFFFFFC0]  }
0x6f: {  	v15 =	vmul.f32 v15, v10;
	v24 =	vmov s10;
	v25 =	vld [tilespmem:s1+$0xFFFFFFD0]  }
0x70: {  	v5 =	vadd.f32 v18, v5;
	v60 =	vld [tilespmem:s1+$0xFFFFFFE0];
	s10 =	simm.s32 $0x9070;
	v13 =	vmul.f32 v13, v10;
	v18 =	vperm.xlane v3, v24  }
0x71: {  	v6 =	vadd.f32 v19, v6;
	v19 =	vld [tilespmem:s10+$0x0];
	v7 =	vadd.f32 v15, v7;
	v3 =	vmul.f32 v14, v10  }
0x72: {  	v13 =	vadd.f32 v13, v2;
	v10 =	vmul.f32 v16, v10;
	v2 =	vld [tilespmem:s24+$0x4020];
	v15 =	vmul.f32 v17, v18  }
0x73: {  	v14 =	vld [tilespmem:s1+$0xFFFFFFF0];
	v17 =	vadd.f32 v3, v8;
	v3 =	vmul.f32 v20, v18;
	v8 =	vmul.f32 v21, v18  }
0x74: {  	v9 =	vadd.f32 v10, v9;
	v10 =	vadd.f32 v15, v11;
	v11 =	vmul.f32 v22, v18;
	v15 =	vld [tilespmem:s10+$0xFFFFFF90]  }
0x75: {  	s5 =	simm.s32 $0x0;
	v61 =	vld [tilespmem:s10+$0xFFFFFFA0];
	v20 =	vadd.f32 v3, v12;
	v3 =	vadd.f32 v8, v5;
	v8 =	vmul.f32 v23, v18  }
0x76: {  	v62 =	vld [tilespmem:s10+$0xFFFFFFB0];
	v5 =	vadd.f32 v11, v6;
	v6 =	vmul.f32 v25, v18;
	v11 =	vmov s5  }
0x77: {  	v16 =	vld [tilespmem:s10+$0xFFFFFFC0];
	v63 =	vadd.f32 v18, v4;
	v12 =	vmul.f32 v60, v18;
	v11 =	vperm.xlane v2, v11  }
0x78: {  	v4 =	vmul.f32 v14, v18;
	v8 =	vadd.f32 v8, v7;
	v7 =	vadd.f32 v6, v13;
	v13 =	vld [tilespmem:s10+$0xFFFFFFD0]  }
0x79: {  	v6 =	vadd.f32 v12, v17;
	v17 =	vmul.f32 v19, v11;
	v19 =	vmul.f32 v15, v11;
	v15 =	vld [tilespmem:s10+$0xFFFFFFE0]  }
0x7a: {  	s1 =	simm.s32 $0x90F0;
	v14 =	vld [tilespmem:s10+$0xFFFFFFF0];
	v4 =	vadd.f32 v4, v9;
	v12 =	vadd.f32 v11, v63;
	v18 =	vmul.f32 v61, v11  }
0x7b: {  	s5 =	simm.s32 $0x2;
	s10 =	simm.s32 $0x1;
	v9 =	vadd.f32 v17, v10;
	v17 =	vld [tilespmem:s1+$0x0];
	v10 =	vadd.f32 v19, v20;
	v19 =	vmul.f32 v62, v11  }
.LBB2_7:
0x7c: {  	p0 =	sne.s32 s5, $0xF;
	v20 =	vld [tilespmem:s1+$0xFFFFFF90];
	v3 =	vadd.f32 v18, v3;
	v16 =	vmul.f32 v16, v11  }
0x7d: {  	v18 =	vmov s10;
	s10 =	smov.u32 s5;
	v21 =	vld [tilespmem:s1+$0xFFFFFFA0];
	v5 =	vadd.f32 v19, v5;
	v13 =	vmul.f32 v13, v11  }
0x7e: {  	v18 =	vperm.xlane v2, v18;
	v19 =	vld [tilespmem:s1+$0xFFFFFFB0];
	v8 =	vadd.f32 v16, v8;
	v15 =	vmul.f32 v15, v11  }
.Ltmp2:
0x7f: {  	v16 =	vld [tilespmem:s1+$0xFFFFFFC0];
	v7 =	vadd.f32 v13, v7;
	v14 =	vmul.f32 v14, v11;
	(pc) =	sbr.rel @p0 .LBB2_7-.Ltmp2, $4  }
0x80: {  	v12 =	vadd.f32 v18, v12;
	v11 =	vmovc v18;
	v13 =	vld [tilespmem:s1+$0xFFFFFFD0];
	v17 =	vmul.f32 v17, v18;
	v6 =	vadd.f32 v15, v6  }
0x81: {  	v20 =	vmul.f32 v20, v11;
	v15 =	vld [tilespmem:s1+$0xFFFFFFE0];
	v4 =	vadd.f32 v14, v4  }
0x82: {  	v18 =	vmul.f32 v21, v11;
	v14 =	vld [tilespmem:s1+$0xFFFFFFF0];
	v9 =	vadd.f32 v17, v9;
	s1 =	sadd.s32 $0x80, s1  }
0x83: {  	s5 =	sadd.s32 $0x1, s5;
	v17 =	vld [tilespmem:s1+$0x0];
	v10 =	vadd.f32 v20, v10;
	v19 =	vmul.f32 v19, v11  }
0x84: {  	v20 =	vld [tilespmem:s1+$0xFFFFFF90]  }
0x85: {  	v21 =	vld [tilespmem:s1+$0xFFFFFFA0]  }
0x86: {  	v22 =	vld [tilespmem:s1+$0xFFFFFFB0]  }
0x87: {  	v23 =	vld [tilespmem:s24+$0x4030]  }
0x88: {  	v24 =	vld [tilespmem:s1+$0xFFFFFFC0]  }
0x89: {  	v26 =	vld [tilespmem:s1+$0xFFFFFFD0]  }
0x8a: {  	v16 =	vmul.f32 v16, v11;
	v25 =	vmov s10;
	v3 =	vadd.f32 v18, v3;
	v18 =	vld [tilespmem:s1+$0xFFFFFFE0]  }
0x8b: {  	v58 =	vld [tilespmem:$0x9800];
	v2 =	vperm.xlane v2, v25;
	v13 =	vmul.f32 v13, v11  }
0x8c: {  	v59 =	vld [tilespmem:$0x9830];
	v5 =	vadd.f32 v19, v5;
	v8 =	vadd.f32 v16, v8;
	v15 =	vmul.f32 v15, v11  }
0x8d: {  	v62 =	vld [tilespmem:$0x9860];
	v12 =	vadd.f32 v2, v12;
	v7 =	vadd.f32 v13, v7;
	v11 =	vmul.f32 v14, v11  }
0x8e: {  	v63 =	vld [tilespmem:$0x98A0];
	v13 =	vmul.f32 v17, v2;
	v6 =	vadd.f32 v15, v6;
	v19 =	vperm.xlane v23, v0  }
0x8f: {  	v16 =	vld [tilespmem:s1+$0xFFFFFFF0];
	v17 =	vperm.xlane v23, v1;
	v20 =	vmul.f32 v20, v2;
	v4 =	vadd.f32 v11, v4  }
0x90: {  	v14 =	vld [tilespmem:$0x9810];
	v11 =	vmul.f32 v21, v2;
	v60 =	vmul.f32 v24, v2;
	v12 =	vadd.f32 v19, v12  }
0x91: {  	v15 =	vld [tilespmem:$0x9820];
	v61 =	vmul.f32 v26, v2;
	v9 =	vadd.f32 v13, v9;
	v10 =	vadd.f32 v20, v10  }
0x92: {  	v13 =	vld [tilespmem:$0x9840];
	v20 =	vmul.f32 v22, v2;
	v3 =	vadd.f32 v11, v3;
	v12 =	vadd.f32 v17, v12  }
0x93: {  	v18 =	vmul.f32 v18, v2;
	v11 =	vld [tilespmem:$0x9850];
	v8 =	vadd.f32 v60, v8;
	v7 =	vadd.f32 v61, v7  }
0x94: {  	v2 =	vmul.f32 v16, v2;
	v5 =	vadd.f32 v20, v5;
	v20 =	vld [tilespmem:$0x9890];
	v12 =	vmax.f32 v12, $9.999999710e-10  }
0x95: {  	v6 =	vadd.f32 v18, v6;
	v18 =	vmul.f32 v58, v19;
	(erf) = vrcp.f32 v12;
	v12 =	vld [tilespmem:$0x9870]  }
0x96: {  	v16 =	vld [tilespmem:$0x9880];
	v2 =	vadd.f32 v2, v4;
	v4 =	vmul.f32 v15, v19;
	v15 =	vmul.f32 v59, v19  }
0x97: {  	v14 =	vmul.f32 v14, v19;
	v10 =	vadd.f32 v18, v10;
	v13 =	vmul.f32 v13, v19  }
0x98: {  	v4 =	vadd.f32 v4, v5;
	v5 =	vadd.f32 v15, v8;
	v8 =	vmul.f32 v11, v19;
	v11 =	vld [tilespmem:$0x98C0]  }
0x99: {  	v3 =	vadd.f32 v14, v3;
	v14 =	vld [tilespmem:$0x98B0];
	v7 =	vadd.f32 v13, v7;
	v13 =	vmul.f32 v62, v19  }
0x9a: {  	v18 =	vld [tilespmem:$0x98E0];
	v6 =	vadd.f32 v8, v6;
	v8 =	vmul.f32 v12, v19;
	v12 =	vmul.f32 v20, v17  }
0x9b: {  	v15 =	vmul.f32 v16, v17;
	v16 =	vld [tilespmem:$0x98D0];
	v2 =	vadd.f32 v13, v2;
	v13 =	vmul.f32 v63, v17;
	_ =	sdelay $0x1  }
0x9c: {  	v10 =	vadd.f32 v15, v10;
	v15 =	vld [tilespmem:$0x98F0];
	v4 =	vadd.f32 v13, v4;
	v11 =	vmul.f32 v11, v17  }
0x9d: {  	v8 =	vadd.f32 v8, v9;
	v3 =	vadd.f32 v12, v3;
	v9 =	vmul.f32 v14, v17;
	v12 =	vpop (erf)  }
0x9e: {  	v7 =	vadd.f32 v11, v7;
	v11 =	vmul.f32 v18, v17;
	v10 =	vmul.f32 v12, v10  }
0x9f: {  	v5 =	vadd.f32 v9, v5;
	v9 =	vmul.f32 v16, v17;
	v3 =	vmul.f32 v12, v3  }
0xa0: {  	v2 =	vadd.f32 v11, v2;
	v4 =	vmul.f32 v12, v4;
	[tilespmem:$0x16000] =	vst v10  }
0xa1: {  	v6 =	vadd.f32 v9, v6;
	v9 =	vmul.f32 v15, v17;
	[tilespmem:$0x16010] =	vst v3;
	v3 =	vmul.f32 v12, v5  }
0xa2: {  	v2 =	vmul.f32 v12, v2;
	[tilespmem:$0x16020] =	vst v4  }
0xa3: {  	v5 =	vadd.f32 v9, v8;
	[tilespmem:$0x16030] =	vst v3;
	v3 =	vmul.f32 v12, v6  }
0xa4: {  	v4 =	vmul.f32 v12, v7;
	[tilespmem:$0x16060] =	vst v2  }
0xa5: {  	[tilespmem:$0x16050] =	vst v3;
	v3 =	vmul.f32 v12, v5  }
0xa6: {  	[tilespmem:$0x16040] =	vst v4  }
0xa7: {  	[tilespmem:$0x16070] =	vst v3  }
0xa8: {  	s5 =	simm.s32 $0x9C70;
	v3 =	vld [tilespmem:s0+$0x4000]  }
0xa9: {  	v2 =	vld [tilespmem:s5+$0x0]  }
0xaa: {  	v4 =	vld [tilespmem:s5+$0xFFFFFF90]  }
0xab: {  	v8 =	vld [tilespmem:s5+$0xFFFFFFA0]  }
0xac: {  	s10 =	simm.s32 $0x0;
	v9 =	vld [tilespmem:s5+$0xFFFFFFB0]  }
0xad: {  	v5 =	vmov s10  }
0xae: {  	v11 =	vimm.f32 $0.0e+00;
	v16 =	vld [tilespmem:s5+$0xFFFFFFC0];
	v6 =	vperm.xlane v3, v5  }
0xaf: {  	v7 =	vimm.f32 $0.0e+00;
	v10 =	vimm.f32 $0.0e+00;
	v12 =	vimm.f32 $0.0e+00;
	v15 =	vld [tilespmem:s5+$0xFFFFFFD0]  }
0xb0: {  	v13 =	vld [tilespmem:s5+$0xFFFFFFE0];
	v5 =	vmul.f32 v2, v6;
	v4 =	vmul.f32 v4, v6;
	v2 =	vadd.f32 v6, v7  }
0xb1: {  	v14 =	vld [tilespmem:s5+$0xFFFFFFF0];
	s0 =	simm.s32 $0x9CF0;
	v18 =	vmul.f32 v8, v6;
	v19 =	vmul.f32 v9, v6;
	v9 =	vimm.f32 $0.0e+00  }
0xb2: {  	s1 =	simm.s32 $0x1;
	s5 =	simm.s32 $0x2;
	v17 =	vld [tilespmem:s0+$0x0];
	v8 =	vimm.f32 $0.0e+00;
	v5 =	vadd.f32 v5, v7;
	v4 =	vadd.f32 v4, v7  }
.LBB2_9:
0xb3: {  	p0 =	sne.s32 s5, $0xF;
	v20 =	vld [tilespmem:s0+$0xFFFFFF90];
	v7 =	vadd.f32 v18, v7;
	v16 =	vmul.f32 v16, v6  }
0xb4: {  	v18 =	vmov s1;
	s1 =	smov.u32 s5;
	v21 =	vld [tilespmem:s0+$0xFFFFFFA0];
	v10 =	vadd.f32 v19, v10;
	v15 =	vmul.f32 v15, v6  }
0xb5: {  	v18 =	vperm.xlane v3, v18;
	v19 =	vld [tilespmem:s0+$0xFFFFFFB0];
	v11 =	vadd.f32 v16, v11;
	v13 =	vmul.f32 v13, v6  }
.Ltmp3:
0xb6: {  	v16 =	vld [tilespmem:s0+$0xFFFFFFC0];
	v12 =	vadd.f32 v15, v12;
	v14 =	vmul.f32 v14, v6;
	(pc) =	sbr.rel @p0 .LBB2_9-.Ltmp3, $4  }
0xb7: {  	v2 =	vadd.f32 v18, v2;
	v6 =	vmovc v18;
	v15 =	vld [tilespmem:s0+$0xFFFFFFD0];
	v17 =	vmul.f32 v17, v18;
	v9 =	vadd.f32 v13, v9  }
0xb8: {  	v20 =	vmul.f32 v20, v6;
	v13 =	vld [tilespmem:s0+$0xFFFFFFE0];
	v8 =	vadd.f32 v14, v8  }
0xb9: {  	v18 =	vmul.f32 v21, v6;
	v14 =	vld [tilespmem:s0+$0xFFFFFFF0];
	v5 =	vadd.f32 v17, v5;
	s0 =	sadd.s32 $0x80, s0  }
0xba: {  	s5 =	sadd.s32 $0x1, s5;
	v17 =	vld [tilespmem:s0+$0x0];
	v4 =	vadd.f32 v20, v4;
	v19 =	vmul.f32 v19, v6  }
0xbb: {  	v20 =	vld [tilespmem:s0+$0xFFFFFF90]  }
0xbc: {  	v21 =	vld [tilespmem:s0+$0xFFFFFFA0]  }
0xbd: {  	v22 =	vld [tilespmem:s0+$0xFFFFFFB0]  }
0xbe: {  	v23 =	vld [tilespmem:s0+$0xFFFFFFC0]  }
0xbf: {  	v16 =	vmul.f32 v16, v6;
	v24 =	vmov s1;
	v25 =	vld [tilespmem:s0+$0xFFFFFFD0]  }
0xc0: {  	v7 =	vadd.f32 v18, v7;
	v59 =	vld [tilespmem:s0+$0xFFFFFFE0];
	v15 =	vmul.f32 v15, v6;
	v18 =	vperm.xlane v3, v24  }
0xc1: {  	v10 =	vadd.f32 v19, v10;
	v3 =	vld [tilespmem:s24+$0x4090];
	v11 =	vadd.f32 v16, v11;
	v13 =	vmul.f32 v13, v6  }
0xc2: {  	s5 =	simm.s32 $0xA470;
	v16 =	vld [tilespmem:s0+$0xFFFFFFF0];
	v12 =	vadd.f32 v15, v12;
	v6 =	vmul.f32 v14, v6;
	v14 =	vmul.f32 v17, v18  }
0xc3: {  	v9 =	vadd.f32 v13, v9;
	v17 =	vld [tilespmem:s5+$0x0];
	v13 =	vmul.f32 v20, v18;
	v15 =	vmul.f32 v21, v18  }
0xc4: {  	v19 =	vadd.f32 v6, v8;
	v6 =	vmul.f32 v22, v18;
	v20 =	vadd.f32 v14, v5;
	v14 =	vld [tilespmem:s5+$0xFFFFFF90]  }
0xc5: {  	s10 =	simm.s32 $0x0;
	v61 =	vld [tilespmem:s5+$0xFFFFFFA0];
	v8 =	vmul.f32 v25, v18;
	v60 =	vadd.f32 v13, v4;
	v4 =	vmul.f32 v23, v18  }
0xc6: {  	v62 =	vld [tilespmem:s5+$0xFFFFFFB0];
	v5 =	vadd.f32 v15, v7;
	v6 =	vadd.f32 v6, v10;
	v10 =	vmov s10  }
0xc7: {  	v15 =	vld [tilespmem:s5+$0xFFFFFFC0];
	v10 =	vperm.xlane v3, v10;
	v7 =	vadd.f32 v4, v11;
	v4 =	vmul.f32 v59, v18  }
0xc8: {  	v13 =	vld [tilespmem:s5+$0xFFFFFFD0];
	v11 =	vadd.f32 v18, v2;
	v2 =	vadd.f32 v8, v12;
	v12 =	vmul.f32 v16, v18  }
0xc9: {  	v17 =	vmul.f32 v17, v10;
	v8 =	vadd.f32 v4, v9;
	v63 =	vmul.f32 v14, v10;
	v14 =	vld [tilespmem:s5+$0xFFFFFFE0]  }
0xca: {  	s0 =	simm.s32 $0xA4F0;
	v16 =	vld [tilespmem:s5+$0xFFFFFFF0];
	v18 =	vmul.f32 v61, v10;
	v9 =	vadd.f32 v12, v19;
	v4 =	vadd.f32 v10, v11  }
0xcb: {  	s1 =	simm.s32 $0x1;
	s5 =	simm.s32 $0x2;
	v19 =	vmul.f32 v62, v10;
	v11 =	vadd.f32 v17, v20;
	v17 =	vld [tilespmem:s0+$0x0];
	v12 =	vadd.f32 v63, v60  }
.LBB2_11:
0xcc: {  	p0 =	sne.s32 s5, $0xF;
	v20 =	vld [tilespmem:s0+$0xFFFFFF90];
	v5 =	vadd.f32 v18, v5;
	v15 =	vmul.f32 v15, v10  }
0xcd: {  	v18 =	vmov s1;
	s1 =	smov.u32 s5;
	v21 =	vld [tilespmem:s0+$0xFFFFFFA0];
	v6 =	vadd.f32 v19, v6;
	v13 =	vmul.f32 v13, v10  }
0xce: {  	v18 =	vperm.xlane v3, v18;
	v19 =	vld [tilespmem:s0+$0xFFFFFFB0];
	v7 =	vadd.f32 v15, v7;
	v14 =	vmul.f32 v14, v10  }
.Ltmp4:
0xcf: {  	v15 =	vld [tilespmem:s0+$0xFFFFFFC0];
	v2 =	vadd.f32 v13, v2;
	v16 =	vmul.f32 v16, v10;
	(pc) =	sbr.rel @p0 .LBB2_11-.Ltmp4, $4  }
0xd0: {  	v4 =	vadd.f32 v18, v4;
	v10 =	vmovc v18;
	v13 =	vld [tilespmem:s0+$0xFFFFFFD0];
	v17 =	vmul.f32 v17, v18;
	v8 =	vadd.f32 v14, v8  }
0xd1: {  	v20 =	vmul.f32 v20, v10;
	v14 =	vld [tilespmem:s0+$0xFFFFFFE0];
	v9 =	vadd.f32 v16, v9  }
0xd2: {  	v18 =	vmul.f32 v21, v10;
	v16 =	vld [tilespmem:s0+$0xFFFFFFF0];
	v11 =	vadd.f32 v17, v11;
	s0 =	sadd.s32 $0x80, s0  }
0xd3: {  	s5 =	sadd.s32 $0x1, s5;
	v17 =	vld [tilespmem:s0+$0x0];
	v12 =	vadd.f32 v20, v12;
	v19 =	vmul.f32 v19, v10  }
0xd4: {  	v20 =	vld [tilespmem:s0+$0xFFFFFF90]  }
0xd5: {  	v21 =	vld [tilespmem:s0+$0xFFFFFFA0]  }
0xd6: {  	v22 =	vld [tilespmem:s0+$0xFFFFFFB0]  }
0xd7: {  	v23 =	vld [tilespmem:s0+$0xFFFFFFC0]  }
0xd8: {  	v15 =	vmul.f32 v15, v10;
	v24 =	vmov s1;
	v25 =	vld [tilespmem:s0+$0xFFFFFFD0]  }
0xd9: {  	v5 =	vadd.f32 v18, v5;
	v60 =	vld [tilespmem:s0+$0xFFFFFFE0];
	s5 =	simm.s32 $0xAC70;
	v13 =	vmul.f32 v13, v10;
	v18 =	vperm.xlane v3, v24  }
0xda: {  	v6 =	vadd.f32 v19, v6;
	v19 =	vld [tilespmem:s5+$0x0];
	v7 =	vadd.f32 v15, v7;
	v3 =	vmul.f32 v14, v10  }
0xdb: {  	v13 =	vadd.f32 v13, v2;
	v10 =	vmul.f32 v16, v10;
	v2 =	vld [tilespmem:s24+$0x40A0];
	v15 =	vmul.f32 v17, v18  }
0xdc: {  	v14 =	vld [tilespmem:s0+$0xFFFFFFF0];
	v17 =	vadd.f32 v3, v8;
	v3 =	vmul.f32 v20, v18;
	v8 =	vmul.f32 v21, v18  }
0xdd: {  	v9 =	vadd.f32 v10, v9;
	v10 =	vadd.f32 v15, v11;
	v11 =	vmul.f32 v22, v18;
	v15 =	vld [tilespmem:s5+$0xFFFFFF90]  }
0xde: {  	s10 =	simm.s32 $0x0;
	v61 =	vld [tilespmem:s5+$0xFFFFFFA0];
	v20 =	vadd.f32 v3, v12;
	v3 =	vadd.f32 v8, v5;
	v8 =	vmul.f32 v23, v18  }
0xdf: {  	v62 =	vld [tilespmem:s5+$0xFFFFFFB0];
	v5 =	vadd.f32 v11, v6;
	v6 =	vmul.f32 v25, v18;
	v11 =	vmov s10  }
0xe0: {  	v16 =	vld [tilespmem:s5+$0xFFFFFFC0];
	v63 =	vadd.f32 v18, v4;
	v12 =	vmul.f32 v60, v18;
	v11 =	vperm.xlane v2, v11  }
0xe1: {  	v4 =	vmul.f32 v14, v18;
	v8 =	vadd.f32 v8, v7;
	v7 =	vadd.f32 v6, v13;
	v13 =	vld [tilespmem:s5+$0xFFFFFFD0]  }
0xe2: {  	v6 =	vadd.f32 v12, v17;
	v17 =	vmul.f32 v19, v11;
	v19 =	vmul.f32 v15, v11;
	v15 =	vld [tilespmem:s5+$0xFFFFFFE0]  }
0xe3: {  	s0 =	simm.s32 $0xACF0;
	v14 =	vld [tilespmem:s5+$0xFFFFFFF0];
	v4 =	vadd.f32 v4, v9;
	v12 =	vadd.f32 v11, v63;
	v18 =	vmul.f32 v61, v11  }
0xe4: {  	s1 =	simm.s32 $0x1;
	s5 =	simm.s32 $0x2;
	v9 =	vadd.f32 v17, v10;
	v17 =	vld [tilespmem:s0+$0x0];
	v10 =	vadd.f32 v19, v20;
	v19 =	vmul.f32 v62, v11  }
.LBB2_13:
0xe5: {  	p0 =	sne.s32 s5, $0xF;
	v20 =	vld [tilespmem:s0+$0xFFFFFF90];
	v3 =	vadd.f32 v18, v3;
	v16 =	vmul.f32 v16, v11  }
0xe6: {  	v18 =	vmov s1;
	s1 =	smov.u32 s5;
	v21 =	vld [tilespmem:s0+$0xFFFFFFA0];
	v5 =	vadd.f32 v19, v5;
	v13 =	vmul.f32 v13, v11  }
0xe7: {  	v18 =	vperm.xlane v2, v18;
	v19 =	vld [tilespmem:s0+$0xFFFFFFB0];
	v8 =	vadd.f32 v16, v8;
	v15 =	vmul.f32 v15, v11  }
.Ltmp5:
0xe8: {  	v16 =	vld [tilespmem:s0+$0xFFFFFFC0];
	v7 =	vadd.f32 v13, v7;
	v14 =	vmul.f32 v14, v11;
	(pc) =	sbr.rel @p0 .LBB2_13-.Ltmp5, $4  }
0xe9: {  	v12 =	vadd.f32 v18, v12;
	v11 =	vmovc v18;
	v13 =	vld [tilespmem:s0+$0xFFFFFFD0];
	v17 =	vmul.f32 v17, v18;
	v6 =	vadd.f32 v15, v6  }
0xea: {  	v20 =	vmul.f32 v20, v11;
	v15 =	vld [tilespmem:s0+$0xFFFFFFE0];
	v4 =	vadd.f32 v14, v4  }
0xeb: {  	v18 =	vmul.f32 v21, v11;
	v14 =	vld [tilespmem:s0+$0xFFFFFFF0];
	v9 =	vadd.f32 v17, v9;
	s0 =	sadd.s32 $0x80, s0  }
0xec: {  	s5 =	sadd.s32 $0x1, s5;
	v17 =	vld [tilespmem:s0+$0x0];
	v10 =	vadd.f32 v20, v10;
	v19 =	vmul.f32 v19, v11  }
0xed: {  	v20 =	vld [tilespmem:s0+$0xFFFFFF90]  }
0xee: {  	v21 =	vld [tilespmem:s0+$0xFFFFFFA0]  }
0xef: {  	v22 =	vld [tilespmem:s0+$0xFFFFFFB0]  }
0xf0: {  	v23 =	vld [tilespmem:s24+$0x40B0]  }
0xf1: {  	v24 =	vld [tilespmem:s0+$0xFFFFFFC0]  }
0xf2: {  	v26 =	vld [tilespmem:s0+$0xFFFFFFD0]  }
0xf3: {  	v16 =	vmul.f32 v16, v11;
	v25 =	vmov s1;
	v3 =	vadd.f32 v18, v3;
	v18 =	vld [tilespmem:s0+$0xFFFFFFE0]  }
0xf4: {  	v58 =	vld [tilespmem:$0xB400];
	v2 =	vperm.xlane v2, v25;
	v13 =	vmul.f32 v13, v11  }
0xf5: {  	v59 =	vld [tilespmem:$0xB430];
	v5 =	vadd.f32 v19, v5;
	v8 =	vadd.f32 v16, v8;
	v15 =	vmul.f32 v15, v11  }
0xf6: {  	v62 =	vld [tilespmem:$0xB460];
	v12 =	vadd.f32 v2, v12;
	v7 =	vadd.f32 v13, v7;
	v11 =	vmul.f32 v14, v11  }
0xf7: {  	v63 =	vld [tilespmem:$0xB4A0];
	v13 =	vmul.f32 v17, v2;
	v6 =	vadd.f32 v15, v6;
	v19 =	vperm.xlane v23, v0  }
0xf8: {  	v16 =	vld [tilespmem:s0+$0xFFFFFFF0];
	v17 =	vperm.xlane v23, v1;
	v20 =	vmul.f32 v20, v2;
	v4 =	vadd.f32 v11, v4  }
0xf9: {  	v14 =	vld [tilespmem:$0xB410];
	v11 =	vmul.f32 v21, v2;
	v60 =	vmul.f32 v24, v2;
	v12 =	vadd.f32 v19, v12  }
0xfa: {  	v15 =	vld [tilespmem:$0xB420];
	v61 =	vmul.f32 v26, v2;
	v9 =	vadd.f32 v13, v9;
	v10 =	vadd.f32 v20, v10  }
0xfb: {  	v13 =	vld [tilespmem:$0xB440];
	v20 =	vmul.f32 v22, v2;
	v3 =	vadd.f32 v11, v3;
	v12 =	vadd.f32 v17, v12  }
0xfc: {  	v18 =	vmul.f32 v18, v2;
	v11 =	vld [tilespmem:$0xB450];
	v8 =	vadd.f32 v60, v8;
	v7 =	vadd.f32 v61, v7  }
0xfd: {  	v2 =	vmul.f32 v16, v2;
	v5 =	vadd.f32 v20, v5;
	v20 =	vld [tilespmem:$0xB490];
	v12 =	vmax.f32 v12, $9.999999710e-10  }
0xfe: {  	v6 =	vadd.f32 v18, v6;
	v18 =	vmul.f32 v58, v19;
	(erf) = vrcp.f32 v12;
	v12 =	vld [tilespmem:$0xB470]  }
0xff: {  	v16 =	vld [tilespmem:$0xB480];
	v2 =	vadd.f32 v2, v4;
	v4 =	vmul.f32 v15, v19;
	v15 =	vmul.f32 v59, v19  }
0x100: {  	v14 =	vmul.f32 v14, v19;
	v10 =	vadd.f32 v18, v10;
	v13 =	vmul.f32 v13, v19  }
0x101: {  	v4 =	vadd.f32 v4, v5;
	v5 =	vadd.f32 v15, v8;
	v8 =	vmul.f32 v11, v19;
	v11 =	vld [tilespmem:$0xB4C0]  }
0x102: {  	v3 =	vadd.f32 v14, v3;
	v14 =	vld [tilespmem:$0xB4B0];
	v7 =	vadd.f32 v13, v7;
	v13 =	vmul.f32 v62, v19  }
0x103: {  	v18 =	vld [tilespmem:$0xB4E0];
	v6 =	vadd.f32 v8, v6;
	v8 =	vmul.f32 v12, v19;
	v12 =	vmul.f32 v20, v17  }
0x104: {  	v15 =	vmul.f32 v16, v17;
	v16 =	vld [tilespmem:$0xB4D0];
	v2 =	vadd.f32 v13, v2;
	v13 =	vmul.f32 v63, v17;
	_ =	sdelay $0x1  }
0x105: {  	v10 =	vadd.f32 v15, v10;
	v15 =	vld [tilespmem:$0xB4F0];
	v4 =	vadd.f32 v13, v4;
	v11 =	vmul.f32 v11, v17  }
0x106: {  	v8 =	vadd.f32 v8, v9;
	v3 =	vadd.f32 v12, v3;
	v9 =	vmul.f32 v14, v17;
	v12 =	vpop (erf)  }
0x107: {  	v7 =	vadd.f32 v11, v7;
	v11 =	vmul.f32 v18, v17;
	v10 =	vmul.f32 v12, v10  }
0x108: {  	v5 =	vadd.f32 v9, v5;
	v9 =	vmul.f32 v16, v17;
	v3 =	vmul.f32 v12, v3  }
0x109: {  	v2 =	vadd.f32 v11, v2;
	v4 =	vmul.f32 v12, v4;
	[tilespmem:$0x16080] =	vst v10  }
0x10a: {  	v6 =	vadd.f32 v9, v6;
	v9 =	vmul.f32 v15, v17;
	[tilespmem:$0x16090] =	vst v3;
	v3 =	vmul.f32 v12, v5  }
0x10b: {  	v2 =	vmul.f32 v12, v2;
	[tilespmem:$0x160A0] =	vst v4  }
0x10c: {  	v5 =	vadd.f32 v9, v8;
	[tilespmem:$0x160B0] =	vst v3;
	v3 =	vmul.f32 v12, v6  }
0x10d: {  	v4 =	vmul.f32 v12, v7;
	[tilespmem:$0x160E0] =	vst v2  }
0x10e: {  	[tilespmem:$0x160D0] =	vst v3;
	v3 =	vmul.f32 v12, v5  }
0x10f: {  	[tilespmem:$0x160C0] =	vst v4  }
0x110: {  	[tilespmem:$0x160F0] =	vst v3  }
0x111: {  	s10 =	simm.s32 $0xB870;
	v3 =	vld [tilespmem:s31+$0x4000]  }
0x112: {  	v2 =	vld [tilespmem:s10+$0x0]  }
0x113: {  	v4 =	vld [tilespmem:s10+$0xFFFFFF90]  }
0x114: {  	v8 =	vld [tilespmem:s10+$0xFFFFFFA0]  }
0x115: {  	s31 =	simm.s32 $0x0;
	v9 =	vld [tilespmem:s10+$0xFFFFFFB0]  }
0x116: {  	v5 =	vmov s31  }
0x117: {  	v11 =	vimm.f32 $0.0e+00;
	v16 =	vld [tilespmem:s10+$0xFFFFFFC0];
	v6 =	vperm.xlane v3, v5  }
0x118: {  	v7 =	vimm.f32 $0.0e+00;
	v10 =	vimm.f32 $0.0e+00;
	v12 =	vimm.f32 $0.0e+00;
	v15 =	vld [tilespmem:s10+$0xFFFFFFD0]  }
0x119: {  	v13 =	vld [tilespmem:s10+$0xFFFFFFE0];
	v5 =	vmul.f32 v2, v6;
	v4 =	vmul.f32 v4, v6;
	v2 =	vadd.f32 v6, v7  }
0x11a: {  	s0 =	simm.s32 $0xB8F0;
	v14 =	vld [tilespmem:s10+$0xFFFFFFF0];
	v18 =	vmul.f32 v8, v6;
	v19 =	vmul.f32 v9, v6;
	v9 =	vimm.f32 $0.0e+00  }
0x11b: {  	s1 =	simm.s32 $0x1;
	s5 =	simm.s32 $0x2;
	v17 =	vld [tilespmem:s0+$0x0];
	v8 =	vimm.f32 $0.0e+00;
	v5 =	vadd.f32 v5, v7;
	v4 =	vadd.f32 v4, v7  }
.LBB2_15:
0x11c: {  	p0 =	sne.s32 s5, $0xF;
	v20 =	vld [tilespmem:s0+$0xFFFFFF90];
	v7 =	vadd.f32 v18, v7;
	v16 =	vmul.f32 v16, v6  }
0x11d: {  	v18 =	vmov s1;
	s1 =	smov.u32 s5;
	v21 =	vld [tilespmem:s0+$0xFFFFFFA0];
	v10 =	vadd.f32 v19, v10;
	v15 =	vmul.f32 v15, v6  }
0x11e: {  	v18 =	vperm.xlane v3, v18;
	v19 =	vld [tilespmem:s0+$0xFFFFFFB0];
	v11 =	vadd.f32 v16, v11;
	v13 =	vmul.f32 v13, v6  }
.Ltmp6:
0x11f: {  	v16 =	vld [tilespmem:s0+$0xFFFFFFC0];
	v12 =	vadd.f32 v15, v12;
	v14 =	vmul.f32 v14, v6;
	(pc) =	sbr.rel @p0 .LBB2_15-.Ltmp6, $4  }
0x120: {  	v2 =	vadd.f32 v18, v2;
	v6 =	vmovc v18;
	v15 =	vld [tilespmem:s0+$0xFFFFFFD0];
	v17 =	vmul.f32 v17, v18;
	v9 =	vadd.f32 v13, v9  }
0x121: {  	v20 =	vmul.f32 v20, v6;
	v13 =	vld [tilespmem:s0+$0xFFFFFFE0];
	v8 =	vadd.f32 v14, v8  }
0x122: {  	v18 =	vmul.f32 v21, v6;
	v14 =	vld [tilespmem:s0+$0xFFFFFFF0];
	v5 =	vadd.f32 v17, v5;
	s0 =	sadd.s32 $0x80, s0  }
0x123: {  	s5 =	sadd.s32 $0x1, s5;
	v17 =	vld [tilespmem:s0+$0x0];
	v4 =	vadd.f32 v20, v4;
	v19 =	vmul.f32 v19, v6  }
0x124: {  	v20 =	vld [tilespmem:s0+$0xFFFFFF90]  }
0x125: {  	v21 =	vld [tilespmem:s0+$0xFFFFFFA0]  }
0x126: {  	v22 =	vld [tilespmem:s0+$0xFFFFFFB0]  }
0x127: {  	v24 =	vld [tilespmem:s0+$0xFFFFFFC0]  }
0x128: {  	v16 =	vmul.f32 v16, v6;
	v23 =	vmov s1;
	v60 =	vld [tilespmem:s0+$0xFFFFFFD0];
	v15 =	vmul.f32 v15, v6  }
0x129: {  	v7 =	vadd.f32 v18, v7;
	v18 =	vperm.xlane v3, v23;
	v3 =	vld [tilespmem:s24+$0x4110];
	v13 =	vmul.f32 v13, v6  }
0x12a: {  	v11 =	vadd.f32 v16, v11;
	v16 =	vld [tilespmem:s0+$0xFFFFFFE0];
	v12 =	vadd.f32 v15, v12;
	v6 =	vmul.f32 v14, v6  }
0x12b: {  	s5 =	simm.s32 $0x0;
	v14 =	vmul.f32 v17, v18;
	v15 =	vadd.f32 v13, v9;
	v17 =	vld [tilespmem:s0+$0xFFFFFFF0];
	v9 =	vmul.f32 v20, v18  }
0x12c: {  	v10 =	vadd.f32 v19, v10;
	v19 =	vld [tilespmem:s5+$0xC070];
	v13 =	vmul.f32 v21, v18;
	v6 =	vadd.f32 v6, v8  }
0x12d: {  	v61 =	vld [tilespmem:s5+$0xC000];
	s0 =	simm.s32 $0x0;
	v8 =	vmul.f32 v24, v18;
	v9 =	vadd.f32 v9, v4;
	v4 =	vmul.f32 v22, v18  }
0x12e: {  	v62 =	vld [tilespmem:s5+$0xC010];
	v20 =	vadd.f32 v14, v5;
	v5 =	vadd.f32 v13, v7;
	v13 =	vmov s0  }
0x12f: {  	v14 =	vmul.f32 v60, v18;
	v7 =	vadd.f32 v4, v10;
	v10 =	vperm.xlane v3, v13;
	v13 =	vld [tilespmem:s5+$0xC020]  }
0x130: {  	v63 =	vadd.f32 v18, v2;
	v4 =	vmul.f32 v16, v18;
	v17 =	vmul.f32 v17, v18;
	v16 =	vld [tilespmem:s5+$0xC030]  }
0x131: {  	v2 =	vadd.f32 v8, v11;
	v11 =	vadd.f32 v14, v12;
	v14 =	vld [tilespmem:s5+$0xC040];
	v12 =	vmul.f32 v19, v10  }
0x132: {  	v8 =	vadd.f32 v4, v15;
	v6 =	vadd.f32 v17, v6;
	v15 =	vld [tilespmem:s5+$0xC050];
	v19 =	vmul.f32 v61, v10  }
0x133: {  	s31 =	simm.s32 $0x80;
	s1 =	simm.s32 $0x400;
	v4 =	vadd.f32 v10, v63;
	v18 =	vmul.f32 v62, v10;
	v17 =	vld [tilespmem:s5+$0xC060];
	v12 =	vadd.f32 v12, v20  }
.LBB2_17:
0x134: {  	p0 =	sne.s32 s1, $0x1E00;
	v20 =	vld [tilespmem:s31+$0xC070];
	v9 =	vadd.f32 v19, v9;
	v13 =	vmul.f32 v13, v10  }
0x135: {  	s0 =	sadd.s32 $0x1, s0;
	v19 =	vld [tilespmem:s31+$0xC000];
	v5 =	vadd.f32 v18, v5;
	v16 =	vmul.f32 v16, v10  }
0x136: {  	v18 =	vmov s0;
	v21 =	vld [tilespmem:s31+$0xC010];
	v7 =	vadd.f32 v13, v7;
	v14 =	vmul.f32 v14, v10  }
.Ltmp7:
0x137: {  	v18 =	vperm.xlane v3, v18;
	v13 =	vld [tilespmem:s31+$0xC020];
	v2 =	vadd.f32 v16, v2;
	v15 =	vmul.f32 v15, v10;
	(pc) =	sbr.rel @p0 .LBB2_17-.Ltmp7, $4  }
0x138: {  	v16 =	vld [tilespmem:s31+$0xC030];
	v11 =	vadd.f32 v14, v11;
	v17 =	vmul.f32 v17, v10  }
0x139: {  	v4 =	vadd.f32 v18, v4;
	v10 =	vmovc v18;
	v14 =	vld [tilespmem:s31+$0xC040];
	v20 =	vmul.f32 v20, v18;
	v8 =	vadd.f32 v15, v8  }
0x13a: {  	v19 =	vmul.f32 v19, v10;
	v15 =	vld [tilespmem:s31+$0xC050];
	v6 =	vadd.f32 v17, v6  }
0x13b: {  	v18 =	vmul.f32 v21, v10;
	v17 =	vld [tilespmem:s31+$0xC060];
	s31 =	sshra.s32 s1, $0x2;
	s1 =	sadd.s32 $0x200, s1;
	v12 =	vadd.f32 v20, v12  }
0x13c: {  	v20 =	vld [tilespmem:s31+$0xC070]  }
0x13d: {  	v21 =	vld [tilespmem:s31+$0xC000]  }
0x13e: {  	v22 =	vld [tilespmem:s31+$0xC010]  }
0x13f: {  	v9 =	vadd.f32 v19, v9;
	s0 =	sadd.s32 $0x1, s0;
	v19 =	vld [tilespmem:s31+$0xC020]  }
0x140: {  	v13 =	vmul.f32 v13, v10;
	v24 =	vld [tilespmem:s31+$0xC030];
	v16 =	vmul.f32 v16, v10;
	v23 =	vmov s0  }
0x141: {  	v60 =	vld [tilespmem:s31+$0xC040];
	v5 =	vadd.f32 v18, v5;
	v14 =	vmul.f32 v14, v10;
	v18 =	vperm.xlane v3, v23  }
0x142: {  	v7 =	vadd.f32 v13, v7;
	v3 =	vmul.f32 v15, v10;
	v15 =	vld [tilespmem:s31+$0xC050]  }
0x143: {  	v13 =	vadd.f32 v16, v2;
	v2 =	vld [tilespmem:s24+$0x4120];
	v14 =	vadd.f32 v14, v11;
	v11 =	vmul.f32 v20, v18  }
0x144: {  	s10 =	simm.s32 $0x0;
	v10 =	vmul.f32 v17, v10;
	v17 =	vld [tilespmem:s31+$0xC060];
	v20 =	vadd.f32 v3, v8;
	v3 =	vmul.f32 v21, v18  }
0x145: {  	v8 =	vmul.f32 v22, v18;
	v61 =	vadd.f32 v11, v12;
	v12 =	vld [tilespmem:s10+$0xC870]  }
0x146: {  	s0 =	simm.s32 $0x0;
	v10 =	vadd.f32 v10, v6;
	v6 =	vmul.f32 v19, v18;
	v19 =	vld [tilespmem:s10+$0xC800];
	v3 =	vadd.f32 v3, v9  }
0x147: {  	v63 =	vld [tilespmem:s10+$0xC810];
	v5 =	vadd.f32 v8, v5;
	v9 =	vmul.f32 v24, v18;
	v11 =	vmov s0  }
0x148: {  	v16 =	vld [tilespmem:s10+$0xC820];
	v8 =	vadd.f32 v6, v7;
	v6 =	vmul.f32 v15, v18;
	v7 =	vperm.xlane v2, v11  }
0x149: {  	v62 =	vmul.f32 v60, v18;
	v15 =	vadd.f32 v18, v4;
	v4 =	vmul.f32 v17, v18;
	v17 =	vld [tilespmem:s10+$0xC830]  }
0x14a: {  	v11 =	vadd.f32 v9, v13;
	v13 =	vld [tilespmem:s10+$0xC840];
	v6 =	vadd.f32 v6, v20;
	v20 =	vmul.f32 v12, v7  }
0x14b: {  	v9 =	vadd.f32 v62, v14;
	v14 =	vld [tilespmem:s10+$0xC850];
	v4 =	vadd.f32 v4, v10;
	v18 =	vmul.f32 v19, v7  }
0x14c: {  	s1 =	simm.s32 $0x80;
	s5 =	simm.s32 $0x400;
	v19 =	vmul.f32 v63, v7;
	v12 =	vadd.f32 v7, v15;
	v15 =	vld [tilespmem:s10+$0xC860];
	v10 =	vadd.f32 v20, v61  }
.LBB2_19:
0x14d: {  	p0 =	sne.s32 s5, $0x1E00;
	v20 =	vld [tilespmem:s1+$0xC870];
	v3 =	vadd.f32 v18, v3;
	v16 =	vmul.f32 v16, v7  }
0x14e: {  	s0 =	sadd.s32 $0x1, s0;
	v18 =	vld [tilespmem:s1+$0xC800];
	v5 =	vadd.f32 v19, v5;
	v17 =	vmul.f32 v17, v7  }
0x14f: {  	v19 =	vmov s0;
	v21 =	vld [tilespmem:s1+$0xC810];
	v8 =	vadd.f32 v16, v8;
	v13 =	vmul.f32 v13, v7  }
.Ltmp8:
0x150: {  	v19 =	vperm.xlane v2, v19;
	v16 =	vld [tilespmem:s1+$0xC820];
	v11 =	vadd.f32 v17, v11;
	v14 =	vmul.f32 v14, v7;
	(pc) =	sbr.rel @p0 .LBB2_19-.Ltmp8, $4  }
0x151: {  	v17 =	vld [tilespmem:s1+$0xC830];
	v9 =	vadd.f32 v13, v9;
	v15 =	vmul.f32 v15, v7  }
0x152: {  	v12 =	vadd.f32 v19, v12;
	v7 =	vmovc v19;
	v13 =	vld [tilespmem:s1+$0xC840];
	v20 =	vmul.f32 v20, v19;
	v6 =	vadd.f32 v14, v6  }
0x153: {  	v18 =	vmul.f32 v18, v7;
	v14 =	vld [tilespmem:s1+$0xC850];
	v4 =	vadd.f32 v15, v4  }
0x154: {  	v19 =	vmul.f32 v21, v7;
	v15 =	vld [tilespmem:s1+$0xC860];
	s1 =	sshra.s32 s5, $0x2;
	s5 =	sadd.s32 $0x200, s5;
	v10 =	vadd.f32 v20, v10  }
0x155: {  	v20 =	vld [tilespmem:s1+$0xC870]  }
0x156: {  	v21 =	vld [tilespmem:s1+$0xC800]  }
0x157: {  	v22 =	vld [tilespmem:s1+$0xC810]  }
0x158: {  	v23 =	vld [tilespmem:s1+$0xC820]  }
0x159: {  	v24 =	vld [tilespmem:s24+$0x4130]  }
0x15a: {  	s0 =	sadd.s32 $0x1, s0;
	v25 =	vld [tilespmem:s1+$0xC830]  }
0x15b: {  	v16 =	vmul.f32 v16, v7;
	v27 =	vld [tilespmem:s1+$0xC840];
	v26 =	vmov s0  }
0x15c: {  	v3 =	vadd.f32 v18, v3;
	v18 =	vld [tilespmem:s1+$0xC850];
	v17 =	vmul.f32 v17, v7;
	v2 =	vperm.xlane v2, v26  }
0x15d: {  	v58 =	vld [tilespmem:$0xD030];
	v5 =	vadd.f32 v19, v5;
	v8 =	vadd.f32 v16, v8;
	v13 =	vmul.f32 v13, v7  }
0x15e: {  	v62 =	vld [tilespmem:$0xD060];
	v11 =	vadd.f32 v17, v11;
	v14 =	vmul.f32 v14, v7;
	v12 =	vadd.f32 v2, v12  }
0x15f: {  	v19 =	vld [tilespmem:$0xD000];
	v9 =	vadd.f32 v13, v9;
	v7 =	vmul.f32 v15, v7;
	v17 =	vperm.xlane v24, v0  }
0x160: {  	v16 =	vld [tilespmem:s1+$0xC860];
	v13 =	vmul.f32 v20, v2;
	v6 =	vadd.f32 v14, v6;
	v20 =	vperm.xlane v24, v1  }
0x161: {  	v15 =	vld [tilespmem:$0xD010];
	v21 =	vmul.f32 v21, v2;
	v59 =	vmul.f32 v23, v2;
	v12 =	vadd.f32 v17, v12  }
0x162: {  	v14 =	vld [tilespmem:$0xD020];
	v60 =	vmul.f32 v25, v2;
	v4 =	vadd.f32 v7, v4;
	v7 =	vmul.f32 v22, v2  }
0x163: {  	v18 =	vmul.f32 v18, v2;
	v10 =	vadd.f32 v13, v10;
	v13 =	vld [tilespmem:$0xD040];
	v12 =	vadd.f32 v20, v12  }
0x164: {  	v61 =	vmul.f32 v27, v2;
	v3 =	vadd.f32 v21, v3;
	v5 =	vadd.f32 v7, v5;
	v7 =	vld [tilespmem:$0xD050]  }
0x165: {  	v6 =	vadd.f32 v18, v6;
	v18 =	vmul.f32 v19, v17;
	v19 =	vld [tilespmem:$0xD090];
	v12 =	vmax.f32 v12, $9.999999710e-10  }
0x166: {  	v8 =	vadd.f32 v59, v8;
	v2 =	vmul.f32 v16, v2;
	(erf) = vrcp.f32 v12;
	v12 =	vld [tilespmem:$0xD070]  }
0x167: {  	v11 =	vadd.f32 v60, v11;
	v9 =	vadd.f32 v61, v9;
	v16 =	vld [tilespmem:$0xD080];
	v15 =	vmul.f32 v15, v17  }
0x168: {  	v2 =	vadd.f32 v2, v4;
	v4 =	vmul.f32 v14, v17;
	v14 =	vmul.f32 v58, v17  }
0x169: {  	v63 =	vld [tilespmem:$0xD0A0];
	v3 =	vadd.f32 v18, v3;
	v5 =	vadd.f32 v15, v5;
	v7 =	vmul.f32 v7, v17  }
0x16a: {  	v15 =	vld [tilespmem:$0xD0B0];
	v13 =	vmul.f32 v13, v17;
	v4 =	vadd.f32 v4, v8;
	v8 =	vadd.f32 v14, v11  }
0x16b: {  	v11 =	vld [tilespmem:$0xD0C0];
	v6 =	vadd.f32 v7, v6;
	v7 =	vmul.f32 v12, v17;
	v12 =	vmul.f32 v19, v20  }
0x16c: {  	v14 =	vmul.f32 v16, v20;
	v16 =	vld [tilespmem:$0xD0D0];
	v9 =	vadd.f32 v13, v9;
	v13 =	vmul.f32 v62, v17  }
0x16d: {  	v17 =	vld [tilespmem:$0xD0E0]  }
0x16e: {  	v3 =	vadd.f32 v14, v3;
	v14 =	vld [tilespmem:$0xD0F0];
	v2 =	vadd.f32 v13, v2;
	v13 =	vmul.f32 v63, v20  }
0x16f: {  	v7 =	vadd.f32 v7, v10;
	v5 =	vadd.f32 v12, v5;
	v10 =	vmul.f32 v15, v20;
	v12 =	vpop (erf)  }
0x170: {  	v11 =	vmul.f32 v11, v20;
	v4 =	vadd.f32 v13, v4;
	v3 =	vmul.f32 v12, v3  }
0x171: {  	v8 =	vadd.f32 v10, v8;
	v10 =	vmul.f32 v16, v20;
	v5 =	vmul.f32 v12, v5  }
0x172: {  	v9 =	vadd.f32 v11, v9;
	v11 =	vmul.f32 v17, v20;
	[tilespmem:$0x16100] =	vst v3;
	v3 =	vmul.f32 v12, v4  }
0x173: {  	v4 =	vadd.f32 v10, v6;
	v6 =	vmul.f32 v14, v20;
	[tilespmem:$0x16110] =	vst v5;
	v5 =	vmul.f32 v12, v8  }
0x174: {  	v2 =	vadd.f32 v11, v2;
	[tilespmem:$0x16120] =	vst v3;
	v3 =	vmul.f32 v12, v9  }
0x175: {  	v6 =	vadd.f32 v6, v7;
	[tilespmem:$0x16130] =	vst v5;
	v4 =	vmul.f32 v12, v4  }
0x176: {  	v2 =	vmul.f32 v12, v2;
	[tilespmem:$0x16140] =	vst v3  }
0x177: {  	[tilespmem:$0x16150] =	vst v4;
	v3 =	vmul.f32 v12, v6  }
0x178: {  	[tilespmem:$0x16160] =	vst v2  }
0x179: {  	[tilespmem:$0x16170] =	vst v3  }
0x17a: {  	s5 =	simm.s32 $0x0;
	v3 =	vld [tilespmem:s30+$0x4000]  }
0x17b: {  	v2 =	vld [tilespmem:s5+$0xD470]  }
0x17c: {  	v4 =	vld [tilespmem:s5+$0xD400]  }
0x17d: {  	s30 =	simm.s32 $0x0;
	v6 =	vld [tilespmem:s5+$0xD410]  }
0x17e: {  	v5 =	vmov s30  }
0x17f: {  	v15 =	vld [tilespmem:s5+$0xD420];
	v5 =	vperm.xlane v3, v5  }
0x180: {  	v8 =	vimm.f32 $0.0e+00;
	v10 =	vimm.f32 $0.0e+00;
	v11 =	vimm.f32 $0.0e+00;
	v16 =	vld [tilespmem:s5+$0xD430]  }
0x181: {  	v9 =	vimm.f32 $0.0e+00;
	v12 =	vimm.f32 $0.0e+00;
	v13 =	vld [tilespmem:s5+$0xD440];
	v7 =	vmul.f32 v2, v5  }
0x182: {  	v14 =	vld [tilespmem:s5+$0xD450];
	v2 =	vadd.f32 v5, v8;
	v19 =	vmul.f32 v4, v5;
	v18 =	vmul.f32 v6, v5  }
0x183: {  	s0 =	simm.s32 $0x80;
	s1 =	simm.s32 $0x400;
	v17 =	vld [tilespmem:s5+$0xD460];
	v6 =	vimm.f32 $0.0e+00;
	v4 =	vadd.f32 v7, v8;
	v7 =	vimm.f32 $0.0e+00  }
.LBB2_21:
0x184: {  	p0 =	sne.s32 s1, $0x1E00;
	v20 =	vld [tilespmem:s0+$0xD470];
	v8 =	vadd.f32 v19, v8;
	v15 =	vmul.f32 v15, v5  }
0x185: {  	s30 =	sadd.s32 $0x1, s30;
	v19 =	vld [tilespmem:s0+$0xD400];
	v12 =	vadd.f32 v18, v12;
	v16 =	vmul.f32 v16, v5  }
0x186: {  	v18 =	vmov s30;
	v21 =	vld [tilespmem:s0+$0xD410];
	v9 =	vadd.f32 v15, v9;
	v13 =	vmul.f32 v13, v5  }
.Ltmp9:
0x187: {  	v18 =	vperm.xlane v3, v18;
	v15 =	vld [tilespmem:s0+$0xD420];
	v10 =	vadd.f32 v16, v10;
	v14 =	vmul.f32 v14, v5;
	(pc) =	sbr.rel @p0 .LBB2_21-.Ltmp9, $4  }
0x188: {  	v16 =	vld [tilespmem:s0+$0xD430];
	v11 =	vadd.f32 v13, v11;
	v17 =	vmul.f32 v17, v5  }
0x189: {  	v2 =	vadd.f32 v18, v2;
	v5 =	vmovc v18;
	v13 =	vld [tilespmem:s0+$0xD440];
	v20 =	vmul.f32 v20, v18;
	v7 =	vadd.f32 v14, v7  }
0x18a: {  	v19 =	vmul.f32 v19, v5;
	v14 =	vld [tilespmem:s0+$0xD450];
	v6 =	vadd.f32 v17, v6  }
0x18b: {  	v18 =	vmul.f32 v21, v5;
	v17 =	vld [tilespmem:s0+$0xD460];
	s0 =	sshra.s32 s1, $0x2;
	s1 =	sadd.s32 $0x200, s1;
	v4 =	vadd.f32 v20, v4  }
0x18c: {  	v20 =	vld [tilespmem:s0+$0xD470]  }
0x18d: {  	v21 =	vld [tilespmem:s0+$0xD400]  }
0x18e: {  	v22 =	vld [tilespmem:s0+$0xD410]  }
0x18f: {  	v8 =	vadd.f32 v19, v8;
	s1 =	sadd.s32 $0x1, s30;
	v19 =	vld [tilespmem:s0+$0xD420]  }
0x190: {  	v15 =	vmul.f32 v15, v5;
	v24 =	vld [tilespmem:s0+$0xD430];
	v16 =	vmul.f32 v16, v5;
	v23 =	vmov s1  }
0x191: {  	v61 =	vld [tilespmem:s0+$0xD440];
	v12 =	vadd.f32 v18, v12;
	v13 =	vmul.f32 v13, v5;
	v18 =	vperm.xlane v3, v23  }
0x192: {  	v15 =	vadd.f32 v15, v9;
	v3 =	vld [tilespmem:s24+$0x4190];
	v16 =	vadd.f32 v16, v10;
	v9 =	vmul.f32 v14, v5  }
0x193: {  	v10 =	vld [tilespmem:s0+$0xD450];
	v11 =	vadd.f32 v13, v11;
	v5 =	vmul.f32 v17, v5;
	v13 =	vmul.f32 v20, v18  }
0x194: {  	s5 =	simm.s32 $0x0;
	v14 =	vadd.f32 v9, v7;
	v7 =	vmul.f32 v21, v18;
	v17 =	vmul.f32 v22, v18;
	v20 =	vld [tilespmem:s0+$0xD460]  }
0x195: {  	v6 =	vadd.f32 v5, v6;
	v62 =	vadd.f32 v13, v4;
	v4 =	vld [tilespmem:s5+$0xDC70]  }
0x196: {  	s0 =	simm.s32 $0x0;
	v9 =	vadd.f32 v7, v8;
	v7 =	vmul.f32 v19, v18;
	v5 =	vadd.f32 v17, v12;
	v12 =	vld [tilespmem:s5+$0xDC00]  }
0x197: {  	v63 =	vld [tilespmem:s5+$0xDC10];
	v8 =	vmul.f32 v24, v18;
	v13 =	vmov s0  }
0x198: {  	v7 =	vadd.f32 v7, v15;
	v15 =	vmul.f32 v10, v18;
	v10 =	vperm.xlane v3, v13;
	v13 =	vld [tilespmem:s5+$0xDC20]  }
0x199: {  	v17 =	vmul.f32 v61, v18;
	v19 =	vadd.f32 v18, v2;
	v2 =	vadd.f32 v8, v16;
	v16 =	vld [tilespmem:s5+$0xDC30]  }
0x19a: {  	v18 =	vmul.f32 v20, v18;
	v8 =	vadd.f32 v15, v14;
	v14 =	vld [tilespmem:s5+$0xDC40];
	v20 =	vmul.f32 v4, v10  }
0x19b: {  	v11 =	vadd.f32 v17, v11;
	v15 =	vld [tilespmem:s5+$0xDC50];
	v4 =	vadd.f32 v10, v19;
	v19 =	vmul.f32 v12, v10  }
0x19c: {  	s30 =	simm.s32 $0x80;
	s1 =	simm.s32 $0x400;
	v17 =	vld [tilespmem:s5+$0xDC60];
	v6 =	vadd.f32 v18, v6;
	v18 =	vmul.f32 v63, v10;
	v12 =	vadd.f32 v20, v62  }
.LBB2_23:
0x19d: {  	p0 =	sne.s32 s1, $0x1E00;
	v20 =	vld [tilespmem:s30+$0xDC70];
	v9 =	vadd.f32 v19, v9;
	v13 =	vmul.f32 v13, v10  }
0x19e: {  	s0 =	sadd.s32 $0x1, s0;
	v19 =	vld [tilespmem:s30+$0xDC00];
	v5 =	vadd.f32 v18, v5;
	v16 =	vmul.f32 v16, v10  }
0x19f: {  	v18 =	vmov s0;
	v21 =	vld [tilespmem:s30+$0xDC10];
	v7 =	vadd.f32 v13, v7;
	v14 =	vmul.f32 v14, v10  }
.Ltmp10:
0x1a0: {  	v18 =	vperm.xlane v3, v18;
	v13 =	vld [tilespmem:s30+$0xDC20];
	v2 =	vadd.f32 v16, v2;
	v15 =	vmul.f32 v15, v10;
	(pc) =	sbr.rel @p0 .LBB2_23-.Ltmp10, $4  }
0x1a1: {  	v16 =	vld [tilespmem:s30+$0xDC30];
	v11 =	vadd.f32 v14, v11;
	v17 =	vmul.f32 v17, v10  }
0x1a2: {  	v4 =	vadd.f32 v18, v4;
	v10 =	vmovc v18;
	v14 =	vld [tilespmem:s30+$0xDC40];
	v20 =	vmul.f32 v20, v18;
	v8 =	vadd.f32 v15, v8  }
0x1a3: {  	v19 =	vmul.f32 v19, v10;
	v15 =	vld [tilespmem:s30+$0xDC50];
	v6 =	vadd.f32 v17, v6  }
0x1a4: {  	v18 =	vmul.f32 v21, v10;
	v17 =	vld [tilespmem:s30+$0xDC60];
	s30 =	sshra.s32 s1, $0x2;
	s1 =	sadd.s32 $0x200, s1;
	v12 =	vadd.f32 v20, v12  }
0x1a5: {  	v20 =	vld [tilespmem:s30+$0xDC70]  }
0x1a6: {  	v21 =	vld [tilespmem:s30+$0xDC00]  }
0x1a7: {  	v22 =	vld [tilespmem:s30+$0xDC10]  }
0x1a8: {  	v9 =	vadd.f32 v19, v9;
	s0 =	sadd.s32 $0x1, s0;
	v19 =	vld [tilespmem:s30+$0xDC20]  }
0x1a9: {  	v13 =	vmul.f32 v13, v10;
	v24 =	vld [tilespmem:s30+$0xDC30];
	v16 =	vmul.f32 v16, v10;
	v23 =	vmov s0  }
0x1aa: {  	v60 =	vld [tilespmem:s30+$0xDC40];
	v5 =	vadd.f32 v18, v5;
	v14 =	vmul.f32 v14, v10;
	v18 =	vperm.xlane v3, v23  }
0x1ab: {  	v7 =	vadd.f32 v13, v7;
	v3 =	vmul.f32 v15, v10;
	v15 =	vld [tilespmem:s30+$0xDC50]  }
0x1ac: {  	v13 =	vadd.f32 v16, v2;
	v2 =	vld [tilespmem:s24+$0x41A0];
	v14 =	vadd.f32 v14, v11;
	v11 =	vmul.f32 v20, v18  }
0x1ad: {  	s10 =	simm.s32 $0x0;
	v10 =	vmul.f32 v17, v10;
	v17 =	vld [tilespmem:s30+$0xDC60];
	v20 =	vadd.f32 v3, v8;
	v3 =	vmul.f32 v21, v18  }
0x1ae: {  	v8 =	vmul.f32 v22, v18;
	v61 =	vadd.f32 v11, v12;
	v12 =	vld [tilespmem:s10+$0xE470]  }
0x1af: {  	s0 =	simm.s32 $0x0;
	v10 =	vadd.f32 v10, v6;
	v6 =	vmul.f32 v19, v18;
	v19 =	vld [tilespmem:s10+$0xE400];
	v3 =	vadd.f32 v3, v9  }
0x1b0: {  	v63 =	vld [tilespmem:s10+$0xE410];
	v5 =	vadd.f32 v8, v5;
	v9 =	vmul.f32 v24, v18;
	v11 =	vmov s0  }
0x1b1: {  	v16 =	vld [tilespmem:s10+$0xE420];
	v8 =	vadd.f32 v6, v7;
	v6 =	vmul.f32 v15, v18;
	v7 =	vperm.xlane v2, v11  }
0x1b2: {  	v62 =	vmul.f32 v60, v18;
	v15 =	vadd.f32 v18, v4;
	v4 =	vmul.f32 v17, v18;
	v17 =	vld [tilespmem:s10+$0xE430]  }
0x1b3: {  	v11 =	vadd.f32 v9, v13;
	v13 =	vld [tilespmem:s10+$0xE440];
	v6 =	vadd.f32 v6, v20;
	v20 =	vmul.f32 v12, v7  }
0x1b4: {  	v9 =	vadd.f32 v62, v14;
	v14 =	vld [tilespmem:s10+$0xE450];
	v4 =	vadd.f32 v4, v10;
	v18 =	vmul.f32 v19, v7  }
0x1b5: {  	s1 =	simm.s32 $0x80;
	s5 =	simm.s32 $0x400;
	v19 =	vmul.f32 v63, v7;
	v12 =	vadd.f32 v7, v15;
	v15 =	vld [tilespmem:s10+$0xE460];
	v10 =	vadd.f32 v20, v61  }
.LBB2_25:
0x1b6: {  	p0 =	sne.s32 s5, $0x1E00;
	v20 =	vld [tilespmem:s1+$0xE470];
	v3 =	vadd.f32 v18, v3;
	v16 =	vmul.f32 v16, v7  }
0x1b7: {  	s0 =	sadd.s32 $0x1, s0;
	v18 =	vld [tilespmem:s1+$0xE400];
	v5 =	vadd.f32 v19, v5;
	v17 =	vmul.f32 v17, v7  }
0x1b8: {  	v19 =	vmov s0;
	v21 =	vld [tilespmem:s1+$0xE410];
	v8 =	vadd.f32 v16, v8;
	v13 =	vmul.f32 v13, v7  }
.Ltmp11:
0x1b9: {  	v19 =	vperm.xlane v2, v19;
	v16 =	vld [tilespmem:s1+$0xE420];
	v11 =	vadd.f32 v17, v11;
	v14 =	vmul.f32 v14, v7;
	(pc) =	sbr.rel @p0 .LBB2_25-.Ltmp11, $4  }
0x1ba: {  	v17 =	vld [tilespmem:s1+$0xE430];
	v9 =	vadd.f32 v13, v9;
	v15 =	vmul.f32 v15, v7  }
0x1bb: {  	v12 =	vadd.f32 v19, v12;
	v7 =	vmovc v19;
	v13 =	vld [tilespmem:s1+$0xE440];
	v20 =	vmul.f32 v20, v19;
	v6 =	vadd.f32 v14, v6  }
0x1bc: {  	v18 =	vmul.f32 v18, v7;
	v14 =	vld [tilespmem:s1+$0xE450];
	v4 =	vadd.f32 v15, v4  }
0x1bd: {  	v19 =	vmul.f32 v21, v7;
	v15 =	vld [tilespmem:s1+$0xE460];
	s1 =	sshra.s32 s5, $0x2;
	s5 =	sadd.s32 $0x200, s5;
	v10 =	vadd.f32 v20, v10  }
0x1be: {  	v20 =	vld [tilespmem:s1+$0xE470]  }
0x1bf: {  	v21 =	vld [tilespmem:s1+$0xE400]  }
0x1c0: {  	v22 =	vld [tilespmem:s1+$0xE410]  }
0x1c1: {  	v23 =	vld [tilespmem:s1+$0xE420]  }
0x1c2: {  	v24 =	vld [tilespmem:s24+$0x41B0]  }
0x1c3: {  	s0 =	sadd.s32 $0x1, s0;
	v25 =	vld [tilespmem:s1+$0xE430]  }
0x1c4: {  	v16 =	vmul.f32 v16, v7;
	v27 =	vld [tilespmem:s1+$0xE440];
	v26 =	vmov s0  }
0x1c5: {  	v3 =	vadd.f32 v18, v3;
	v18 =	vld [tilespmem:s1+$0xE450];
	v17 =	vmul.f32 v17, v7;
	v2 =	vperm.xlane v2, v26  }
0x1c6: {  	v58 =	vld [tilespmem:$0xEC30];
	v5 =	vadd.f32 v19, v5;
	v8 =	vadd.f32 v16, v8;
	v13 =	vmul.f32 v13, v7  }
0x1c7: {  	v62 =	vld [tilespmem:$0xEC60];
	v11 =	vadd.f32 v17, v11;
	v14 =	vmul.f32 v14, v7;
	v12 =	vadd.f32 v2, v12  }
0x1c8: {  	v19 =	vld [tilespmem:$0xEC00];
	v9 =	vadd.f32 v13, v9;
	v7 =	vmul.f32 v15, v7;
	v17 =	vperm.xlane v24, v0  }
0x1c9: {  	v16 =	vld [tilespmem:s1+$0xE460];
	v13 =	vmul.f32 v20, v2;
	v6 =	vadd.f32 v14, v6;
	v20 =	vperm.xlane v24, v1  }
0x1ca: {  	v15 =	vld [tilespmem:$0xEC10];
	v21 =	vmul.f32 v21, v2;
	v59 =	vmul.f32 v23, v2;
	v12 =	vadd.f32 v17, v12  }
0x1cb: {  	v14 =	vld [tilespmem:$0xEC20];
	v60 =	vmul.f32 v25, v2;
	v4 =	vadd.f32 v7, v4;
	v7 =	vmul.f32 v22, v2  }
0x1cc: {  	v18 =	vmul.f32 v18, v2;
	v10 =	vadd.f32 v13, v10;
	v13 =	vld [tilespmem:$0xEC40];
	v12 =	vadd.f32 v20, v12  }
0x1cd: {  	v61 =	vmul.f32 v27, v2;
	v3 =	vadd.f32 v21, v3;
	v5 =	vadd.f32 v7, v5;
	v7 =	vld [tilespmem:$0xEC50]  }
0x1ce: {  	v6 =	vadd.f32 v18, v6;
	v18 =	vmul.f32 v19, v17;
	v19 =	vld [tilespmem:$0xEC90];
	v12 =	vmax.f32 v12, $9.999999710e-10  }
0x1cf: {  	v8 =	vadd.f32 v59, v8;
	v2 =	vmul.f32 v16, v2;
	(erf) = vrcp.f32 v12;
	v12 =	vld [tilespmem:$0xEC70]  }
0x1d0: {  	v11 =	vadd.f32 v60, v11;
	v9 =	vadd.f32 v61, v9;
	v16 =	vld [tilespmem:$0xEC80];
	v15 =	vmul.f32 v15, v17  }
0x1d1: {  	v2 =	vadd.f32 v2, v4;
	v4 =	vmul.f32 v14, v17;
	v14 =	vmul.f32 v58, v17  }
0x1d2: {  	v63 =	vld [tilespmem:$0xECA0];
	v3 =	vadd.f32 v18, v3;
	v5 =	vadd.f32 v15, v5;
	v7 =	vmul.f32 v7, v17  }
0x1d3: {  	v15 =	vld [tilespmem:$0xECB0];
	v13 =	vmul.f32 v13, v17;
	v4 =	vadd.f32 v4, v8;
	v8 =	vadd.f32 v14, v11  }
0x1d4: {  	v11 =	vld [tilespmem:$0xECC0];
	v6 =	vadd.f32 v7, v6;
	v7 =	vmul.f32 v12, v17;
	v12 =	vmul.f32 v19, v20  }
0x1d5: {  	v14 =	vmul.f32 v16, v20;
	v16 =	vld [tilespmem:$0xECD0];
	v9 =	vadd.f32 v13, v9;
	v13 =	vmul.f32 v62, v17  }
0x1d6: {  	v17 =	vld [tilespmem:$0xECE0]  }
0x1d7: {  	v3 =	vadd.f32 v14, v3;
	v14 =	vld [tilespmem:$0xECF0];
	v2 =	vadd.f32 v13, v2;
	v13 =	vmul.f32 v63, v20  }
0x1d8: {  	v7 =	vadd.f32 v7, v10;
	v5 =	vadd.f32 v12, v5;
	v10 =	vmul.f32 v15, v20;
	v12 =	vpop (erf)  }
0x1d9: {  	v11 =	vmul.f32 v11, v20;
	v4 =	vadd.f32 v13, v4;
	v3 =	vmul.f32 v12, v3  }
0x1da: {  	v8 =	vadd.f32 v10, v8;
	v10 =	vmul.f32 v16, v20;
	v5 =	vmul.f32 v12, v5  }
0x1db: {  	v9 =	vadd.f32 v11, v9;
	v11 =	vmul.f32 v17, v20;
	[tilespmem:$0x16180] =	vst v3;
	v3 =	vmul.f32 v12, v4  }
0x1dc: {  	v4 =	vadd.f32 v10, v6;
	v6 =	vmul.f32 v14, v20;
	[tilespmem:$0x16190] =	vst v5;
	v5 =	vmul.f32 v12, v8  }
0x1dd: {  	v2 =	vadd.f32 v11, v2;
	[tilespmem:$0x161A0] =	vst v3;
	v3 =	vmul.f32 v12, v9  }
0x1de: {  	v6 =	vadd.f32 v6, v7;
	[tilespmem:$0x161B0] =	vst v5;
	v4 =	vmul.f32 v12, v4  }
0x1df: {  	v2 =	vmul.f32 v12, v2;
	[tilespmem:$0x161C0] =	vst v3  }
0x1e0: {  	[tilespmem:$0x161D0] =	vst v4;
	v3 =	vmul.f32 v12, v6  }
0x1e1: {  	[tilespmem:$0x161E0] =	vst v2  }
0x1e2: {  	[tilespmem:$0x161F0] =	vst v3  }
0x1e3: {  	s5 =	simm.s32 $0x0;
	v3 =	vld [tilespmem:s29+$0x4000]  }
0x1e4: {  	v2 =	vld [tilespmem:s5+$0xF070]  }
0x1e5: {  	v4 =	vld [tilespmem:s5+$0xF000]  }
0x1e6: {  	s29 =	simm.s32 $0x0;
	v6 =	vld [tilespmem:s5+$0xF010]  }
0x1e7: {  	v5 =	vmov s29  }
0x1e8: {  	v15 =	vld [tilespmem:s5+$0xF020];
	v5 =	vperm.xlane v3, v5  }
0x1e9: {  	v8 =	vimm.f32 $0.0e+00;
	v10 =	vimm.f32 $0.0e+00;
	v11 =	vimm.f32 $0.0e+00;
	v16 =	vld [tilespmem:s5+$0xF030]  }
0x1ea: {  	v9 =	vimm.f32 $0.0e+00;
	v12 =	vimm.f32 $0.0e+00;
	v13 =	vld [tilespmem:s5+$0xF040];
	v7 =	vmul.f32 v2, v5  }
0x1eb: {  	v14 =	vld [tilespmem:s5+$0xF050];
	v2 =	vadd.f32 v5, v8;
	v19 =	vmul.f32 v4, v5;
	v18 =	vmul.f32 v6, v5  }
0x1ec: {  	s0 =	simm.s32 $0x80;
	s1 =	simm.s32 $0x400;
	v17 =	vld [tilespmem:s5+$0xF060];
	v6 =	vimm.f32 $0.0e+00;
	v4 =	vadd.f32 v7, v8;
	v7 =	vimm.f32 $0.0e+00  }
.LBB2_27:
0x1ed: {  	p0 =	sne.s32 s1, $0x1E00;
	v20 =	vld [tilespmem:s0+$0xF070];
	v8 =	vadd.f32 v19, v8;
	v15 =	vmul.f32 v15, v5  }
0x1ee: {  	s29 =	sadd.s32 $0x1, s29;
	v19 =	vld [tilespmem:s0+$0xF000];
	v12 =	vadd.f32 v18, v12;
	v16 =	vmul.f32 v16, v5  }
0x1ef: {  	v18 =	vmov s29;
	v21 =	vld [tilespmem:s0+$0xF010];
	v9 =	vadd.f32 v15, v9;
	v13 =	vmul.f32 v13, v5  }
.Ltmp12:
0x1f0: {  	v18 =	vperm.xlane v3, v18;
	v15 =	vld [tilespmem:s0+$0xF020];
	v10 =	vadd.f32 v16, v10;
	v14 =	vmul.f32 v14, v5;
	(pc) =	sbr.rel @p0 .LBB2_27-.Ltmp12, $4  }
0x1f1: {  	v16 =	vld [tilespmem:s0+$0xF030];
	v11 =	vadd.f32 v13, v11;
	v17 =	vmul.f32 v17, v5  }
0x1f2: {  	v2 =	vadd.f32 v18, v2;
	v5 =	vmovc v18;
	v13 =	vld [tilespmem:s0+$0xF040];
	v20 =	vmul.f32 v20, v18;
	v7 =	vadd.f32 v14, v7  }
0x1f3: {  	v19 =	vmul.f32 v19, v5;
	v14 =	vld [tilespmem:s0+$0xF050];
	v6 =	vadd.f32 v17, v6  }
0x1f4: {  	v18 =	vmul.f32 v21, v5;
	v17 =	vld [tilespmem:s0+$0xF060];
	s0 =	sshra.s32 s1, $0x2;
	s1 =	sadd.s32 $0x200, s1;
	v4 =	vadd.f32 v20, v4  }
0x1f5: {  	v20 =	vld [tilespmem:s0+$0xF070]  }
0x1f6: {  	v21 =	vld [tilespmem:s0+$0xF000]  }
0x1f7: {  	v22 =	vld [tilespmem:s0+$0xF010]  }
0x1f8: {  	v8 =	vadd.f32 v19, v8;
	s1 =	sadd.s32 $0x1, s29;
	v19 =	vld [tilespmem:s0+$0xF020]  }
0x1f9: {  	v15 =	vmul.f32 v15, v5;
	v24 =	vld [tilespmem:s0+$0xF030];
	v16 =	vmul.f32 v16, v5;
	v23 =	vmov s1  }
0x1fa: {  	v61 =	vld [tilespmem:s0+$0xF040];
	v12 =	vadd.f32 v18, v12;
	v13 =	vmul.f32 v13, v5;
	v18 =	vperm.xlane v3, v23  }
0x1fb: {  	v15 =	vadd.f32 v15, v9;
	v3 =	vld [tilespmem:s24+$0x4210];
	v16 =	vadd.f32 v16, v10;
	v9 =	vmul.f32 v14, v5  }
0x1fc: {  	v10 =	vld [tilespmem:s0+$0xF050];
	v11 =	vadd.f32 v13, v11;
	v5 =	vmul.f32 v17, v5;
	v13 =	vmul.f32 v20, v18  }
0x1fd: {  	s5 =	simm.s32 $0x0;
	v14 =	vadd.f32 v9, v7;
	v7 =	vmul.f32 v21, v18;
	v17 =	vmul.f32 v22, v18;
	v20 =	vld [tilespmem:s0+$0xF060]  }
0x1fe: {  	v6 =	vadd.f32 v5, v6;
	v62 =	vadd.f32 v13, v4;
	v4 =	vld [tilespmem:s5+$0xF870]  }
0x1ff: {  	s0 =	simm.s32 $0x0;
	v9 =	vadd.f32 v7, v8;
	v7 =	vmul.f32 v19, v18;
	v5 =	vadd.f32 v17, v12;
	v12 =	vld [tilespmem:s5+$0xF800]  }
0x200: {  	v63 =	vld [tilespmem:s5+$0xF810];
	v8 =	vmul.f32 v24, v18;
	v13 =	vmov s0  }
0x201: {  	v7 =	vadd.f32 v7, v15;
	v15 =	vmul.f32 v10, v18;
	v10 =	vperm.xlane v3, v13;
	v13 =	vld [tilespmem:s5+$0xF820]  }
0x202: {  	v17 =	vmul.f32 v61, v18;
	v19 =	vadd.f32 v18, v2;
	v2 =	vadd.f32 v8, v16;
	v16 =	vld [tilespmem:s5+$0xF830]  }
0x203: {  	v18 =	vmul.f32 v20, v18;
	v8 =	vadd.f32 v15, v14;
	v14 =	vld [tilespmem:s5+$0xF840];
	v20 =	vmul.f32 v4, v10  }
0x204: {  	v11 =	vadd.f32 v17, v11;
	v15 =	vld [tilespmem:s5+$0xF850];
	v4 =	vadd.f32 v10, v19;
	v19 =	vmul.f32 v12, v10  }
0x205: {  	s29 =	simm.s32 $0x80;
	s1 =	simm.s32 $0x400;
	v17 =	vld [tilespmem:s5+$0xF860];
	v6 =	vadd.f32 v18, v6;
	v18 =	vmul.f32 v63, v10;
	v12 =	vadd.f32 v20, v62  }
.LBB2_29:
0x206: {  	p0 =	sne.s32 s1, $0x1E00;
	v20 =	vld [tilespmem:s29+$0xF870];
	v9 =	vadd.f32 v19, v9;
	v13 =	vmul.f32 v13, v10  }
0x207: {  	s0 =	sadd.s32 $0x1, s0;
	v19 =	vld [tilespmem:s29+$0xF800];
	v5 =	vadd.f32 v18, v5;
	v16 =	vmul.f32 v16, v10  }
0x208: {  	v18 =	vmov s0;
	v21 =	vld [tilespmem:s29+$0xF810];
	v7 =	vadd.f32 v13, v7;
	v14 =	vmul.f32 v14, v10  }
.Ltmp13:
0x209: {  	v18 =	vperm.xlane v3, v18;
	v13 =	vld [tilespmem:s29+$0xF820];
	v2 =	vadd.f32 v16, v2;
	v15 =	vmul.f32 v15, v10;
	(pc) =	sbr.rel @p0 .LBB2_29-.Ltmp13, $4  }
0x20a: {  	v16 =	vld [tilespmem:s29+$0xF830];
	v11 =	vadd.f32 v14, v11;
	v17 =	vmul.f32 v17, v10  }
0x20b: {  	v4 =	vadd.f32 v18, v4;
	v10 =	vmovc v18;
	v14 =	vld [tilespmem:s29+$0xF840];
	v20 =	vmul.f32 v20, v18;
	v8 =	vadd.f32 v15, v8  }
0x20c: {  	v19 =	vmul.f32 v19, v10;
	v15 =	vld [tilespmem:s29+$0xF850];
	v6 =	vadd.f32 v17, v6  }
0x20d: {  	v18 =	vmul.f32 v21, v10;
	v17 =	vld [tilespmem:s29+$0xF860];
	s29 =	sshra.s32 s1, $0x2;
	s1 =	sadd.s32 $0x200, s1;
	v12 =	vadd.f32 v20, v12  }
0x20e: {  	v20 =	vld [tilespmem:s29+$0xF870]  }
0x20f: {  	v21 =	vld [tilespmem:s29+$0xF800]  }
0x210: {  	v22 =	vld [tilespmem:s29+$0xF810]  }
0x211: {  	v9 =	vadd.f32 v19, v9;
	s0 =	sadd.s32 $0x1, s0;
	v19 =	vld [tilespmem:s29+$0xF820]  }
0x212: {  	v13 =	vmul.f32 v13, v10;
	v24 =	vld [tilespmem:s29+$0xF830];
	v16 =	vmul.f32 v16, v10;
	v23 =	vmov s0  }
0x213: {  	v60 =	vld [tilespmem:s29+$0xF840];
	v5 =	vadd.f32 v18, v5;
	v14 =	vmul.f32 v14, v10;
	v18 =	vperm.xlane v3, v23  }
0x214: {  	v7 =	vadd.f32 v13, v7;
	v3 =	vmul.f32 v15, v10;
	v15 =	vld [tilespmem:s29+$0xF850]  }
0x215: {  	v13 =	vadd.f32 v16, v2;
	v2 =	vld [tilespmem:s24+$0x4220];
	v14 =	vadd.f32 v14, v11;
	v11 =	vmul.f32 v20, v18  }
0x216: {  	s10 =	simm.s32 $0x0;
	v10 =	vmul.f32 v17, v10;
	v17 =	vld [tilespmem:s29+$0xF860];
	v20 =	vadd.f32 v3, v8;
	v3 =	vmul.f32 v21, v18  }
0x217: {  	v8 =	vmul.f32 v22, v18;
	v61 =	vadd.f32 v11, v12;
	v12 =	vld [tilespmem:s10+$0x10070]  }
0x218: {  	s0 =	simm.s32 $0x0;
	v10 =	vadd.f32 v10, v6;
	v6 =	vmul.f32 v19, v18;
	v19 =	vld [tilespmem:s10+$0x10000];
	v3 =	vadd.f32 v3, v9  }
0x219: {  	v63 =	vld [tilespmem:s10+$0x10010];
	v5 =	vadd.f32 v8, v5;
	v9 =	vmul.f32 v24, v18;
	v11 =	vmov s0  }
0x21a: {  	v16 =	vld [tilespmem:s10+$0x10020];
	v8 =	vadd.f32 v6, v7;
	v6 =	vmul.f32 v15, v18;
	v7 =	vperm.xlane v2, v11  }
0x21b: {  	v62 =	vmul.f32 v60, v18;
	v15 =	vadd.f32 v18, v4;
	v4 =	vmul.f32 v17, v18;
	v17 =	vld [tilespmem:s10+$0x10030]  }
0x21c: {  	v11 =	vadd.f32 v9, v13;
	v13 =	vld [tilespmem:s10+$0x10040];
	v6 =	vadd.f32 v6, v20;
	v20 =	vmul.f32 v12, v7  }
0x21d: {  	v9 =	vadd.f32 v62, v14;
	v14 =	vld [tilespmem:s10+$0x10050];
	v4 =	vadd.f32 v4, v10;
	v18 =	vmul.f32 v19, v7  }
0x21e: {  	s1 =	simm.s32 $0x80;
	s5 =	simm.s32 $0x400;
	v19 =	vmul.f32 v63, v7;
	v12 =	vadd.f32 v7, v15;
	v15 =	vld [tilespmem:s10+$0x10060];
	v10 =	vadd.f32 v20, v61  }
.LBB2_31:
0x21f: {  	p0 =	sne.s32 s5, $0x1E00;
	v20 =	vld [tilespmem:s1+$0x10070];
	v3 =	vadd.f32 v18, v3;
	v16 =	vmul.f32 v16, v7  }
0x220: {  	s0 =	sadd.s32 $0x1, s0;
	v18 =	vld [tilespmem:s1+$0x10000];
	v5 =	vadd.f32 v19, v5;
	v17 =	vmul.f32 v17, v7  }
0x221: {  	v19 =	vmov s0;
	v21 =	vld [tilespmem:s1+$0x10010];
	v8 =	vadd.f32 v16, v8;
	v13 =	vmul.f32 v13, v7  }
.Ltmp14:
0x222: {  	v19 =	vperm.xlane v2, v19;
	v16 =	vld [tilespmem:s1+$0x10020];
	v11 =	vadd.f32 v17, v11;
	v14 =	vmul.f32 v14, v7;
	(pc) =	sbr.rel @p0 .LBB2_31-.Ltmp14, $4  }
0x223: {  	v17 =	vld [tilespmem:s1+$0x10030];
	v9 =	vadd.f32 v13, v9;
	v15 =	vmul.f32 v15, v7  }
0x224: {  	v12 =	vadd.f32 v19, v12;
	v7 =	vmovc v19;
	v13 =	vld [tilespmem:s1+$0x10040];
	v20 =	vmul.f32 v20, v19;
	v6 =	vadd.f32 v14, v6  }
0x225: {  	v18 =	vmul.f32 v18, v7;
	v14 =	vld [tilespmem:s1+$0x10050];
	v4 =	vadd.f32 v15, v4  }
0x226: {  	v19 =	vmul.f32 v21, v7;
	v15 =	vld [tilespmem:s1+$0x10060];
	s1 =	sshra.s32 s5, $0x2;
	s5 =	sadd.s32 $0x200, s5;
	v10 =	vadd.f32 v20, v10  }
0x227: {  	v20 =	vld [tilespmem:s1+$0x10070]  }
0x228: {  	v21 =	vld [tilespmem:s1+$0x10000]  }
0x229: {  	v22 =	vld [tilespmem:s1+$0x10010]  }
0x22a: {  	v23 =	vld [tilespmem:s1+$0x10020]  }
0x22b: {  	v24 =	vld [tilespmem:s24+$0x4230]  }
0x22c: {  	s0 =	sadd.s32 $0x1, s0;
	v25 =	vld [tilespmem:s1+$0x10030]  }
0x22d: {  	v16 =	vmul.f32 v16, v7;
	v27 =	vld [tilespmem:s1+$0x10040];
	v26 =	vmov s0  }
0x22e: {  	v3 =	vadd.f32 v18, v3;
	v18 =	vld [tilespmem:s1+$0x10050];
	v17 =	vmul.f32 v17, v7;
	v2 =	vperm.xlane v2, v26  }
0x22f: {  	v58 =	vld [tilespmem:$0x10830];
	v5 =	vadd.f32 v19, v5;
	v8 =	vadd.f32 v16, v8;
	v13 =	vmul.f32 v13, v7  }
0x230: {  	v62 =	vld [tilespmem:$0x10860];
	v11 =	vadd.f32 v17, v11;
	v14 =	vmul.f32 v14, v7;
	v12 =	vadd.f32 v2, v12  }
0x231: {  	v19 =	vld [tilespmem:$0x10800];
	v9 =	vadd.f32 v13, v9;
	v7 =	vmul.f32 v15, v7;
	v17 =	vperm.xlane v24, v0  }
0x232: {  	v16 =	vld [tilespmem:s1+$0x10060];
	v13 =	vmul.f32 v20, v2;
	v6 =	vadd.f32 v14, v6;
	v20 =	vperm.xlane v24, v1  }
0x233: {  	v15 =	vld [tilespmem:$0x10810];
	v21 =	vmul.f32 v21, v2;
	v59 =	vmul.f32 v23, v2;
	v12 =	vadd.f32 v17, v12  }
0x234: {  	v14 =	vld [tilespmem:$0x10820];
	v60 =	vmul.f32 v25, v2;
	v4 =	vadd.f32 v7, v4;
	v7 =	vmul.f32 v22, v2  }
0x235: {  	v18 =	vmul.f32 v18, v2;
	v10 =	vadd.f32 v13, v10;
	v13 =	vld [tilespmem:$0x10840];
	v12 =	vadd.f32 v20, v12  }
0x236: {  	v61 =	vmul.f32 v27, v2;
	v3 =	vadd.f32 v21, v3;
	v5 =	vadd.f32 v7, v5;
	v7 =	vld [tilespmem:$0x10850]  }
0x237: {  	v6 =	vadd.f32 v18, v6;
	v18 =	vmul.f32 v19, v17;
	v19 =	vld [tilespmem:$0x10890];
	v12 =	vmax.f32 v12, $9.999999710e-10  }
0x238: {  	v8 =	vadd.f32 v59, v8;
	v2 =	vmul.f32 v16, v2;
	(erf) = vrcp.f32 v12;
	v12 =	vld [tilespmem:$0x10870]  }
0x239: {  	v11 =	vadd.f32 v60, v11;
	v9 =	vadd.f32 v61, v9;
	v16 =	vld [tilespmem:$0x10880];
	v15 =	vmul.f32 v15, v17  }
0x23a: {  	v2 =	vadd.f32 v2, v4;
	v4 =	vmul.f32 v14, v17;
	v14 =	vmul.f32 v58, v17  }
0x23b: {  	v63 =	vld [tilespmem:$0x108A0];
	v3 =	vadd.f32 v18, v3;
	v5 =	vadd.f32 v15, v5;
	v7 =	vmul.f32 v7, v17  }
0x23c: {  	v15 =	vld [tilespmem:$0x108B0];
	v13 =	vmul.f32 v13, v17;
	v4 =	vadd.f32 v4, v8;
	v8 =	vadd.f32 v14, v11  }
0x23d: {  	v11 =	vld [tilespmem:$0x108C0];
	v6 =	vadd.f32 v7, v6;
	v7 =	vmul.f32 v12, v17;
	v12 =	vmul.f32 v19, v20  }
0x23e: {  	v14 =	vmul.f32 v16, v20;
	v16 =	vld [tilespmem:$0x108D0];
	v9 =	vadd.f32 v13, v9;
	v13 =	vmul.f32 v62, v17  }
0x23f: {  	v17 =	vld [tilespmem:$0x108E0]  }
0x240: {  	v3 =	vadd.f32 v14, v3;
	v14 =	vld [tilespmem:$0x108F0];
	v2 =	vadd.f32 v13, v2;
	v13 =	vmul.f32 v63, v20  }
0x241: {  	v7 =	vadd.f32 v7, v10;
	v5 =	vadd.f32 v12, v5;
	v10 =	vmul.f32 v15, v20;
	v12 =	vpop (erf)  }
0x242: {  	v11 =	vmul.f32 v11, v20;
	v4 =	vadd.f32 v13, v4;
	v3 =	vmul.f32 v12, v3  }
0x243: {  	v8 =	vadd.f32 v10, v8;
	v10 =	vmul.f32 v16, v20;
	v5 =	vmul.f32 v12, v5  }
0x244: {  	v9 =	vadd.f32 v11, v9;
	v11 =	vmul.f32 v17, v20;
	[tilespmem:$0x16200] =	vst v3;
	v3 =	vmul.f32 v12, v4  }
0x245: {  	v4 =	vadd.f32 v10, v6;
	v6 =	vmul.f32 v14, v20;
	[tilespmem:$0x16210] =	vst v5;
	v5 =	vmul.f32 v12, v8  }
0x246: {  	v2 =	vadd.f32 v11, v2;
	[tilespmem:$0x16220] =	vst v3;
	v3 =	vmul.f32 v12, v9  }
0x247: {  	v6 =	vadd.f32 v6, v7;
	[tilespmem:$0x16230] =	vst v5;
	v4 =	vmul.f32 v12, v4  }
0x248: {  	v2 =	vmul.f32 v12, v2;
	[tilespmem:$0x16240] =	vst v3  }
0x249: {  	[tilespmem:$0x16250] =	vst v4;
	v3 =	vmul.f32 v12, v6  }
0x24a: {  	[tilespmem:$0x16260] =	vst v2  }
0x24b: {  	[tilespmem:$0x16270] =	vst v3  }
0x24c: {  	s5 =	simm.s32 $0x0;
	v3 =	vld [tilespmem:s28+$0x4000]  }
0x24d: {  	v2 =	vld [tilespmem:s5+$0x10C70]  }
0x24e: {  	v4 =	vld [tilespmem:s5+$0x10C00]  }
0x24f: {  	s28 =	simm.s32 $0x0;
	v6 =	vld [tilespmem:s5+$0x10C10]  }
0x250: {  	v5 =	vmov s28  }
0x251: {  	v15 =	vld [tilespmem:s5+$0x10C20];
	v5 =	vperm.xlane v3, v5  }
0x252: {  	v8 =	vimm.f32 $0.0e+00;
	v10 =	vimm.f32 $0.0e+00;
	v11 =	vimm.f32 $0.0e+00;
	v16 =	vld [tilespmem:s5+$0x10C30]  }
0x253: {  	v9 =	vimm.f32 $0.0e+00;
	v12 =	vimm.f32 $0.0e+00;
	v13 =	vld [tilespmem:s5+$0x10C40];
	v7 =	vmul.f32 v2, v5  }
0x254: {  	v14 =	vld [tilespmem:s5+$0x10C50];
	v2 =	vadd.f32 v5, v8;
	v19 =	vmul.f32 v4, v5;
	v18 =	vmul.f32 v6, v5  }
0x255: {  	s0 =	simm.s32 $0x80;
	s1 =	simm.s32 $0x400;
	v17 =	vld [tilespmem:s5+$0x10C60];
	v6 =	vimm.f32 $0.0e+00;
	v4 =	vadd.f32 v7, v8;
	v7 =	vimm.f32 $0.0e+00  }
.LBB2_33:
0x256: {  	p0 =	sne.s32 s1, $0x1E00;
	v20 =	vld [tilespmem:s0+$0x10C70];
	v8 =	vadd.f32 v19, v8;
	v15 =	vmul.f32 v15, v5  }
0x257: {  	s28 =	sadd.s32 $0x1, s28;
	v19 =	vld [tilespmem:s0+$0x10C00];
	v12 =	vadd.f32 v18, v12;
	v16 =	vmul.f32 v16, v5  }
0x258: {  	v18 =	vmov s28;
	v21 =	vld [tilespmem:s0+$0x10C10];
	v9 =	vadd.f32 v15, v9;
	v13 =	vmul.f32 v13, v5  }
.Ltmp15:
0x259: {  	v18 =	vperm.xlane v3, v18;
	v15 =	vld [tilespmem:s0+$0x10C20];
	v10 =	vadd.f32 v16, v10;
	v14 =	vmul.f32 v14, v5;
	(pc) =	sbr.rel @p0 .LBB2_33-.Ltmp15, $4  }
0x25a: {  	v16 =	vld [tilespmem:s0+$0x10C30];
	v11 =	vadd.f32 v13, v11;
	v17 =	vmul.f32 v17, v5  }
0x25b: {  	v2 =	vadd.f32 v18, v2;
	v5 =	vmovc v18;
	v13 =	vld [tilespmem:s0+$0x10C40];
	v20 =	vmul.f32 v20, v18;
	v7 =	vadd.f32 v14, v7  }
0x25c: {  	v19 =	vmul.f32 v19, v5;
	v14 =	vld [tilespmem:s0+$0x10C50];
	v6 =	vadd.f32 v17, v6  }
0x25d: {  	v18 =	vmul.f32 v21, v5;
	v17 =	vld [tilespmem:s0+$0x10C60];
	s0 =	sshra.s32 s1, $0x2;
	s1 =	sadd.s32 $0x200, s1;
	v4 =	vadd.f32 v20, v4  }
0x25e: {  	v20 =	vld [tilespmem:s0+$0x10C70]  }
0x25f: {  	v21 =	vld [tilespmem:s0+$0x10C00]  }
0x260: {  	v22 =	vld [tilespmem:s0+$0x10C10]  }
0x261: {  	v8 =	vadd.f32 v19, v8;
	s1 =	sadd.s32 $0x1, s28;
	v19 =	vld [tilespmem:s0+$0x10C20]  }
0x262: {  	v15 =	vmul.f32 v15, v5;
	v24 =	vld [tilespmem:s0+$0x10C30];
	v16 =	vmul.f32 v16, v5;
	v23 =	vmov s1  }
0x263: {  	v61 =	vld [tilespmem:s0+$0x10C40];
	v12 =	vadd.f32 v18, v12;
	v13 =	vmul.f32 v13, v5;
	v18 =	vperm.xlane v3, v23  }
0x264: {  	v15 =	vadd.f32 v15, v9;
	v3 =	vld [tilespmem:s24+$0x4290];
	v16 =	vadd.f32 v16, v10;
	v9 =	vmul.f32 v14, v5  }
0x265: {  	v10 =	vld [tilespmem:s0+$0x10C50];
	v11 =	vadd.f32 v13, v11;
	v5 =	vmul.f32 v17, v5;
	v13 =	vmul.f32 v20, v18  }
0x266: {  	s5 =	simm.s32 $0x0;
	v14 =	vadd.f32 v9, v7;
	v7 =	vmul.f32 v21, v18;
	v17 =	vmul.f32 v22, v18;
	v20 =	vld [tilespmem:s0+$0x10C60]  }
0x267: {  	v6 =	vadd.f32 v5, v6;
	v62 =	vadd.f32 v13, v4;
	v4 =	vld [tilespmem:s5+$0x11470]  }
0x268: {  	s0 =	simm.s32 $0x0;
	v9 =	vadd.f32 v7, v8;
	v7 =	vmul.f32 v19, v18;
	v5 =	vadd.f32 v17, v12;
	v12 =	vld [tilespmem:s5+$0x11400]  }
0x269: {  	v63 =	vld [tilespmem:s5+$0x11410];
	v8 =	vmul.f32 v24, v18;
	v13 =	vmov s0  }
0x26a: {  	v7 =	vadd.f32 v7, v15;
	v15 =	vmul.f32 v10, v18;
	v10 =	vperm.xlane v3, v13;
	v13 =	vld [tilespmem:s5+$0x11420]  }
0x26b: {  	v17 =	vmul.f32 v61, v18;
	v19 =	vadd.f32 v18, v2;
	v2 =	vadd.f32 v8, v16;
	v16 =	vld [tilespmem:s5+$0x11430]  }
0x26c: {  	v18 =	vmul.f32 v20, v18;
	v8 =	vadd.f32 v15, v14;
	v14 =	vld [tilespmem:s5+$0x11440];
	v20 =	vmul.f32 v4, v10  }
0x26d: {  	v11 =	vadd.f32 v17, v11;
	v15 =	vld [tilespmem:s5+$0x11450];
	v4 =	vadd.f32 v10, v19;
	v19 =	vmul.f32 v12, v10  }
0x26e: {  	s28 =	simm.s32 $0x80;
	s1 =	simm.s32 $0x400;
	v17 =	vld [tilespmem:s5+$0x11460];
	v6 =	vadd.f32 v18, v6;
	v18 =	vmul.f32 v63, v10;
	v12 =	vadd.f32 v20, v62  }
.LBB2_35:
0x26f: {  	p0 =	sne.s32 s1, $0x1E00;
	v20 =	vld [tilespmem:s28+$0x11470];
	v9 =	vadd.f32 v19, v9;
	v13 =	vmul.f32 v13, v10  }
0x270: {  	s0 =	sadd.s32 $0x1, s0;
	v19 =	vld [tilespmem:s28+$0x11400];
	v5 =	vadd.f32 v18, v5;
	v16 =	vmul.f32 v16, v10  }
0x271: {  	v18 =	vmov s0;
	v21 =	vld [tilespmem:s28+$0x11410];
	v7 =	vadd.f32 v13, v7;
	v14 =	vmul.f32 v14, v10  }
.Ltmp16:
0x272: {  	v18 =	vperm.xlane v3, v18;
	v13 =	vld [tilespmem:s28+$0x11420];
	v2 =	vadd.f32 v16, v2;
	v15 =	vmul.f32 v15, v10;
	(pc) =	sbr.rel @p0 .LBB2_35-.Ltmp16, $4  }
0x273: {  	v16 =	vld [tilespmem:s28+$0x11430];
	v11 =	vadd.f32 v14, v11;
	v17 =	vmul.f32 v17, v10  }
0x274: {  	v4 =	vadd.f32 v18, v4;
	v10 =	vmovc v18;
	v14 =	vld [tilespmem:s28+$0x11440];
	v20 =	vmul.f32 v20, v18;
	v8 =	vadd.f32 v15, v8  }
0x275: {  	v19 =	vmul.f32 v19, v10;
	v15 =	vld [tilespmem:s28+$0x11450];
	v6 =	vadd.f32 v17, v6  }
0x276: {  	v18 =	vmul.f32 v21, v10;
	v17 =	vld [tilespmem:s28+$0x11460];
	s28 =	sshra.s32 s1, $0x2;
	s1 =	sadd.s32 $0x200, s1;
	v12 =	vadd.f32 v20, v12  }
0x277: {  	v20 =	vld [tilespmem:s28+$0x11470]  }
0x278: {  	v21 =	vld [tilespmem:s28+$0x11400]  }
0x279: {  	v22 =	vld [tilespmem:s28+$0x11410]  }
0x27a: {  	v9 =	vadd.f32 v19, v9;
	s0 =	sadd.s32 $0x1, s0;
	v19 =	vld [tilespmem:s28+$0x11420]  }
0x27b: {  	v13 =	vmul.f32 v13, v10;
	v24 =	vld [tilespmem:s28+$0x11430];
	v16 =	vmul.f32 v16, v10;
	v23 =	vmov s0  }
0x27c: {  	v60 =	vld [tilespmem:s28+$0x11440];
	v5 =	vadd.f32 v18, v5;
	v14 =	vmul.f32 v14, v10;
	v18 =	vperm.xlane v3, v23  }
0x27d: {  	v7 =	vadd.f32 v13, v7;
	v3 =	vmul.f32 v15, v10;
	v15 =	vld [tilespmem:s28+$0x11450]  }
0x27e: {  	v13 =	vadd.f32 v16, v2;
	v2 =	vld [tilespmem:s24+$0x42A0];
	v14 =	vadd.f32 v14, v11;
	v11 =	vmul.f32 v20, v18  }
0x27f: {  	s10 =	simm.s32 $0x0;
	v10 =	vmul.f32 v17, v10;
	v17 =	vld [tilespmem:s28+$0x11460];
	v20 =	vadd.f32 v3, v8;
	v3 =	vmul.f32 v21, v18  }
0x280: {  	v8 =	vmul.f32 v22, v18;
	v61 =	vadd.f32 v11, v12;
	v12 =	vld [tilespmem:s10+$0x11C70]  }
0x281: {  	s0 =	simm.s32 $0x0;
	v10 =	vadd.f32 v10, v6;
	v6 =	vmul.f32 v19, v18;
	v19 =	vld [tilespmem:s10+$0x11C00];
	v3 =	vadd.f32 v3, v9  }
0x282: {  	v63 =	vld [tilespmem:s10+$0x11C10];
	v5 =	vadd.f32 v8, v5;
	v9 =	vmul.f32 v24, v18;
	v11 =	vmov s0  }
0x283: {  	v16 =	vld [tilespmem:s10+$0x11C20];
	v8 =	vadd.f32 v6, v7;
	v6 =	vmul.f32 v15, v18;
	v7 =	vperm.xlane v2, v11  }
0x284: {  	v62 =	vmul.f32 v60, v18;
	v15 =	vadd.f32 v18, v4;
	v4 =	vmul.f32 v17, v18;
	v17 =	vld [tilespmem:s10+$0x11C30]  }
0x285: {  	v11 =	vadd.f32 v9, v13;
	v13 =	vld [tilespmem:s10+$0x11C40];
	v6 =	vadd.f32 v6, v20;
	v20 =	vmul.f32 v12, v7  }
0x286: {  	v9 =	vadd.f32 v62, v14;
	v14 =	vld [tilespmem:s10+$0x11C50];
	v4 =	vadd.f32 v4, v10;
	v18 =	vmul.f32 v19, v7  }
0x287: {  	s1 =	simm.s32 $0x80;
	s5 =	simm.s32 $0x400;
	v19 =	vmul.f32 v63, v7;
	v12 =	vadd.f32 v7, v15;
	v15 =	vld [tilespmem:s10+$0x11C60];
	v10 =	vadd.f32 v20, v61  }
.LBB2_37:
0x288: {  	p0 =	sne.s32 s5, $0x1E00;
	v20 =	vld [tilespmem:s1+$0x11C70];
	v3 =	vadd.f32 v18, v3;
	v16 =	vmul.f32 v16, v7  }
0x289: {  	s0 =	sadd.s32 $0x1, s0;
	v18 =	vld [tilespmem:s1+$0x11C00];
	v5 =	vadd.f32 v19, v5;
	v17 =	vmul.f32 v17, v7  }
0x28a: {  	v19 =	vmov s0;
	v21 =	vld [tilespmem:s1+$0x11C10];
	v8 =	vadd.f32 v16, v8;
	v13 =	vmul.f32 v13, v7  }
.Ltmp17:
0x28b: {  	v19 =	vperm.xlane v2, v19;
	v16 =	vld [tilespmem:s1+$0x11C20];
	v11 =	vadd.f32 v17, v11;
	v14 =	vmul.f32 v14, v7;
	(pc) =	sbr.rel @p0 .LBB2_37-.Ltmp17, $4  }
0x28c: {  	v17 =	vld [tilespmem:s1+$0x11C30];
	v9 =	vadd.f32 v13, v9;
	v15 =	vmul.f32 v15, v7  }
0x28d: {  	v12 =	vadd.f32 v19, v12;
	v7 =	vmovc v19;
	v13 =	vld [tilespmem:s1+$0x11C40];
	v20 =	vmul.f32 v20, v19;
	v6 =	vadd.f32 v14, v6  }
0x28e: {  	v18 =	vmul.f32 v18, v7;
	v14 =	vld [tilespmem:s1+$0x11C50];
	v4 =	vadd.f32 v15, v4  }
0x28f: {  	v19 =	vmul.f32 v21, v7;
	v15 =	vld [tilespmem:s1+$0x11C60];
	s1 =	sshra.s32 s5, $0x2;
	s5 =	sadd.s32 $0x200, s5;
	v10 =	vadd.f32 v20, v10  }
0x290: {  	v20 =	vld [tilespmem:s1+$0x11C70]  }
0x291: {  	v21 =	vld [tilespmem:s1+$0x11C00]  }
0x292: {  	v22 =	vld [tilespmem:s1+$0x11C10]  }
0x293: {  	v23 =	vld [tilespmem:s1+$0x11C20]  }
0x294: {  	v24 =	vld [tilespmem:s24+$0x42B0]  }
0x295: {  	s0 =	sadd.s32 $0x1, s0;
	v25 =	vld [tilespmem:s1+$0x11C30]  }
0x296: {  	v16 =	vmul.f32 v16, v7;
	v27 =	vld [tilespmem:s1+$0x11C40];
	v26 =	vmov s0  }
0x297: {  	v3 =	vadd.f32 v18, v3;
	v18 =	vld [tilespmem:s1+$0x11C50];
	v17 =	vmul.f32 v17, v7;
	v2 =	vperm.xlane v2, v26  }
0x298: {  	v58 =	vld [tilespmem:$0x12430];
	v5 =	vadd.f32 v19, v5;
	v8 =	vadd.f32 v16, v8;
	v13 =	vmul.f32 v13, v7  }
0x299: {  	v62 =	vld [tilespmem:$0x12460];
	v11 =	vadd.f32 v17, v11;
	v14 =	vmul.f32 v14, v7;
	v12 =	vadd.f32 v2, v12  }
0x29a: {  	v19 =	vld [tilespmem:$0x12400];
	v9 =	vadd.f32 v13, v9;
	v7 =	vmul.f32 v15, v7;
	v17 =	vperm.xlane v24, v0  }
0x29b: {  	v16 =	vld [tilespmem:s1+$0x11C60];
	v13 =	vmul.f32 v20, v2;
	v6 =	vadd.f32 v14, v6;
	v20 =	vperm.xlane v24, v1  }
0x29c: {  	v15 =	vld [tilespmem:$0x12410];
	v21 =	vmul.f32 v21, v2;
	v59 =	vmul.f32 v23, v2;
	v12 =	vadd.f32 v17, v12  }
0x29d: {  	v14 =	vld [tilespmem:$0x12420];
	v60 =	vmul.f32 v25, v2;
	v4 =	vadd.f32 v7, v4;
	v7 =	vmul.f32 v22, v2  }
0x29e: {  	v18 =	vmul.f32 v18, v2;
	v10 =	vadd.f32 v13, v10;
	v13 =	vld [tilespmem:$0x12440];
	v12 =	vadd.f32 v20, v12  }
0x29f: {  	v61 =	vmul.f32 v27, v2;
	v3 =	vadd.f32 v21, v3;
	v5 =	vadd.f32 v7, v5;
	v7 =	vld [tilespmem:$0x12450]  }
0x2a0: {  	v6 =	vadd.f32 v18, v6;
	v18 =	vmul.f32 v19, v17;
	v19 =	vld [tilespmem:$0x12490];
	v12 =	vmax.f32 v12, $9.999999710e-10  }
0x2a1: {  	v8 =	vadd.f32 v59, v8;
	v2 =	vmul.f32 v16, v2;
	(erf) = vrcp.f32 v12;
	v12 =	vld [tilespmem:$0x12470]  }
0x2a2: {  	v11 =	vadd.f32 v60, v11;
	v9 =	vadd.f32 v61, v9;
	v16 =	vld [tilespmem:$0x12480];
	v15 =	vmul.f32 v15, v17  }
0x2a3: {  	v2 =	vadd.f32 v2, v4;
	v4 =	vmul.f32 v14, v17;
	v14 =	vmul.f32 v58, v17  }
0x2a4: {  	v63 =	vld [tilespmem:$0x124A0];
	v3 =	vadd.f32 v18, v3;
	v5 =	vadd.f32 v15, v5;
	v7 =	vmul.f32 v7, v17  }
0x2a5: {  	v15 =	vld [tilespmem:$0x124B0];
	v13 =	vmul.f32 v13, v17;
	v4 =	vadd.f32 v4, v8;
	v8 =	vadd.f32 v14, v11  }
0x2a6: {  	v11 =	vld [tilespmem:$0x124C0];
	v6 =	vadd.f32 v7, v6;
	v7 =	vmul.f32 v12, v17;
	v12 =	vmul.f32 v19, v20  }
0x2a7: {  	v14 =	vmul.f32 v16, v20;
	v16 =	vld [tilespmem:$0x124D0];
	v9 =	vadd.f32 v13, v9;
	v13 =	vmul.f32 v62, v17  }
0x2a8: {  	v17 =	vld [tilespmem:$0x124E0]  }
0x2a9: {  	v3 =	vadd.f32 v14, v3;
	v14 =	vld [tilespmem:$0x124F0];
	v2 =	vadd.f32 v13, v2;
	v13 =	vmul.f32 v63, v20  }
0x2aa: {  	v7 =	vadd.f32 v7, v10;
	v5 =	vadd.f32 v12, v5;
	v10 =	vmul.f32 v15, v20;
	v12 =	vpop (erf)  }
0x2ab: {  	v11 =	vmul.f32 v11, v20;
	v4 =	vadd.f32 v13, v4;
	v3 =	vmul.f32 v12, v3  }
0x2ac: {  	v8 =	vadd.f32 v10, v8;
	v10 =	vmul.f32 v16, v20;
	v5 =	vmul.f32 v12, v5  }
0x2ad: {  	v9 =	vadd.f32 v11, v9;
	v11 =	vmul.f32 v17, v20;
	[tilespmem:$0x16280] =	vst v3;
	v3 =	vmul.f32 v12, v4  }
0x2ae: {  	v4 =	vadd.f32 v10, v6;
	v6 =	vmul.f32 v14, v20;
	[tilespmem:$0x16290] =	vst v5;
	v5 =	vmul.f32 v12, v8  }
0x2af: {  	v2 =	vadd.f32 v11, v2;
	[tilespmem:$0x162A0] =	vst v3;
	v3 =	vmul.f32 v12, v9  }
0x2b0: {  	v6 =	vadd.f32 v6, v7;
	[tilespmem:$0x162B0] =	vst v5;
	v4 =	vmul.f32 v12, v4  }
0x2b1: {  	v2 =	vmul.f32 v12, v2;
	[tilespmem:$0x162C0] =	vst v3  }
0x2b2: {  	[tilespmem:$0x162D0] =	vst v4;
	v3 =	vmul.f32 v12, v6  }
0x2b3: {  	[tilespmem:$0x162E0] =	vst v2  }
0x2b4: {  	[tilespmem:$0x162F0] =	vst v3  }
0x2b5: {  	s5 =	simm.s32 $0x0;
	v3 =	vld [tilespmem:s26+$0x4000]  }
0x2b6: {  	v2 =	vld [tilespmem:s5+$0x12870]  }
0x2b7: {  	v4 =	vld [tilespmem:s5+$0x12800]  }
0x2b8: {  	s26 =	simm.s32 $0x0;
	v6 =	vld [tilespmem:s5+$0x12810]  }
0x2b9: {  	v5 =	vmov s26  }
0x2ba: {  	v15 =	vld [tilespmem:s5+$0x12820];
	v5 =	vperm.xlane v3, v5  }
0x2bb: {  	v8 =	vimm.f32 $0.0e+00;
	v10 =	vimm.f32 $0.0e+00;
	v11 =	vimm.f32 $0.0e+00;
	v16 =	vld [tilespmem:s5+$0x12830]  }
0x2bc: {  	v9 =	vimm.f32 $0.0e+00;
	v12 =	vimm.f32 $0.0e+00;
	v13 =	vld [tilespmem:s5+$0x12840];
	v7 =	vmul.f32 v2, v5  }
0x2bd: {  	v14 =	vld [tilespmem:s5+$0x12850];
	v2 =	vadd.f32 v5, v8;
	v19 =	vmul.f32 v4, v5;
	v18 =	vmul.f32 v6, v5  }
0x2be: {  	s0 =	simm.s32 $0x80;
	s1 =	simm.s32 $0x400;
	v17 =	vld [tilespmem:s5+$0x12860];
	v6 =	vimm.f32 $0.0e+00;
	v4 =	vadd.f32 v7, v8;
	v7 =	vimm.f32 $0.0e+00  }
.LBB2_39:
0x2bf: {  	p0 =	sne.s32 s1, $0x1E00;
	v20 =	vld [tilespmem:s0+$0x12870];
	v8 =	vadd.f32 v19, v8;
	v15 =	vmul.f32 v15, v5  }
0x2c0: {  	s26 =	sadd.s32 $0x1, s26;
	v19 =	vld [tilespmem:s0+$0x12800];
	v12 =	vadd.f32 v18, v12;
	v16 =	vmul.f32 v16, v5  }
0x2c1: {  	v18 =	vmov s26;
	v21 =	vld [tilespmem:s0+$0x12810];
	v9 =	vadd.f32 v15, v9;
	v13 =	vmul.f32 v13, v5  }
.Ltmp18:
0x2c2: {  	v18 =	vperm.xlane v3, v18;
	v15 =	vld [tilespmem:s0+$0x12820];
	v10 =	vadd.f32 v16, v10;
	v14 =	vmul.f32 v14, v5;
	(pc) =	sbr.rel @p0 .LBB2_39-.Ltmp18, $4  }
0x2c3: {  	v16 =	vld [tilespmem:s0+$0x12830];
	v11 =	vadd.f32 v13, v11;
	v17 =	vmul.f32 v17, v5  }
0x2c4: {  	v2 =	vadd.f32 v18, v2;
	v5 =	vmovc v18;
	v13 =	vld [tilespmem:s0+$0x12840];
	v20 =	vmul.f32 v20, v18;
	v7 =	vadd.f32 v14, v7  }
0x2c5: {  	v19 =	vmul.f32 v19, v5;
	v14 =	vld [tilespmem:s0+$0x12850];
	v6 =	vadd.f32 v17, v6  }
0x2c6: {  	v18 =	vmul.f32 v21, v5;
	v17 =	vld [tilespmem:s0+$0x12860];
	s0 =	sshra.s32 s1, $0x2;
	s1 =	sadd.s32 $0x200, s1;
	v4 =	vadd.f32 v20, v4  }
0x2c7: {  	v20 =	vld [tilespmem:s0+$0x12870]  }
0x2c8: {  	v21 =	vld [tilespmem:s0+$0x12800]  }
0x2c9: {  	v22 =	vld [tilespmem:s0+$0x12810]  }
0x2ca: {  	v8 =	vadd.f32 v19, v8;
	s1 =	sadd.s32 $0x1, s26;
	v19 =	vld [tilespmem:s0+$0x12820]  }
0x2cb: {  	v15 =	vmul.f32 v15, v5;
	v24 =	vld [tilespmem:s0+$0x12830];
	v16 =	vmul.f32 v16, v5;
	v23 =	vmov s1  }
0x2cc: {  	v61 =	vld [tilespmem:s0+$0x12840];
	v12 =	vadd.f32 v18, v12;
	v13 =	vmul.f32 v13, v5;
	v18 =	vperm.xlane v3, v23  }
0x2cd: {  	v15 =	vadd.f32 v15, v9;
	v3 =	vld [tilespmem:s24+$0x4310];
	v16 =	vadd.f32 v16, v10;
	v9 =	vmul.f32 v14, v5  }
0x2ce: {  	v10 =	vld [tilespmem:s0+$0x12850];
	v11 =	vadd.f32 v13, v11;
	v5 =	vmul.f32 v17, v5;
	v13 =	vmul.f32 v20, v18  }
0x2cf: {  	s5 =	simm.s32 $0x0;
	v14 =	vadd.f32 v9, v7;
	v7 =	vmul.f32 v21, v18;
	v17 =	vmul.f32 v22, v18;
	v20 =	vld [tilespmem:s0+$0x12860]  }
0x2d0: {  	v6 =	vadd.f32 v5, v6;
	v62 =	vadd.f32 v13, v4;
	v4 =	vld [tilespmem:s5+$0x13070]  }
0x2d1: {  	s0 =	simm.s32 $0x0;
	v9 =	vadd.f32 v7, v8;
	v7 =	vmul.f32 v19, v18;
	v5 =	vadd.f32 v17, v12;
	v12 =	vld [tilespmem:s5+$0x13000]  }
0x2d2: {  	v63 =	vld [tilespmem:s5+$0x13010];
	v8 =	vmul.f32 v24, v18;
	v13 =	vmov s0  }
0x2d3: {  	v7 =	vadd.f32 v7, v15;
	v15 =	vmul.f32 v10, v18;
	v10 =	vperm.xlane v3, v13;
	v13 =	vld [tilespmem:s5+$0x13020]  }
0x2d4: {  	v17 =	vmul.f32 v61, v18;
	v19 =	vadd.f32 v18, v2;
	v2 =	vadd.f32 v8, v16;
	v16 =	vld [tilespmem:s5+$0x13030]  }
0x2d5: {  	v18 =	vmul.f32 v20, v18;
	v8 =	vadd.f32 v15, v14;
	v14 =	vld [tilespmem:s5+$0x13040];
	v20 =	vmul.f32 v4, v10  }
0x2d6: {  	v11 =	vadd.f32 v17, v11;
	v15 =	vld [tilespmem:s5+$0x13050];
	v4 =	vadd.f32 v10, v19;
	v19 =	vmul.f32 v12, v10  }
0x2d7: {  	s26 =	simm.s32 $0x80;
	s1 =	simm.s32 $0x400;
	v17 =	vld [tilespmem:s5+$0x13060];
	v6 =	vadd.f32 v18, v6;
	v18 =	vmul.f32 v63, v10;
	v12 =	vadd.f32 v20, v62  }
.LBB2_41:
0x2d8: {  	p0 =	sne.s32 s1, $0x1E00;
	v20 =	vld [tilespmem:s26+$0x13070];
	v9 =	vadd.f32 v19, v9;
	v13 =	vmul.f32 v13, v10  }
0x2d9: {  	s0 =	sadd.s32 $0x1, s0;
	v19 =	vld [tilespmem:s26+$0x13000];
	v5 =	vadd.f32 v18, v5;
	v16 =	vmul.f32 v16, v10  }
0x2da: {  	v18 =	vmov s0;
	v21 =	vld [tilespmem:s26+$0x13010];
	v7 =	vadd.f32 v13, v7;
	v14 =	vmul.f32 v14, v10  }
.Ltmp19:
0x2db: {  	v18 =	vperm.xlane v3, v18;
	v13 =	vld [tilespmem:s26+$0x13020];
	v2 =	vadd.f32 v16, v2;
	v15 =	vmul.f32 v15, v10;
	(pc) =	sbr.rel @p0 .LBB2_41-.Ltmp19, $4  }
0x2dc: {  	v16 =	vld [tilespmem:s26+$0x13030];
	v11 =	vadd.f32 v14, v11;
	v17 =	vmul.f32 v17, v10  }
0x2dd: {  	v4 =	vadd.f32 v18, v4;
	v10 =	vmovc v18;
	v14 =	vld [tilespmem:s26+$0x13040];
	v20 =	vmul.f32 v20, v18;
	v8 =	vadd.f32 v15, v8  }
0x2de: {  	v19 =	vmul.f32 v19, v10;
	v15 =	vld [tilespmem:s26+$0x13050];
	v6 =	vadd.f32 v17, v6  }
0x2df: {  	v18 =	vmul.f32 v21, v10;
	v17 =	vld [tilespmem:s26+$0x13060];
	s26 =	sshra.s32 s1, $0x2;
	s1 =	sadd.s32 $0x200, s1;
	v12 =	vadd.f32 v20, v12  }
0x2e0: {  	v20 =	vld [tilespmem:s26+$0x13070]  }
0x2e1: {  	v21 =	vld [tilespmem:s26+$0x13000]  }
0x2e2: {  	v22 =	vld [tilespmem:s26+$0x13010]  }
0x2e3: {  	v9 =	vadd.f32 v19, v9;
	s0 =	sadd.s32 $0x1, s0;
	v19 =	vld [tilespmem:s26+$0x13020]  }
0x2e4: {  	v13 =	vmul.f32 v13, v10;
	v24 =	vld [tilespmem:s26+$0x13030];
	v16 =	vmul.f32 v16, v10;
	v23 =	vmov s0  }
0x2e5: {  	v60 =	vld [tilespmem:s26+$0x13040];
	v5 =	vadd.f32 v18, v5;
	v14 =	vmul.f32 v14, v10;
	v18 =	vperm.xlane v3, v23  }
0x2e6: {  	v7 =	vadd.f32 v13, v7;
	v3 =	vmul.f32 v15, v10;
	v15 =	vld [tilespmem:s26+$0x13050]  }
0x2e7: {  	v13 =	vadd.f32 v16, v2;
	v2 =	vld [tilespmem:s24+$0x4320];
	v14 =	vadd.f32 v14, v11;
	v11 =	vmul.f32 v20, v18  }
0x2e8: {  	s10 =	simm.s32 $0x0;
	v10 =	vmul.f32 v17, v10;
	v17 =	vld [tilespmem:s26+$0x13060];
	v20 =	vadd.f32 v3, v8;
	v3 =	vmul.f32 v21, v18  }
0x2e9: {  	v8 =	vmul.f32 v22, v18;
	v61 =	vadd.f32 v11, v12;
	v12 =	vld [tilespmem:s10+$0x13870]  }
0x2ea: {  	s0 =	simm.s32 $0x0;
	v10 =	vadd.f32 v10, v6;
	v6 =	vmul.f32 v19, v18;
	v19 =	vld [tilespmem:s10+$0x13800];
	v3 =	vadd.f32 v3, v9  }
0x2eb: {  	v63 =	vld [tilespmem:s10+$0x13810];
	v5 =	vadd.f32 v8, v5;
	v9 =	vmul.f32 v24, v18;
	v11 =	vmov s0  }
0x2ec: {  	v16 =	vld [tilespmem:s10+$0x13820];
	v8 =	vadd.f32 v6, v7;
	v6 =	vmul.f32 v15, v18;
	v7 =	vperm.xlane v2, v11  }
0x2ed: {  	v62 =	vmul.f32 v60, v18;
	v15 =	vadd.f32 v18, v4;
	v4 =	vmul.f32 v17, v18;
	v17 =	vld [tilespmem:s10+$0x13830]  }
0x2ee: {  	v11 =	vadd.f32 v9, v13;
	v13 =	vld [tilespmem:s10+$0x13840];
	v6 =	vadd.f32 v6, v20;
	v20 =	vmul.f32 v12, v7  }
0x2ef: {  	v9 =	vadd.f32 v62, v14;
	v14 =	vld [tilespmem:s10+$0x13850];
	v4 =	vadd.f32 v4, v10;
	v18 =	vmul.f32 v19, v7  }
0x2f0: {  	s1 =	simm.s32 $0x80;
	s5 =	simm.s32 $0x400;
	v19 =	vmul.f32 v63, v7;
	v12 =	vadd.f32 v7, v15;
	v15 =	vld [tilespmem:s10+$0x13860];
	v10 =	vadd.f32 v20, v61  }
.LBB2_43:
0x2f1: {  	p0 =	sne.s32 s5, $0x1E00;
	v20 =	vld [tilespmem:s1+$0x13870];
	v3 =	vadd.f32 v18, v3;
	v16 =	vmul.f32 v16, v7  }
0x2f2: {  	s0 =	sadd.s32 $0x1, s0;
	v18 =	vld [tilespmem:s1+$0x13800];
	v5 =	vadd.f32 v19, v5;
	v17 =	vmul.f32 v17, v7  }
0x2f3: {  	v19 =	vmov s0;
	v21 =	vld [tilespmem:s1+$0x13810];
	v8 =	vadd.f32 v16, v8;
	v13 =	vmul.f32 v13, v7  }
.Ltmp20:
0x2f4: {  	v19 =	vperm.xlane v2, v19;
	v16 =	vld [tilespmem:s1+$0x13820];
	v11 =	vadd.f32 v17, v11;
	v14 =	vmul.f32 v14, v7;
	(pc) =	sbr.rel @p0 .LBB2_43-.Ltmp20, $4  }
0x2f5: {  	v17 =	vld [tilespmem:s1+$0x13830];
	v9 =	vadd.f32 v13, v9;
	v15 =	vmul.f32 v15, v7  }
0x2f6: {  	v12 =	vadd.f32 v19, v12;
	v7 =	vmovc v19;
	v13 =	vld [tilespmem:s1+$0x13840];
	v20 =	vmul.f32 v20, v19;
	v6 =	vadd.f32 v14, v6  }
0x2f7: {  	v18 =	vmul.f32 v18, v7;
	v14 =	vld [tilespmem:s1+$0x13850];
	v4 =	vadd.f32 v15, v4  }
0x2f8: {  	v19 =	vmul.f32 v21, v7;
	v15 =	vld [tilespmem:s1+$0x13860];
	s1 =	sshra.s32 s5, $0x2;
	s5 =	sadd.s32 $0x200, s5;
	v10 =	vadd.f32 v20, v10  }
0x2f9: {  	v20 =	vld [tilespmem:s1+$0x13870]  }
0x2fa: {  	v21 =	vld [tilespmem:s1+$0x13800]  }
0x2fb: {  	v22 =	vld [tilespmem:s1+$0x13810]  }
0x2fc: {  	v23 =	vld [tilespmem:s1+$0x13820]  }
0x2fd: {  	v24 =	vld [tilespmem:s24+$0x4330]  }
0x2fe: {  	s0 =	sadd.s32 $0x1, s0;
	v25 =	vld [tilespmem:s1+$0x13830]  }
0x2ff: {  	v16 =	vmul.f32 v16, v7;
	v27 =	vld [tilespmem:s1+$0x13840];
	v26 =	vmov s0  }
0x300: {  	v3 =	vadd.f32 v18, v3;
	v18 =	vld [tilespmem:s1+$0x13850];
	v17 =	vmul.f32 v17, v7;
	v2 =	vperm.xlane v2, v26  }
0x301: {  	v58 =	vld [tilespmem:$0x14030];
	v5 =	vadd.f32 v19, v5;
	v8 =	vadd.f32 v16, v8;
	v13 =	vmul.f32 v13, v7  }
0x302: {  	v62 =	vld [tilespmem:$0x14060];
	v11 =	vadd.f32 v17, v11;
	v14 =	vmul.f32 v14, v7;
	v12 =	vadd.f32 v2, v12  }
0x303: {  	v19 =	vld [tilespmem:$0x14000];
	v9 =	vadd.f32 v13, v9;
	v7 =	vmul.f32 v15, v7;
	v17 =	vperm.xlane v24, v0  }
0x304: {  	v16 =	vld [tilespmem:s1+$0x13860];
	v13 =	vmul.f32 v20, v2;
	v6 =	vadd.f32 v14, v6;
	v20 =	vperm.xlane v24, v1  }
0x305: {  	v15 =	vld [tilespmem:$0x14010];
	v21 =	vmul.f32 v21, v2;
	v59 =	vmul.f32 v23, v2;
	v12 =	vadd.f32 v17, v12  }
0x306: {  	v14 =	vld [tilespmem:$0x14020];
	v60 =	vmul.f32 v25, v2;
	v4 =	vadd.f32 v7, v4;
	v7 =	vmul.f32 v22, v2  }
0x307: {  	v18 =	vmul.f32 v18, v2;
	v10 =	vadd.f32 v13, v10;
	v13 =	vld [tilespmem:$0x14040];
	v12 =	vadd.f32 v20, v12  }
0x308: {  	v61 =	vmul.f32 v27, v2;
	v3 =	vadd.f32 v21, v3;
	v5 =	vadd.f32 v7, v5;
	v7 =	vld [tilespmem:$0x14050]  }
0x309: {  	v6 =	vadd.f32 v18, v6;
	v18 =	vmul.f32 v19, v17;
	v19 =	vld [tilespmem:$0x14090];
	v12 =	vmax.f32 v12, $9.999999710e-10  }
0x30a: {  	v8 =	vadd.f32 v59, v8;
	v2 =	vmul.f32 v16, v2;
	(erf) = vrcp.f32 v12;
	v12 =	vld [tilespmem:$0x14070]  }
0x30b: {  	v11 =	vadd.f32 v60, v11;
	v9 =	vadd.f32 v61, v9;
	v16 =	vld [tilespmem:$0x14080];
	v15 =	vmul.f32 v15, v17  }
0x30c: {  	v2 =	vadd.f32 v2, v4;
	v4 =	vmul.f32 v14, v17;
	v14 =	vmul.f32 v58, v17  }
0x30d: {  	v63 =	vld [tilespmem:$0x140A0];
	v3 =	vadd.f32 v18, v3;
	v5 =	vadd.f32 v15, v5;
	v7 =	vmul.f32 v7, v17  }
0x30e: {  	v15 =	vld [tilespmem:$0x140B0];
	v13 =	vmul.f32 v13, v17;
	v4 =	vadd.f32 v4, v8;
	v8 =	vadd.f32 v14, v11  }
0x30f: {  	v11 =	vld [tilespmem:$0x140C0];
	v6 =	vadd.f32 v7, v6;
	v7 =	vmul.f32 v12, v17;
	v12 =	vmul.f32 v19, v20  }
0x310: {  	v14 =	vmul.f32 v16, v20;
	v16 =	vld [tilespmem:$0x140D0];
	v9 =	vadd.f32 v13, v9;
	v13 =	vmul.f32 v62, v17  }
0x311: {  	v17 =	vld [tilespmem:$0x140E0]  }
0x312: {  	v3 =	vadd.f32 v14, v3;
	v14 =	vld [tilespmem:$0x140F0];
	v2 =	vadd.f32 v13, v2;
	v13 =	vmul.f32 v63, v20  }
0x313: {  	v7 =	vadd.f32 v7, v10;
	v5 =	vadd.f32 v12, v5;
	v10 =	vmul.f32 v15, v20;
	v12 =	vpop (erf)  }
0x314: {  	v11 =	vmul.f32 v11, v20;
	v4 =	vadd.f32 v13, v4;
	v3 =	vmul.f32 v12, v3  }
0x315: {  	v8 =	vadd.f32 v10, v8;
	v10 =	vmul.f32 v16, v20;
	v5 =	vmul.f32 v12, v5  }
0x316: {  	v9 =	vadd.f32 v11, v9;
	v11 =	vmul.f32 v17, v20;
	[tilespmem:$0x16300] =	vst v3;
	v3 =	vmul.f32 v12, v4  }
0x317: {  	v4 =	vadd.f32 v10, v6;
	v6 =	vmul.f32 v14, v20;
	[tilespmem:$0x16310] =	vst v5;
	v5 =	vmul.f32 v12, v8  }
0x318: {  	v2 =	vadd.f32 v11, v2;
	[tilespmem:$0x16320] =	vst v3;
	v3 =	vmul.f32 v12, v9  }
0x319: {  	v6 =	vadd.f32 v6, v7;
	[tilespmem:$0x16330] =	vst v5;
	v4 =	vmul.f32 v12, v4  }
0x31a: {  	v2 =	vmul.f32 v12, v2;
	[tilespmem:$0x16340] =	vst v3  }
0x31b: {  	[tilespmem:$0x16350] =	vst v4;
	v3 =	vmul.f32 v12, v6  }
0x31c: {  	[tilespmem:$0x16360] =	vst v2  }
0x31d: {  	[tilespmem:$0x16370] =	vst v3  }
0x31e: {  	s5 =	simm.s32 $0x0;
	v3 =	vld [tilespmem:s25+$0x4000]  }
0x31f: {  	v2 =	vld [tilespmem:s5+$0x14470]  }
0x320: {  	v4 =	vld [tilespmem:s5+$0x14400]  }
0x321: {  	s25 =	simm.s32 $0x0;
	v6 =	vld [tilespmem:s5+$0x14410]  }
0x322: {  	v5 =	vmov s25  }
0x323: {  	v15 =	vld [tilespmem:s5+$0x14420];
	v5 =	vperm.xlane v3, v5  }
0x324: {  	v8 =	vimm.f32 $0.0e+00;
	v10 =	vimm.f32 $0.0e+00;
	v11 =	vimm.f32 $0.0e+00;
	v16 =	vld [tilespmem:s5+$0x14430]  }
0x325: {  	v9 =	vimm.f32 $0.0e+00;
	v12 =	vimm.f32 $0.0e+00;
	v13 =	vld [tilespmem:s5+$0x14440];
	v7 =	vmul.f32 v2, v5  }
0x326: {  	v14 =	vld [tilespmem:s5+$0x14450];
	v2 =	vadd.f32 v5, v8;
	v19 =	vmul.f32 v4, v5;
	v18 =	vmul.f32 v6, v5  }
0x327: {  	s0 =	simm.s32 $0x80;
	s1 =	simm.s32 $0x400;
	v17 =	vld [tilespmem:s5+$0x14460];
	v6 =	vimm.f32 $0.0e+00;
	v4 =	vadd.f32 v7, v8;
	v7 =	vimm.f32 $0.0e+00  }
.LBB2_45:
0x328: {  	p0 =	sne.s32 s1, $0x1E00;
	v20 =	vld [tilespmem:s0+$0x14470];
	v8 =	vadd.f32 v19, v8;
	v15 =	vmul.f32 v15, v5  }
0x329: {  	s25 =	sadd.s32 $0x1, s25;
	v19 =	vld [tilespmem:s0+$0x14400];
	v12 =	vadd.f32 v18, v12;
	v16 =	vmul.f32 v16, v5  }
0x32a: {  	v18 =	vmov s25;
	v21 =	vld [tilespmem:s0+$0x14410];
	v9 =	vadd.f32 v15, v9;
	v13 =	vmul.f32 v13, v5  }
.Ltmp21:
0x32b: {  	v18 =	vperm.xlane v3, v18;
	v15 =	vld [tilespmem:s0+$0x14420];
	v10 =	vadd.f32 v16, v10;
	v14 =	vmul.f32 v14, v5;
	(pc) =	sbr.rel @p0 .LBB2_45-.Ltmp21, $4  }
0x32c: {  	v16 =	vld [tilespmem:s0+$0x14430];
	v11 =	vadd.f32 v13, v11;
	v17 =	vmul.f32 v17, v5  }
0x32d: {  	v2 =	vadd.f32 v18, v2;
	v5 =	vmovc v18;
	v13 =	vld [tilespmem:s0+$0x14440];
	v20 =	vmul.f32 v20, v18;
	v7 =	vadd.f32 v14, v7  }
0x32e: {  	v19 =	vmul.f32 v19, v5;
	v14 =	vld [tilespmem:s0+$0x14450];
	v6 =	vadd.f32 v17, v6  }
0x32f: {  	v18 =	vmul.f32 v21, v5;
	v17 =	vld [tilespmem:s0+$0x14460];
	s0 =	sshra.s32 s1, $0x2;
	s1 =	sadd.s32 $0x200, s1;
	v4 =	vadd.f32 v20, v4  }
0x330: {  	v20 =	vld [tilespmem:s0+$0x14470]  }
0x331: {  	v21 =	vld [tilespmem:s0+$0x14400]  }
0x332: {  	v22 =	vld [tilespmem:s0+$0x14410]  }
0x333: {  	v8 =	vadd.f32 v19, v8;
	s1 =	sadd.s32 $0x1, s25;
	v19 =	vld [tilespmem:s0+$0x14420]  }
0x334: {  	v15 =	vmul.f32 v15, v5;
	v24 =	vld [tilespmem:s0+$0x14430];
	v16 =	vmul.f32 v16, v5;
	v23 =	vmov s1  }
0x335: {  	v61 =	vld [tilespmem:s0+$0x14440];
	v12 =	vadd.f32 v18, v12;
	v13 =	vmul.f32 v13, v5;
	v18 =	vperm.xlane v3, v23  }
0x336: {  	v15 =	vadd.f32 v15, v9;
	v3 =	vld [tilespmem:s24+$0x4390];
	v16 =	vadd.f32 v16, v10;
	v9 =	vmul.f32 v14, v5  }
0x337: {  	v10 =	vld [tilespmem:s0+$0x14450];
	v11 =	vadd.f32 v13, v11;
	v5 =	vmul.f32 v17, v5;
	v13 =	vmul.f32 v20, v18  }
0x338: {  	s5 =	simm.s32 $0x0;
	v14 =	vadd.f32 v9, v7;
	v7 =	vmul.f32 v21, v18;
	v17 =	vmul.f32 v22, v18;
	v20 =	vld [tilespmem:s0+$0x14460]  }
0x339: {  	v6 =	vadd.f32 v5, v6;
	v62 =	vadd.f32 v13, v4;
	v4 =	vld [tilespmem:s5+$0x14C70]  }
0x33a: {  	s0 =	simm.s32 $0x0;
	v9 =	vadd.f32 v7, v8;
	v7 =	vmul.f32 v19, v18;
	v5 =	vadd.f32 v17, v12;
	v12 =	vld [tilespmem:s5+$0x14C00]  }
0x33b: {  	v63 =	vld [tilespmem:s5+$0x14C10];
	v8 =	vmul.f32 v24, v18;
	v13 =	vmov s0  }
0x33c: {  	v7 =	vadd.f32 v7, v15;
	v15 =	vmul.f32 v10, v18;
	v10 =	vperm.xlane v3, v13;
	v13 =	vld [tilespmem:s5+$0x14C20]  }
0x33d: {  	v17 =	vmul.f32 v61, v18;
	v19 =	vadd.f32 v18, v2;
	v2 =	vadd.f32 v8, v16;
	v16 =	vld [tilespmem:s5+$0x14C30]  }
0x33e: {  	v18 =	vmul.f32 v20, v18;
	v8 =	vadd.f32 v15, v14;
	v14 =	vld [tilespmem:s5+$0x14C40];
	v20 =	vmul.f32 v4, v10  }
0x33f: {  	v11 =	vadd.f32 v17, v11;
	v15 =	vld [tilespmem:s5+$0x14C50];
	v4 =	vadd.f32 v10, v19;
	v19 =	vmul.f32 v12, v10  }
0x340: {  	s25 =	simm.s32 $0x80;
	s1 =	simm.s32 $0x400;
	v17 =	vld [tilespmem:s5+$0x14C60];
	v6 =	vadd.f32 v18, v6;
	v18 =	vmul.f32 v63, v10;
	v12 =	vadd.f32 v20, v62  }
.LBB2_47:
0x341: {  	p0 =	sne.s32 s1, $0x1E00;
	v20 =	vld [tilespmem:s25+$0x14C70];
	v9 =	vadd.f32 v19, v9;
	v13 =	vmul.f32 v13, v10  }
0x342: {  	s0 =	sadd.s32 $0x1, s0;
	v19 =	vld [tilespmem:s25+$0x14C00];
	v5 =	vadd.f32 v18, v5;
	v16 =	vmul.f32 v16, v10  }
0x343: {  	v18 =	vmov s0;
	v21 =	vld [tilespmem:s25+$0x14C10];
	v7 =	vadd.f32 v13, v7;
	v14 =	vmul.f32 v14, v10  }
.Ltmp22:
0x344: {  	v18 =	vperm.xlane v3, v18;
	v13 =	vld [tilespmem:s25+$0x14C20];
	v2 =	vadd.f32 v16, v2;
	v15 =	vmul.f32 v15, v10;
	(pc) =	sbr.rel @p0 .LBB2_47-.Ltmp22, $4  }
0x345: {  	v16 =	vld [tilespmem:s25+$0x14C30];
	v11 =	vadd.f32 v14, v11;
	v17 =	vmul.f32 v17, v10  }
0x346: {  	v4 =	vadd.f32 v18, v4;
	v10 =	vmovc v18;
	v14 =	vld [tilespmem:s25+$0x14C40];
	v20 =	vmul.f32 v20, v18;
	v8 =	vadd.f32 v15, v8  }
0x347: {  	v19 =	vmul.f32 v19, v10;
	v15 =	vld [tilespmem:s25+$0x14C50];
	v6 =	vadd.f32 v17, v6  }
0x348: {  	v18 =	vmul.f32 v21, v10;
	v17 =	vld [tilespmem:s25+$0x14C60];
	s25 =	sshra.s32 s1, $0x2;
	s1 =	sadd.s32 $0x200, s1;
	v12 =	vadd.f32 v20, v12  }
0x349: {  	v20 =	vld [tilespmem:s25+$0x14C70]  }
0x34a: {  	v21 =	vld [tilespmem:s25+$0x14C00]  }
0x34b: {  	v22 =	vld [tilespmem:s25+$0x14C10]  }
0x34c: {  	v9 =	vadd.f32 v19, v9;
	s0 =	sadd.s32 $0x1, s0;
	v19 =	vld [tilespmem:s25+$0x14C20]  }
0x34d: {  	v13 =	vmul.f32 v13, v10;
	v24 =	vld [tilespmem:s25+$0x14C30];
	v16 =	vmul.f32 v16, v10;
	v23 =	vmov s0  }
0x34e: {  	v60 =	vld [tilespmem:s25+$0x14C40];
	v5 =	vadd.f32 v18, v5;
	v14 =	vmul.f32 v14, v10;
	v18 =	vperm.xlane v3, v23  }
0x34f: {  	v7 =	vadd.f32 v13, v7;
	v3 =	vmul.f32 v15, v10;
	v15 =	vld [tilespmem:s25+$0x14C50]  }
0x350: {  	v13 =	vadd.f32 v16, v2;
	v2 =	vld [tilespmem:s24+$0x43A0];
	v14 =	vadd.f32 v14, v11;
	v11 =	vmul.f32 v20, v18  }
0x351: {  	s10 =	simm.s32 $0x0;
	v10 =	vmul.f32 v17, v10;
	v17 =	vld [tilespmem:s25+$0x14C60];
	v20 =	vadd.f32 v3, v8;
	v3 =	vmul.f32 v21, v18  }
0x352: {  	v8 =	vmul.f32 v22, v18;
	v61 =	vadd.f32 v11, v12;
	v12 =	vld [tilespmem:s10+$0x15470]  }
0x353: {  	s0 =	simm.s32 $0x0;
	v10 =	vadd.f32 v10, v6;
	v6 =	vmul.f32 v19, v18;
	v19 =	vld [tilespmem:s10+$0x15400];
	v3 =	vadd.f32 v3, v9  }
0x354: {  	v63 =	vld [tilespmem:s10+$0x15410];
	v5 =	vadd.f32 v8, v5;
	v9 =	vmul.f32 v24, v18;
	v11 =	vmov s0  }
0x355: {  	v16 =	vld [tilespmem:s10+$0x15420];
	v8 =	vadd.f32 v6, v7;
	v6 =	vmul.f32 v15, v18;
	v7 =	vperm.xlane v2, v11  }
0x356: {  	v62 =	vmul.f32 v60, v18;
	v15 =	vadd.f32 v18, v4;
	v4 =	vmul.f32 v17, v18;
	v17 =	vld [tilespmem:s10+$0x15430]  }
0x357: {  	v11 =	vadd.f32 v9, v13;
	v13 =	vld [tilespmem:s10+$0x15440];
	v6 =	vadd.f32 v6, v20;
	v20 =	vmul.f32 v12, v7  }
0x358: {  	v9 =	vadd.f32 v62, v14;
	v14 =	vld [tilespmem:s10+$0x15450];
	v4 =	vadd.f32 v4, v10;
	v18 =	vmul.f32 v19, v7  }
0x359: {  	s1 =	simm.s32 $0x80;
	s5 =	simm.s32 $0x400;
	v19 =	vmul.f32 v63, v7;
	v12 =	vadd.f32 v7, v15;
	v15 =	vld [tilespmem:s10+$0x15460];
	v10 =	vadd.f32 v20, v61  }
.LBB2_49:
0x35a: {  	p0 =	sne.s32 s5, $0x1E00;
	v20 =	vld [tilespmem:s1+$0x15470];
	v3 =	vadd.f32 v18, v3;
	v16 =	vmul.f32 v16, v7  }
0x35b: {  	s0 =	sadd.s32 $0x1, s0;
	v18 =	vld [tilespmem:s1+$0x15400];
	v5 =	vadd.f32 v19, v5;
	v17 =	vmul.f32 v17, v7  }
0x35c: {  	v19 =	vmov s0;
	v21 =	vld [tilespmem:s1+$0x15410];
	v8 =	vadd.f32 v16, v8;
	v13 =	vmul.f32 v13, v7  }
.Ltmp23:
0x35d: {  	v19 =	vperm.xlane v2, v19;
	v16 =	vld [tilespmem:s1+$0x15420];
	v11 =	vadd.f32 v17, v11;
	v14 =	vmul.f32 v14, v7;
	(pc) =	sbr.rel @p0 .LBB2_49-.Ltmp23, $4  }
0x35e: {  	v17 =	vld [tilespmem:s1+$0x15430];
	v9 =	vadd.f32 v13, v9;
	v15 =	vmul.f32 v15, v7  }
0x35f: {  	v12 =	vadd.f32 v19, v12;
	v7 =	vmovc v19;
	v13 =	vld [tilespmem:s1+$0x15440];
	v20 =	vmul.f32 v20, v19;
	v6 =	vadd.f32 v14, v6  }
0x360: {  	v18 =	vmul.f32 v18, v7;
	v14 =	vld [tilespmem:s1+$0x15450];
	v4 =	vadd.f32 v15, v4  }
0x361: {  	v19 =	vmul.f32 v21, v7;
	v15 =	vld [tilespmem:s1+$0x15460];
	s1 =	sshra.s32 s5, $0x2;
	s5 =	sadd.s32 $0x200, s5;
	v10 =	vadd.f32 v20, v10  }
0x362: {  	v20 =	vld [tilespmem:s1+$0x15470]  }
0x363: {  	v21 =	vld [tilespmem:s1+$0x15400]  }
0x364: {  	v22 =	vld [tilespmem:s1+$0x15410]  }
0x365: {  	v23 =	vld [tilespmem:s1+$0x15420]  }
0x366: {  	v24 =	vld [tilespmem:s24+$0x43B0]  }
0x367: {  	v25 =	vld [tilespmem:s1+$0x15430]  }
0x368: {  	v27 =	vld [tilespmem:s1+$0x15440]  }
0x369: {  	v59 =	vld [tilespmem:s1+$0x15450]  }
0x36a: {  	s0 =	sadd.s32 $0x1, s0;
	v60 =	vld [tilespmem:s1+$0x15460]  }
0x36b: {  	v16 =	vmul.f32 v16, v7;
	v62 =	vld [tilespmem:$0x15C00];
	v26 =	vmov s0  }
0x36c: {  	v3 =	vadd.f32 v18, v3;
	v28 =	vld [tilespmem:$0x15C10];
	v17 =	vmul.f32 v17, v7;
	v2 =	vperm.xlane v2, v26  }
0x36d: {  	v29 =	vld [tilespmem:$0x15C20];
	v5 =	vadd.f32 v19, v5;
	v8 =	vadd.f32 v16, v8;
	v13 =	vmul.f32 v13, v7  }
0x36e: {  	v32 =	vld [tilespmem:$0x15C30];
	v14 =	vmul.f32 v14, v7;
	v12 =	vadd.f32 v2, v12;
	v61 =	vperm.xlane v24, v0  }
0x36f: {  	v33 =	vld [tilespmem:$0x15C40];
	v11 =	vadd.f32 v17, v11;
	v63 =	vmul.f32 v15, v7;
	v26 =	vmul.f32 v20, v2  }
0x370: {  	v35 =	vld [tilespmem:$0x15C50];
	v30 =	vperm.xlane v24, v1;
	v21 =	vmul.f32 v21, v2;
	v12 =	vadd.f32 v61, v12  }
0x371: {  	v38 =	vld [tilespmem:$0x15C60];
	v9 =	vadd.f32 v13, v9;
	v31 =	vmul.f32 v22, v2;
	v34 =	vmul.f32 v23, v2  }
0x372: {  	v39 =	vld [tilespmem:$0x15C70];
	v36 =	vmul.f32 v25, v2;
	v37 =	vmul.f32 v27, v2;
	v12 =	vadd.f32 v30, v12  }
0x373: {  	v40 =	vld [tilespmem:$0x15C80];
	v6 =	vadd.f32 v14, v6;
	v18 =	vmul.f32 v59, v2;
	v2 =	vmul.f32 v60, v2  }
0x374: {  	v42 =	vld [tilespmem:$0x15C90];
	v4 =	vadd.f32 v63, v4;
	v10 =	vadd.f32 v26, v10;
	v12 =	vmax.f32 v12, $9.999999710e-10  }
0x375: {  	v45 =	vld [tilespmem:$0x15CA0];
	v3 =	vadd.f32 v21, v3;
	v41 =	vmul.f32 v62, v61;
	(erf) = vrcp.f32 v12  }
0x376: {  	v46 =	vld [tilespmem:$0x15CB0];
	v5 =	vadd.f32 v31, v5;
	v15 =	vmul.f32 v28, v61;
	v43 =	vmul.f32 v29, v61  }
0x377: {  	v51 =	vld [tilespmem:$0x15CD0];
	v8 =	vadd.f32 v34, v8;
	v44 =	vmul.f32 v32, v61;
	v13 =	vmul.f32 v33, v61  }
0x378: {  	v54 =	vld [tilespmem:$0x15CE0];
	v11 =	vadd.f32 v36, v11;
	v7 =	vmul.f32 v35, v61;
	v49 =	vmul.f32 v38, v61  }
0x379: {  	v56 =	vld [tilespmem:$0x15CF0];
	v9 =	vadd.f32 v37, v9;
	v50 =	vmul.f32 v40, v30;
	v52 =	vmul.f32 v39, v61  }
0x37a: {  	v6 =	vadd.f32 v18, v6;
	v53 =	vmul.f32 v42, v30;
	v55 =	vmul.f32 v45, v30  }
0x37b: {  	v48 =	vld [tilespmem:$0x15CC0];
	v57 =	vmul.f32 v46, v30;
	v2 =	vadd.f32 v2, v4;
	v3 =	vadd.f32 v41, v3  }
0x37c: {  	v59 =	vmul.f32 v51, v30;
	v5 =	vadd.f32 v15, v5;
	v4 =	vadd.f32 v43, v8  }
0x37d: {  	v60 =	vmul.f32 v54, v30;
	v47 =	vadd.f32 v44, v11;
	v3 =	vadd.f32 v50, v3  }
0x37e: {  	v62 =	vmul.f32 v56, v30;
	v9 =	vadd.f32 v13, v9;
	v5 =	vadd.f32 v53, v5;
	v58 =	vpop (erf)  }
0x37f: {  	v2 =	vadd.f32 v49, v2;
	v8 =	vadd.f32 v57, v47;
	v3 =	vmul.f32 v58, v3  }
0x380: {  	v11 =	vmul.f32 v48, v30;
	v4 =	vadd.f32 v55, v4;
	v5 =	vmul.f32 v58, v5  }
0x381: {  	v6 =	vadd.f32 v7, v6;
	v2 =	vadd.f32 v60, v2;
	v63 =	vmul.f32 v58, v8;
	[tilespmem:$0x16380] =	vst v3  }
0x382: {  	v7 =	vadd.f32 v52, v10;
	v9 =	vadd.f32 v11, v9;
	v3 =	vmul.f32 v58, v4;
	[tilespmem:$0x16390] =	vst v5  }
0x383: {  	v61 =	vadd.f32 v59, v6;
	v2 =	vmul.f32 v58, v2;
	[tilespmem:$0x163B0] =	vst v63  }
0x384: {  	v6 =	vadd.f32 v62, v7;
	[tilespmem:$0x163A0] =	vst v3;
	v3 =	vmul.f32 v58, v9  }
0x385: {  	v4 =	vmul.f32 v58, v61;
	[tilespmem:$0x163E0] =	vst v2  }
0x386: {  	s31 =	sadd.s32 s7, s23;
	s23 =	sadd.s32 $0x1, s23;
	[tilespmem:$0x163C0] =	vst v3;
	v3 =	vmul.f32 v58, v6  }
0x387: {  	s0 =	sshll.u32 s31, $0x7;
	p0 =	sne.s32 s23, $0x10;
	[tilespmem:$0x163D0] =	vst v4  }
.Ltmp24:
0x388: {  	s0 =	sadd.s32 s3, s0;
	[tilespmem:$0x163F0] =	vst v3;
	(pc) =	sbr.rel @p0 .LBB2_2-.Ltmp24, $4  }
0x389: {  	[hbm4b:s0+s4] =	stream.linear.scatter [tilespmem:s21], [sflag:$0x2], $0x400, $0x38;
	[tilespmem:$0x16400] =	vst v63  }
0x38a: {  	_ =	swait.ge [sflag:s9], $0x400  }
0x38b: {  	[sflag:s9] =	ssyncset.done $0x0  }
0x38c: {  	[sflag:s9] =	ssyncadd.s32 $0xFFFFFC00  }
0x38d: {  	s22 =	sadd.s32 $0x1, s22  }
0x38e: {  	p0 =	sne.s32 s22, s8  }
.Ltmp25:
0x38f: {  	_ = 	snop;
	(pc) =	sbr.rel @p0 .LBB2_1-.Ltmp25, $1  }
0x390: {  	_ =	sdelay $0x3  }
0x391: {  	_ =	sfence.sel $0x180000  }
0x392: {  	[bflag:$0x0] =	sbarrier.arrive $0xFFFF  }
0x393: {  	_ =	strace $0x90000047  }
0x394: {  	s0 =	stileid.u32;
	[bflag:$0x2] =	sbarrier.arrive $0xFFFF  }
0x395: {  	p0 =	sne.s32 s0, $0x0;
	s0 =	rddreg [dreg:$0x3]  }
0x396: {  	s0 =	sadd.s32 @!p0 $0x100000, s0  }
0x397: {  	[sflag:s0] =	ssyncadd.tile.s32 @!p0 $0x1;
	_ =	shalt  }
.Lfunc_end2:
_tile_overlayer_lowered:
.L_overlay_start_2:
0x398: {  	(tag) =	ssettag $0x2  }
0x399: {  	s0 =	rddreg [dreg:$0x0];
	s2 =	stileid.u32  }
0x39a: {  	s1 =	rddreg [dreg:$0x1];
	p0 =	sne.s32 s2, $0x0  }
0x39b: {  	s3 =	rddreg [dreg:$0x2];
	[bflag:$0x3] =	sbarrier.arrive $0xFFFF;
	s2 =	simm.s32 @!p0 $0x1C02  }
0x39c: {  	[timem:s3], [sflag:s2] =	dma.local @!p0 [hbm:s0], s1  }
0x39d: {  	s0 =	simm.s32 @!p0 $0x2  }
0x39e: {  	_ =	swait.ge @!p0 [sflag:s0], s1  }
0x39f: {  	s1 =	ssub.s32 @!p0 $0x0, s1;
	[sflag:s0] =	ssyncset.done @!p0 $0x0  }
0x3a0: {  	[sflag:s0] =	ssyncadd.s32 @!p0 s1  }
0x3a1: {  	[bflag:$0x3] =	sbarrier.arrive $0xFFFF  }
0x3a2: {  	_ =	shalt  }

</sc_bundles>
